<compile_context>
chip_gen: v7x
topology: tpu7x:2x2x1
jax: 0.10.2.dev20260603
libtpu: 0.0.44.dev20260713+nightly
codegen_flags: <defaults>
</compile_context>

<pallas_src>
import functools

import jax
import jax.numpy as jnp
from jax import lax
from jax.experimental import pallas as pl
from jax.experimental.pallas import tpu as pltpu
from jax.experimental.pallas import tpu_sc as plsc

VOCAB = 1000000
EMBED = 64
BATCH = 16384

NC = 2
NS = 16
NW = NC * NS
B_PER_W = BATCH // NW
CHUNK = 128
NCHUNK = B_PER_W // CHUNK
PASS_ROWS = 128
NPASS = B_PER_W // PASS_ROWS
TRANS_W = 32768
HALF_W = TRANS_W // 2
NSTEPS = (VOCAB + TRANS_W - 1) // TRANS_W


def _tc_transpose(t_ref, o_ref):
    x = t_ref[...]
    xx = jnp.concatenate([x[:, :HALF_W], x[:, HALF_W:]], axis=0)
    o_ref[...] = xx.T


def _convert(table_t):
    return pl.pallas_call(
        _tc_transpose,
        grid=(NSTEPS,),
        in_specs=[pl.BlockSpec((EMBED, TRANS_W), lambda i: (0, i))],
        out_specs=pl.BlockSpec((HALF_W, 2 * EMBED), lambda i: (i, 0)),
        out_shape=jax.ShapeDtypeStruct((NSTEPS * HALF_W, 2 * EMBED),
                                       jnp.float32),
    )(table_t)


def _sc_scores(target_r, context_r, in_tbl, out_tbl):

    @functools.partial(
        pl.kernel,
        mesh=plsc.VectorSubcoreMesh(core_axis_name="c", subcore_axis_name="s"),
        out_type=jax.ShapeDtypeStruct((BATCH,), jnp.float32),
        scratch_types=[
            pltpu.VMEM((NCHUNK, CHUNK), jnp.int32),
            pltpu.VMEM((NCHUNK, CHUNK), jnp.int32),
            pltpu.VMEM((NCHUNK, CHUNK), jnp.int32),
            pltpu.VMEM((NCHUNK, CHUNK), jnp.int32),
            pltpu.VMEM((2, PASS_ROWS, 2 * EMBED), jnp.float32),
            pltpu.VMEM((2, PASS_ROWS, 2 * EMBED), jnp.float32),
            pltpu.VMEM((B_PER_W,), jnp.float32),
            pltpu.SemaphoreType.DMA,
        ],
        compiler_params=pltpu.CompilerParams(needs_layout_passes=False),
    )
    def body(tgt_hbm, ctx_hbm, ine_hbm, oute_hbm, out_hbm,
             idx_t, idx_c, row_t, row_c, rows_t, rows_c, score, sem):
        wid = lax.axis_index("s") * NC + lax.axis_index("c")

        pltpu.sync_copy(tgt_hbm.at[wid], idx_t)
        pltpu.sync_copy(ctx_hbm.at[wid], idx_c)

        def to_row(v):
            return ((jax.lax.shift_right_logical(v, 15) * HALF_W)
                    + (v & (HALF_W - 1)))

        for j in range(NCHUNK):
            for k in range(CHUNK // 16):
                sl = pl.ds(k * 16, 16)
                row_t[j, sl] = to_row(idx_t[j, sl])
                row_c[j, sl] = to_row(idx_c[j, sl])

        lanes = lax.iota(jnp.int32, 16)

        def fire(p):
            return [
                pltpu.async_copy(ine_hbm.at[row_t.at[p]],
                                 rows_t.at[p % 2], sem),
                pltpu.async_copy(oute_hbm.at[row_c.at[p]],
                                 rows_c.at[p % 2], sem),
            ]

        pending = fire(0)
        for p in range(NPASS):
            for c in pending:
                c.wait()
            if p + 1 < NPASS:
                pending = fire(p + 1)
            b = p % 2
            bvec = jnp.full((16,), b, dtype=jnp.int32)

            for g in range(PASS_ROWS // 16):
                o = g * 16
                tv = idx_t[p, pl.ds(o, 16)]
                cv = idx_c[p, pl.ds(o, 16)]
                off_t = (jax.lax.shift_right_logical(tv, 14) & 1) * EMBED
                off_c = (jax.lax.shift_right_logical(cv, 14) & 1) * EMBED
                rvec = g * 16 + lanes

                def inner(c, acc, off_t=off_t, off_c=off_c, rvec=rvec,
                          bvec=bvec):
                    t = plsc.load_gather(rows_t, [bvec, rvec, off_t + c])
                    u = plsc.load_gather(rows_c, [bvec, rvec, off_c + c])
                    return acc + t * u

                acc = lax.fori_loop(0, EMBED, inner,
                                    jnp.zeros((16,), jnp.float32))
                score[pl.ds(p * PASS_ROWS + g * 16, 16)] = acc

        pltpu.sync_copy(score, out_hbm.at[pl.ds(wid * B_PER_W, B_PER_W)])

    return body(target_r, context_r, in_tbl, out_tbl)


def _tc_log_softmax(s_ref, o_ref):
    s = s_ref[...]
    m = jnp.max(s)
    lse = jnp.log(jnp.sum(jnp.exp(s - m))) + m
    o_ref[...] = s - lse


def kernel(target, context, in_embed, out_embed):
    target_r = target.astype(jnp.int32).reshape(NW, NCHUNK, CHUNK)
    context_r = context.astype(jnp.int32).reshape(NW, NCHUNK, CHUNK)
    in_tbl = _convert(in_embed.T)
    out_tbl = _convert(out_embed.T)
    scores = _sc_scores(target_r, context_r, in_tbl, out_tbl)
    log_probs = pl.pallas_call(
        _tc_log_softmax,
        out_shape=jax.ShapeDtypeStruct((128, 128), jnp.float32),
    )(scores.reshape(128, 128))
    return log_probs.reshape(-1)

# --- scband reference (transcript-rebuilt; emitter-appended) ---
"""Pipeline reference for scband-skip-gram-model-40527311405313 (READ-ONLY COPY).

The authoritative reference and input builder live on the scoring server;
editing this copy changes nothing except your own understanding.
"""

import jax, jax.numpy as jnp
import numpy as np

VOCAB = 1000000
EMBED = 64
BATCH = 16384

def setup_inputs(seed: int = 0) -> dict:
    key = jax.random.key(seed)
    k1, k2, k3, k4 = jax.random.split(key, 4)
    target = jax.random.randint(k1, (BATCH,), 0, VOCAB)
    context = jax.random.randint(k2, (BATCH,), 0, VOCAB)
    in_embed = jax.random.normal(k3, (VOCAB, EMBED), dtype=jnp.float32)
    out_embed = jax.random.normal(k4, (VOCAB, EMBED), dtype=jnp.float32)
    return {"target": target, "context": context, "in_embed": in_embed, "out_embed": out_embed}

def reference(target, context, in_embed, out_embed):
    embed_target = jnp.take(in_embed, target, axis=0)          # [B, E] gather
    embed_context = jnp.take(out_embed, context, axis=0)        # [B, E] gather
    score = jnp.sum(embed_target * embed_context, axis=1)       # [B]
    # F.log_softmax on a 1-D tensor (implicit dim) applies over dim 0
    log_probs = jax.nn.log_softmax(score, axis=0).reshape(-1)
    return log_probs

if __name__ == "__main__":
    import jax
    _d = setup_inputs()
    print(jax.jit(kernel)(*tuple(_d.values())))

</pallas_src>

<mosaic_0001>
#map = affine_map<(d0, d1) -> (0, 0, 0)>
#map1 = affine_map<(d0, d1) -> (0, 0)>
#map2 = affine_map<(d0, d1) -> (0)>
module attributes {stable_mosaic.version = 14 : i64} {
  func.func @body(%arg0: i32, %arg1: i32, %arg2: memref<32x4x128xi32, #tpu.memory_space<hbm>>, %arg3: memref<32x4x128xi32, #tpu.memory_space<hbm>>, %arg4: memref<507904x128xf32, #tpu.memory_space<hbm>>, %arg5: memref<507904x128xf32, #tpu.memory_space<hbm>>, %arg6: memref<16384xf32, #tpu.memory_space<hbm>>, %arg7: memref<4x128xi32, #tpu.memory_space<vmem>>, %arg8: memref<4x128xi32, #tpu.memory_space<vmem>>, %arg9: memref<4x128xi32, #tpu.memory_space<vmem>>, %arg10: memref<4x128xi32, #tpu.memory_space<vmem>>, %arg11: memref<2x128x128xf32, #tpu.memory_space<vmem>>, %arg12: memref<2x128x128xf32, #tpu.memory_space<vmem>>, %arg13: memref<512xf32, #tpu.memory_space<vmem>>, %arg14: memref<!tpu.dma_semaphore, #tpu.memory_space<semaphore_mem>>) attributes {dimension_semantics = [#tpu.dimension_semantics<core_parallel>, #tpu.dimension_semantics<subcore_parallel>], iteration_bounds = array<i64: 2, 16>, scalar_prefetch = 0 : i64, scratch_operands = 8 : i64, tpu.core_type = #tpu.core_type<sc_vector_subcore>, window_params = [{transform_indices = #map}, {transform_indices = #map}, {transform_indices = #map1}, {transform_indices = #map1}, {transform_indices = #map2}]} {
    %mul3A = arith.constant 2 : i32
    %mul3A_0 = arith.muli %arg1, %mul3A : i32
    %add3A = arith.addi %mul3A_0, %arg0 : i32
    "tpu.region"() ({
      %run_scoped3A = tpu.sem_alloc : memref<!tpu.dma_semaphore, #tpu.memory_space<semaphore_mem>>
      %dma_start3A_2595 = arith.constant 0 : i32
      %dma_start3A_2596 = arith.constant 0 : i32
      %dma_start3A_2597 = tpu.memref_slice %arg2[%add3A, %dma_start3A_2595, %dma_start3A_2596] : memref<32x4x128xi32, #tpu.memory_space<hbm>> -> memref<1x4x128xi32, #tpu.memory_space<hbm>>
      %dma_start3A_2598 = tpu.memref_squeeze %dma_start3A_2597 : memref<1x4x128xi32, #tpu.memory_space<hbm>> -> memref<4x128xi32, #tpu.memory_space<hbm>>
      %dma_start3A_2599 = arith.constant 0 : i32
      %dma_start3A_2600 = arith.constant 0 : i32
      %dma_start3A_2601 = tpu.memref_slice %arg2[%add3A, %dma_start3A_2599, %dma_start3A_2600] : memref<32x4x128xi32, #tpu.memory_space<hbm>> -> memref<1x4x128xi32, #tpu.memory_space<hbm>>
      %dma_start3A_2602 = tpu.memref_squeeze %dma_start3A_2601 : memref<1x4x128xi32, #tpu.memory_space<hbm>> -> memref<4x128xi32, #tpu.memory_space<hbm>>
      tpu.enqueue_dma source(%dma_start3A_2602 : memref<4x128xi32, #tpu.memory_space<hbm>>) target(%arg7 : memref<4x128xi32, #tpu.memory_space<vmem>>) target_semaphore(%run_scoped3A : memref<!tpu.dma_semaphore, #tpu.memory_space<semaphore_mem>>)
      %dma_wait3A_2603 = arith.constant 0 : i32
      %dma_wait3A_2604 = arith.constant 0 : i32
      %dma_wait3A_2605 = tpu.memref_slice %arg2[%add3A, %dma_wait3A_2603, %dma_wait3A_2604] : memref<32x4x128xi32, #tpu.memory_space<hbm>> -> memref<1x4x128xi32, #tpu.memory_space<hbm>>
      %dma_wait3A_2606 = tpu.memref_squeeze %dma_wait3A_2605 : memref<1x4x128xi32, #tpu.memory_space<hbm>> -> memref<4x128xi32, #tpu.memory_space<hbm>>
      %dma_wait3A_2607 = arith.constant 0 : i32
      %dma_wait3A_2608 = arith.constant 0 : i32
      %dma_wait3A_2609 = tpu.memref_slice %arg2[%add3A, %dma_wait3A_2607, %dma_wait3A_2608] : memref<32x4x128xi32, #tpu.memory_space<hbm>> -> memref<1x4x128xi32, #tpu.memory_space<hbm>>
      %dma_wait3A_2610 = tpu.memref_squeeze %dma_wait3A_2609 : memref<1x4x128xi32, #tpu.memory_space<hbm>> -> memref<4x128xi32, #tpu.memory_space<hbm>>
      tpu.wait_dma2 semaphore(%run_scoped3A : memref<!tpu.dma_semaphore, #tpu.memory_space<semaphore_mem>>) src(%dma_wait3A_2610 : memref<4x128xi32, #tpu.memory_space<hbm>>) dst(%arg7 : memref<4x128xi32, #tpu.memory_space<vmem>>)
      tpu.yield
    }) : () -> ()
    "tpu.region"() ({
      %run_scoped3A = tpu.sem_alloc : memref<!tpu.dma_semaphore, #tpu.memory_space<semaphore_mem>>
      %dma_start3A_2595 = arith.constant 0 : i32
      %dma_start3A_2596 = arith.constant 0 : i32
      %dma_start3A_2597 = tpu.memref_slice %arg3[%add3A, %dma_start3A_2595, %dma_start3A_2596] : memref<32x4x128xi32, #tpu.memory_space<hbm>> -> memref<1x4x128xi32, #tpu.memory_space<hbm>>
      %dma_start3A_2598 = tpu.memref_squeeze %dma_start3A_2597 : memref<1x4x128xi32, #tpu.memory_space<hbm>> -> memref<4x128xi32, #tpu.memory_space<hbm>>
      %dma_start3A_2599 = arith.constant 0 : i32
      %dma_start3A_2600 = arith.constant 0 : i32
      %dma_start3A_2601 = tpu.memref_slice %arg3[%add3A, %dma_start3A_2599, %dma_start3A_2600] : memref<32x4x128xi32, #tpu.memory_space<hbm>> -> memref<1x4x128xi32, #tpu.memory_space<hbm>>
      %dma_start3A_2602 = tpu.memref_squeeze %dma_start3A_2601 : memref<1x4x128xi32, #tpu.memory_space<hbm>> -> memref<4x128xi32, #tpu.memory_space<hbm>>
      tpu.enqueue_dma source(%dma_start3A_2602 : memref<4x128xi32, #tpu.memory_space<hbm>>) target(%arg8 : memref<4x128xi32, #tpu.memory_space<vmem>>) target_semaphore(%run_scoped3A : memref<!tpu.dma_semaphore, #tpu.memory_space<semaphore_mem>>)
      %dma_wait3A_2603 = arith.constant 0 : i32
      %dma_wait3A_2604 = arith.constant 0 : i32
      %dma_wait3A_2605 = tpu.memref_slice %arg3[%add3A, %dma_wait3A_2603, %dma_wait3A_2604] : memref<32x4x128xi32, #tpu.memory_space<hbm>> -> memref<1x4x128xi32, #tpu.memory_space<hbm>>
      %dma_wait3A_2606 = tpu.memref_squeeze %dma_wait3A_2605 : memref<1x4x128xi32, #tpu.memory_space<hbm>> -> memref<4x128xi32, #tpu.memory_space<hbm>>
      %dma_wait3A_2607 = arith.constant 0 : i32
      %dma_wait3A_2608 = arith.constant 0 : i32
      %dma_wait3A_2609 = tpu.memref_slice %arg3[%add3A, %dma_wait3A_2607, %dma_wait3A_2608] : memref<32x4x128xi32, #tpu.memory_space<hbm>> -> memref<1x4x128xi32, #tpu.memory_space<hbm>>
      %dma_wait3A_2610 = tpu.memref_squeeze %dma_wait3A_2609 : memref<1x4x128xi32, #tpu.memory_space<hbm>> -> memref<4x128xi32, #tpu.memory_space<hbm>>
      tpu.wait_dma2 semaphore(%run_scoped3A : memref<!tpu.dma_semaphore, #tpu.memory_space<semaphore_mem>>) src(%dma_wait3A_2610 : memref<4x128xi32, #tpu.memory_space<hbm>>) dst(%arg8 : memref<4x128xi32, #tpu.memory_space<vmem>>)
      tpu.yield
    }) : () -> ()
    %get3A = arith.constant 0 : i32
    %get3A_1 = arith.index_cast %get3A : i32 to index
    %get3A_2 = arith.constant 0 : index
    %get3A_3 = tpu.vector_load %arg7[%get3A_1, %get3A_2] {strides = array<i32>} : memref<4x128xi32, #tpu.memory_space<vmem>>, vector<16xi32>,
    %shift_right_logical3A = arith.constant 15 : i32
    %shift_right_logical3A_4 = vector.broadcast %shift_right_logical3A : i32 to vector<16xi32>
    %shift_right_logical3A_5 = arith.shrui %get3A_3, %shift_right_logical3A_4 : vector<16xi32>
    %mul3A_6 = arith.constant 16384 : i32
    %mul3A_7 = vector.broadcast %mul3A_6 : i32 to vector<16xi32>
    %mul3A_8 = arith.muli %shift_right_logical3A_5, %mul3A_7 : vector<16xi32>
    %and3A = arith.constant 16383 : i32
    %and3A_9 = vector.broadcast %and3A : i32 to vector<16xi32>
    %and3A_10 = arith.andi %get3A_3, %and3A_9 : vector<16xi32>
    %add3A_11 = arith.addi %mul3A_8, %and3A_10 : vector<16xi32>
    %swap3A = arith.constant 0 : i32
    %swap3A_12 = arith.index_cast %swap3A : i32 to index
    %swap3A_13 = arith.constant 0 : index
    %swap3A_14 = tpu.vector_load %arg9[%swap3A_12, %swap3A_13] {strides = array<i32>} : memref<4x128xi32, #tpu.memory_space<vmem>>, vector<16xi32>,
    tpu.vector_store %arg9[%swap3A_12, %swap3A_13], %add3A_11 {strides = array<i32>} : memref<4x128xi32, #tpu.memory_space<vmem>>, vector<16xi32>,
    %get3A_15 = arith.constant 0 : i32
    %get3A_16 = arith.index_cast %get3A_15 : i32 to index
    %get3A_17 = arith.constant 0 : index
    %get3A_18 = tpu.vector_load %arg8[%get3A_16, %get3A_17] {strides = array<i32>} : memref<4x128xi32, #tpu.memory_space<vmem>>, vector<16xi32>,
    %shift_right_logical3A_19 = arith.constant 15 : i32
    %shift_right_logical3A_20 = vector.broadcast %shift_right_logical3A_19 : i32 to vector<16xi32>
    %shift_right_logical3A_21 = arith.shrui %get3A_18, %shift_right_logical3A_20 : vector<16xi32>
    %mul3A_22 = arith.constant 16384 : i32
    %mul3A_23 = vector.broadcast %mul3A_22 : i32 to vector<16xi32>
    %mul3A_24 = arith.muli %shift_right_logical3A_21, %mul3A_23 : vector<16xi32>
    %and3A_25 = arith.constant 16383 : i32
    %and3A_26 = vector.broadcast %and3A_25 : i32 to vector<16xi32>
    %and3A_27 = arith.andi %get3A_18, %and3A_26 : vector<16xi32>
    %add3A_28 = arith.addi %mul3A_24, %and3A_27 : vector<16xi32>
    %swap3A_29 = arith.constant 0 : i32
    %swap3A_30 = arith.index_cast %swap3A_29 : i32 to index
    %swap3A_31 = arith.constant 0 : index
    %swap3A_32 = tpu.vector_load %arg10[%swap3A_30, %swap3A_31] {strides = array<i32>} : memref<4x128xi32, #tpu.memory_space<vmem>>, vector<16xi32>,
    tpu.vector_store %arg10[%swap3A_30, %swap3A_31], %add3A_28 {strides = array<i32>} : memref<4x128xi32, #tpu.memory_space<vmem>>, vector<16xi32>,
    %get3A_33 = arith.constant 0 : i32
    %get3A_34 = arith.index_cast %get3A_33 : i32 to index
    %get3A_35 = arith.constant 16 : index
    %get3A_36 = tpu.vector_load %arg7[%get3A_34, %get3A_35] {strides = array<i32>} : memref<4x128xi32, #tpu.memory_space<vmem>>, vector<16xi32>,
    %shift_right_logical3A_37 = arith.constant 15 : i32
    %shift_right_logical3A_38 = vector.broadcast %shift_right_logical3A_37 : i32 to vector<16xi32>
    %shift_right_logical3A_39 = arith.shrui %get3A_36, %shift_right_logical3A_38 : vector<16xi32>
    %mul3A_40 = arith.constant 16384 : i32
    %mul3A_41 = vector.broadcast %mul3A_40 : i32 to vector<16xi32>
    %mul3A_42 = arith.muli %shift_right_logical3A_39, %mul3A_41 : vector<16xi32>
    %and3A_43 = arith.constant 16383 : i32
    %and3A_44 = vector.broadcast %and3A_43 : i32 to vector<16xi32>
    %and3A_45 = arith.andi %get3A_36, %and3A_44 : vector<16xi32>
    %add3A_46 = arith.addi %mul3A_42, %and3A_45 : vector<16xi32>
    %swap3A_47 = arith.constant 0 : i32
    %swap3A_48 = arith.index_cast %swap3A_47 : i32 to index
    %swap3A_49 = arith.constant 16 : index
    %swap3A_50 = tpu.vector_load %arg9[%swap3A_48, %swap3A_49] {strides = array<i32>} : memref<4x128xi32, #tpu.memory_space<vmem>>, vector<16xi32>,
    tpu.vector_store %arg9[%swap3A_48, %swap3A_49], %add3A_46 {strides = array<i32>} : memref<4x128xi32, #tpu.memory_space<vmem>>, vector<16xi32>,
    %get3A_51 = arith.constant 0 : i32
    %get3A_52 = arith.index_cast %get3A_51 : i32 to index
    %get3A_53 = arith.constant 16 : index
    %get3A_54 = tpu.vector_load %arg8[%get3A_52, %get3A_53] {strides = array<i32>} : memref<4x128xi32, #tpu.memory_space<vmem>>, vector<16xi32>,
    %shift_right_logical3A_55 = arith.constant 15 : i32
    %shift_right_logical3A_56 = vector.broadcast %shift_right_logical3A_55 : i32 to vector<16xi32>
    %shift_right_logical3A_57 = arith.shrui %get3A_54, %shift_right_logical3A_56 : vector<16xi32>
    %mul3A_58 = arith.constant 16384 : i32
    %mul3A_59 = vector.broadcast %mul3A_58 : i32 to vector<16xi32>
    %mul3A_60 = arith.muli %shift_right_logical3A_57, %mul3A_59 : vector<16xi32>
    %and3A_61 = arith.constant 16383 : i32
    %and3A_62 = vector.broadcast %and3A_61 : i32 to vector<16xi32>
    %and3A_63 = arith.andi %get3A_54, %and3A_62 : vector<16xi32>
    %add3A_64 = arith.addi %mul3A_60, %and3A_63 : vector<16xi32>
    %swap3A_65 = arith.constant 0 : i32
    %swap3A_66 = arith.index_cast %swap3A_65 : i32 to index
    %swap3A_67 = arith.constant 16 : index
    %swap3A_68 = tpu.vector_load %arg10[%swap3A_66, %swap3A_67] {strides = array<i32>} : memref<4x128xi32, #tpu.memory_space<vmem>>, vector<16xi32>,
    tpu.vector_store %arg10[%swap3A_66, %swap3A_67], %add3A_64 {strides = array<i32>} : memref<4x128xi32, #tpu.memory_space<vmem>>, vector<16xi32>,
    %get3A_69 = arith.constant 0 : i32
    %get3A_70 = arith.index_cast %get3A_69 : i32 to index
    %get3A_71 = arith.constant 32 : index
    %get3A_72 = tpu.vector_load %arg7[%get3A_70, %get3A_71] {strides = array<i32>} : memref<4x128xi32, #tpu.memory_space<vmem>>, vector<16xi32>,
    %shift_right_logical3A_73 = arith.constant 15 : i32
    %shift_right_logical3A_74 = vector.broadcast %shift_right_logical3A_73 : i32 to vector<16xi32>
    %shift_right_logical3A_75 = arith.shrui %get3A_72, %shift_right_logical3A_74 : vector<16xi32>
    %mul3A_76 = arith.constant 16384 : i32
    %mul3A_77 = vector.broadcast %mul3A_76 : i32 to vector<16xi32>
    %mul3A_78 = arith.muli %shift_right_logical3A_75, %mul3A_77 : vector<16xi32>
    %and3A_79 = arith.constant 16383 : i32
    %and3A_80 = vector.broadcast %and3A_79 : i32 to vector<16xi32>
    %and3A_81 = arith.andi %get3A_72, %and3A_80 : vector<16xi32>
    %add3A_82 = arith.addi %mul3A_78, %and3A_81 : vector<16xi32>
    %swap3A_83 = arith.constant 0 : i32
    %swap3A_84 = arith.index_cast %swap3A_83 : i32 to index
    %swap3A_85 = arith.constant 32 : index
    %swap3A_86 = tpu.vector_load %arg9[%swap3A_84, %swap3A_85] {strides = array<i32>} : memref<4x128xi32, #tpu.memory_space<vmem>>, vector<16xi32>,
    tpu.vector_store %arg9[%swap3A_84, %swap3A_85], %add3A_82 {strides = array<i32>} : memref<4x128xi32, #tpu.memory_space<vmem>>, vector<16xi32>,
    %get3A_87 = arith.constant 0 : i32
    %get3A_88 = arith.index_cast %get3A_87 : i32 to index
    %get3A_89 = arith.constant 32 : index
    %get3A_90 = tpu.vector_load %arg8[%get3A_88, %get3A_89] {strides = array<i32>} : memref<4x128xi32, #tpu.memory_space<vmem>>, vector<16xi32>,
    %shift_right_logical3A_91 = arith.constant 15 : i32
    %shift_right_logical3A_92 = vector.broadcast %shift_right_logical3A_91 : i32 to vector<16xi32>
    %shift_right_logical3A_93 = arith.shrui %get3A_90, %shift_right_logical3A_92 : vector<16xi32>
    %mul3A_94 = arith.constant 16384 : i32
    %mul3A_95 = vector.broadcast %mul3A_94 : i32 to vector<16xi32>
    %mul3A_96 = arith.muli %shift_right_logical3A_93, %mul3A_95 : vector<16xi32>
    %and3A_97 = arith.constant 16383 : i32
    %and3A_98 = vector.broadcast %and3A_97 : i32 to vector<16xi32>
    %and3A_99 = arith.andi %get3A_90, %and3A_98 : vector<16xi32>
    %add3A_100 = arith.addi %mul3A_96, %and3A_99 : vector<16xi32>
    %swap3A_101 = arith.constant 0 : i32
    %swap3A_102 = arith.index_cast %swap3A_101 : i32 to index
    %swap3A_103 = arith.constant 32 : index
    %swap3A_104 = tpu.vector_load %arg10[%swap3A_102, %swap3A_103] {strides = array<i32>} : memref<4x128xi32, #tpu.memory_space<vmem>>, vector<16xi32>,
    tpu.vector_store %arg10[%swap3A_102, %swap3A_103], %add3A_100 {strides = array<i32>} : memref<4x128xi32, #tpu.memory_space<vmem>>, vector<16xi32>,
    %get3A_105 = arith.constant 0 : i32
    %get3A_106 = arith.index_cast %get3A_105 : i32 to index
    %get3A_107 = arith.constant 48 : index
    %get3A_108 = tpu.vector_load %arg7[%get3A_106, %get3A_107] {strides = array<i32>} : memref<4x128xi32, #tpu.memory_space<vmem>>, vector<16xi32>,
    %shift_right_logical3A_109 = arith.constant 15 : i32
    %shift_right_logical3A_110 = vector.broadcast %shift_right_logical3A_109 : i32 to vector<16xi32>
    %shift_right_logical3A_111 = arith.shrui %get3A_108, %shift_right_logical3A_110 : vector<16xi32>
    %mul3A_112 = arith.constant 16384 : i32
    %mul3A_113 = vector.broadcast %mul3A_112 : i32 to vector<16xi32>
    %mul3A_114 = arith.muli %shift_right_logical3A_111, %mul3A_113 : vector<16xi32>
    %and3A_115 = arith.constant 16383 : i32
    %and3A_116 = vector.broadcast %and3A_115 : i32 to vector<16xi32>
    %and3A_117 = arith.andi %get3A_108, %and3A_116 : vector<16xi32>
    %add3A_118 = arith.addi %mul3A_114, %and3A_117 : vector<16xi32>
    %swap3A_119 = arith.constant 0 : i32
    %swap3A_120 = arith.index_cast %swap3A_119 : i32 to index
    %swap3A_121 = arith.constant 48 : index
    %swap3A_122 = tpu.vector_load %arg9[%swap3A_120, %swap3A_121] {strides = array<i32>} : memref<4x128xi32, #tpu.memory_space<vmem>>, vector<16xi32>,
    tpu.vector_store %arg9[%swap3A_120, %swap3A_121], %add3A_118 {strides = array<i32>} : memref<4x128xi32, #tpu.memory_space<vmem>>, vector<16xi32>,
    %get3A_123 = arith.constant 0 : i32
    %get3A_124 = arith.index_cast %get3A_123 : i32 to index
    %get3A_125 = arith.constant 48 : index
    %get3A_126 = tpu.vector_load %arg8[%get3A_124, %get3A_125] {strides = array<i32>} : memref<4x128xi32, #tpu.memory_space<vmem>>, vector<16xi32>,
    %shift_right_logical3A_127 = arith.constant 15 : i32
    %shift_right_logical3A_128 = vector.broadcast %shift_right_logical3A_127 : i32 to vector<16xi32>
    %shift_right_logical3A_129 = arith.shrui %get3A_126, %shift_right_logical3A_128 : vector<16xi32>
    %mul3A_130 = arith.constant 16384 : i32
    %mul3A_131 = vector.broadcast %mul3A_130 : i32 to vector<16xi32>
    %mul3A_132 = arith.muli %shift_right_logical3A_129, %mul3A_131 : vector<16xi32>
    %and3A_133 = arith.constant 16383 : i32
    %and3A_134 = vector.broadcast %and3A_133 : i32 to vector<16xi32>
    %and3A_135 = arith.andi %get3A_126, %and3A_134 : vector<16xi32>
    %add3A_136 = arith.addi %mul3A_132, %and3A_135 : vector<16xi32>
    %swap3A_137 = arith.constant 0 : i32
    %swap3A_138 = arith.index_cast %swap3A_137 : i32 to index
    %swap3A_139 = arith.constant 48 : index
    %swap3A_140 = tpu.vector_load %arg10[%swap3A_138, %swap3A_139] {strides = array<i32>} : memref<4x128xi32, #tpu.memory_space<vmem>>, vector<16xi32>,
    tpu.vector_store %arg10[%swap3A_138, %swap3A_139], %add3A_136 {strides = array<i32>} : memref<4x128xi32, #tpu.memory_space<vmem>>, vector<16xi32>,
    %get3A_141 = arith.constant 0 : i32
    %get3A_142 = arith.index_cast %get3A_141 : i32 to index
    %get3A_143 = arith.constant 64 : index
    %get3A_144 = tpu.vector_load %arg7[%get3A_142, %get3A_143] {strides = array<i32>} : memref<4x128xi32, #tpu.memory_space<vmem>>, vector<16xi32>,
    %shift_right_logical3A_145 = arith.constant 15 : i32
    %shift_right_logical3A_146 = vector.broadcast %shift_right_logical3A_145 : i32 to vector<16xi32>
    %shift_right_logical3A_147 = arith.shrui %get3A_144, %shift_right_logical3A_146 : vector<16xi32>
    %mul3A_148 = arith.constant 16384 : i32
    %mul3A_149 = vector.broadcast %mul3A_148 : i32 to vector<16xi32>
    %mul3A_150 = arith.muli %shift_right_logical3A_147, %mul3A_149 : vector<16xi32>
    %and3A_151 = arith.constant 16383 : i32
    %and3A_152 = vector.broadcast %and3A_151 : i32 to vector<16xi32>
    %and3A_153 = arith.andi %get3A_144, %and3A_152 : vector<16xi32>
    %add3A_154 = arith.addi %mul3A_150, %and3A_153 : vector<16xi32>
    %swap3A_155 = arith.constant 0 : i32
    %swap3A_156 = arith.index_cast %swap3A_155 : i32 to index
    %swap3A_157 = arith.constant 64 : index
    %swap3A_158 = tpu.vector_load %arg9[%swap3A_156, %swap3A_157] {strides = array<i32>} : memref<4x128xi32, #tpu.memory_space<vmem>>, vector<16xi32>,
    tpu.vector_store %arg9[%swap3A_156, %swap3A_157], %add3A_154 {strides = array<i32>} : memref<4x128xi32, #tpu.memory_space<vmem>>, vector<16xi32>,
    %get3A_159 = arith.constant 0 : i32
    %get3A_160 = arith.index_cast %get3A_159 : i32 to index
    %get3A_161 = arith.constant 64 : index
    %get3A_162 = tpu.vector_load %arg8[%get3A_160, %get3A_161] {strides = array<i32>} : memref<4x128xi32, #tpu.memory_space<vmem>>, vector<16xi32>,
    %shift_right_logical3A_163 = arith.constant 15 : i32
    %shift_right_logical3A_164 = vector.broadcast %shift_right_logical3A_163 : i32 to vector<16xi32>
    %shift_right_logical3A_165 = arith.shrui %get3A_162, %shift_right_logical3A_164 : vector<16xi32>
    %mul3A_166 = arith.constant 16384 : i32
    %mul3A_167 = vector.broadcast %mul3A_166 : i32 to vector<16xi32>
    %mul3A_168 = arith.muli %shift_right_logical3A_165, %mul3A_167 : vector<16xi32>
    %and3A_169 = arith.constant 16383 : i32
    %and3A_170 = vector.broadcast %and3A_169 : i32 to vector<16xi32>
    %and3A_171 = arith.andi %get3A_162, %and3A_170 : vector<16xi32>
    %add3A_172 = arith.addi %mul3A_168, %and3A_171 : vector<16xi32>
    %swap3A_173 = arith.constant 0 : i32
    %swap3A_174 = arith.index_cast %swap3A_173 : i32 to index
    %swap3A_175 = arith.constant 64 : index
    %swap3A_176 = tpu.vector_load %arg10[%swap3A_174, %swap3A_175] {strides = array<i32>} : memref<4x128xi32, #tpu.memory_space<vmem>>, vector<16xi32>,
    tpu.vector_store %arg10[%swap3A_174, %swap3A_175], %add3A_172 {strides = array<i32>} : memref<4x128xi32, #tpu.memory_space<vmem>>, vector<16xi32>,
    %get3A_177 = arith.constant 0 : i32
    %get3A_178 = arith.index_cast %get3A_177 : i32 to index
    %get3A_179 = arith.constant 80 : index
    %get3A_180 = tpu.vector_load %arg7[%get3A_178, %get3A_179] {strides = array<i32>} : memref<4x128xi32, #tpu.memory_space<vmem>>, vector<16xi32>,
    %shift_right_logical3A_181 = arith.constant 15 : i32
    %shift_right_logical3A_182 = vector.broadcast %shift_right_logical3A_181 : i32 to vector<16xi32>
    %shift_right_logical3A_183 = arith.shrui %get3A_180, %shift_right_logical3A_182 : vector<16xi32>
    %mul3A_184 = arith.constant 16384 : i32
    %mul3A_185 = vector.broadcast %mul3A_184 : i32 to vector<16xi32>
    %mul3A_186 = arith.muli %shift_right_logical3A_183, %mul3A_185 : vector<16xi32>
    %and3A_187 = arith.constant 16383 : i32
    %and3A_188 = vector.broadcast %and3A_187 : i32 to vector<16xi32>
    %and3A_189 = arith.andi %get3A_180, %and3A_188 : vector<16xi32>
    %add3A_190 = arith.addi %mul3A_186, %and3A_189 : vector<16xi32>
    %swap3A_191 = arith.constant 0 : i32
    %swap3A_192 = arith.index_cast %swap3A_191 : i32 to index
    %swap3A_193 = arith.constant 80 : index
    %swap3A_194 = tpu.vector_load %arg9[%swap3A_192, %swap3A_193] {strides = array<i32>} : memref<4x128xi32, #tpu.memory_space<vmem>>, vector<16xi32>,
    tpu.vector_store %arg9[%swap3A_192, %swap3A_193], %add3A_190 {strides = array<i32>} : memref<4x128xi32, #tpu.memory_space<vmem>>, vector<16xi32>,
    %get3A_195 = arith.constant 0 : i32
    %get3A_196 = arith.index_cast %get3A_195 : i32 to index
    %get3A_197 = arith.constant 80 : index
    %get3A_198 = tpu.vector_load %arg8[%get3A_196, %get3A_197] {strides = array<i32>} : memref<4x128xi32, #tpu.memory_space<vmem>>, vector<16xi32>,
    %shift_right_logical3A_199 = arith.constant 15 : i32
    %shift_right_logical3A_200 = vector.broadcast %shift_right_logical3A_199 : i32 to vector<16xi32>
    %shift_right_logical3A_201 = arith.shrui %get3A_198, %shift_right_logical3A_200 : vector<16xi32>
    %mul3A_202 = arith.constant 16384 : i32
    %mul3A_203 = vector.broadcast %mul3A_202 : i32 to vector<16xi32>
    %mul3A_204 = arith.muli %shift_right_logical3A_201, %mul3A_203 : vector<16xi32>
    %and3A_205 = arith.constant 16383 : i32
    %and3A_206 = vector.broadcast %and3A_205 : i32 to vector<16xi32>
    %and3A_207 = arith.andi %get3A_198, %and3A_206 : vector<16xi32>
    %add3A_208 = arith.addi %mul3A_204, %and3A_207 : vector<16xi32>
    %swap3A_209 = arith.constant 0 : i32
    %swap3A_210 = arith.index_cast %swap3A_209 : i32 to index
    %swap3A_211 = arith.constant 80 : index
    %swap3A_212 = tpu.vector_load %arg10[%swap3A_210, %swap3A_211] {strides = array<i32>} : memref<4x128xi32, #tpu.memory_space<vmem>>, vector<16xi32>,
    tpu.vector_store %arg10[%swap3A_210, %swap3A_211], %add3A_208 {strides = array<i32>} : memref<4x128xi32, #tpu.memory_space<vmem>>, vector<16xi32>,
    %get3A_213 = arith.constant 0 : i32
    %get3A_214 = arith.index_cast %get3A_213 : i32 to index
    %get3A_215 = arith.constant 96 : index
    %get3A_216 = tpu.vector_load %arg7[%get3A_214, %get3A_215] {strides = array<i32>} : memref<4x128xi32, #tpu.memory_space<vmem>>, vector<16xi32>,
    %shift_right_logical3A_217 = arith.constant 15 : i32
    %shift_right_logical3A_218 = vector.broadcast %shift_right_logical3A_217 : i32 to vector<16xi32>
    %shift_right_logical3A_219 = arith.shrui %get3A_216, %shift_right_logical3A_218 : vector<16xi32>
    %mul3A_220 = arith.constant 16384 : i32
    %mul3A_221 = vector.broadcast %mul3A_220 : i32 to vector<16xi32>
    %mul3A_222 = arith.muli %shift_right_logical3A_219, %mul3A_221 : vector<16xi32>
    %and3A_223 = arith.constant 16383 : i32
    %and3A_224 = vector.broadcast %and3A_223 : i32 to vector<16xi32>
    %and3A_225 = arith.andi %get3A_216, %and3A_224 : vector<16xi32>
    %add3A_226 = arith.addi %mul3A_222, %and3A_225 : vector<16xi32>
    %swap3A_227 = arith.constant 0 : i32
    %swap3A_228 = arith.index_cast %swap3A_227 : i32 to index
    %swap3A_229 = arith.constant 96 : index
    %swap3A_230 = tpu.vector_load %arg9[%swap3A_228, %swap3A_229] {strides = array<i32>} : memref<4x128xi32, #tpu.memory_space<vmem>>, vector<16xi32>,
    tpu.vector_store %arg9[%swap3A_228, %swap3A_229], %add3A_226 {strides = array<i32>} : memref<4x128xi32, #tpu.memory_space<vmem>>, vector<16xi32>,
    %get3A_231 = arith.constant 0 : i32
    %get3A_232 = arith.index_cast %get3A_231 : i32 to index
    %get3A_233 = arith.constant 96 : index
    %get3A_234 = tpu.vector_load %arg8[%get3A_232, %get3A_233] {strides = array<i32>} : memref<4x128xi32, #tpu.memory_space<vmem>>, vector<16xi32>,
    %shift_right_logical3A_235 = arith.constant 15 : i32
    %shift_right_logical3A_236 = vector.broadcast %shift_right_logical3A_235 : i32 to vector<16xi32>
    %shift_right_logical3A_237 = arith.shrui %get3A_234, %shift_right_logical3A_236 : vector<16xi32>
    %mul3A_238 = arith.constant 16384 : i32
    %mul3A_239 = vector.broadcast %mul3A_238 : i32 to vector<16xi32>
    %mul3A_240 = arith.muli %shift_right_logical3A_237, %mul3A_239 : vector<16xi32>
    %and3A_241 = arith.constant 16383 : i32
    %and3A_242 = vector.broadcast %and3A_241 : i32 to vector<16xi32>
    %and3A_243 = arith.andi %get3A_234, %and3A_242 : vector<16xi32>
    %add3A_244 = arith.addi %mul3A_240, %and3A_243 : vector<16xi32>
    %swap3A_245 = arith.constant 0 : i32
    %swap3A_246 = arith.index_cast %swap3A_245 : i32 to index
    %swap3A_247 = arith.constant 96 : index
    %swap3A_248 = tpu.vector_load %arg10[%swap3A_246, %swap3A_247] {strides = array<i32>} : memref<4x128xi32, #tpu.memory_space<vmem>>, vector<16xi32>,
    tpu.vector_store %arg10[%swap3A_246, %swap3A_247], %add3A_244 {strides = array<i32>} : memref<4x128xi32, #tpu.memory_space<vmem>>, vector<16xi32>,
    %get3A_249 = arith.constant 0 : i32
    %get3A_250 = arith.index_cast %get3A_249 : i32 to index
    %get3A_251 = arith.constant 112 : index
    %get3A_252 = tpu.vector_load %arg7[%get3A_250, %get3A_251] {strides = array<i32>} : memref<4x128xi32, #tpu.memory_space<vmem>>, vector<16xi32>,
    %shift_right_logical3A_253 = arith.constant 15 : i32
    %shift_right_logical3A_254 = vector.broadcast %shift_right_logical3A_253 : i32 to vector<16xi32>
    %shift_right_logical3A_255 = arith.shrui %get3A_252, %shift_right_logical3A_254 : vector<16xi32>
    %mul3A_256 = arith.constant 16384 : i32
    %mul3A_257 = vector.broadcast %mul3A_256 : i32 to vector<16xi32>
    %mul3A_258 = arith.muli %shift_right_logical3A_255, %mul3A_257 : vector<16xi32>
    %and3A_259 = arith.constant 16383 : i32
    %and3A_260 = vector.broadcast %and3A_259 : i32 to vector<16xi32>
    %and3A_261 = arith.andi %get3A_252, %and3A_260 : vector<16xi32>
    %add3A_262 = arith.addi %mul3A_258, %and3A_261 : vector<16xi32>
    %swap3A_263 = arith.constant 0 : i32
    %swap3A_264 = arith.index_cast %swap3A_263 : i32 to index
    %swap3A_265 = arith.constant 112 : index
    %swap3A_266 = tpu.vector_load %arg9[%swap3A_264, %swap3A_265] {strides = array<i32>} : memref<4x128xi32, #tpu.memory_space<vmem>>, vector<16xi32>,
    tpu.vector_store %arg9[%swap3A_264, %swap3A_265], %add3A_262 {strides = array<i32>} : memref<4x128xi32, #tpu.memory_space<vmem>>, vector<16xi32>,
    %get3A_267 = arith.constant 0 : i32
    %get3A_268 = arith.index_cast %get3A_267 : i32 to index
    %get3A_269 = arith.constant 112 : index
    %get3A_270 = tpu.vector_load %arg8[%get3A_268, %get3A_269] {strides = array<i32>} : memref<4x128xi32, #tpu.memory_space<vmem>>, vector<16xi32>,
    %shift_right_logical3A_271 = arith.constant 15 : i32
    %shift_right_logical3A_272 = vector.broadcast %shift_right_logical3A_271 : i32 to vector<16xi32>
    %shift_right_logical3A_273 = arith.shrui %get3A_270, %shift_right_logical3A_272 : vector<16xi32>
    %mul3A_274 = arith.constant 16384 : i32
    %mul3A_275 = vector.broadcast %mul3A_274 : i32 to vector<16xi32>
    %mul3A_276 = arith.muli %shift_right_logical3A_273, %mul3A_275 : vector<16xi32>
    %and3A_277 = arith.constant 16383 : i32
    %and3A_278 = vector.broadcast %and3A_277 : i32 to vector<16xi32>
    %and3A_279 = arith.andi %get3A_270, %and3A_278 : vector<16xi32>
    %add3A_280 = arith.addi %mul3A_276, %and3A_279 : vector<16xi32>
    %swap3A_281 = arith.constant 0 : i32
    %swap3A_282 = arith.index_cast %swap3A_281 : i32 to index
    %swap3A_283 = arith.constant 112 : index
    %swap3A_284 = tpu.vector_load %arg10[%swap3A_282, %swap3A_283] {strides = array<i32>} : memref<4x128xi32, #tpu.memory_space<vmem>>, vector<16xi32>,
    tpu.vector_store %arg10[%swap3A_282, %swap3A_283], %add3A_280 {strides = array<i32>} : memref<4x128xi32, #tpu.memory_space<vmem>>, vector<16xi32>,
    %get3A_285 = arith.constant 1 : i32
    %get3A_286 = arith.index_cast %get3A_285 : i32 to index
    %get3A_287 = arith.constant 0 : index
    %get3A_288 = tpu.vector_load %arg7[%get3A_286, %get3A_287] {strides = array<i32>} : memref<4x128xi32, #tpu.memory_space<vmem>>, vector<16xi32>,
    %shift_right_logical3A_289 = arith.constant 15 : i32
    %shift_right_logical3A_290 = vector.broadcast %shift_right_logical3A_289 : i32 to vector<16xi32>
    %shift_right_logical3A_291 = arith.shrui %get3A_288, %shift_right_logical3A_290 : vector<16xi32>
    %mul3A_292 = arith.constant 16384 : i32
    %mul3A_293 = vector.broadcast %mul3A_292 : i32 to vector<16xi32>
    %mul3A_294 = arith.muli %shift_right_logical3A_291, %mul3A_293 : vector<16xi32>
    %and3A_295 = arith.constant 16383 : i32
    %and3A_296 = vector.broadcast %and3A_295 : i32 to vector<16xi32>
    %and3A_297 = arith.andi %get3A_288, %and3A_296 : vector<16xi32>
    %add3A_298 = arith.addi %mul3A_294, %and3A_297 : vector<16xi32>
    %swap3A_299 = arith.constant 1 : i32
    %swap3A_300 = arith.index_cast %swap3A_299 : i32 to index
    %swap3A_301 = arith.constant 0 : index
    %swap3A_302 = tpu.vector_load %arg9[%swap3A_300, %swap3A_301] {strides = array<i32>} : memref<4x128xi32, #tpu.memory_space<vmem>>, vector<16xi32>,
    tpu.vector_store %arg9[%swap3A_300, %swap3A_301], %add3A_298 {strides = array<i32>} : memref<4x128xi32, #tpu.memory_space<vmem>>, vector<16xi32>,
    %get3A_303 = arith.constant 1 : i32
    %get3A_304 = arith.index_cast %get3A_303 : i32 to index
    %get3A_305 = arith.constant 0 : index
    %get3A_306 = tpu.vector_load %arg8[%get3A_304, %get3A_305] {strides = array<i32>} : memref<4x128xi32, #tpu.memory_space<vmem>>, vector<16xi32>,
    %shift_right_logical3A_307 = arith.constant 15 : i32
    %shift_right_logical3A_308 = vector.broadcast %shift_right_logical3A_307 : i32 to vector<16xi32>
    %shift_right_logical3A_309 = arith.shrui %get3A_306, %shift_right_logical3A_308 : vector<16xi32>
    %mul3A_310 = arith.constant 16384 : i32
    %mul3A_311 = vector.broadcast %mul3A_310 : i32 to vector<16xi32>
    %mul3A_312 = arith.muli %shift_right_logical3A_309, %mul3A_311 : vector<16xi32>
    %and3A_313 = arith.constant 16383 : i32
    %and3A_314 = vector.broadcast %and3A_313 : i32 to vector<16xi32>
    %and3A_315 = arith.andi %get3A_306, %and3A_314 : vector<16xi32>
    %add3A_316 = arith.addi %mul3A_312, %and3A_315 : vector<16xi32>
    %swap3A_317 = arith.constant 1 : i32
    %swap3A_318 = arith.index_cast %swap3A_317 : i32 to index
    %swap3A_319 = arith.constant 0 : index
    %swap3A_320 = tpu.vector_load %arg10[%swap3A_318, %swap3A_319] {strides = array<i32>} : memref<4x128xi32, #tpu.memory_space<vmem>>, vector<16xi32>,
    tpu.vector_store %arg10[%swap3A_318, %swap3A_319], %add3A_316 {strides = array<i32>} : memref<4x128xi32, #tpu.memory_space<vmem>>, vector<16xi32>,
    %get3A_321 = arith.constant 1 : i32
    %get3A_322 = arith.index_cast %get3A_321 : i32 to index
    %get3A_323 = arith.constant 16 : index
    %get3A_324 = tpu.vector_load %arg7[%get3A_322, %get3A_323] {strides = array<i32>} : memref<4x128xi32, #tpu.memory_space<vmem>>, vector<16xi32>,
    %shift_right_logical3A_325 = arith.constant 15 : i32
    %shift_right_logical3A_326 = vector.broadcast %shift_right_logical3A_325 : i32 to vector<16xi32>
    %shift_right_logical3A_327 = arith.shrui %get3A_324, %shift_right_logical3A_326 : vector<16xi32>
    %mul3A_328 = arith.constant 16384 : i32
    %mul3A_329 = vector.broadcast %mul3A_328 : i32 to vector<16xi32>
    %mul3A_330 = arith.muli %shift_right_logical3A_327, %mul3A_329 : vector<16xi32>
    %and3A_331 = arith.constant 16383 : i32
    %and3A_332 = vector.broadcast %and3A_331 : i32 to vector<16xi32>
    %and3A_333 = arith.andi %get3A_324, %and3A_332 : vector<16xi32>
    %add3A_334 = arith.addi %mul3A_330, %and3A_333 : vector<16xi32>
    %swap3A_335 = arith.constant 1 : i32
    %swap3A_336 = arith.index_cast %swap3A_335 : i32 to index
    %swap3A_337 = arith.constant 16 : index
    %swap3A_338 = tpu.vector_load %arg9[%swap3A_336, %swap3A_337] {strides = array<i32>} : memref<4x128xi32, #tpu.memory_space<vmem>>, vector<16xi32>,
    tpu.vector_store %arg9[%swap3A_336, %swap3A_337], %add3A_334 {strides = array<i32>} : memref<4x128xi32, #tpu.memory_space<vmem>>, vector<16xi32>,
    %get3A_339 = arith.constant 1 : i32
    %get3A_340 = arith.index_cast %get3A_339 : i32 to index
    %get3A_341 = arith.constant 16 : index
    %get3A_342 = tpu.vector_load %arg8[%get3A_340, %get3A_341] {strides = array<i32>} : memref<4x128xi32, #tpu.memory_space<vmem>>, vector<16xi32>,
    %shift_right_logical3A_343 = arith.constant 15 : i32
    %shift_right_logical3A_344 = vector.broadcast %shift_right_logical3A_343 : i32 to vector<16xi32>
    %shift_right_logical3A_345 = arith.shrui %get3A_342, %shift_right_logical3A_344 : vector<16xi32>
    %mul3A_346 = arith.constant 16384 : i32
    %mul3A_347 = vector.broadcast %mul3A_346 : i32 to vector<16xi32>
    %mul3A_348 = arith.muli %shift_right_logical3A_345, %mul3A_347 : vector<16xi32>
    %and3A_349 = arith.constant 16383 : i32
    %and3A_350 = vector.broadcast %and3A_349 : i32 to vector<16xi32>
    %and3A_351 = arith.andi %get3A_342, %and3A_350 : vector<16xi32>
    %add3A_352 = arith.addi %mul3A_348, %and3A_351 : vector<16xi32>
    %swap3A_353 = arith.constant 1 : i32
    %swap3A_354 = arith.index_cast %swap3A_353 : i32 to index
    %swap3A_355 = arith.constant 16 : index
    %swap3A_356 = tpu.vector_load %arg10[%swap3A_354, %swap3A_355] {strides = array<i32>} : memref<4x128xi32, #tpu.memory_space<vmem>>, vector<16xi32>,
    tpu.vector_store %arg10[%swap3A_354, %swap3A_355], %add3A_352 {strides = array<i32>} : memref<4x128xi32, #tpu.memory_space<vmem>>, vector<16xi32>,
    %get3A_357 = arith.constant 1 : i32
    %get3A_358 = arith.index_cast %get3A_357 : i32 to index
    %get3A_359 = arith.constant 32 : index
    %get3A_360 = tpu.vector_load %arg7[%get3A_358, %get3A_359] {strides = array<i32>} : memref<4x128xi32, #tpu.memory_space<vmem>>, vector<16xi32>,
    %shift_right_logical3A_361 = arith.constant 15 : i32
    %shift_right_logical3A_362 = vector.broadcast %shift_right_logical3A_361 : i32 to vector<16xi32>
    %shift_right_logical3A_363 = arith.shrui %get3A_360, %shift_right_logical3A_362 : vector<16xi32>
    %mul3A_364 = arith.constant 16384 : i32
    %mul3A_365 = vector.broadcast %mul3A_364 : i32 to vector<16xi32>
    %mul3A_366 = arith.muli %shift_right_logical3A_363, %mul3A_365 : vector<16xi32>
    %and3A_367 = arith.constant 16383 : i32
    %and3A_368 = vector.broadcast %and3A_367 : i32 to vector<16xi32>
    %and3A_369 = arith.andi %get3A_360, %and3A_368 : vector<16xi32>
    %add3A_370 = arith.addi %mul3A_366, %and3A_369 : vector<16xi32>
    %swap3A_371 = arith.constant 1 : i32
    %swap3A_372 = arith.index_cast %swap3A_371 : i32 to index
    %swap3A_373 = arith.constant 32 : index
    %swap3A_374 = tpu.vector_load %arg9[%swap3A_372, %swap3A_373] {strides = array<i32>} : memref<4x128xi32, #tpu.memory_space<vmem>>, vector<16xi32>,
    tpu.vector_store %arg9[%swap3A_372, %swap3A_373], %add3A_370 {strides = array<i32>} : memref<4x128xi32, #tpu.memory_space<vmem>>, vector<16xi32>,
    %get3A_375 = arith.constant 1 : i32
    %get3A_376 = arith.index_cast %get3A_375 : i32 to index
    %get3A_377 = arith.constant 32 : index
    %get3A_378 = tpu.vector_load %arg8[%get3A_376, %get3A_377] {strides = array<i32>} : memref<4x128xi32, #tpu.memory_space<vmem>>, vector<16xi32>,
    %shift_right_logical3A_379 = arith.constant 15 : i32
    %shift_right_logical3A_380 = vector.broadcast %shift_right_logical3A_379 : i32 to vector<16xi32>
    %shift_right_logical3A_381 = arith.shrui %get3A_378, %shift_right_logical3A_380 : vector<16xi32>
    %mul3A_382 = arith.constant 16384 : i32
    %mul3A_383 = vector.broadcast %mul3A_382 : i32 to vector<16xi32>
    %mul3A_384 = arith.muli %shift_right_logical3A_381, %mul3A_383 : vector<16xi32>
    %and3A_385 = arith.constant 16383 : i32
    %and3A_386 = vector.broadcast %and3A_385 : i32 to vector<16xi32>
    %and3A_387 = arith.andi %get3A_378, %and3A_386 : vector<16xi32>
    %add3A_388 = arith.addi %mul3A_384, %and3A_387 : vector<16xi32>
    %swap3A_389 = arith.constant 1 : i32
    %swap3A_390 = arith.index_cast %swap3A_389 : i32 to index
    %swap3A_391 = arith.constant 32 : index
    %swap3A_392 = tpu.vector_load %arg10[%swap3A_390, %swap3A_391] {strides = array<i32>} : memref<4x128xi32, #tpu.memory_space<vmem>>, vector<16xi32>,
    tpu.vector_store %arg10[%swap3A_390, %swap3A_391], %add3A_388 {strides = array<i32>} : memref<4x128xi32, #tpu.memory_space<vmem>>, vector<16xi32>,
    %get3A_393 = arith.constant 1 : i32
    %get3A_394 = arith.index_cast %get3A_393 : i32 to index
    %get3A_395 = arith.constant 48 : index
    %get3A_396 = tpu.vector_load %arg7[%get3A_394, %get3A_395] {strides = array<i32>} : memref<4x128xi32, #tpu.memory_space<vmem>>, vector<16xi32>,
    %shift_right_logical3A_397 = arith.constant 15 : i32
    %shift_right_logical3A_398 = vector.broadcast %shift_right_logical3A_397 : i32 to vector<16xi32>
    %shift_right_logical3A_399 = arith.shrui %get3A_396, %shift_right_logical3A_398 : vector<16xi32>
    %mul3A_400 = arith.constant 16384 : i32
    %mul3A_401 = vector.broadcast %mul3A_400 : i32 to vector<16xi32>
    %mul3A_402 = arith.muli %shift_right_logical3A_399, %mul3A_401 : vector<16xi32>
    %and3A_403 = arith.constant 16383 : i32
    %and3A_404 = vector.broadcast %and3A_403 : i32 to vector<16xi32>
    %and3A_405 = arith.andi %get3A_396, %and3A_404 : vector<16xi32>
    %add3A_406 = arith.addi %mul3A_402, %and3A_405 : vector<16xi32>
    %swap3A_407 = arith.constant 1 : i32
    %swap3A_408 = arith.index_cast %swap3A_407 : i32 to index
    %swap3A_409 = arith.constant 48 : index
    %swap3A_410 = tpu.vector_load %arg9[%swap3A_408, %swap3A_409] {strides = array<i32>} : memref<4x128xi32, #tpu.memory_space<vmem>>, vector<16xi32>,
    tpu.vector_store %arg9[%swap3A_408, %swap3A_409], %add3A_406 {strides = array<i32>} : memref<4x128xi32, #tpu.memory_space<vmem>>, vector<16xi32>,
    %get3A_411 = arith.constant 1 : i32
    %get3A_412 = arith.index_cast %get3A_411 : i32 to index
    %get3A_413 = arith.constant 48 : index
    %get3A_414 = tpu.vector_load %arg8[%get3A_412, %get3A_413] {strides = array<i32>} : memref<4x128xi32, #tpu.memory_space<vmem>>, vector<16xi32>,
    %shift_right_logical3A_415 = arith.constant 15 : i32
    %shift_right_logical3A_416 = vector.broadcast %shift_right_logical3A_415 : i32 to vector<16xi32>
    %shift_right_logical3A_417 = arith.shrui %get3A_414, %shift_right_logical3A_416 : vector<16xi32>
    %mul3A_418 = arith.constant 16384 : i32
    %mul3A_419 = vector.broadcast %mul3A_418 : i32 to vector<16xi32>
    %mul3A_420 = arith.muli %shift_right_logical3A_417, %mul3A_419 : vector<16xi32>
    %and3A_421 = arith.constant 16383 : i32
    %and3A_422 = vector.broadcast %and3A_421 : i32 to vector<16xi32>
    %and3A_423 = arith.andi %get3A_414, %and3A_422 : vector<16xi32>
    %add3A_424 = arith.addi %mul3A_420, %and3A_423 : vector<16xi32>
    %swap3A_425 = arith.constant 1 : i32
    %swap3A_426 = arith.index_cast %swap3A_425 : i32 to index
    %swap3A_427 = arith.constant 48 : index
    %swap3A_428 = tpu.vector_load %arg10[%swap3A_426, %swap3A_427] {strides = array<i32>} : memref<4x128xi32, #tpu.memory_space<vmem>>, vector<16xi32>,
    tpu.vector_store %arg10[%swap3A_426, %swap3A_427], %add3A_424 {strides = array<i32>} : memref<4x128xi32, #tpu.memory_space<vmem>>, vector<16xi32>,
    %get3A_429 = arith.constant 1 : i32
    %get3A_430 = arith.index_cast %get3A_429 : i32 to index
    %get3A_431 = arith.constant 64 : index
    %get3A_432 = tpu.vector_load %arg7[%get3A_430, %get3A_431] {strides = array<i32>} : memref<4x128xi32, #tpu.memory_space<vmem>>, vector<16xi32>,
    %shift_right_logical3A_433 = arith.constant 15 : i32
    %shift_right_logical3A_434 = vector.broadcast %shift_right_logical3A_433 : i32 to vector<16xi32>
    %shift_right_logical3A_435 = arith.shrui %get3A_432, %shift_right_logical3A_434 : vector<16xi32>
    %mul3A_436 = arith.constant 16384 : i32
    %mul3A_437 = vector.broadcast %mul3A_436 : i32 to vector<16xi32>
    %mul3A_438 = arith.muli %shift_right_logical3A_435, %mul3A_437 : vector<16xi32>
    %and3A_439 = arith.constant 16383 : i32
    %and3A_440 = vector.broadcast %and3A_439 : i32 to vector<16xi32>
    %and3A_441 = arith.andi %get3A_432, %and3A_440 : vector<16xi32>
    %add3A_442 = arith.addi %mul3A_438, %and3A_441 : vector<16xi32>
    %swap3A_443 = arith.constant 1 : i32
    %swap3A_444 = arith.index_cast %swap3A_443 : i32 to index
    %swap3A_445 = arith.constant 64 : index
    %swap3A_446 = tpu.vector_load %arg9[%swap3A_444, %swap3A_445] {strides = array<i32>} : memref<4x128xi32, #tpu.memory_space<vmem>>, vector<16xi32>,
    tpu.vector_store %arg9[%swap3A_444, %swap3A_445], %add3A_442 {strides = array<i32>} : memref<4x128xi32, #tpu.memory_space<vmem>>, vector<16xi32>,
    %get3A_447 = arith.constant 1 : i32
    %get3A_448 = arith.index_cast %get3A_447 : i32 to index
    %get3A_449 = arith.constant 64 : index
    %get3A_450 = tpu.vector_load %arg8[%get3A_448, %get3A_449] {strides = array<i32>} : memref<4x128xi32, #tpu.memory_space<vmem>>, vector<16xi32>,
    %shift_right_logical3A_451 = arith.constant 15 : i32
    %shift_right_logical3A_452 = vector.broadcast %shift_right_logical3A_451 : i32 to vector<16xi32>
    %shift_right_logical3A_453 = arith.shrui %get3A_450, %shift_right_logical3A_452 : vector<16xi32>
    %mul3A_454 = arith.constant 16384 : i32
    %mul3A_455 = vector.broadcast %mul3A_454 : i32 to vector<16xi32>
    %mul3A_456 = arith.muli %shift_right_logical3A_453, %mul3A_455 : vector<16xi32>
    %and3A_457 = arith.constant 16383 : i32
    %and3A_458 = vector.broadcast %and3A_457 : i32 to vector<16xi32>
    %and3A_459 = arith.andi %get3A_450, %and3A_458 : vector<16xi32>
    %add3A_460 = arith.addi %mul3A_456, %and3A_459 : vector<16xi32>
    %swap3A_461 = arith.constant 1 : i32
    %swap3A_462 = arith.index_cast %swap3A_461 : i32 to index
    %swap3A_463 = arith.constant 64 : index
    %swap3A_464 = tpu.vector_load %arg10[%swap3A_462, %swap3A_463] {strides = array<i32>} : memref<4x128xi32, #tpu.memory_space<vmem>>, vector<16xi32>,
    tpu.vector_store %arg10[%swap3A_462, %swap3A_463], %add3A_460 {strides = array<i32>} : memref<4x128xi32, #tpu.memory_space<vmem>>, vector<16xi32>,
    %get3A_465 = arith.constant 1 : i32
    %get3A_466 = arith.index_cast %get3A_465 : i32 to index
    %get3A_467 = arith.constant 80 : index
    %get3A_468 = tpu.vector_load %arg7[%get3A_466, %get3A_467] {strides = array<i32>} : memref<4x128xi32, #tpu.memory_space<vmem>>, vector<16xi32>,
    %shift_right_logical3A_469 = arith.constant 15 : i32
    %shift_right_logical3A_470 = vector.broadcast %shift_right_logical3A_469 : i32 to vector<16xi32>
    %shift_right_logical3A_471 = arith.shrui %get3A_468, %shift_right_logical3A_470 : vector<16xi32>
    %mul3A_472 = arith.constant 16384 : i32
    %mul3A_473 = vector.broadcast %mul3A_472 : i32 to vector<16xi32>
    %mul3A_474 = arith.muli %shift_right_logical3A_471, %mul3A_473 : vector<16xi32>
    %and3A_475 = arith.constant 16383 : i32
    %and3A_476 = vector.broadcast %and3A_475 : i32 to vector<16xi32>
    %and3A_477 = arith.andi %get3A_468, %and3A_476 : vector<16xi32>
    %add3A_478 = arith.addi %mul3A_474, %and3A_477 : vector<16xi32>
    %swap3A_479 = arith.constant 1 : i32
    %swap3A_480 = arith.index_cast %swap3A_479 : i32 to index
    %swap3A_481 = arith.constant 80 : index
    %swap3A_482 = tpu.vector_load %arg9[%swap3A_480, %swap3A_481] {strides = array<i32>} : memref<4x128xi32, #tpu.memory_space<vmem>>, vector<16xi32>,
    tpu.vector_store %arg9[%swap3A_480, %swap3A_481], %add3A_478 {strides = array<i32>} : memref<4x128xi32, #tpu.memory_space<vmem>>, vector<16xi32>,
    %get3A_483 = arith.constant 1 : i32
    %get3A_484 = arith.index_cast %get3A_483 : i32 to index
    %get3A_485 = arith.constant 80 : index
    %get3A_486 = tpu.vector_load %arg8[%get3A_484, %get3A_485] {strides = array<i32>} : memref<4x128xi32, #tpu.memory_space<vmem>>, vector<16xi32>,
    %shift_right_logical3A_487 = arith.constant 15 : i32
    %shift_right_logical3A_488 = vector.broadcast %shift_right_logical3A_487 : i32 to vector<16xi32>
    %shift_right_logical3A_489 = arith.shrui %get3A_486, %shift_right_logical3A_488 : vector<16xi32>
    %mul3A_490 = arith.constant 16384 : i32
    %mul3A_491 = vector.broadcast %mul3A_490 : i32 to vector<16xi32>
    %mul3A_492 = arith.muli %shift_right_logical3A_489, %mul3A_491 : vector<16xi32>
    %and3A_493 = arith.constant 16383 : i32
    %and3A_494 = vector.broadcast %and3A_493 : i32 to vector<16xi32>
    %and3A_495 = arith.andi %get3A_486, %and3A_494 : vector<16xi32>
    %add3A_496 = arith.addi %mul3A_492, %and3A_495 : vector<16xi32>
    %swap3A_497 = arith.constant 1 : i32
    %swap3A_498 = arith.index_cast %swap3A_497 : i32 to index
    %swap3A_499 = arith.constant 80 : index
    %swap3A_500 = tpu.vector_load %arg10[%swap3A_498, %swap3A_499] {strides = array<i32>} : memref<4x128xi32, #tpu.memory_space<vmem>>, vector<16xi32>,
    tpu.vector_store %arg10[%swap3A_498, %swap3A_499], %add3A_496 {strides = array<i32>} : memref<4x128xi32, #tpu.memory_space<vmem>>, vector<16xi32>,
    %get3A_501 = arith.constant 1 : i32
    %get3A_502 = arith.index_cast %get3A_501 : i32 to index
    %get3A_503 = arith.constant 96 : index
    %get3A_504 = tpu.vector_load %arg7[%get3A_502, %get3A_503] {strides = array<i32>} : memref<4x128xi32, #tpu.memory_space<vmem>>, vector<16xi32>,
    %shift_right_logical3A_505 = arith.constant 15 : i32
    %shift_right_logical3A_506 = vector.broadcast %shift_right_logical3A_505 : i32 to vector<16xi32>
    %shift_right_logical3A_507 = arith.shrui %get3A_504, %shift_right_logical3A_506 : vector<16xi32>
    %mul3A_508 = arith.constant 16384 : i32
    %mul3A_509 = vector.broadcast %mul3A_508 : i32 to vector<16xi32>
    %mul3A_510 = arith.muli %shift_right_logical3A_507, %mul3A_509 : vector<16xi32>
    %and3A_511 = arith.constant 16383 : i32
    %and3A_512 = vector.broadcast %and3A_511 : i32 to vector<16xi32>
    %and3A_513 = arith.andi %get3A_504, %and3A_512 : vector<16xi32>
    %add3A_514 = arith.addi %mul3A_510, %and3A_513 : vector<16xi32>
    %swap3A_515 = arith.constant 1 : i32
    %swap3A_516 = arith.index_cast %swap3A_515 : i32 to index
    %swap3A_517 = arith.constant 96 : index
    %swap3A_518 = tpu.vector_load %arg9[%swap3A_516, %swap3A_517] {strides = array<i32>} : memref<4x128xi32, #tpu.memory_space<vmem>>, vector<16xi32>,
    tpu.vector_store %arg9[%swap3A_516, %swap3A_517], %add3A_514 {strides = array<i32>} : memref<4x128xi32, #tpu.memory_space<vmem>>, vector<16xi32>,
    %get3A_519 = arith.constant 1 : i32
    %get3A_520 = arith.index_cast %get3A_519 : i32 to index
    %get3A_521 = arith.constant 96 : index
    %get3A_522 = tpu.vector_load %arg8[%get3A_520, %get3A_521] {strides = array<i32>} : memref<4x128xi32, #tpu.memory_space<vmem>>, vector<16xi32>,
    %shift_right_logical3A_523 = arith.constant 15 : i32
    %shift_right_logical3A_524 = vector.broadcast %shift_right_logical3A_523 : i32 to vector<16xi32>
    %shift_right_logical3A_525 = arith.shrui %get3A_522, %shift_right_logical3A_524 : vector<16xi32>
    %mul3A_526 = arith.constant 16384 : i32
    %mul3A_527 = vector.broadcast %mul3A_526 : i32 to vector<16xi32>
    %mul3A_528 = arith.muli %shift_right_logical3A_525, %mul3A_527 : vector<16xi32>
    %and3A_529 = arith.constant 16383 : i32
    %and3A_530 = vector.broadcast %and3A_529 : i32 to vector<16xi32>
    %and3A_531 = arith.andi %get3A_522, %and3A_530 : vector<16xi32>
    %add3A_532 = arith.addi %mul3A_528, %and3A_531 : vector<16xi32>
    %swap3A_533 = arith.constant 1 : i32
    %swap3A_534 = arith.index_cast %swap3A_533 : i32 to index
    %swap3A_535 = arith.constant 96 : index
    %swap3A_536 = tpu.vector_load %arg10[%swap3A_534, %swap3A_535] {strides = array<i32>} : memref<4x128xi32, #tpu.memory_space<vmem>>, vector<16xi32>,
    tpu.vector_store %arg10[%swap3A_534, %swap3A_535], %add3A_532 {strides = array<i32>} : memref<4x128xi32, #tpu.memory_space<vmem>>, vector<16xi32>,
    %get3A_537 = arith.constant 1 : i32
    %get3A_538 = arith.index_cast %get3A_537 : i32 to index
    %get3A_539 = arith.constant 112 : index
    %get3A_540 = tpu.vector_load %arg7[%get3A_538, %get3A_539] {strides = array<i32>} : memref<4x128xi32, #tpu.memory_space<vmem>>, vector<16xi32>,
    %shift_right_logical3A_541 = arith.constant 15 : i32
    %shift_right_logical3A_542 = vector.broadcast %shift_right_logical3A_541 : i32 to vector<16xi32>
    %shift_right_logical3A_543 = arith.shrui %get3A_540, %shift_right_logical3A_542 : vector<16xi32>
    %mul3A_544 = arith.constant 16384 : i32
    %mul3A_545 = vector.broadcast %mul3A_544 : i32 to vector<16xi32>
    %mul3A_546 = arith.muli %shift_right_logical3A_543, %mul3A_545 : vector<16xi32>
    %and3A_547 = arith.constant 16383 : i32
    %and3A_548 = vector.broadcast %and3A_547 : i32 to vector<16xi32>
    %and3A_549 = arith.andi %get3A_540, %and3A_548 : vector<16xi32>
    %add3A_550 = arith.addi %mul3A_546, %and3A_549 : vector<16xi32>
    %swap3A_551 = arith.constant 1 : i32
    %swap3A_552 = arith.index_cast %swap3A_551 : i32 to index
    %swap3A_553 = arith.constant 112 : index
    %swap3A_554 = tpu.vector_load %arg9[%swap3A_552, %swap3A_553] {strides = array<i32>} : memref<4x128xi32, #tpu.memory_space<vmem>>, vector<16xi32>,
    tpu.vector_store %arg9[%swap3A_552, %swap3A_553], %add3A_550 {strides = array<i32>} : memref<4x128xi32, #tpu.memory_space<vmem>>, vector<16xi32>,
    %get3A_555 = arith.constant 1 : i32
    %get3A_556 = arith.index_cast %get3A_555 : i32 to index
    %get3A_557 = arith.constant 112 : index
    %get3A_558 = tpu.vector_load %arg8[%get3A_556, %get3A_557] {strides = array<i32>} : memref<4x128xi32, #tpu.memory_space<vmem>>, vector<16xi32>,
    %shift_right_logical3A_559 = arith.constant 15 : i32
    %shift_right_logical3A_560 = vector.broadcast %shift_right_logical3A_559 : i32 to vector<16xi32>
    %shift_right_logical3A_561 = arith.shrui %get3A_558, %shift_right_logical3A_560 : vector<16xi32>
    %mul3A_562 = arith.constant 16384 : i32
    %mul3A_563 = vector.broadcast %mul3A_562 : i32 to vector<16xi32>
    %mul3A_564 = arith.muli %shift_right_logical3A_561, %mul3A_563 : vector<16xi32>
    %and3A_565 = arith.constant 16383 : i32
    %and3A_566 = vector.broadcast %and3A_565 : i32 to vector<16xi32>
    %and3A_567 = arith.andi %get3A_558, %and3A_566 : vector<16xi32>
    %add3A_568 = arith.addi %mul3A_564, %and3A_567 : vector<16xi32>
    %swap3A_569 = arith.constant 1 : i32
    %swap3A_570 = arith.index_cast %swap3A_569 : i32 to index
    %swap3A_571 = arith.constant 112 : index
    %swap3A_572 = tpu.vector_load %arg10[%swap3A_570, %swap3A_571] {strides = array<i32>} : memref<4x128xi32, #tpu.memory_space<vmem>>, vector<16xi32>,
    tpu.vector_store %arg10[%swap3A_570, %swap3A_571], %add3A_568 {strides = array<i32>} : memref<4x128xi32, #tpu.memory_space<vmem>>, vector<16xi32>,
    %get3A_573 = arith.constant 2 : i32
    %get3A_574 = arith.index_cast %get3A_573 : i32 to index
    %get3A_575 = arith.constant 0 : index
    %get3A_576 = tpu.vector_load %arg7[%get3A_574, %get3A_575] {strides = array<i32>} : memref<4x128xi32, #tpu.memory_space<vmem>>, vector<16xi32>,
    %shift_right_logical3A_577 = arith.constant 15 : i32
    %shift_right_logical3A_578 = vector.broadcast %shift_right_logical3A_577 : i32 to vector<16xi32>
    %shift_right_logical3A_579 = arith.shrui %get3A_576, %shift_right_logical3A_578 : vector<16xi32>
    %mul3A_580 = arith.constant 16384 : i32
    %mul3A_581 = vector.broadcast %mul3A_580 : i32 to vector<16xi32>
    %mul3A_582 = arith.muli %shift_right_logical3A_579, %mul3A_581 : vector<16xi32>
    %and3A_583 = arith.constant 16383 : i32
    %and3A_584 = vector.broadcast %and3A_583 : i32 to vector<16xi32>
    %and3A_585 = arith.andi %get3A_576, %and3A_584 : vector<16xi32>
    %add3A_586 = arith.addi %mul3A_582, %and3A_585 : vector<16xi32>
    %swap3A_587 = arith.constant 2 : i32
    %swap3A_588 = arith.index_cast %swap3A_587 : i32 to index
    %swap3A_589 = arith.constant 0 : index
    %swap3A_590 = tpu.vector_load %arg9[%swap3A_588, %swap3A_589] {strides = array<i32>} : memref<4x128xi32, #tpu.memory_space<vmem>>, vector<16xi32>,
    tpu.vector_store %arg9[%swap3A_588, %swap3A_589], %add3A_586 {strides = array<i32>} : memref<4x128xi32, #tpu.memory_space<vmem>>, vector<16xi32>,
    %get3A_591 = arith.constant 2 : i32
    %get3A_592 = arith.index_cast %get3A_591 : i32 to index
    %get3A_593 = arith.constant 0 : index
    %get3A_594 = tpu.vector_load %arg8[%get3A_592, %get3A_593] {strides = array<i32>} : memref<4x128xi32, #tpu.memory_space<vmem>>, vector<16xi32>,
    %shift_right_logical3A_595 = arith.constant 15 : i32
    %shift_right_logical3A_596 = vector.broadcast %shift_right_logical3A_595 : i32 to vector<16xi32>
    %shift_right_logical3A_597 = arith.shrui %get3A_594, %shift_right_logical3A_596 : vector<16xi32>
    %mul3A_598 = arith.constant 16384 : i32
    %mul3A_599 = vector.broadcast %mul3A_598 : i32 to vector<16xi32>
    %mul3A_600 = arith.muli %shift_right_logical3A_597, %mul3A_599 : vector<16xi32>
    %and3A_601 = arith.constant 16383 : i32
    %and3A_602 = vector.broadcast %and3A_601 : i32 to vector<16xi32>
    %and3A_603 = arith.andi %get3A_594, %and3A_602 : vector<16xi32>
    %add3A_604 = arith.addi %mul3A_600, %and3A_603 : vector<16xi32>
    %swap3A_605 = arith.constant 2 : i32
    %swap3A_606 = arith.index_cast %swap3A_605 : i32 to index
    %swap3A_607 = arith.constant 0 : index
    %swap3A_608 = tpu.vector_load %arg10[%swap3A_606, %swap3A_607] {strides = array<i32>} : memref<4x128xi32, #tpu.memory_space<vmem>>, vector<16xi32>,
    tpu.vector_store %arg10[%swap3A_606, %swap3A_607], %add3A_604 {strides = array<i32>} : memref<4x128xi32, #tpu.memory_space<vmem>>, vector<16xi32>,
    %get3A_609 = arith.constant 2 : i32
    %get3A_610 = arith.index_cast %get3A_609 : i32 to index
    %get3A_611 = arith.constant 16 : index
    %get3A_612 = tpu.vector_load %arg7[%get3A_610, %get3A_611] {strides = array<i32>} : memref<4x128xi32, #tpu.memory_space<vmem>>, vector<16xi32>,
    %shift_right_logical3A_613 = arith.constant 15 : i32
    %shift_right_logical3A_614 = vector.broadcast %shift_right_logical3A_613 : i32 to vector<16xi32>
    %shift_right_logical3A_615 = arith.shrui %get3A_612, %shift_right_logical3A_614 : vector<16xi32>
    %mul3A_616 = arith.constant 16384 : i32
    %mul3A_617 = vector.broadcast %mul3A_616 : i32 to vector<16xi32>
    %mul3A_618 = arith.muli %shift_right_logical3A_615, %mul3A_617 : vector<16xi32>
    %and3A_619 = arith.constant 16383 : i32
    %and3A_620 = vector.broadcast %and3A_619 : i32 to vector<16xi32>
    %and3A_621 = arith.andi %get3A_612, %and3A_620 : vector<16xi32>
    %add3A_622 = arith.addi %mul3A_618, %and3A_621 : vector<16xi32>
    %swap3A_623 = arith.constant 2 : i32
    %swap3A_624 = arith.index_cast %swap3A_623 : i32 to index
    %swap3A_625 = arith.constant 16 : index
    %swap3A_626 = tpu.vector_load %arg9[%swap3A_624, %swap3A_625] {strides = array<i32>} : memref<4x128xi32, #tpu.memory_space<vmem>>, vector<16xi32>,
    tpu.vector_store %arg9[%swap3A_624, %swap3A_625], %add3A_622 {strides = array<i32>} : memref<4x128xi32, #tpu.memory_space<vmem>>, vector<16xi32>,
    %get3A_627 = arith.constant 2 : i32
    %get3A_628 = arith.index_cast %get3A_627 : i32 to index
    %get3A_629 = arith.constant 16 : index
    %get3A_630 = tpu.vector_load %arg8[%get3A_628, %get3A_629] {strides = array<i32>} : memref<4x128xi32, #tpu.memory_space<vmem>>, vector<16xi32>,
    %shift_right_logical3A_631 = arith.constant 15 : i32
    %shift_right_logical3A_632 = vector.broadcast %shift_right_logical3A_631 : i32 to vector<16xi32>
    %shift_right_logical3A_633 = arith.shrui %get3A_630, %shift_right_logical3A_632 : vector<16xi32>
    %mul3A_634 = arith.constant 16384 : i32
    %mul3A_635 = vector.broadcast %mul3A_634 : i32 to vector<16xi32>
    %mul3A_636 = arith.muli %shift_right_logical3A_633, %mul3A_635 : vector<16xi32>
    %and3A_637 = arith.constant 16383 : i32
    %and3A_638 = vector.broadcast %and3A_637 : i32 to vector<16xi32>
    %and3A_639 = arith.andi %get3A_630, %and3A_638 : vector<16xi32>
    %add3A_640 = arith.addi %mul3A_636, %and3A_639 : vector<16xi32>
    %swap3A_641 = arith.constant 2 : i32
    %swap3A_642 = arith.index_cast %swap3A_641 : i32 to index
    %swap3A_643 = arith.constant 16 : index
    %swap3A_644 = tpu.vector_load %arg10[%swap3A_642, %swap3A_643] {strides = array<i32>} : memref<4x128xi32, #tpu.memory_space<vmem>>, vector<16xi32>,
    tpu.vector_store %arg10[%swap3A_642, %swap3A_643], %add3A_640 {strides = array<i32>} : memref<4x128xi32, #tpu.memory_space<vmem>>, vector<16xi32>,
    %get3A_645 = arith.constant 2 : i32
    %get3A_646 = arith.index_cast %get3A_645 : i32 to index
    %get3A_647 = arith.constant 32 : index
    %get3A_648 = tpu.vector_load %arg7[%get3A_646, %get3A_647] {strides = array<i32>} : memref<4x128xi32, #tpu.memory_space<vmem>>, vector<16xi32>,
    %shift_right_logical3A_649 = arith.constant 15 : i32
    %shift_right_logical3A_650 = vector.broadcast %shift_right_logical3A_649 : i32 to vector<16xi32>
    %shift_right_logical3A_651 = arith.shrui %get3A_648, %shift_right_logical3A_650 : vector<16xi32>
    %mul3A_652 = arith.constant 16384 : i32
    %mul3A_653 = vector.broadcast %mul3A_652 : i32 to vector<16xi32>
    %mul3A_654 = arith.muli %shift_right_logical3A_651, %mul3A_653 : vector<16xi32>
    %and3A_655 = arith.constant 16383 : i32
    %and3A_656 = vector.broadcast %and3A_655 : i32 to vector<16xi32>
    %and3A_657 = arith.andi %get3A_648, %and3A_656 : vector<16xi32>
    %add3A_658 = arith.addi %mul3A_654, %and3A_657 : vector<16xi32>
    %swap3A_659 = arith.constant 2 : i32
    %swap3A_660 = arith.index_cast %swap3A_659 : i32 to index
    %swap3A_661 = arith.constant 32 : index
    %swap3A_662 = tpu.vector_load %arg9[%swap3A_660, %swap3A_661] {strides = array<i32>} : memref<4x128xi32, #tpu.memory_space<vmem>>, vector<16xi32>,
    tpu.vector_store %arg9[%swap3A_660, %swap3A_661], %add3A_658 {strides = array<i32>} : memref<4x128xi32, #tpu.memory_space<vmem>>, vector<16xi32>,
    %get3A_663 = arith.constant 2 : i32
    %get3A_664 = arith.index_cast %get3A_663 : i32 to index
    %get3A_665 = arith.constant 32 : index
    %get3A_666 = tpu.vector_load %arg8[%get3A_664, %get3A_665] {strides = array<i32>} : memref<4x128xi32, #tpu.memory_space<vmem>>, vector<16xi32>,
    %shift_right_logical3A_667 = arith.constant 15 : i32
    %shift_right_logical3A_668 = vector.broadcast %shift_right_logical3A_667 : i32 to vector<16xi32>
    %shift_right_logical3A_669 = arith.shrui %get3A_666, %shift_right_logical3A_668 : vector<16xi32>
    %mul3A_670 = arith.constant 16384 : i32
    %mul3A_671 = vector.broadcast %mul3A_670 : i32 to vector<16xi32>
    %mul3A_672 = arith.muli %shift_right_logical3A_669, %mul3A_671 : vector<16xi32>
    %and3A_673 = arith.constant 16383 : i32
    %and3A_674 = vector.broadcast %and3A_673 : i32 to vector<16xi32>
    %and3A_675 = arith.andi %get3A_666, %and3A_674 : vector<16xi32>
    %add3A_676 = arith.addi %mul3A_672, %and3A_675 : vector<16xi32>
    %swap3A_677 = arith.constant 2 : i32
    %swap3A_678 = arith.index_cast %swap3A_677 : i32 to index
    %swap3A_679 = arith.constant 32 : index
    %swap3A_680 = tpu.vector_load %arg10[%swap3A_678, %swap3A_679] {strides = array<i32>} : memref<4x128xi32, #tpu.memory_space<vmem>>, vector<16xi32>,
    tpu.vector_store %arg10[%swap3A_678, %swap3A_679], %add3A_676 {strides = array<i32>} : memref<4x128xi32, #tpu.memory_space<vmem>>, vector<16xi32>,
    %get3A_681 = arith.constant 2 : i32
    %get3A_682 = arith.index_cast %get3A_681 : i32 to index
    %get3A_683 = arith.constant 48 : index
    %get3A_684 = tpu.vector_load %arg7[%get3A_682, %get3A_683] {strides = array<i32>} : memref<4x128xi32, #tpu.memory_space<vmem>>, vector<16xi32>,
    %shift_right_logical3A_685 = arith.constant 15 : i32
    %shift_right_logical3A_686 = vector.broadcast %shift_right_logical3A_685 : i32 to vector<16xi32>
    %shift_right_logical3A_687 = arith.shrui %get3A_684, %shift_right_logical3A_686 : vector<16xi32>
    %mul3A_688 = arith.constant 16384 : i32
    %mul3A_689 = vector.broadcast %mul3A_688 : i32 to vector<16xi32>
    %mul3A_690 = arith.muli %shift_right_logical3A_687, %mul3A_689 : vector<16xi32>
    %and3A_691 = arith.constant 16383 : i32
    %and3A_692 = vector.broadcast %and3A_691 : i32 to vector<16xi32>
    %and3A_693 = arith.andi %get3A_684, %and3A_692 : vector<16xi32>
    %add3A_694 = arith.addi %mul3A_690, %and3A_693 : vector<16xi32>
    %swap3A_695 = arith.constant 2 : i32
    %swap3A_696 = arith.index_cast %swap3A_695 : i32 to index
    %swap3A_697 = arith.constant 48 : index
    %swap3A_698 = tpu.vector_load %arg9[%swap3A_696, %swap3A_697] {strides = array<i32>} : memref<4x128xi32, #tpu.memory_space<vmem>>, vector<16xi32>,
    tpu.vector_store %arg9[%swap3A_696, %swap3A_697], %add3A_694 {strides = array<i32>} : memref<4x128xi32, #tpu.memory_space<vmem>>, vector<16xi32>,
    %get3A_699 = arith.constant 2 : i32
    %get3A_700 = arith.index_cast %get3A_699 : i32 to index
    %get3A_701 = arith.constant 48 : index
    %get3A_702 = tpu.vector_load %arg8[%get3A_700, %get3A_701] {strides = array<i32>} : memref<4x128xi32, #tpu.memory_space<vmem>>, vector<16xi32>,
    %shift_right_logical3A_703 = arith.constant 15 : i32
    %shift_right_logical3A_704 = vector.broadcast %shift_right_logical3A_703 : i32 to vector<16xi32>
    %shift_right_logical3A_705 = arith.shrui %get3A_702, %shift_right_logical3A_704 : vector<16xi32>
    %mul3A_706 = arith.constant 16384 : i32
    %mul3A_707 = vector.broadcast %mul3A_706 : i32 to vector<16xi32>
    %mul3A_708 = arith.muli %shift_right_logical3A_705, %mul3A_707 : vector<16xi32>
    %and3A_709 = arith.constant 16383 : i32
    %and3A_710 = vector.broadcast %and3A_709 : i32 to vector<16xi32>
    %and3A_711 = arith.andi %get3A_702, %and3A_710 : vector<16xi32>
    %add3A_712 = arith.addi %mul3A_708, %and3A_711 : vector<16xi32>
    %swap3A_713 = arith.constant 2 : i32
    %swap3A_714 = arith.index_cast %swap3A_713 : i32 to index
    %swap3A_715 = arith.constant 48 : index
    %swap3A_716 = tpu.vector_load %arg10[%swap3A_714, %swap3A_715] {strides = array<i32>} : memref<4x128xi32, #tpu.memory_space<vmem>>, vector<16xi32>,
    tpu.vector_store %arg10[%swap3A_714, %swap3A_715], %add3A_712 {strides = array<i32>} : memref<4x128xi32, #tpu.memory_space<vmem>>, vector<16xi32>,
    %get3A_717 = arith.constant 2 : i32
    %get3A_718 = arith.index_cast %get3A_717 : i32 to index
    %get3A_719 = arith.constant 64 : index
    %get3A_720 = tpu.vector_load %arg7[%get3A_718, %get3A_719] {strides = array<i32>} : memref<4x128xi32, #tpu.memory_space<vmem>>, vector<16xi32>,
    %shift_right_logical3A_721 = arith.constant 15 : i32
    %shift_right_logical3A_722 = vector.broadcast %shift_right_logical3A_721 : i32 to vector<16xi32>
    %shift_right_logical3A_723 = arith.shrui %get3A_720, %shift_right_logical3A_722 : vector<16xi32>
    %mul3A_724 = arith.constant 16384 : i32
    %mul3A_725 = vector.broadcast %mul3A_724 : i32 to vector<16xi32>
    %mul3A_726 = arith.muli %shift_right_logical3A_723, %mul3A_725 : vector<16xi32>
    %and3A_727 = arith.constant 16383 : i32
    %and3A_728 = vector.broadcast %and3A_727 : i32 to vector<16xi32>
    %and3A_729 = arith.andi %get3A_720, %and3A_728 : vector<16xi32>
    %add3A_730 = arith.addi %mul3A_726, %and3A_729 : vector<16xi32>
    %swap3A_731 = arith.constant 2 : i32
    %swap3A_732 = arith.index_cast %swap3A_731 : i32 to index
    %swap3A_733 = arith.constant 64 : index
    %swap3A_734 = tpu.vector_load %arg9[%swap3A_732, %swap3A_733] {strides = array<i32>} : memref<4x128xi32, #tpu.memory_space<vmem>>, vector<16xi32>,
    tpu.vector_store %arg9[%swap3A_732, %swap3A_733], %add3A_730 {strides = array<i32>} : memref<4x128xi32, #tpu.memory_space<vmem>>, vector<16xi32>,
    %get3A_735 = arith.constant 2 : i32
    %get3A_736 = arith.index_cast %get3A_735 : i32 to index
    %get3A_737 = arith.constant 64 : index
    %get3A_738 = tpu.vector_load %arg8[%get3A_736, %get3A_737] {strides = array<i32>} : memref<4x128xi32, #tpu.memory_space<vmem>>, vector<16xi32>,
    %shift_right_logical3A_739 = arith.constant 15 : i32
    %shift_right_logical3A_740 = vector.broadcast %shift_right_logical3A_739 : i32 to vector<16xi32>
    %shift_right_logical3A_741 = arith.shrui %get3A_738, %shift_right_logical3A_740 : vector<16xi32>
    %mul3A_742 = arith.constant 16384 : i32
    %mul3A_743 = vector.broadcast %mul3A_742 : i32 to vector<16xi32>
    %mul3A_744 = arith.muli %shift_right_logical3A_741, %mul3A_743 : vector<16xi32>
    %and3A_745 = arith.constant 16383 : i32
    %and3A_746 = vector.broadcast %and3A_745 : i32 to vector<16xi32>
    %and3A_747 = arith.andi %get3A_738, %and3A_746 : vector<16xi32>
    %add3A_748 = arith.addi %mul3A_744, %and3A_747 : vector<16xi32>
    %swap3A_749 = arith.constant 2 : i32
    %swap3A_750 = arith.index_cast %swap3A_749 : i32 to index
    %swap3A_751 = arith.constant 64 : index
    %swap3A_752 = tpu.vector_load %arg10[%swap3A_750, %swap3A_751] {strides = array<i32>} : memref<4x128xi32, #tpu.memory_space<vmem>>, vector<16xi32>,
    tpu.vector_store %arg10[%swap3A_750, %swap3A_751], %add3A_748 {strides = array<i32>} : memref<4x128xi32, #tpu.memory_space<vmem>>, vector<16xi32>,
    %get3A_753 = arith.constant 2 : i32
    %get3A_754 = arith.index_cast %get3A_753 : i32 to index
    %get3A_755 = arith.constant 80 : index
    %get3A_756 = tpu.vector_load %arg7[%get3A_754, %get3A_755] {strides = array<i32>} : memref<4x128xi32, #tpu.memory_space<vmem>>, vector<16xi32>,
    %shift_right_logical3A_757 = arith.constant 15 : i32
    %shift_right_logical3A_758 = vector.broadcast %shift_right_logical3A_757 : i32 to vector<16xi32>
    %shift_right_logical3A_759 = arith.shrui %get3A_756, %shift_right_logical3A_758 : vector<16xi32>
    %mul3A_760 = arith.constant 16384 : i32
    %mul3A_761 = vector.broadcast %mul3A_760 : i32 to vector<16xi32>
    %mul3A_762 = arith.muli %shift_right_logical3A_759, %mul3A_761 : vector<16xi32>
    %and3A_763 = arith.constant 16383 : i32
    %and3A_764 = vector.broadcast %and3A_763 : i32 to vector<16xi32>
    %and3A_765 = arith.andi %get3A_756, %and3A_764 : vector<16xi32>
    %add3A_766 = arith.addi %mul3A_762, %and3A_765 : vector<16xi32>
    %swap3A_767 = arith.constant 2 : i32
    %swap3A_768 = arith.index_cast %swap3A_767 : i32 to index
    %swap3A_769 = arith.constant 80 : index
    %swap3A_770 = tpu.vector_load %arg9[%swap3A_768, %swap3A_769] {strides = array<i32>} : memref<4x128xi32, #tpu.memory_space<vmem>>, vector<16xi32>,
    tpu.vector_store %arg9[%swap3A_768, %swap3A_769], %add3A_766 {strides = array<i32>} : memref<4x128xi32, #tpu.memory_space<vmem>>, vector<16xi32>,
    %get3A_771 = arith.constant 2 : i32
    %get3A_772 = arith.index_cast %get3A_771 : i32 to index
    %get3A_773 = arith.constant 80 : index
    %get3A_774 = tpu.vector_load %arg8[%get3A_772, %get3A_773] {strides = array<i32>} : memref<4x128xi32, #tpu.memory_space<vmem>>, vector<16xi32>,
    %shift_right_logical3A_775 = arith.constant 15 : i32
    %shift_right_logical3A_776 = vector.broadcast %shift_right_logical3A_775 : i32 to vector<16xi32>
    %shift_right_logical3A_777 = arith.shrui %get3A_774, %shift_right_logical3A_776 : vector<16xi32>
    %mul3A_778 = arith.constant 16384 : i32
    %mul3A_779 = vector.broadcast %mul3A_778 : i32 to vector<16xi32>
    %mul3A_780 = arith.muli %shift_right_logical3A_777, %mul3A_779 : vector<16xi32>
    %and3A_781 = arith.constant 16383 : i32
    %and3A_782 = vector.broadcast %and3A_781 : i32 to vector<16xi32>
    %and3A_783 = arith.andi %get3A_774, %and3A_782 : vector<16xi32>
    %add3A_784 = arith.addi %mul3A_780, %and3A_783 : vector<16xi32>
    %swap3A_785 = arith.constant 2 : i32
    %swap3A_786 = arith.index_cast %swap3A_785 : i32 to index
    %swap3A_787 = arith.constant 80 : index
    %swap3A_788 = tpu.vector_load %arg10[%swap3A_786, %swap3A_787] {strides = array<i32>} : memref<4x128xi32, #tpu.memory_space<vmem>>, vector<16xi32>,
    tpu.vector_store %arg10[%swap3A_786, %swap3A_787], %add3A_784 {strides = array<i32>} : memref<4x128xi32, #tpu.memory_space<vmem>>, vector<16xi32>,
    %get3A_789 = arith.constant 2 : i32
    %get3A_790 = arith.index_cast %get3A_789 : i32 to index
    %get3A_791 = arith.constant 96 : index
    %get3A_792 = tpu.vector_load %arg7[%get3A_790, %get3A_791] {strides = array<i32>} : memref<4x128xi32, #tpu.memory_space<vmem>>, vector<16xi32>,
    %shift_right_logical3A_793 = arith.constant 15 : i32
    %shift_right_logical3A_794 = vector.broadcast %shift_right_logical3A_793 : i32 to vector<16xi32>
    %shift_right_logical3A_795 = arith.shrui %get3A_792, %shift_right_logical3A_794 : vector<16xi32>
    %mul3A_796 = arith.constant 16384 : i32
    %mul3A_797 = vector.broadcast %mul3A_796 : i32 to vector<16xi32>
    %mul3A_798 = arith.muli %shift_right_logical3A_795, %mul3A_797 : vector<16xi32>
    %and3A_799 = arith.constant 16383 : i32
    %and3A_800 = vector.broadcast %and3A_799 : i32 to vector<16xi32>
    %and3A_801 = arith.andi %get3A_792, %and3A_800 : vector<16xi32>
    %add3A_802 = arith.addi %mul3A_798, %and3A_801 : vector<16xi32>
    %swap3A_803 = arith.constant 2 : i32
    %swap3A_804 = arith.index_cast %swap3A_803 : i32 to index
    %swap3A_805 = arith.constant 96 : index
    %swap3A_806 = tpu.vector_load %arg9[%swap3A_804, %swap3A_805] {strides = array<i32>} : memref<4x128xi32, #tpu.memory_space<vmem>>, vector<16xi32>,
    tpu.vector_store %arg9[%swap3A_804, %swap3A_805], %add3A_802 {strides = array<i32>} : memref<4x128xi32, #tpu.memory_space<vmem>>, vector<16xi32>,
    %get3A_807 = arith.constant 2 : i32
    %get3A_808 = arith.index_cast %get3A_807 : i32 to index
    %get3A_809 = arith.constant 96 : index
    %get3A_810 = tpu.vector_load %arg8[%get3A_808, %get3A_809] {strides = array<i32>} : memref<4x128xi32, #tpu.memory_space<vmem>>, vector<16xi32>,
    %shift_right_logical3A_811 = arith.constant 15 : i32
    %shift_right_logical3A_812 = vector.broadcast %shift_right_logical3A_811 : i32 to vector<16xi32>
    %shift_right_logical3A_813 = arith.shrui %get3A_810, %shift_right_logical3A_812 : vector<16xi32>
    %mul3A_814 = arith.constant 16384 : i32
    %mul3A_815 = vector.broadcast %mul3A_814 : i32 to vector<16xi32>
    %mul3A_816 = arith.muli %shift_right_logical3A_813, %mul3A_815 : vector<16xi32>
    %and3A_817 = arith.constant 16383 : i32
    %and3A_818 = vector.broadcast %and3A_817 : i32 to vector<16xi32>
    %and3A_819 = arith.andi %get3A_810, %and3A_818 : vector<16xi32>
    %add3A_820 = arith.addi %mul3A_816, %and3A_819 : vector<16xi32>
    %swap3A_821 = arith.constant 2 : i32
    %swap3A_822 = arith.index_cast %swap3A_821 : i32 to index
    %swap3A_823 = arith.constant 96 : index
    %swap3A_824 = tpu.vector_load %arg10[%swap3A_822, %swap3A_823] {strides = array<i32>} : memref<4x128xi32, #tpu.memory_space<vmem>>, vector<16xi32>,
    tpu.vector_store %arg10[%swap3A_822, %swap3A_823], %add3A_820 {strides = array<i32>} : memref<4x128xi32, #tpu.memory_space<vmem>>, vector<16xi32>,
    %get3A_825 = arith.constant 2 : i32
    %get3A_826 = arith.index_cast %get3A_825 : i32 to index
    %get3A_827 = arith.constant 112 : index
    %get3A_828 = tpu.vector_load %arg7[%get3A_826, %get3A_827] {strides = array<i32>} : memref<4x128xi32, #tpu.memory_space<vmem>>, vector<16xi32>,
    %shift_right_logical3A_829 = arith.constant 15 : i32
    %shift_right_logical3A_830 = vector.broadcast %shift_right_logical3A_829 : i32 to vector<16xi32>
    %shift_right_logical3A_831 = arith.shrui %get3A_828, %shift_right_logical3A_830 : vector<16xi32>
    %mul3A_832 = arith.constant 16384 : i32
    %mul3A_833 = vector.broadcast %mul3A_832 : i32 to vector<16xi32>
    %mul3A_834 = arith.muli %shift_right_logical3A_831, %mul3A_833 : vector<16xi32>
    %and3A_835 = arith.constant 16383 : i32
    %and3A_836 = vector.broadcast %and3A_835 : i32 to vector<16xi32>
    %and3A_837 = arith.andi %get3A_828, %and3A_836 : vector<16xi32>
    %add3A_838 = arith.addi %mul3A_834, %and3A_837 : vector<16xi32>
    %swap3A_839 = arith.constant 2 : i32
    %swap3A_840 = arith.index_cast %swap3A_839 : i32 to index
    %swap3A_841 = arith.constant 112 : index
    %swap3A_842 = tpu.vector_load %arg9[%swap3A_840, %swap3A_841] {strides = array<i32>} : memref<4x128xi32, #tpu.memory_space<vmem>>, vector<16xi32>,
    tpu.vector_store %arg9[%swap3A_840, %swap3A_841], %add3A_838 {strides = array<i32>} : memref<4x128xi32, #tpu.memory_space<vmem>>, vector<16xi32>,
    %get3A_843 = arith.constant 2 : i32
    %get3A_844 = arith.index_cast %get3A_843 : i32 to index
    %get3A_845 = arith.constant 112 : index
    %get3A_846 = tpu.vector_load %arg8[%get3A_844, %get3A_845] {strides = array<i32>} : memref<4x128xi32, #tpu.memory_space<vmem>>, vector<16xi32>,
    %shift_right_logical3A_847 = arith.constant 15 : i32
    %shift_right_logical3A_848 = vector.broadcast %shift_right_logical3A_847 : i32 to vector<16xi32>
    %shift_right_logical3A_849 = arith.shrui %get3A_846, %shift_right_logical3A_848 : vector<16xi32>
    %mul3A_850 = arith.constant 16384 : i32
    %mul3A_851 = vector.broadcast %mul3A_850 : i32 to vector<16xi32>
    %mul3A_852 = arith.muli %shift_right_logical3A_849, %mul3A_851 : vector<16xi32>
    %and3A_853 = arith.constant 16383 : i32
    %and3A_854 = vector.broadcast %and3A_853 : i32 to vector<16xi32>
    %and3A_855 = arith.andi %get3A_846, %and3A_854 : vector<16xi32>
    %add3A_856 = arith.addi %mul3A_852, %and3A_855 : vector<16xi32>
    %swap3A_857 = arith.constant 2 : i32
    %swap3A_858 = arith.index_cast %swap3A_857 : i32 to index
    %swap3A_859 = arith.constant 112 : index
    %swap3A_860 = tpu.vector_load %arg10[%swap3A_858, %swap3A_859] {strides = array<i32>} : memref<4x128xi32, #tpu.memory_space<vmem>>, vector<16xi32>,
    tpu.vector_store %arg10[%swap3A_858, %swap3A_859], %add3A_856 {strides = array<i32>} : memref<4x128xi32, #tpu.memory_space<vmem>>, vector<16xi32>,
    %get3A_861 = arith.constant 3 : i32
    %get3A_862 = arith.index_cast %get3A_861 : i32 to index
    %get3A_863 = arith.constant 0 : index
    %get3A_864 = tpu.vector_load %arg7[%get3A_862, %get3A_863] {strides = array<i32>} : memref<4x128xi32, #tpu.memory_space<vmem>>, vector<16xi32>,
    %shift_right_logical3A_865 = arith.constant 15 : i32
    %shift_right_logical3A_866 = vector.broadcast %shift_right_logical3A_865 : i32 to vector<16xi32>
    %shift_right_logical3A_867 = arith.shrui %get3A_864, %shift_right_logical3A_866 : vector<16xi32>
    %mul3A_868 = arith.constant 16384 : i32
    %mul3A_869 = vector.broadcast %mul3A_868 : i32 to vector<16xi32>
    %mul3A_870 = arith.muli %shift_right_logical3A_867, %mul3A_869 : vector<16xi32>
    %and3A_871 = arith.constant 16383 : i32
    %and3A_872 = vector.broadcast %and3A_871 : i32 to vector<16xi32>
    %and3A_873 = arith.andi %get3A_864, %and3A_872 : vector<16xi32>
    %add3A_874 = arith.addi %mul3A_870, %and3A_873 : vector<16xi32>
    %swap3A_875 = arith.constant 3 : i32
    %swap3A_876 = arith.index_cast %swap3A_875 : i32 to index
    %swap3A_877 = arith.constant 0 : index
    %swap3A_878 = tpu.vector_load %arg9[%swap3A_876, %swap3A_877] {strides = array<i32>} : memref<4x128xi32, #tpu.memory_space<vmem>>, vector<16xi32>,
    tpu.vector_store %arg9[%swap3A_876, %swap3A_877], %add3A_874 {strides = array<i32>} : memref<4x128xi32, #tpu.memory_space<vmem>>, vector<16xi32>,
    %get3A_879 = arith.constant 3 : i32
    %get3A_880 = arith.index_cast %get3A_879 : i32 to index
    %get3A_881 = arith.constant 0 : index
    %get3A_882 = tpu.vector_load %arg8[%get3A_880, %get3A_881] {strides = array<i32>} : memref<4x128xi32, #tpu.memory_space<vmem>>, vector<16xi32>,
    %shift_right_logical3A_883 = arith.constant 15 : i32
    %shift_right_logical3A_884 = vector.broadcast %shift_right_logical3A_883 : i32 to vector<16xi32>
    %shift_right_logical3A_885 = arith.shrui %get3A_882, %shift_right_logical3A_884 : vector<16xi32>
    %mul3A_886 = arith.constant 16384 : i32
    %mul3A_887 = vector.broadcast %mul3A_886 : i32 to vector<16xi32>
    %mul3A_888 = arith.muli %shift_right_logical3A_885, %mul3A_887 : vector<16xi32>
    %and3A_889 = arith.constant 16383 : i32
    %and3A_890 = vector.broadcast %and3A_889 : i32 to vector<16xi32>
    %and3A_891 = arith.andi %get3A_882, %and3A_890 : vector<16xi32>
    %add3A_892 = arith.addi %mul3A_888, %and3A_891 : vector<16xi32>
    %swap3A_893 = arith.constant 3 : i32
    %swap3A_894 = arith.index_cast %swap3A_893 : i32 to index
    %swap3A_895 = arith.constant 0 : index
    %swap3A_896 = tpu.vector_load %arg10[%swap3A_894, %swap3A_895] {strides = array<i32>} : memref<4x128xi32, #tpu.memory_space<vmem>>, vector<16xi32>,
    tpu.vector_store %arg10[%swap3A_894, %swap3A_895], %add3A_892 {strides = array<i32>} : memref<4x128xi32, #tpu.memory_space<vmem>>, vector<16xi32>,
    %get3A_897 = arith.constant 3 : i32
    %get3A_898 = arith.index_cast %get3A_897 : i32 to index
    %get3A_899 = arith.constant 16 : index
    %get3A_900 = tpu.vector_load %arg7[%get3A_898, %get3A_899] {strides = array<i32>} : memref<4x128xi32, #tpu.memory_space<vmem>>, vector<16xi32>,
    %shift_right_logical3A_901 = arith.constant 15 : i32
    %shift_right_logical3A_902 = vector.broadcast %shift_right_logical3A_901 : i32 to vector<16xi32>
    %shift_right_logical3A_903 = arith.shrui %get3A_900, %shift_right_logical3A_902 : vector<16xi32>
    %mul3A_904 = arith.constant 16384 : i32
    %mul3A_905 = vector.broadcast %mul3A_904 : i32 to vector<16xi32>
    %mul3A_906 = arith.muli %shift_right_logical3A_903, %mul3A_905 : vector<16xi32>
    %and3A_907 = arith.constant 16383 : i32
    %and3A_908 = vector.broadcast %and3A_907 : i32 to vector<16xi32>
    %and3A_909 = arith.andi %get3A_900, %and3A_908 : vector<16xi32>
    %add3A_910 = arith.addi %mul3A_906, %and3A_909 : vector<16xi32>
    %swap3A_911 = arith.constant 3 : i32
    %swap3A_912 = arith.index_cast %swap3A_911 : i32 to index
    %swap3A_913 = arith.constant 16 : index
    %swap3A_914 = tpu.vector_load %arg9[%swap3A_912, %swap3A_913] {strides = array<i32>} : memref<4x128xi32, #tpu.memory_space<vmem>>, vector<16xi32>,
    tpu.vector_store %arg9[%swap3A_912, %swap3A_913], %add3A_910 {strides = array<i32>} : memref<4x128xi32, #tpu.memory_space<vmem>>, vector<16xi32>,
    %get3A_915 = arith.constant 3 : i32
    %get3A_916 = arith.index_cast %get3A_915 : i32 to index
    %get3A_917 = arith.constant 16 : index
    %get3A_918 = tpu.vector_load %arg8[%get3A_916, %get3A_917] {strides = array<i32>} : memref<4x128xi32, #tpu.memory_space<vmem>>, vector<16xi32>,
    %shift_right_logical3A_919 = arith.constant 15 : i32
    %shift_right_logical3A_920 = vector.broadcast %shift_right_logical3A_919 : i32 to vector<16xi32>
    %shift_right_logical3A_921 = arith.shrui %get3A_918, %shift_right_logical3A_920 : vector<16xi32>
    %mul3A_922 = arith.constant 16384 : i32
    %mul3A_923 = vector.broadcast %mul3A_922 : i32 to vector<16xi32>
    %mul3A_924 = arith.muli %shift_right_logical3A_921, %mul3A_923 : vector<16xi32>
    %and3A_925 = arith.constant 16383 : i32
    %and3A_926 = vector.broadcast %and3A_925 : i32 to vector<16xi32>
    %and3A_927 = arith.andi %get3A_918, %and3A_926 : vector<16xi32>
    %add3A_928 = arith.addi %mul3A_924, %and3A_927 : vector<16xi32>
    %swap3A_929 = arith.constant 3 : i32
    %swap3A_930 = arith.index_cast %swap3A_929 : i32 to index
    %swap3A_931 = arith.constant 16 : index
    %swap3A_932 = tpu.vector_load %arg10[%swap3A_930, %swap3A_931] {strides = array<i32>} : memref<4x128xi32, #tpu.memory_space<vmem>>, vector<16xi32>,
    tpu.vector_store %arg10[%swap3A_930, %swap3A_931], %add3A_928 {strides = array<i32>} : memref<4x128xi32, #tpu.memory_space<vmem>>, vector<16xi32>,
    %get3A_933 = arith.constant 3 : i32
    %get3A_934 = arith.index_cast %get3A_933 : i32 to index
    %get3A_935 = arith.constant 32 : index
    %get3A_936 = tpu.vector_load %arg7[%get3A_934, %get3A_935] {strides = array<i32>} : memref<4x128xi32, #tpu.memory_space<vmem>>, vector<16xi32>,
    %shift_right_logical3A_937 = arith.constant 15 : i32
    %shift_right_logical3A_938 = vector.broadcast %shift_right_logical3A_937 : i32 to vector<16xi32>
    %shift_right_logical3A_939 = arith.shrui %get3A_936, %shift_right_logical3A_938 : vector<16xi32>
    %mul3A_940 = arith.constant 16384 : i32
    %mul3A_941 = vector.broadcast %mul3A_940 : i32 to vector<16xi32>
    %mul3A_942 = arith.muli %shift_right_logical3A_939, %mul3A_941 : vector<16xi32>
    %and3A_943 = arith.constant 16383 : i32
    %and3A_944 = vector.broadcast %and3A_943 : i32 to vector<16xi32>
    %and3A_945 = arith.andi %get3A_936, %and3A_944 : vector<16xi32>
    %add3A_946 = arith.addi %mul3A_942, %and3A_945 : vector<16xi32>
    %swap3A_947 = arith.constant 3 : i32
    %swap3A_948 = arith.index_cast %swap3A_947 : i32 to index
    %swap3A_949 = arith.constant 32 : index
    %swap3A_950 = tpu.vector_load %arg9[%swap3A_948, %swap3A_949] {strides = array<i32>} : memref<4x128xi32, #tpu.memory_space<vmem>>, vector<16xi32>,
    tpu.vector_store %arg9[%swap3A_948, %swap3A_949], %add3A_946 {strides = array<i32>} : memref<4x128xi32, #tpu.memory_space<vmem>>, vector<16xi32>,
    %get3A_951 = arith.constant 3 : i32
    %get3A_952 = arith.index_cast %get3A_951 : i32 to index
    %get3A_953 = arith.constant 32 : index
    %get3A_954 = tpu.vector_load %arg8[%get3A_952, %get3A_953] {strides = array<i32>} : memref<4x128xi32, #tpu.memory_space<vmem>>, vector<16xi32>,
    %shift_right_logical3A_955 = arith.constant 15 : i32
    %shift_right_logical3A_956 = vector.broadcast %shift_right_logical3A_955 : i32 to vector<16xi32>
    %shift_right_logical3A_957 = arith.shrui %get3A_954, %shift_right_logical3A_956 : vector<16xi32>
    %mul3A_958 = arith.constant 16384 : i32
    %mul3A_959 = vector.broadcast %mul3A_958 : i32 to vector<16xi32>
    %mul3A_960 = arith.muli %shift_right_logical3A_957, %mul3A_959 : vector<16xi32>
    %and3A_961 = arith.constant 16383 : i32
    %and3A_962 = vector.broadcast %and3A_961 : i32 to vector<16xi32>
    %and3A_963 = arith.andi %get3A_954, %and3A_962 : vector<16xi32>
    %add3A_964 = arith.addi %mul3A_960, %and3A_963 : vector<16xi32>
    %swap3A_965 = arith.constant 3 : i32
    %swap3A_966 = arith.index_cast %swap3A_965 : i32 to index
    %swap3A_967 = arith.constant 32 : index
    %swap3A_968 = tpu.vector_load %arg10[%swap3A_966, %swap3A_967] {strides = array<i32>} : memref<4x128xi32, #tpu.memory_space<vmem>>, vector<16xi32>,
    tpu.vector_store %arg10[%swap3A_966, %swap3A_967], %add3A_964 {strides = array<i32>} : memref<4x128xi32, #tpu.memory_space<vmem>>, vector<16xi32>,
    %get3A_969 = arith.constant 3 : i32
    %get3A_970 = arith.index_cast %get3A_969 : i32 to index
    %get3A_971 = arith.constant 48 : index
    %get3A_972 = tpu.vector_load %arg7[%get3A_970, %get3A_971] {strides = array<i32>} : memref<4x128xi32, #tpu.memory_space<vmem>>, vector<16xi32>,
    %shift_right_logical3A_973 = arith.constant 15 : i32
    %shift_right_logical3A_974 = vector.broadcast %shift_right_logical3A_973 : i32 to vector<16xi32>
    %shift_right_logical3A_975 = arith.shrui %get3A_972, %shift_right_logical3A_974 : vector<16xi32>
    %mul3A_976 = arith.constant 16384 : i32
    %mul3A_977 = vector.broadcast %mul3A_976 : i32 to vector<16xi32>
    %mul3A_978 = arith.muli %shift_right_logical3A_975, %mul3A_977 : vector<16xi32>
    %and3A_979 = arith.constant 16383 : i32
    %and3A_980 = vector.broadcast %and3A_979 : i32 to vector<16xi32>
    %and3A_981 = arith.andi %get3A_972, %and3A_980 : vector<16xi32>
    %add3A_982 = arith.addi %mul3A_978, %and3A_981 : vector<16xi32>
    %swap3A_983 = arith.constant 3 : i32
    %swap3A_984 = arith.index_cast %swap3A_983 : i32 to index
    %swap3A_985 = arith.constant 48 : index
    %swap3A_986 = tpu.vector_load %arg9[%swap3A_984, %swap3A_985] {strides = array<i32>} : memref<4x128xi32, #tpu.memory_space<vmem>>, vector<16xi32>,
    tpu.vector_store %arg9[%swap3A_984, %swap3A_985], %add3A_982 {strides = array<i32>} : memref<4x128xi32, #tpu.memory_space<vmem>>, vector<16xi32>,
    %get3A_987 = arith.constant 3 : i32
    %get3A_988 = arith.index_cast %get3A_987 : i32 to index
    %get3A_989 = arith.constant 48 : index
    %get3A_990 = tpu.vector_load %arg8[%get3A_988, %get3A_989] {strides = array<i32>} : memref<4x128xi32, #tpu.memory_space<vmem>>, vector<16xi32>,
    %shift_right_logical3A_991 = arith.constant 15 : i32
    %shift_right_logical3A_992 = vector.broadcast %shift_right_logical3A_991 : i32 to vector<16xi32>
    %shift_right_logical3A_993 = arith.shrui %get3A_990, %shift_right_logical3A_992 : vector<16xi32>
    %mul3A_994 = arith.constant 16384 : i32
    %mul3A_995 = vector.broadcast %mul3A_994 : i32 to vector<16xi32>
    %mul3A_996 = arith.muli %shift_right_logical3A_993, %mul3A_995 : vector<16xi32>
    %and3A_997 = arith.constant 16383 : i32
    %and3A_998 = vector.broadcast %and3A_997 : i32 to vector<16xi32>
    %and3A_999 = arith.andi %get3A_990, %and3A_998 : vector<16xi32>
    %add3A_1000 = arith.addi %mul3A_996, %and3A_999 : vector<16xi32>
    %swap3A_1001 = arith.constant 3 : i32
    %swap3A_1002 = arith.index_cast %swap3A_1001 : i32 to index
    %swap3A_1003 = arith.constant 48 : index
    %swap3A_1004 = tpu.vector_load %arg10[%swap3A_1002, %swap3A_1003] {strides = array<i32>} : memref<4x128xi32, #tpu.memory_space<vmem>>, vector<16xi32>,
    tpu.vector_store %arg10[%swap3A_1002, %swap3A_1003], %add3A_1000 {strides = array<i32>} : memref<4x128xi32, #tpu.memory_space<vmem>>, vector<16xi32>,
    %get3A_1005 = arith.constant 3 : i32
    %get3A_1006 = arith.index_cast %get3A_1005 : i32 to index
    %get3A_1007 = arith.constant 64 : index
    %get3A_1008 = tpu.vector_load %arg7[%get3A_1006, %get3A_1007] {strides = array<i32>} : memref<4x128xi32, #tpu.memory_space<vmem>>, vector<16xi32>,
    %shift_right_logical3A_1009 = arith.constant 15 : i32
    %shift_right_logical3A_1010 = vector.broadcast %shift_right_logical3A_1009 : i32 to vector<16xi32>
    %shift_right_logical3A_1011 = arith.shrui %get3A_1008, %shift_right_logical3A_1010 : vector<16xi32>
    %mul3A_1012 = arith.constant 16384 : i32
    %mul3A_1013 = vector.broadcast %mul3A_1012 : i32 to vector<16xi32>
    %mul3A_1014 = arith.muli %shift_right_logical3A_1011, %mul3A_1013 : vector<16xi32>
    %and3A_1015 = arith.constant 16383 : i32
    %and3A_1016 = vector.broadcast %and3A_1015 : i32 to vector<16xi32>
    %and3A_1017 = arith.andi %get3A_1008, %and3A_1016 : vector<16xi32>
    %add3A_1018 = arith.addi %mul3A_1014, %and3A_1017 : vector<16xi32>
    %swap3A_1019 = arith.constant 3 : i32
    %swap3A_1020 = arith.index_cast %swap3A_1019 : i32 to index
    %swap3A_1021 = arith.constant 64 : index
    %swap3A_1022 = tpu.vector_load %arg9[%swap3A_1020, %swap3A_1021] {strides = array<i32>} : memref<4x128xi32, #tpu.memory_space<vmem>>, vector<16xi32>,
    tpu.vector_store %arg9[%swap3A_1020, %swap3A_1021], %add3A_1018 {strides = array<i32>} : memref<4x128xi32, #tpu.memory_space<vmem>>, vector<16xi32>,
    %get3A_1023 = arith.constant 3 : i32
    %get3A_1024 = arith.index_cast %get3A_1023 : i32 to index
    %get3A_1025 = arith.constant 64 : index
    %get3A_1026 = tpu.vector_load %arg8[%get3A_1024, %get3A_1025] {strides = array<i32>} : memref<4x128xi32, #tpu.memory_space<vmem>>, vector<16xi32>,
    %shift_right_logical3A_1027 = arith.constant 15 : i32
    %shift_right_logical3A_1028 = vector.broadcast %shift_right_logical3A_1027 : i32 to vector<16xi32>
    %shift_right_logical3A_1029 = arith.shrui %get3A_1026, %shift_right_logical3A_1028 : vector<16xi32>
    %mul3A_1030 = arith.constant 16384 : i32
    %mul3A_1031 = vector.broadcast %mul3A_1030 : i32 to vector<16xi32>
    %mul3A_1032 = arith.muli %shift_right_logical3A_1029, %mul3A_1031 : vector<16xi32>
    %and3A_1033 = arith.constant 16383 : i32
    %and3A_1034 = vector.broadcast %and3A_1033 : i32 to vector<16xi32>
    %and3A_1035 = arith.andi %get3A_1026, %and3A_1034 : vector<16xi32>
    %add3A_1036 = arith.addi %mul3A_1032, %and3A_1035 : vector<16xi32>
    %swap3A_1037 = arith.constant 3 : i32
    %swap3A_1038 = arith.index_cast %swap3A_1037 : i32 to index
    %swap3A_1039 = arith.constant 64 : index
    %swap3A_1040 = tpu.vector_load %arg10[%swap3A_1038, %swap3A_1039] {strides = array<i32>} : memref<4x128xi32, #tpu.memory_space<vmem>>, vector<16xi32>,
    tpu.vector_store %arg10[%swap3A_1038, %swap3A_1039], %add3A_1036 {strides = array<i32>} : memref<4x128xi32, #tpu.memory_space<vmem>>, vector<16xi32>,
    %get3A_1041 = arith.constant 3 : i32
    %get3A_1042 = arith.index_cast %get3A_1041 : i32 to index
    %get3A_1043 = arith.constant 80 : index
    %get3A_1044 = tpu.vector_load %arg7[%get3A_1042, %get3A_1043] {strides = array<i32>} : memref<4x128xi32, #tpu.memory_space<vmem>>, vector<16xi32>,
    %shift_right_logical3A_1045 = arith.constant 15 : i32
    %shift_right_logical3A_1046 = vector.broadcast %shift_right_logical3A_1045 : i32 to vector<16xi32>
    %shift_right_logical3A_1047 = arith.shrui %get3A_1044, %shift_right_logical3A_1046 : vector<16xi32>
    %mul3A_1048 = arith.constant 16384 : i32
    %mul3A_1049 = vector.broadcast %mul3A_1048 : i32 to vector<16xi32>
    %mul3A_1050 = arith.muli %shift_right_logical3A_1047, %mul3A_1049 : vector<16xi32>
    %and3A_1051 = arith.constant 16383 : i32
    %and3A_1052 = vector.broadcast %and3A_1051 : i32 to vector<16xi32>
    %and3A_1053 = arith.andi %get3A_1044, %and3A_1052 : vector<16xi32>
    %add3A_1054 = arith.addi %mul3A_1050, %and3A_1053 : vector<16xi32>
    %swap3A_1055 = arith.constant 3 : i32
    %swap3A_1056 = arith.index_cast %swap3A_1055 : i32 to index
    %swap3A_1057 = arith.constant 80 : index
    %swap3A_1058 = tpu.vector_load %arg9[%swap3A_1056, %swap3A_1057] {strides = array<i32>} : memref<4x128xi32, #tpu.memory_space<vmem>>, vector<16xi32>,
    tpu.vector_store %arg9[%swap3A_1056, %swap3A_1057], %add3A_1054 {strides = array<i32>} : memref<4x128xi32, #tpu.memory_space<vmem>>, vector<16xi32>,
    %get3A_1059 = arith.constant 3 : i32
    %get3A_1060 = arith.index_cast %get3A_1059 : i32 to index
    %get3A_1061 = arith.constant 80 : index
    %get3A_1062 = tpu.vector_load %arg8[%get3A_1060, %get3A_1061] {strides = array<i32>} : memref<4x128xi32, #tpu.memory_space<vmem>>, vector<16xi32>,
    %shift_right_logical3A_1063 = arith.constant 15 : i32
    %shift_right_logical3A_1064 = vector.broadcast %shift_right_logical3A_1063 : i32 to vector<16xi32>
    %shift_right_logical3A_1065 = arith.shrui %get3A_1062, %shift_right_logical3A_1064 : vector<16xi32>
    %mul3A_1066 = arith.constant 16384 : i32
    %mul3A_1067 = vector.broadcast %mul3A_1066 : i32 to vector<16xi32>
    %mul3A_1068 = arith.muli %shift_right_logical3A_1065, %mul3A_1067 : vector<16xi32>
    %and3A_1069 = arith.constant 16383 : i32
    %and3A_1070 = vector.broadcast %and3A_1069 : i32 to vector<16xi32>
    %and3A_1071 = arith.andi %get3A_1062, %and3A_1070 : vector<16xi32>
    %add3A_1072 = arith.addi %mul3A_1068, %and3A_1071 : vector<16xi32>
    %swap3A_1073 = arith.constant 3 : i32
    %swap3A_1074 = arith.index_cast %swap3A_1073 : i32 to index
    %swap3A_1075 = arith.constant 80 : index
    %swap3A_1076 = tpu.vector_load %arg10[%swap3A_1074, %swap3A_1075] {strides = array<i32>} : memref<4x128xi32, #tpu.memory_space<vmem>>, vector<16xi32>,
    tpu.vector_store %arg10[%swap3A_1074, %swap3A_1075], %add3A_1072 {strides = array<i32>} : memref<4x128xi32, #tpu.memory_space<vmem>>, vector<16xi32>,
    %get3A_1077 = arith.constant 3 : i32
    %get3A_1078 = arith.index_cast %get3A_1077 : i32 to index
    %get3A_1079 = arith.constant 96 : index
    %get3A_1080 = tpu.vector_load %arg7[%get3A_1078, %get3A_1079] {strides = array<i32>} : memref<4x128xi32, #tpu.memory_space<vmem>>, vector<16xi32>,
    %shift_right_logical3A_1081 = arith.constant 15 : i32
    %shift_right_logical3A_1082 = vector.broadcast %shift_right_logical3A_1081 : i32 to vector<16xi32>
    %shift_right_logical3A_1083 = arith.shrui %get3A_1080, %shift_right_logical3A_1082 : vector<16xi32>
    %mul3A_1084 = arith.constant 16384 : i32
    %mul3A_1085 = vector.broadcast %mul3A_1084 : i32 to vector<16xi32>
    %mul3A_1086 = arith.muli %shift_right_logical3A_1083, %mul3A_1085 : vector<16xi32>
    %and3A_1087 = arith.constant 16383 : i32
    %and3A_1088 = vector.broadcast %and3A_1087 : i32 to vector<16xi32>
    %and3A_1089 = arith.andi %get3A_1080, %and3A_1088 : vector<16xi32>
    %add3A_1090 = arith.addi %mul3A_1086, %and3A_1089 : vector<16xi32>
    %swap3A_1091 = arith.constant 3 : i32
    %swap3A_1092 = arith.index_cast %swap3A_1091 : i32 to index
    %swap3A_1093 = arith.constant 96 : index
    %swap3A_1094 = tpu.vector_load %arg9[%swap3A_1092, %swap3A_1093] {strides = array<i32>} : memref<4x128xi32, #tpu.memory_space<vmem>>, vector<16xi32>,
    tpu.vector_store %arg9[%swap3A_1092, %swap3A_1093], %add3A_1090 {strides = array<i32>} : memref<4x128xi32, #tpu.memory_space<vmem>>, vector<16xi32>,
    %get3A_1095 = arith.constant 3 : i32
    %get3A_1096 = arith.index_cast %get3A_1095 : i32 to index
    %get3A_1097 = arith.constant 96 : index
    %get3A_1098 = tpu.vector_load %arg8[%get3A_1096, %get3A_1097] {strides = array<i32>} : memref<4x128xi32, #tpu.memory_space<vmem>>, vector<16xi32>,
    %shift_right_logical3A_1099 = arith.constant 15 : i32
    %shift_right_logical3A_1100 = vector.broadcast %shift_right_logical3A_1099 : i32 to vector<16xi32>
    %shift_right_logical3A_1101 = arith.shrui %get3A_1098, %shift_right_logical3A_1100 : vector<16xi32>
    %mul3A_1102 = arith.constant 16384 : i32
    %mul3A_1103 = vector.broadcast %mul3A_1102 : i32 to vector<16xi32>
    %mul3A_1104 = arith.muli %shift_right_logical3A_1101, %mul3A_1103 : vector<16xi32>
    %and3A_1105 = arith.constant 16383 : i32
    %and3A_1106 = vector.broadcast %and3A_1105 : i32 to vector<16xi32>
    %and3A_1107 = arith.andi %get3A_1098, %and3A_1106 : vector<16xi32>
    %add3A_1108 = arith.addi %mul3A_1104, %and3A_1107 : vector<16xi32>
    %swap3A_1109 = arith.constant 3 : i32
    %swap3A_1110 = arith.index_cast %swap3A_1109 : i32 to index
    %swap3A_1111 = arith.constant 96 : index
    %swap3A_1112 = tpu.vector_load %arg10[%swap3A_1110, %swap3A_1111] {strides = array<i32>} : memref<4x128xi32, #tpu.memory_space<vmem>>, vector<16xi32>,
    tpu.vector_store %arg10[%swap3A_1110, %swap3A_1111], %add3A_1108 {strides = array<i32>} : memref<4x128xi32, #tpu.memory_space<vmem>>, vector<16xi32>,
    %get3A_1113 = arith.constant 3 : i32
    %get3A_1114 = arith.index_cast %get3A_1113 : i32 to index
    %get3A_1115 = arith.constant 112 : index
    %get3A_1116 = tpu.vector_load %arg7[%get3A_1114, %get3A_1115] {strides = array<i32>} : memref<4x128xi32, #tpu.memory_space<vmem>>, vector<16xi32>,
    %shift_right_logical3A_1117 = arith.constant 15 : i32
    %shift_right_logical3A_1118 = vector.broadcast %shift_right_logical3A_1117 : i32 to vector<16xi32>
    %shift_right_logical3A_1119 = arith.shrui %get3A_1116, %shift_right_logical3A_1118 : vector<16xi32>
    %mul3A_1120 = arith.constant 16384 : i32
    %mul3A_1121 = vector.broadcast %mul3A_1120 : i32 to vector<16xi32>
    %mul3A_1122 = arith.muli %shift_right_logical3A_1119, %mul3A_1121 : vector<16xi32>
    %and3A_1123 = arith.constant 16383 : i32
    %and3A_1124 = vector.broadcast %and3A_1123 : i32 to vector<16xi32>
    %and3A_1125 = arith.andi %get3A_1116, %and3A_1124 : vector<16xi32>
    %add3A_1126 = arith.addi %mul3A_1122, %and3A_1125 : vector<16xi32>
    %swap3A_1127 = arith.constant 3 : i32
    %swap3A_1128 = arith.index_cast %swap3A_1127 : i32 to index
    %swap3A_1129 = arith.constant 112 : index
    %swap3A_1130 = tpu.vector_load %arg9[%swap3A_1128, %swap3A_1129] {strides = array<i32>} : memref<4x128xi32, #tpu.memory_space<vmem>>, vector<16xi32>,
    tpu.vector_store %arg9[%swap3A_1128, %swap3A_1129], %add3A_1126 {strides = array<i32>} : memref<4x128xi32, #tpu.memory_space<vmem>>, vector<16xi32>,
    %get3A_1131 = arith.constant 3 : i32
    %get3A_1132 = arith.index_cast %get3A_1131 : i32 to index
    %get3A_1133 = arith.constant 112 : index
    %get3A_1134 = tpu.vector_load %arg8[%get3A_1132, %get3A_1133] {strides = array<i32>} : memref<4x128xi32, #tpu.memory_space<vmem>>, vector<16xi32>,
    %shift_right_logical3A_1135 = arith.constant 15 : i32
    %shift_right_logical3A_1136 = vector.broadcast %shift_right_logical3A_1135 : i32 to vector<16xi32>
    %shift_right_logical3A_1137 = arith.shrui %get3A_1134, %shift_right_logical3A_1136 : vector<16xi32>
    %mul3A_1138 = arith.constant 16384 : i32
    %mul3A_1139 = vector.broadcast %mul3A_1138 : i32 to vector<16xi32>
    %mul3A_1140 = arith.muli %shift_right_logical3A_1137, %mul3A_1139 : vector<16xi32>
    %and3A_1141 = arith.constant 16383 : i32
    %and3A_1142 = vector.broadcast %and3A_1141 : i32 to vector<16xi32>
    %and3A_1143 = arith.andi %get3A_1134, %and3A_1142 : vector<16xi32>
    %add3A_1144 = arith.addi %mul3A_1140, %and3A_1143 : vector<16xi32>
    %swap3A_1145 = arith.constant 3 : i32
    %swap3A_1146 = arith.index_cast %swap3A_1145 : i32 to index
    %swap3A_1147 = arith.constant 112 : index
    %swap3A_1148 = tpu.vector_load %arg10[%swap3A_1146, %swap3A_1147] {strides = array<i32>} : memref<4x128xi32, #tpu.memory_space<vmem>>, vector<16xi32>,
    tpu.vector_store %arg10[%swap3A_1146, %swap3A_1147], %add3A_1144 {strides = array<i32>} : memref<4x128xi32, #tpu.memory_space<vmem>>, vector<16xi32>,
    %iota3A = tpu.iota {dimensions = array<i32: 0>} : vector<16xi32>
    %dma_start3A = arith.constant 0 : i32
    %dma_start3A_1149 = arith.constant 0 : i32
    %dma_start3A_1150 = arith.constant 0 : i32
    %dma_start3A_1151 = arith.constant 0 : i32
    %dma_start3A_1152 = tpu.memref_slice %arg11[%dma_start3A_1149, %dma_start3A_1150, %dma_start3A_1151] : memref<2x128x128xf32, #tpu.memory_space<vmem>> -> memref<1x128x128xf32, #tpu.memory_space<vmem>>
    %dma_start3A_1153 = tpu.memref_squeeze %dma_start3A_1152 : memref<1x128x128xf32, #tpu.memory_space<vmem>> -> memref<128x128xf32, #tpu.memory_space<vmem>>
    %dma_start3A_1154 = arith.constant 0 : i32
    %dma_start3A_1155 = tpu.memref_slice %arg9[%dma_start3A, %dma_start3A_1154] : memref<4x128xi32, #tpu.memory_space<vmem>> -> memref<1x128xi32, #tpu.memory_space<vmem>>
    %dma_start3A_1156 = tpu.memref_squeeze %dma_start3A_1155 : memref<1x128xi32, #tpu.memory_space<vmem>> -> memref<128xi32, #tpu.memory_space<vmem>>
    %dma_start3A_1157 = arith.constant 0 : i32
    %dma_start3A_1158 = arith.constant 0 : i32
    %dma_start3A_1159 = tpu.memref_slice %arg4[%dma_start3A_1157, %dma_start3A_1158] : memref<507904x128xf32, #tpu.memory_space<hbm>> -> memref<507904x128xf32, #tpu.memory_space<hbm>>
    tpu.enqueue_indirect_dma source(%dma_start3A_1159 : memref<507904x128xf32, #tpu.memory_space<hbm>>) target(%dma_start3A_1153 : memref<128x128xf32, #tpu.memory_space<vmem>>) offsets(%dma_start3A_1156 : memref<128xi32, #tpu.memory_space<vmem>>) semaphore(%arg14 : memref<!tpu.dma_semaphore, #tpu.memory_space<semaphore_mem>>)
    %dma_start3A_1160 = arith.constant 0 : i32
    %dma_start3A_1161 = arith.constant 0 : i32
    %dma_start3A_1162 = arith.constant 0 : i32
    %dma_start3A_1163 = arith.constant 0 : i32
    %dma_start3A_1164 = tpu.memref_slice %arg12[%dma_start3A_1161, %dma_start3A_1162, %dma_start3A_1163] : memref<2x128x128xf32, #tpu.memory_space<vmem>> -> memref<1x128x128xf32, #tpu.memory_space<vmem>>
    %dma_start3A_1165 = tpu.memref_squeeze %dma_start3A_1164 : memref<1x128x128xf32, #tpu.memory_space<vmem>> -> memref<128x128xf32, #tpu.memory_space<vmem>>
    %dma_start3A_1166 = arith.constant 0 : i32
    %dma_start3A_1167 = tpu.memref_slice %arg10[%dma_start3A_1160, %dma_start3A_1166] : memref<4x128xi32, #tpu.memory_space<vmem>> -> memref<1x128xi32, #tpu.memory_space<vmem>>
    %dma_start3A_1168 = tpu.memref_squeeze %dma_start3A_1167 : memref<1x128xi32, #tpu.memory_space<vmem>> -> memref<128xi32, #tpu.memory_space<vmem>>
    %dma_start3A_1169 = arith.constant 0 : i32
    %dma_start3A_1170 = arith.constant 0 : i32
    %dma_start3A_1171 = tpu.memref_slice %arg5[%dma_start3A_1169, %dma_start3A_1170] : memref<507904x128xf32, #tpu.memory_space<hbm>> -> memref<507904x128xf32, #tpu.memory_space<hbm>>
    tpu.enqueue_indirect_dma source(%dma_start3A_1171 : memref<507904x128xf32, #tpu.memory_space<hbm>>) target(%dma_start3A_1165 : memref<128x128xf32, #tpu.memory_space<vmem>>) offsets(%dma_start3A_1168 : memref<128xi32, #tpu.memory_space<vmem>>) semaphore(%arg14 : memref<!tpu.dma_semaphore, #tpu.memory_space<semaphore_mem>>)
    %dma_wait3A = arith.constant 0 : i32
    %dma_wait3A_1172 = arith.constant 0 : i32
    %dma_wait3A_1173 = arith.constant 0 : i32
    %dma_wait3A_1174 = arith.constant 0 : i32
    %dma_wait3A_1175 = tpu.memref_slice %arg11[%dma_wait3A_1172, %dma_wait3A_1173, %dma_wait3A_1174] : memref<2x128x128xf32, #tpu.memory_space<vmem>> -> memref<1x128x128xf32, #tpu.memory_space<vmem>>
    %dma_wait3A_1176 = tpu.memref_squeeze %dma_wait3A_1175 : memref<1x128x128xf32, #tpu.memory_space<vmem>> -> memref<128x128xf32, #tpu.memory_space<vmem>>
    %dma_wait3A_1177 = arith.constant 0 : i32
    %dma_wait3A_1178 = tpu.memref_slice %arg9[%dma_wait3A, %dma_wait3A_1177] : memref<4x128xi32, #tpu.memory_space<vmem>> -> memref<1x128xi32, #tpu.memory_space<vmem>>
    %dma_wait3A_1179 = tpu.memref_squeeze %dma_wait3A_1178 : memref<1x128xi32, #tpu.memory_space<vmem>> -> memref<128xi32, #tpu.memory_space<vmem>>
    %dma_wait3A_1180 = arith.constant 0 : i32
    %dma_wait3A_1181 = arith.constant 0 : i32
    %dma_wait3A_1182 = tpu.memref_slice %arg4[%dma_wait3A_1180, %dma_wait3A_1181] : memref<507904x128xf32, #tpu.memory_space<hbm>> -> memref<507904x128xf32, #tpu.memory_space<hbm>>
    tpu.wait_indirect_dma semaphore(%arg14 : memref<!tpu.dma_semaphore, #tpu.memory_space<semaphore_mem>>) src(%dma_wait3A_1182 : memref<507904x128xf32, #tpu.memory_space<hbm>>) dst(%dma_wait3A_1176 : memref<128x128xf32, #tpu.memory_space<vmem>>)
    %dma_wait3A_1183 = arith.constant 0 : i32
    %dma_wait3A_1184 = arith.constant 0 : i32
    %dma_wait3A_1185 = arith.constant 0 : i32
    %dma_wait3A_1186 = arith.constant 0 : i32
    %dma_wait3A_1187 = tpu.memref_slice %arg12[%dma_wait3A_1184, %dma_wait3A_1185, %dma_wait3A_1186] : memref<2x128x128xf32, #tpu.memory_space<vmem>> -> memref<1x128x128xf32, #tpu.memory_space<vmem>>
    %dma_wait3A_1188 = tpu.memref_squeeze %dma_wait3A_1187 : memref<1x128x128xf32, #tpu.memory_space<vmem>> -> memref<128x128xf32, #tpu.memory_space<vmem>>
    %dma_wait3A_1189 = arith.constant 0 : i32
    %dma_wait3A_1190 = tpu.memref_slice %arg10[%dma_wait3A_1183, %dma_wait3A_1189] : memref<4x128xi32, #tpu.memory_space<vmem>> -> memref<1x128xi32, #tpu.memory_space<vmem>>
    %dma_wait3A_1191 = tpu.memref_squeeze %dma_wait3A_1190 : memref<1x128xi32, #tpu.memory_space<vmem>> -> memref<128xi32, #tpu.memory_space<vmem>>
    %dma_wait3A_1192 = arith.constant 0 : i32
    %dma_wait3A_1193 = arith.constant 0 : i32
    %dma_wait3A_1194 = tpu.memref_slice %arg5[%dma_wait3A_1192, %dma_wait3A_1193] : memref<507904x128xf32, #tpu.memory_space<hbm>> -> memref<507904x128xf32, #tpu.memory_space<hbm>>
    tpu.wait_indirect_dma semaphore(%arg14 : memref<!tpu.dma_semaphore, #tpu.memory_space<semaphore_mem>>) src(%dma_wait3A_1194 : memref<507904x128xf32, #tpu.memory_space<hbm>>) dst(%dma_wait3A_1188 : memref<128x128xf32, #tpu.memory_space<vmem>>)
    %dma_start3A_1195 = arith.constant 1 : i32
    %dma_start3A_1196 = arith.constant 1 : i32
    %dma_start3A_1197 = arith.constant 0 : i32
    %dma_start3A_1198 = arith.constant 0 : i32
    %dma_start3A_1199 = tpu.memref_slice %arg11[%dma_start3A_1196, %dma_start3A_1197, %dma_start3A_1198] : memref<2x128x128xf32, #tpu.memory_space<vmem>> -> memref<1x128x128xf32, #tpu.memory_space<vmem>>
    %dma_start3A_1200 = tpu.memref_squeeze %dma_start3A_1199 : memref<1x128x128xf32, #tpu.memory_space<vmem>> -> memref<128x128xf32, #tpu.memory_space<vmem>>
    %dma_start3A_1201 = arith.constant 0 : i32
    %dma_start3A_1202 = tpu.memref_slice %arg9[%dma_start3A_1195, %dma_start3A_1201] : memref<4x128xi32, #tpu.memory_space<vmem>> -> memref<1x128xi32, #tpu.memory_space<vmem>>
    %dma_start3A_1203 = tpu.memref_squeeze %dma_start3A_1202 : memref<1x128xi32, #tpu.memory_space<vmem>> -> memref<128xi32, #tpu.memory_space<vmem>>
    %dma_start3A_1204 = arith.constant 0 : i32
    %dma_start3A_1205 = arith.constant 0 : i32
    %dma_start3A_1206 = tpu.memref_slice %arg4[%dma_start3A_1204, %dma_start3A_1205] : memref<507904x128xf32, #tpu.memory_space<hbm>> -> memref<507904x128xf32, #tpu.memory_space<hbm>>
    tpu.enqueue_indirect_dma source(%dma_start3A_1206 : memref<507904x128xf32, #tpu.memory_space<hbm>>) target(%dma_start3A_1200 : memref<128x128xf32, #tpu.memory_space<vmem>>) offsets(%dma_start3A_1203 : memref<128xi32, #tpu.memory_space<vmem>>) semaphore(%arg14 : memref<!tpu.dma_semaphore, #tpu.memory_space<semaphore_mem>>)
    %dma_start3A_1207 = arith.constant 1 : i32
    %dma_start3A_1208 = arith.constant 1 : i32
    %dma_start3A_1209 = arith.constant 0 : i32
    %dma_start3A_1210 = arith.constant 0 : i32
    %dma_start3A_1211 = tpu.memref_slice %arg12[%dma_start3A_1208, %dma_start3A_1209, %dma_start3A_1210] : memref<2x128x128xf32, #tpu.memory_space<vmem>> -> memref<1x128x128xf32, #tpu.memory_space<vmem>>
    %dma_start3A_1212 = tpu.memref_squeeze %dma_start3A_1211 : memref<1x128x128xf32, #tpu.memory_space<vmem>> -> memref<128x128xf32, #tpu.memory_space<vmem>>
    %dma_start3A_1213 = arith.constant 0 : i32
    %dma_start3A_1214 = tpu.memref_slice %arg10[%dma_start3A_1207, %dma_start3A_1213] : memref<4x128xi32, #tpu.memory_space<vmem>> -> memref<1x128xi32, #tpu.memory_space<vmem>>
    %dma_start3A_1215 = tpu.memref_squeeze %dma_start3A_1214 : memref<1x128xi32, #tpu.memory_space<vmem>> -> memref<128xi32, #tpu.memory_space<vmem>>
    %dma_start3A_1216 = arith.constant 0 : i32
    %dma_start3A_1217 = arith.constant 0 : i32
    %dma_start3A_1218 = tpu.memref_slice %arg5[%dma_start3A_1216, %dma_start3A_1217] : memref<507904x128xf32, #tpu.memory_space<hbm>> -> memref<507904x128xf32, #tpu.memory_space<hbm>>
    tpu.enqueue_indirect_dma source(%dma_start3A_1218 : memref<507904x128xf32, #tpu.memory_space<hbm>>) target(%dma_start3A_1212 : memref<128x128xf32, #tpu.memory_space<vmem>>) offsets(%dma_start3A_1215 : memref<128xi32, #tpu.memory_space<vmem>>) semaphore(%arg14 : memref<!tpu.dma_semaphore, #tpu.memory_space<semaphore_mem>>)
    %broadcast_in_dim3A = arith.constant 0 : i32
    %broadcast_in_dim3A_1219 = vector.broadcast %broadcast_in_dim3A : i32 to vector<16xi32>
    %get3A_1220 = arith.constant 0 : i32
    %get3A_1221 = arith.index_cast %get3A_1220 : i32 to index
    %get3A_1222 = arith.constant 0 : index
    %get3A_1223 = tpu.vector_load %arg7[%get3A_1221, %get3A_1222] {strides = array<i32>} : memref<4x128xi32, #tpu.memory_space<vmem>>, vector<16xi32>,
    %get3A_1224 = arith.constant 0 : i32
    %get3A_1225 = arith.index_cast %get3A_1224 : i32 to index
    %get3A_1226 = arith.constant 0 : index
    %get3A_1227 = tpu.vector_load %arg8[%get3A_1225, %get3A_1226] {strides = array<i32>} : memref<4x128xi32, #tpu.memory_space<vmem>>, vector<16xi32>,
    %shift_right_logical3A_1228 = arith.constant 14 : i32
    %shift_right_logical3A_1229 = vector.broadcast %shift_right_logical3A_1228 : i32 to vector<16xi32>
    %shift_right_logical3A_1230 = arith.shrui %get3A_1223, %shift_right_logical3A_1229 : vector<16xi32>
    %and3A_1231 = arith.constant 1 : i32
    %and3A_1232 = vector.broadcast %and3A_1231 : i32 to vector<16xi32>
    %and3A_1233 = arith.andi %shift_right_logical3A_1230, %and3A_1232 : vector<16xi32>
    %mul3A_1234 = arith.constant 64 : i32
    %mul3A_1235 = vector.broadcast %mul3A_1234 : i32 to vector<16xi32>
    %mul3A_1236 = arith.muli %and3A_1233, %mul3A_1235 : vector<16xi32>
    %shift_right_logical3A_1237 = arith.constant 14 : i32
    %shift_right_logical3A_1238 = vector.broadcast %shift_right_logical3A_1237 : i32 to vector<16xi32>
    %shift_right_logical3A_1239 = arith.shrui %get3A_1227, %shift_right_logical3A_1238 : vector<16xi32>
    %and3A_1240 = arith.constant 1 : i32
    %and3A_1241 = vector.broadcast %and3A_1240 : i32 to vector<16xi32>
    %and3A_1242 = arith.andi %shift_right_logical3A_1239, %and3A_1241 : vector<16xi32>
    %mul3A_1243 = arith.constant 64 : i32
    %mul3A_1244 = vector.broadcast %mul3A_1243 : i32 to vector<16xi32>
    %mul3A_1245 = arith.muli %and3A_1242, %mul3A_1244 : vector<16xi32>
    %add3A_1246 = arith.constant 0 : i32
    %add3A_1247 = vector.broadcast %add3A_1246 : i32 to vector<16xi32>
    %add3A_1248 = arith.addi %add3A_1247, %iota3A : vector<16xi32>
    %broadcast_in_dim3A_1249 = arith.constant 0.000000e+00 : f32
    %broadcast_in_dim3A_1250 = vector.broadcast %broadcast_in_dim3A_1249 : f32 to vector<16xf32>
    %scan3A = arith.constant 0 : i32
    %scan3A_1251 = arith.constant 64 : i32
    %scan3A_1252 = arith.addi %scan3A, %scan3A_1251 : i32
    %scan3A_1253 = arith.constant 1 : i32
    %scan3A_1254 = scf.for %scan3A_2595 = %scan3A to %scan3A_1252 step %scan3A_1253 iter_args(%scan3A_2596 = %broadcast_in_dim3A_1250) -> (vector<16xf32>)  : i32 {
      %add3A_2597 = vector.broadcast %scan3A_2595 : i32 to vector<16xi32>
      %add3A_2598 = arith.addi %mul3A_1236, %add3A_2597 : vector<16xi32>
      %gather3A = tpu.vector_load_idx %arg11[%broadcast_in_dim3A_1219, %add3A_1248, %add3A_2598] : memref<2x128x128xf32, #tpu.memory_space<vmem>>[vector<16xi32>, vector<16xi32>, vector<16xi32>], vector<16xf32>,
      %add3A_2599 = vector.broadcast %scan3A_2595 : i32 to vector<16xi32>
      %add3A_2600 = arith.addi %mul3A_1245, %add3A_2599 : vector<16xi32>
      %gather3A_2601 = tpu.vector_load_idx %arg12[%broadcast_in_dim3A_1219, %add3A_1248, %add3A_2600] : memref<2x128x128xf32, #tpu.memory_space<vmem>>[vector<16xi32>, vector<16xi32>, vector<16xi32>], vector<16xf32>,
      %mul3A_2602 = arith.mulf %gather3A, %gather3A_2601 : vector<16xf32>
      %add3A_2603 = arith.addf %scan3A_2596, %mul3A_2602 : vector<16xf32>
      scf.yield %add3A_2603 : vector<16xf32>
    }
    %scan3A_1255 = arith.constant 64 : i32
    %swap3A_1256 = arith.constant 0 : index
    %swap3A_1257 = tpu.vector_load %arg13[%swap3A_1256] {strides = array<i32>} : memref<512xf32, #tpu.memory_space<vmem>>, vector<16xf32>,
    tpu.vector_store %arg13[%swap3A_1256], %scan3A_1254 {strides = array<i32>} : memref<512xf32, #tpu.memory_space<vmem>>, vector<16xf32>,
    %get3A_1258 = arith.constant 0 : i32
    %get3A_1259 = arith.index_cast %get3A_1258 : i32 to index
    %get3A_1260 = arith.constant 16 : index
    %get3A_1261 = tpu.vector_load %arg7[%get3A_1259, %get3A_1260] {strides = array<i32>} : memref<4x128xi32, #tpu.memory_space<vmem>>, vector<16xi32>,
    %get3A_1262 = arith.constant 0 : i32
    %get3A_1263 = arith.index_cast %get3A_1262 : i32 to index
    %get3A_1264 = arith.constant 16 : index
    %get3A_1265 = tpu.vector_load %arg8[%get3A_1263, %get3A_1264] {strides = array<i32>} : memref<4x128xi32, #tpu.memory_space<vmem>>, vector<16xi32>,
    %shift_right_logical3A_1266 = arith.constant 14 : i32
    %shift_right_logical3A_1267 = vector.broadcast %shift_right_logical3A_1266 : i32 to vector<16xi32>
    %shift_right_logical3A_1268 = arith.shrui %get3A_1261, %shift_right_logical3A_1267 : vector<16xi32>
    %and3A_1269 = arith.constant 1 : i32
    %and3A_1270 = vector.broadcast %and3A_1269 : i32 to vector<16xi32>
    %and3A_1271 = arith.andi %shift_right_logical3A_1268, %and3A_1270 : vector<16xi32>
    %mul3A_1272 = arith.constant 64 : i32
    %mul3A_1273 = vector.broadcast %mul3A_1272 : i32 to vector<16xi32>
    %mul3A_1274 = arith.muli %and3A_1271, %mul3A_1273 : vector<16xi32>
    %shift_right_logical3A_1275 = arith.constant 14 : i32
    %shift_right_logical3A_1276 = vector.broadcast %shift_right_logical3A_1275 : i32 to vector<16xi32>
    %shift_right_logical3A_1277 = arith.shrui %get3A_1265, %shift_right_logical3A_1276 : vector<16xi32>
    %and3A_1278 = arith.constant 1 : i32
    %and3A_1279 = vector.broadcast %and3A_1278 : i32 to vector<16xi32>
    %and3A_1280 = arith.andi %shift_right_logical3A_1277, %and3A_1279 : vector<16xi32>
    %mul3A_1281 = arith.constant 64 : i32
    %mul3A_1282 = vector.broadcast %mul3A_1281 : i32 to vector<16xi32>
    %mul3A_1283 = arith.muli %and3A_1280, %mul3A_1282 : vector<16xi32>
    %add3A_1284 = arith.constant 16 : i32
    %add3A_1285 = vector.broadcast %add3A_1284 : i32 to vector<16xi32>
    %add3A_1286 = arith.addi %add3A_1285, %iota3A : vector<16xi32>
    %broadcast_in_dim3A_1287 = arith.constant 0.000000e+00 : f32
    %broadcast_in_dim3A_1288 = vector.broadcast %broadcast_in_dim3A_1287 : f32 to vector<16xf32>
    %scan3A_1289 = arith.constant 0 : i32
    %scan3A_1290 = arith.constant 64 : i32
    %scan3A_1291 = arith.addi %scan3A_1289, %scan3A_1290 : i32
    %scan3A_1292 = arith.constant 1 : i32
    %scan3A_1293 = scf.for %scan3A_2595 = %scan3A_1289 to %scan3A_1291 step %scan3A_1292 iter_args(%scan3A_2596 = %broadcast_in_dim3A_1288) -> (vector<16xf32>)  : i32 {
      %add3A_2597 = vector.broadcast %scan3A_2595 : i32 to vector<16xi32>
      %add3A_2598 = arith.addi %mul3A_1274, %add3A_2597 : vector<16xi32>
      %gather3A = tpu.vector_load_idx %arg11[%broadcast_in_dim3A_1219, %add3A_1286, %add3A_2598] : memref<2x128x128xf32, #tpu.memory_space<vmem>>[vector<16xi32>, vector<16xi32>, vector<16xi32>], vector<16xf32>,
      %add3A_2599 = vector.broadcast %scan3A_2595 : i32 to vector<16xi32>
      %add3A_2600 = arith.addi %mul3A_1283, %add3A_2599 : vector<16xi32>
      %gather3A_2601 = tpu.vector_load_idx %arg12[%broadcast_in_dim3A_1219, %add3A_1286, %add3A_2600] : memref<2x128x128xf32, #tpu.memory_space<vmem>>[vector<16xi32>, vector<16xi32>, vector<16xi32>], vector<16xf32>,
      %mul3A_2602 = arith.mulf %gather3A, %gather3A_2601 : vector<16xf32>
      %add3A_2603 = arith.addf %scan3A_2596, %mul3A_2602 : vector<16xf32>
      scf.yield %add3A_2603 : vector<16xf32>
    }
    %scan3A_1294 = arith.constant 64 : i32
    %swap3A_1295 = arith.constant 16 : index
    %swap3A_1296 = tpu.vector_load %arg13[%swap3A_1295] {strides = array<i32>} : memref<512xf32, #tpu.memory_space<vmem>>, vector<16xf32>,
    tpu.vector_store %arg13[%swap3A_1295], %scan3A_1293 {strides = array<i32>} : memref<512xf32, #tpu.memory_space<vmem>>, vector<16xf32>,
    %get3A_1297 = arith.constant 0 : i32
    %get3A_1298 = arith.index_cast %get3A_1297 : i32 to index
    %get3A_1299 = arith.constant 32 : index
    %get3A_1300 = tpu.vector_load %arg7[%get3A_1298, %get3A_1299] {strides = array<i32>} : memref<4x128xi32, #tpu.memory_space<vmem>>, vector<16xi32>,
    %get3A_1301 = arith.constant 0 : i32
    %get3A_1302 = arith.index_cast %get3A_1301 : i32 to index
    %get3A_1303 = arith.constant 32 : index
    %get3A_1304 = tpu.vector_load %arg8[%get3A_1302, %get3A_1303] {strides = array<i32>} : memref<4x128xi32, #tpu.memory_space<vmem>>, vector<16xi32>,
    %shift_right_logical3A_1305 = arith.constant 14 : i32
    %shift_right_logical3A_1306 = vector.broadcast %shift_right_logical3A_1305 : i32 to vector<16xi32>
    %shift_right_logical3A_1307 = arith.shrui %get3A_1300, %shift_right_logical3A_1306 : vector<16xi32>
    %and3A_1308 = arith.constant 1 : i32
    %and3A_1309 = vector.broadcast %and3A_1308 : i32 to vector<16xi32>
    %and3A_1310 = arith.andi %shift_right_logical3A_1307, %and3A_1309 : vector<16xi32>
    %mul3A_1311 = arith.constant 64 : i32
    %mul3A_1312 = vector.broadcast %mul3A_1311 : i32 to vector<16xi32>
    %mul3A_1313 = arith.muli %and3A_1310, %mul3A_1312 : vector<16xi32>
    %shift_right_logical3A_1314 = arith.constant 14 : i32
    %shift_right_logical3A_1315 = vector.broadcast %shift_right_logical3A_1314 : i32 to vector<16xi32>
    %shift_right_logical3A_1316 = arith.shrui %get3A_1304, %shift_right_logical3A_1315 : vector<16xi32>
    %and3A_1317 = arith.constant 1 : i32
    %and3A_1318 = vector.broadcast %and3A_1317 : i32 to vector<16xi32>
    %and3A_1319 = arith.andi %shift_right_logical3A_1316, %and3A_1318 : vector<16xi32>
    %mul3A_1320 = arith.constant 64 : i32
    %mul3A_1321 = vector.broadcast %mul3A_1320 : i32 to vector<16xi32>
    %mul3A_1322 = arith.muli %and3A_1319, %mul3A_1321 : vector<16xi32>
    %add3A_1323 = arith.constant 32 : i32
    %add3A_1324 = vector.broadcast %add3A_1323 : i32 to vector<16xi32>
    %add3A_1325 = arith.addi %add3A_1324, %iota3A : vector<16xi32>
    %broadcast_in_dim3A_1326 = arith.constant 0.000000e+00 : f32
    %broadcast_in_dim3A_1327 = vector.broadcast %broadcast_in_dim3A_1326 : f32 to vector<16xf32>
    %scan3A_1328 = arith.constant 0 : i32
    %scan3A_1329 = arith.constant 64 : i32
    %scan3A_1330 = arith.addi %scan3A_1328, %scan3A_1329 : i32
    %scan3A_1331 = arith.constant 1 : i32
    %scan3A_1332 = scf.for %scan3A_2595 = %scan3A_1328 to %scan3A_1330 step %scan3A_1331 iter_args(%scan3A_2596 = %broadcast_in_dim3A_1327) -> (vector<16xf32>)  : i32 {
      %add3A_2597 = vector.broadcast %scan3A_2595 : i32 to vector<16xi32>
      %add3A_2598 = arith.addi %mul3A_1313, %add3A_2597 : vector<16xi32>
      %gather3A = tpu.vector_load_idx %arg11[%broadcast_in_dim3A_1219, %add3A_1325, %add3A_2598] : memref<2x128x128xf32, #tpu.memory_space<vmem>>[vector<16xi32>, vector<16xi32>, vector<16xi32>], vector<16xf32>,
      %add3A_2599 = vector.broadcast %scan3A_2595 : i32 to vector<16xi32>
      %add3A_2600 = arith.addi %mul3A_1322, %add3A_2599 : vector<16xi32>
      %gather3A_2601 = tpu.vector_load_idx %arg12[%broadcast_in_dim3A_1219, %add3A_1325, %add3A_2600] : memref<2x128x128xf32, #tpu.memory_space<vmem>>[vector<16xi32>, vector<16xi32>, vector<16xi32>], vector<16xf32>,
      %mul3A_2602 = arith.mulf %gather3A, %gather3A_2601 : vector<16xf32>
      %add3A_2603 = arith.addf %scan3A_2596, %mul3A_2602 : vector<16xf32>
      scf.yield %add3A_2603 : vector<16xf32>
    }
    %scan3A_1333 = arith.constant 64 : i32
    %swap3A_1334 = arith.constant 32 : index
    %swap3A_1335 = tpu.vector_load %arg13[%swap3A_1334] {strides = array<i32>} : memref<512xf32, #tpu.memory_space<vmem>>, vector<16xf32>,
    tpu.vector_store %arg13[%swap3A_1334], %scan3A_1332 {strides = array<i32>} : memref<512xf32, #tpu.memory_space<vmem>>, vector<16xf32>,
    %get3A_1336 = arith.constant 0 : i32
    %get3A_1337 = arith.index_cast %get3A_1336 : i32 to index
    %get3A_1338 = arith.constant 48 : index
    %get3A_1339 = tpu.vector_load %arg7[%get3A_1337, %get3A_1338] {strides = array<i32>} : memref<4x128xi32, #tpu.memory_space<vmem>>, vector<16xi32>,
    %get3A_1340 = arith.constant 0 : i32
    %get3A_1341 = arith.index_cast %get3A_1340 : i32 to index
    %get3A_1342 = arith.constant 48 : index
    %get3A_1343 = tpu.vector_load %arg8[%get3A_1341, %get3A_1342] {strides = array<i32>} : memref<4x128xi32, #tpu.memory_space<vmem>>, vector<16xi32>,
    %shift_right_logical3A_1344 = arith.constant 14 : i32
    %shift_right_logical3A_1345 = vector.broadcast %shift_right_logical3A_1344 : i32 to vector<16xi32>
    %shift_right_logical3A_1346 = arith.shrui %get3A_1339, %shift_right_logical3A_1345 : vector<16xi32>
    %and3A_1347 = arith.constant 1 : i32
    %and3A_1348 = vector.broadcast %and3A_1347 : i32 to vector<16xi32>
    %and3A_1349 = arith.andi %shift_right_logical3A_1346, %and3A_1348 : vector<16xi32>
    %mul3A_1350 = arith.constant 64 : i32
    %mul3A_1351 = vector.broadcast %mul3A_1350 : i32 to vector<16xi32>
    %mul3A_1352 = arith.muli %and3A_1349, %mul3A_1351 : vector<16xi32>
    %shift_right_logical3A_1353 = arith.constant 14 : i32
    %shift_right_logical3A_1354 = vector.broadcast %shift_right_logical3A_1353 : i32 to vector<16xi32>
    %shift_right_logical3A_1355 = arith.shrui %get3A_1343, %shift_right_logical3A_1354 : vector<16xi32>
    %and3A_1356 = arith.constant 1 : i32
    %and3A_1357 = vector.broadcast %and3A_1356 : i32 to vector<16xi32>
    %and3A_1358 = arith.andi %shift_right_logical3A_1355, %and3A_1357 : vector<16xi32>
    %mul3A_1359 = arith.constant 64 : i32
    %mul3A_1360 = vector.broadcast %mul3A_1359 : i32 to vector<16xi32>
    %mul3A_1361 = arith.muli %and3A_1358, %mul3A_1360 : vector<16xi32>
    %add3A_1362 = arith.constant 48 : i32
    %add3A_1363 = vector.broadcast %add3A_1362 : i32 to vector<16xi32>
    %add3A_1364 = arith.addi %add3A_1363, %iota3A : vector<16xi32>
    %broadcast_in_dim3A_1365 = arith.constant 0.000000e+00 : f32
    %broadcast_in_dim3A_1366 = vector.broadcast %broadcast_in_dim3A_1365 : f32 to vector<16xf32>
    %scan3A_1367 = arith.constant 0 : i32
    %scan3A_1368 = arith.constant 64 : i32
    %scan3A_1369 = arith.addi %scan3A_1367, %scan3A_1368 : i32
    %scan3A_1370 = arith.constant 1 : i32
    %scan3A_1371 = scf.for %scan3A_2595 = %scan3A_1367 to %scan3A_1369 step %scan3A_1370 iter_args(%scan3A_2596 = %broadcast_in_dim3A_1366) -> (vector<16xf32>)  : i32 {
      %add3A_2597 = vector.broadcast %scan3A_2595 : i32 to vector<16xi32>
      %add3A_2598 = arith.addi %mul3A_1352, %add3A_2597 : vector<16xi32>
      %gather3A = tpu.vector_load_idx %arg11[%broadcast_in_dim3A_1219, %add3A_1364, %add3A_2598] : memref<2x128x128xf32, #tpu.memory_space<vmem>>[vector<16xi32>, vector<16xi32>, vector<16xi32>], vector<16xf32>,
      %add3A_2599 = vector.broadcast %scan3A_2595 : i32 to vector<16xi32>
      %add3A_2600 = arith.addi %mul3A_1361, %add3A_2599 : vector<16xi32>
      %gather3A_2601 = tpu.vector_load_idx %arg12[%broadcast_in_dim3A_1219, %add3A_1364, %add3A_2600] : memref<2x128x128xf32, #tpu.memory_space<vmem>>[vector<16xi32>, vector<16xi32>, vector<16xi32>], vector<16xf32>,
      %mul3A_2602 = arith.mulf %gather3A, %gather3A_2601 : vector<16xf32>
      %add3A_2603 = arith.addf %scan3A_2596, %mul3A_2602 : vector<16xf32>
      scf.yield %add3A_2603 : vector<16xf32>
    }
    %scan3A_1372 = arith.constant 64 : i32
    %swap3A_1373 = arith.constant 48 : index
    %swap3A_1374 = tpu.vector_load %arg13[%swap3A_1373] {strides = array<i32>} : memref<512xf32, #tpu.memory_space<vmem>>, vector<16xf32>,
    tpu.vector_store %arg13[%swap3A_1373], %scan3A_1371 {strides = array<i32>} : memref<512xf32, #tpu.memory_space<vmem>>, vector<16xf32>,
    %get3A_1375 = arith.constant 0 : i32
    %get3A_1376 = arith.index_cast %get3A_1375 : i32 to index
    %get3A_1377 = arith.constant 64 : index
    %get3A_1378 = tpu.vector_load %arg7[%get3A_1376, %get3A_1377] {strides = array<i32>} : memref<4x128xi32, #tpu.memory_space<vmem>>, vector<16xi32>,
    %get3A_1379 = arith.constant 0 : i32
    %get3A_1380 = arith.index_cast %get3A_1379 : i32 to index
    %get3A_1381 = arith.constant 64 : index
    %get3A_1382 = tpu.vector_load %arg8[%get3A_1380, %get3A_1381] {strides = array<i32>} : memref<4x128xi32, #tpu.memory_space<vmem>>, vector<16xi32>,
    %shift_right_logical3A_1383 = arith.constant 14 : i32
    %shift_right_logical3A_1384 = vector.broadcast %shift_right_logical3A_1383 : i32 to vector<16xi32>
    %shift_right_logical3A_1385 = arith.shrui %get3A_1378, %shift_right_logical3A_1384 : vector<16xi32>
    %and3A_1386 = arith.constant 1 : i32
    %and3A_1387 = vector.broadcast %and3A_1386 : i32 to vector<16xi32>
    %and3A_1388 = arith.andi %shift_right_logical3A_1385, %and3A_1387 : vector<16xi32>
    %mul3A_1389 = arith.constant 64 : i32
    %mul3A_1390 = vector.broadcast %mul3A_1389 : i32 to vector<16xi32>
    %mul3A_1391 = arith.muli %and3A_1388, %mul3A_1390 : vector<16xi32>
    %shift_right_logical3A_1392 = arith.constant 14 : i32
    %shift_right_logical3A_1393 = vector.broadcast %shift_right_logical3A_1392 : i32 to vector<16xi32>
    %shift_right_logical3A_1394 = arith.shrui %get3A_1382, %shift_right_logical3A_1393 : vector<16xi32>
    %and3A_1395 = arith.constant 1 : i32
    %and3A_1396 = vector.broadcast %and3A_1395 : i32 to vector<16xi32>
    %and3A_1397 = arith.andi %shift_right_logical3A_1394, %and3A_1396 : vector<16xi32>
    %mul3A_1398 = arith.constant 64 : i32
    %mul3A_1399 = vector.broadcast %mul3A_1398 : i32 to vector<16xi32>
    %mul3A_1400 = arith.muli %and3A_1397, %mul3A_1399 : vector<16xi32>
    %add3A_1401 = arith.constant 64 : i32
    %add3A_1402 = vector.broadcast %add3A_1401 : i32 to vector<16xi32>
    %add3A_1403 = arith.addi %add3A_1402, %iota3A : vector<16xi32>
    %broadcast_in_dim3A_1404 = arith.constant 0.000000e+00 : f32
    %broadcast_in_dim3A_1405 = vector.broadcast %broadcast_in_dim3A_1404 : f32 to vector<16xf32>
    %scan3A_1406 = arith.constant 0 : i32
    %scan3A_1407 = arith.constant 64 : i32
    %scan3A_1408 = arith.addi %scan3A_1406, %scan3A_1407 : i32
    %scan3A_1409 = arith.constant 1 : i32
    %scan3A_1410 = scf.for %scan3A_2595 = %scan3A_1406 to %scan3A_1408 step %scan3A_1409 iter_args(%scan3A_2596 = %broadcast_in_dim3A_1405) -> (vector<16xf32>)  : i32 {
      %add3A_2597 = vector.broadcast %scan3A_2595 : i32 to vector<16xi32>
      %add3A_2598 = arith.addi %mul3A_1391, %add3A_2597 : vector<16xi32>
      %gather3A = tpu.vector_load_idx %arg11[%broadcast_in_dim3A_1219, %add3A_1403, %add3A_2598] : memref<2x128x128xf32, #tpu.memory_space<vmem>>[vector<16xi32>, vector<16xi32>, vector<16xi32>], vector<16xf32>,
      %add3A_2599 = vector.broadcast %scan3A_2595 : i32 to vector<16xi32>
      %add3A_2600 = arith.addi %mul3A_1400, %add3A_2599 : vector<16xi32>
      %gather3A_2601 = tpu.vector_load_idx %arg12[%broadcast_in_dim3A_1219, %add3A_1403, %add3A_2600] : memref<2x128x128xf32, #tpu.memory_space<vmem>>[vector<16xi32>, vector<16xi32>, vector<16xi32>], vector<16xf32>,
      %mul3A_2602 = arith.mulf %gather3A, %gather3A_2601 : vector<16xf32>
      %add3A_2603 = arith.addf %scan3A_2596, %mul3A_2602 : vector<16xf32>
      scf.yield %add3A_2603 : vector<16xf32>
    }
    %scan3A_1411 = arith.constant 64 : i32
    %swap3A_1412 = arith.constant 64 : index
    %swap3A_1413 = tpu.vector_load %arg13[%swap3A_1412] {strides = array<i32>} : memref<512xf32, #tpu.memory_space<vmem>>, vector<16xf32>,
    tpu.vector_store %arg13[%swap3A_1412], %scan3A_1410 {strides = array<i32>} : memref<512xf32, #tpu.memory_space<vmem>>, vector<16xf32>,
    %get3A_1414 = arith.constant 0 : i32
    %get3A_1415 = arith.index_cast %get3A_1414 : i32 to index
    %get3A_1416 = arith.constant 80 : index
    %get3A_1417 = tpu.vector_load %arg7[%get3A_1415, %get3A_1416] {strides = array<i32>} : memref<4x128xi32, #tpu.memory_space<vmem>>, vector<16xi32>,
    %get3A_1418 = arith.constant 0 : i32
    %get3A_1419 = arith.index_cast %get3A_1418 : i32 to index
    %get3A_1420 = arith.constant 80 : index
    %get3A_1421 = tpu.vector_load %arg8[%get3A_1419, %get3A_1420] {strides = array<i32>} : memref<4x128xi32, #tpu.memory_space<vmem>>, vector<16xi32>,
    %shift_right_logical3A_1422 = arith.constant 14 : i32
    %shift_right_logical3A_1423 = vector.broadcast %shift_right_logical3A_1422 : i32 to vector<16xi32>
    %shift_right_logical3A_1424 = arith.shrui %get3A_1417, %shift_right_logical3A_1423 : vector<16xi32>
    %and3A_1425 = arith.constant 1 : i32
    %and3A_1426 = vector.broadcast %and3A_1425 : i32 to vector<16xi32>
    %and3A_1427 = arith.andi %shift_right_logical3A_1424, %and3A_1426 : vector<16xi32>
    %mul3A_1428 = arith.constant 64 : i32
    %mul3A_1429 = vector.broadcast %mul3A_1428 : i32 to vector<16xi32>
    %mul3A_1430 = arith.muli %and3A_1427, %mul3A_1429 : vector<16xi32>
    %shift_right_logical3A_1431 = arith.constant 14 : i32
    %shift_right_logical3A_1432 = vector.broadcast %shift_right_logical3A_1431 : i32 to vector<16xi32>
    %shift_right_logical3A_1433 = arith.shrui %get3A_1421, %shift_right_logical3A_1432 : vector<16xi32>
    %and3A_1434 = arith.constant 1 : i32
    %and3A_1435 = vector.broadcast %and3A_1434 : i32 to vector<16xi32>
    %and3A_1436 = arith.andi %shift_right_logical3A_1433, %and3A_1435 : vector<16xi32>
    %mul3A_1437 = arith.constant 64 : i32
    %mul3A_1438 = vector.broadcast %mul3A_1437 : i32 to vector<16xi32>
    %mul3A_1439 = arith.muli %and3A_1436, %mul3A_1438 : vector<16xi32>
    %add3A_1440 = arith.constant 80 : i32
    %add3A_1441 = vector.broadcast %add3A_1440 : i32 to vector<16xi32>
    %add3A_1442 = arith.addi %add3A_1441, %iota3A : vector<16xi32>
    %broadcast_in_dim3A_1443 = arith.constant 0.000000e+00 : f32
    %broadcast_in_dim3A_1444 = vector.broadcast %broadcast_in_dim3A_1443 : f32 to vector<16xf32>
    %scan3A_1445 = arith.constant 0 : i32
    %scan3A_1446 = arith.constant 64 : i32
    %scan3A_1447 = arith.addi %scan3A_1445, %scan3A_1446 : i32
    %scan3A_1448 = arith.constant 1 : i32
    %scan3A_1449 = scf.for %scan3A_2595 = %scan3A_1445 to %scan3A_1447 step %scan3A_1448 iter_args(%scan3A_2596 = %broadcast_in_dim3A_1444) -> (vector<16xf32>)  : i32 {
      %add3A_2597 = vector.broadcast %scan3A_2595 : i32 to vector<16xi32>
      %add3A_2598 = arith.addi %mul3A_1430, %add3A_2597 : vector<16xi32>
      %gather3A = tpu.vector_load_idx %arg11[%broadcast_in_dim3A_1219, %add3A_1442, %add3A_2598] : memref<2x128x128xf32, #tpu.memory_space<vmem>>[vector<16xi32>, vector<16xi32>, vector<16xi32>], vector<16xf32>,
      %add3A_2599 = vector.broadcast %scan3A_2595 : i32 to vector<16xi32>
      %add3A_2600 = arith.addi %mul3A_1439, %add3A_2599 : vector<16xi32>
      %gather3A_2601 = tpu.vector_load_idx %arg12[%broadcast_in_dim3A_1219, %add3A_1442, %add3A_2600] : memref<2x128x128xf32, #tpu.memory_space<vmem>>[vector<16xi32>, vector<16xi32>, vector<16xi32>], vector<16xf32>,
      %mul3A_2602 = arith.mulf %gather3A, %gather3A_2601 : vector<16xf32>
      %add3A_2603 = arith.addf %scan3A_2596, %mul3A_2602 : vector<16xf32>
      scf.yield %add3A_2603 : vector<16xf32>
    }
    %scan3A_1450 = arith.constant 64 : i32
    %swap3A_1451 = arith.constant 80 : index
    %swap3A_1452 = tpu.vector_load %arg13[%swap3A_1451] {strides = array<i32>} : memref<512xf32, #tpu.memory_space<vmem>>, vector<16xf32>,
    tpu.vector_store %arg13[%swap3A_1451], %scan3A_1449 {strides = array<i32>} : memref<512xf32, #tpu.memory_space<vmem>>, vector<16xf32>,
    %get3A_1453 = arith.constant 0 : i32
    %get3A_1454 = arith.index_cast %get3A_1453 : i32 to index
    %get3A_1455 = arith.constant 96 : index
    %get3A_1456 = tpu.vector_load %arg7[%get3A_1454, %get3A_1455] {strides = array<i32>} : memref<4x128xi32, #tpu.memory_space<vmem>>, vector<16xi32>,
    %get3A_1457 = arith.constant 0 : i32
    %get3A_1458 = arith.index_cast %get3A_1457 : i32 to index
    %get3A_1459 = arith.constant 96 : index
    %get3A_1460 = tpu.vector_load %arg8[%get3A_1458, %get3A_1459] {strides = array<i32>} : memref<4x128xi32, #tpu.memory_space<vmem>>, vector<16xi32>,
    %shift_right_logical3A_1461 = arith.constant 14 : i32
    %shift_right_logical3A_1462 = vector.broadcast %shift_right_logical3A_1461 : i32 to vector<16xi32>
    %shift_right_logical3A_1463 = arith.shrui %get3A_1456, %shift_right_logical3A_1462 : vector<16xi32>
    %and3A_1464 = arith.constant 1 : i32
    %and3A_1465 = vector.broadcast %and3A_1464 : i32 to vector<16xi32>
    %and3A_1466 = arith.andi %shift_right_logical3A_1463, %and3A_1465 : vector<16xi32>
    %mul3A_1467 = arith.constant 64 : i32
    %mul3A_1468 = vector.broadcast %mul3A_1467 : i32 to vector<16xi32>
    %mul3A_1469 = arith.muli %and3A_1466, %mul3A_1468 : vector<16xi32>
    %shift_right_logical3A_1470 = arith.constant 14 : i32
    %shift_right_logical3A_1471 = vector.broadcast %shift_right_logical3A_1470 : i32 to vector<16xi32>
    %shift_right_logical3A_1472 = arith.shrui %get3A_1460, %shift_right_logical3A_1471 : vector<16xi32>
    %and3A_1473 = arith.constant 1 : i32
    %and3A_1474 = vector.broadcast %and3A_1473 : i32 to vector<16xi32>
    %and3A_1475 = arith.andi %shift_right_logical3A_1472, %and3A_1474 : vector<16xi32>
    %mul3A_1476 = arith.constant 64 : i32
    %mul3A_1477 = vector.broadcast %mul3A_1476 : i32 to vector<16xi32>
    %mul3A_1478 = arith.muli %and3A_1475, %mul3A_1477 : vector<16xi32>
    %add3A_1479 = arith.constant 96 : i32
    %add3A_1480 = vector.broadcast %add3A_1479 : i32 to vector<16xi32>
    %add3A_1481 = arith.addi %add3A_1480, %iota3A : vector<16xi32>
    %broadcast_in_dim3A_1482 = arith.constant 0.000000e+00 : f32
    %broadcast_in_dim3A_1483 = vector.broadcast %broadcast_in_dim3A_1482 : f32 to vector<16xf32>
    %scan3A_1484 = arith.constant 0 : i32
    %scan3A_1485 = arith.constant 64 : i32
    %scan3A_1486 = arith.addi %scan3A_1484, %scan3A_1485 : i32
    %scan3A_1487 = arith.constant 1 : i32
    %scan3A_1488 = scf.for %scan3A_2595 = %scan3A_1484 to %scan3A_1486 step %scan3A_1487 iter_args(%scan3A_2596 = %broadcast_in_dim3A_1483) -> (vector<16xf32>)  : i32 {
      %add3A_2597 = vector.broadcast %scan3A_2595 : i32 to vector<16xi32>
      %add3A_2598 = arith.addi %mul3A_1469, %add3A_2597 : vector<16xi32>
      %gather3A = tpu.vector_load_idx %arg11[%broadcast_in_dim3A_1219, %add3A_1481, %add3A_2598] : memref<2x128x128xf32, #tpu.memory_space<vmem>>[vector<16xi32>, vector<16xi32>, vector<16xi32>], vector<16xf32>,
      %add3A_2599 = vector.broadcast %scan3A_2595 : i32 to vector<16xi32>
      %add3A_2600 = arith.addi %mul3A_1478, %add3A_2599 : vector<16xi32>
      %gather3A_2601 = tpu.vector_load_idx %arg12[%broadcast_in_dim3A_1219, %add3A_1481, %add3A_2600] : memref<2x128x128xf32, #tpu.memory_space<vmem>>[vector<16xi32>, vector<16xi32>, vector<16xi32>], vector<16xf32>,
      %mul3A_2602 = arith.mulf %gather3A, %gather3A_2601 : vector<16xf32>
      %add3A_2603 = arith.addf %scan3A_2596, %mul3A_2602 : vector<16xf32>
      scf.yield %add3A_2603 : vector<16xf32>
    }
    %scan3A_1489 = arith.constant 64 : i32
    %swap3A_1490 = arith.constant 96 : index
    %swap3A_1491 = tpu.vector_load %arg13[%swap3A_1490] {strides = array<i32>} : memref<512xf32, #tpu.memory_space<vmem>>, vector<16xf32>,
    tpu.vector_store %arg13[%swap3A_1490], %scan3A_1488 {strides = array<i32>} : memref<512xf32, #tpu.memory_space<vmem>>, vector<16xf32>,
    %get3A_1492 = arith.constant 0 : i32
    %get3A_1493 = arith.index_cast %get3A_1492 : i32 to index
    %get3A_1494 = arith.constant 112 : index
    %get3A_1495 = tpu.vector_load %arg7[%get3A_1493, %get3A_1494] {strides = array<i32>} : memref<4x128xi32, #tpu.memory_space<vmem>>, vector<16xi32>,
    %get3A_1496 = arith.constant 0 : i32
    %get3A_1497 = arith.index_cast %get3A_1496 : i32 to index
    %get3A_1498 = arith.constant 112 : index
    %get3A_1499 = tpu.vector_load %arg8[%get3A_1497, %get3A_1498] {strides = array<i32>} : memref<4x128xi32, #tpu.memory_space<vmem>>, vector<16xi32>,
    %shift_right_logical3A_1500 = arith.constant 14 : i32
    %shift_right_logical3A_1501 = vector.broadcast %shift_right_logical3A_1500 : i32 to vector<16xi32>
    %shift_right_logical3A_1502 = arith.shrui %get3A_1495, %shift_right_logical3A_1501 : vector<16xi32>
    %and3A_1503 = arith.constant 1 : i32
    %and3A_1504 = vector.broadcast %and3A_1503 : i32 to vector<16xi32>
    %and3A_1505 = arith.andi %shift_right_logical3A_1502, %and3A_1504 : vector<16xi32>
    %mul3A_1506 = arith.constant 64 : i32
    %mul3A_1507 = vector.broadcast %mul3A_1506 : i32 to vector<16xi32>
    %mul3A_1508 = arith.muli %and3A_1505, %mul3A_1507 : vector<16xi32>
    %shift_right_logical3A_1509 = arith.constant 14 : i32
    %shift_right_logical3A_1510 = vector.broadcast %shift_right_logical3A_1509 : i32 to vector<16xi32>
    %shift_right_logical3A_1511 = arith.shrui %get3A_1499, %shift_right_logical3A_1510 : vector<16xi32>
    %and3A_1512 = arith.constant 1 : i32
    %and3A_1513 = vector.broadcast %and3A_1512 : i32 to vector<16xi32>
    %and3A_1514 = arith.andi %shift_right_logical3A_1511, %and3A_1513 : vector<16xi32>
    %mul3A_1515 = arith.constant 64 : i32
    %mul3A_1516 = vector.broadcast %mul3A_1515 : i32 to vector<16xi32>
    %mul3A_1517 = arith.muli %and3A_1514, %mul3A_1516 : vector<16xi32>
    %add3A_1518 = arith.constant 112 : i32
    %add3A_1519 = vector.broadcast %add3A_1518 : i32 to vector<16xi32>
    %add3A_1520 = arith.addi %add3A_1519, %iota3A : vector<16xi32>
    %broadcast_in_dim3A_1521 = arith.constant 0.000000e+00 : f32
    %broadcast_in_dim3A_1522 = vector.broadcast %broadcast_in_dim3A_1521 : f32 to vector<16xf32>
    %scan3A_1523 = arith.constant 0 : i32
    %scan3A_1524 = arith.constant 64 : i32
    %scan3A_1525 = arith.addi %scan3A_1523, %scan3A_1524 : i32
    %scan3A_1526 = arith.constant 1 : i32
    %scan3A_1527 = scf.for %scan3A_2595 = %scan3A_1523 to %scan3A_1525 step %scan3A_1526 iter_args(%scan3A_2596 = %broadcast_in_dim3A_1522) -> (vector<16xf32>)  : i32 {
      %add3A_2597 = vector.broadcast %scan3A_2595 : i32 to vector<16xi32>
      %add3A_2598 = arith.addi %mul3A_1508, %add3A_2597 : vector<16xi32>
      %gather3A = tpu.vector_load_idx %arg11[%broadcast_in_dim3A_1219, %add3A_1520, %add3A_2598] : memref<2x128x128xf32, #tpu.memory_space<vmem>>[vector<16xi32>, vector<16xi32>, vector<16xi32>], vector<16xf32>,
      %add3A_2599 = vector.broadcast %scan3A_2595 : i32 to vector<16xi32>
      %add3A_2600 = arith.addi %mul3A_1517, %add3A_2599 : vector<16xi32>
      %gather3A_2601 = tpu.vector_load_idx %arg12[%broadcast_in_dim3A_1219, %add3A_1520, %add3A_2600] : memref<2x128x128xf32, #tpu.memory_space<vmem>>[vector<16xi32>, vector<16xi32>, vector<16xi32>], vector<16xf32>,
      %mul3A_2602 = arith.mulf %gather3A, %gather3A_2601 : vector<16xf32>
      %add3A_2603 = arith.addf %scan3A_2596, %mul3A_2602 : vector<16xf32>
      scf.yield %add3A_2603 : vector<16xf32>
    }
    %scan3A_1528 = arith.constant 64 : i32
    %swap3A_1529 = arith.constant 112 : index
    %swap3A_1530 = tpu.vector_load %arg13[%swap3A_1529] {strides = array<i32>} : memref<512xf32, #tpu.memory_space<vmem>>, vector<16xf32>,
    tpu.vector_store %arg13[%swap3A_1529], %scan3A_1527 {strides = array<i32>} : memref<512xf32, #tpu.memory_space<vmem>>, vector<16xf32>,
    %dma_wait3A_1531 = arith.constant 1 : i32
    %dma_wait3A_1532 = arith.constant 1 : i32
    %dma_wait3A_1533 = arith.constant 0 : i32
    %dma_wait3A_1534 = arith.constant 0 : i32
    %dma_wait3A_1535 = tpu.memref_slice %arg11[%dma_wait3A_1532, %dma_wait3A_1533, %dma_wait3A_1534] : memref<2x128x128xf32, #tpu.memory_space<vmem>> -> memref<1x128x128xf32, #tpu.memory_space<vmem>>
    %dma_wait3A_1536 = tpu.memref_squeeze %dma_wait3A_1535 : memref<1x128x128xf32, #tpu.memory_space<vmem>> -> memref<128x128xf32, #tpu.memory_space<vmem>>
    %dma_wait3A_1537 = arith.constant 0 : i32
    %dma_wait3A_1538 = tpu.memref_slice %arg9[%dma_wait3A_1531, %dma_wait3A_1537] : memref<4x128xi32, #tpu.memory_space<vmem>> -> memref<1x128xi32, #tpu.memory_space<vmem>>
    %dma_wait3A_1539 = tpu.memref_squeeze %dma_wait3A_1538 : memref<1x128xi32, #tpu.memory_space<vmem>> -> memref<128xi32, #tpu.memory_space<vmem>>
    %dma_wait3A_1540 = arith.constant 0 : i32
    %dma_wait3A_1541 = arith.constant 0 : i32
    %dma_wait3A_1542 = tpu.memref_slice %arg4[%dma_wait3A_1540, %dma_wait3A_1541] : memref<507904x128xf32, #tpu.memory_space<hbm>> -> memref<507904x128xf32, #tpu.memory_space<hbm>>
    tpu.wait_indirect_dma semaphore(%arg14 : memref<!tpu.dma_semaphore, #tpu.memory_space<semaphore_mem>>) src(%dma_wait3A_1542 : memref<507904x128xf32, #tpu.memory_space<hbm>>) dst(%dma_wait3A_1536 : memref<128x128xf32, #tpu.memory_space<vmem>>)
    %dma_wait3A_1543 = arith.constant 1 : i32
    %dma_wait3A_1544 = arith.constant 1 : i32
    %dma_wait3A_1545 = arith.constant 0 : i32
    %dma_wait3A_1546 = arith.constant 0 : i32
    %dma_wait3A_1547 = tpu.memref_slice %arg12[%dma_wait3A_1544, %dma_wait3A_1545, %dma_wait3A_1546] : memref<2x128x128xf32, #tpu.memory_space<vmem>> -> memref<1x128x128xf32, #tpu.memory_space<vmem>>
    %dma_wait3A_1548 = tpu.memref_squeeze %dma_wait3A_1547 : memref<1x128x128xf32, #tpu.memory_space<vmem>> -> memref<128x128xf32, #tpu.memory_space<vmem>>
    %dma_wait3A_1549 = arith.constant 0 : i32
    %dma_wait3A_1550 = tpu.memref_slice %arg10[%dma_wait3A_1543, %dma_wait3A_1549] : memref<4x128xi32, #tpu.memory_space<vmem>> -> memref<1x128xi32, #tpu.memory_space<vmem>>
    %dma_wait3A_1551 = tpu.memref_squeeze %dma_wait3A_1550 : memref<1x128xi32, #tpu.memory_space<vmem>> -> memref<128xi32, #tpu.memory_space<vmem>>
    %dma_wait3A_1552 = arith.constant 0 : i32
    %dma_wait3A_1553 = arith.constant 0 : i32
    %dma_wait3A_1554 = tpu.memref_slice %arg5[%dma_wait3A_1552, %dma_wait3A_1553] : memref<507904x128xf32, #tpu.memory_space<hbm>> -> memref<507904x128xf32, #tpu.memory_space<hbm>>
    tpu.wait_indirect_dma semaphore(%arg14 : memref<!tpu.dma_semaphore, #tpu.memory_space<semaphore_mem>>) src(%dma_wait3A_1554 : memref<507904x128xf32, #tpu.memory_space<hbm>>) dst(%dma_wait3A_1548 : memref<128x128xf32, #tpu.memory_space<vmem>>)
    %dma_start3A_1555 = arith.constant 2 : i32
    %dma_start3A_1556 = arith.constant 0 : i32
    %dma_start3A_1557 = arith.constant 0 : i32
    %dma_start3A_1558 = arith.constant 0 : i32
    %dma_start3A_1559 = tpu.memref_slice %arg11[%dma_start3A_1556, %dma_start3A_1557, %dma_start3A_1558] : memref<2x128x128xf32, #tpu.memory_space<vmem>> -> memref<1x128x128xf32, #tpu.memory_space<vmem>>
    %dma_start3A_1560 = tpu.memref_squeeze %dma_start3A_1559 : memref<1x128x128xf32, #tpu.memory_space<vmem>> -> memref<128x128xf32, #tpu.memory_space<vmem>>
    %dma_start3A_1561 = arith.constant 0 : i32
    %dma_start3A_1562 = tpu.memref_slice %arg9[%dma_start3A_1555, %dma_start3A_1561] : memref<4x128xi32, #tpu.memory_space<vmem>> -> memref<1x128xi32, #tpu.memory_space<vmem>>
    %dma_start3A_1563 = tpu.memref_squeeze %dma_start3A_1562 : memref<1x128xi32, #tpu.memory_space<vmem>> -> memref<128xi32, #tpu.memory_space<vmem>>
    %dma_start3A_1564 = arith.constant 0 : i32
    %dma_start3A_1565 = arith.constant 0 : i32
    %dma_start3A_1566 = tpu.memref_slice %arg4[%dma_start3A_1564, %dma_start3A_1565] : memref<507904x128xf32, #tpu.memory_space<hbm>> -> memref<507904x128xf32, #tpu.memory_space<hbm>>
    tpu.enqueue_indirect_dma source(%dma_start3A_1566 : memref<507904x128xf32, #tpu.memory_space<hbm>>) target(%dma_start3A_1560 : memref<128x128xf32, #tpu.memory_space<vmem>>) offsets(%dma_start3A_1563 : memref<128xi32, #tpu.memory_space<vmem>>) semaphore(%arg14 : memref<!tpu.dma_semaphore, #tpu.memory_space<semaphore_mem>>)
    %dma_start3A_1567 = arith.constant 2 : i32
    %dma_start3A_1568 = arith.constant 0 : i32
    %dma_start3A_1569 = arith.constant 0 : i32
    %dma_start3A_1570 = arith.constant 0 : i32
    %dma_start3A_1571 = tpu.memref_slice %arg12[%dma_start3A_1568, %dma_start3A_1569, %dma_start3A_1570] : memref<2x128x128xf32, #tpu.memory_space<vmem>> -> memref<1x128x128xf32, #tpu.memory_space<vmem>>
    %dma_start3A_1572 = tpu.memref_squeeze %dma_start3A_1571 : memref<1x128x128xf32, #tpu.memory_space<vmem>> -> memref<128x128xf32, #tpu.memory_space<vmem>>
    %dma_start3A_1573 = arith.constant 0 : i32
    %dma_start3A_1574 = tpu.memref_slice %arg10[%dma_start3A_1567, %dma_start3A_1573] : memref<4x128xi32, #tpu.memory_space<vmem>> -> memref<1x128xi32, #tpu.memory_space<vmem>>
    %dma_start3A_1575 = tpu.memref_squeeze %dma_start3A_1574 : memref<1x128xi32, #tpu.memory_space<vmem>> -> memref<128xi32, #tpu.memory_space<vmem>>
    %dma_start3A_1576 = arith.constant 0 : i32
    %dma_start3A_1577 = arith.constant 0 : i32
    %dma_start3A_1578 = tpu.memref_slice %arg5[%dma_start3A_1576, %dma_start3A_1577] : memref<507904x128xf32, #tpu.memory_space<hbm>> -> memref<507904x128xf32, #tpu.memory_space<hbm>>
    tpu.enqueue_indirect_dma source(%dma_start3A_1578 : memref<507904x128xf32, #tpu.memory_space<hbm>>) target(%dma_start3A_1572 : memref<128x128xf32, #tpu.memory_space<vmem>>) offsets(%dma_start3A_1575 : memref<128xi32, #tpu.memory_space<vmem>>) semaphore(%arg14 : memref<!tpu.dma_semaphore, #tpu.memory_space<semaphore_mem>>)
    %broadcast_in_dim3A_1579 = arith.constant 1 : i32
    %broadcast_in_dim3A_1580 = vector.broadcast %broadcast_in_dim3A_1579 : i32 to vector<16xi32>
    %get3A_1581 = arith.constant 1 : i32
    %get3A_1582 = arith.index_cast %get3A_1581 : i32 to index
    %get3A_1583 = arith.constant 0 : index
    %get3A_1584 = tpu.vector_load %arg7[%get3A_1582, %get3A_1583] {strides = array<i32>} : memref<4x128xi32, #tpu.memory_space<vmem>>, vector<16xi32>,
    %get3A_1585 = arith.constant 1 : i32
    %get3A_1586 = arith.index_cast %get3A_1585 : i32 to index
    %get3A_1587 = arith.constant 0 : index
    %get3A_1588 = tpu.vector_load %arg8[%get3A_1586, %get3A_1587] {strides = array<i32>} : memref<4x128xi32, #tpu.memory_space<vmem>>, vector<16xi32>,
    %shift_right_logical3A_1589 = arith.constant 14 : i32
    %shift_right_logical3A_1590 = vector.broadcast %shift_right_logical3A_1589 : i32 to vector<16xi32>
    %shift_right_logical3A_1591 = arith.shrui %get3A_1584, %shift_right_logical3A_1590 : vector<16xi32>
    %and3A_1592 = arith.constant 1 : i32
    %and3A_1593 = vector.broadcast %and3A_1592 : i32 to vector<16xi32>
    %and3A_1594 = arith.andi %shift_right_logical3A_1591, %and3A_1593 : vector<16xi32>
    %mul3A_1595 = arith.constant 64 : i32
    %mul3A_1596 = vector.broadcast %mul3A_1595 : i32 to vector<16xi32>
    %mul3A_1597 = arith.muli %and3A_1594, %mul3A_1596 : vector<16xi32>
    %shift_right_logical3A_1598 = arith.constant 14 : i32
    %shift_right_logical3A_1599 = vector.broadcast %shift_right_logical3A_1598 : i32 to vector<16xi32>
    %shift_right_logical3A_1600 = arith.shrui %get3A_1588, %shift_right_logical3A_1599 : vector<16xi32>
    %and3A_1601 = arith.constant 1 : i32
    %and3A_1602 = vector.broadcast %and3A_1601 : i32 to vector<16xi32>
    %and3A_1603 = arith.andi %shift_right_logical3A_1600, %and3A_1602 : vector<16xi32>
    %mul3A_1604 = arith.constant 64 : i32
    %mul3A_1605 = vector.broadcast %mul3A_1604 : i32 to vector<16xi32>
    %mul3A_1606 = arith.muli %and3A_1603, %mul3A_1605 : vector<16xi32>
    %add3A_1607 = arith.constant 0 : i32
    %add3A_1608 = vector.broadcast %add3A_1607 : i32 to vector<16xi32>
    %add3A_1609 = arith.addi %add3A_1608, %iota3A : vector<16xi32>
    %broadcast_in_dim3A_1610 = arith.constant 0.000000e+00 : f32
    %broadcast_in_dim3A_1611 = vector.broadcast %broadcast_in_dim3A_1610 : f32 to vector<16xf32>
    %scan3A_1612 = arith.constant 0 : i32
    %scan3A_1613 = arith.constant 64 : i32
    %scan3A_1614 = arith.addi %scan3A_1612, %scan3A_1613 : i32
    %scan3A_1615 = arith.constant 1 : i32
    %scan3A_1616 = scf.for %scan3A_2595 = %scan3A_1612 to %scan3A_1614 step %scan3A_1615 iter_args(%scan3A_2596 = %broadcast_in_dim3A_1611) -> (vector<16xf32>)  : i32 {
      %add3A_2597 = vector.broadcast %scan3A_2595 : i32 to vector<16xi32>
      %add3A_2598 = arith.addi %mul3A_1597, %add3A_2597 : vector<16xi32>
      %gather3A = tpu.vector_load_idx %arg11[%broadcast_in_dim3A_1580, %add3A_1609, %add3A_2598] : memref<2x128x128xf32, #tpu.memory_space<vmem>>[vector<16xi32>, vector<16xi32>, vector<16xi32>], vector<16xf32>,
      %add3A_2599 = vector.broadcast %scan3A_2595 : i32 to vector<16xi32>
      %add3A_2600 = arith.addi %mul3A_1606, %add3A_2599 : vector<16xi32>
      %gather3A_2601 = tpu.vector_load_idx %arg12[%broadcast_in_dim3A_1580, %add3A_1609, %add3A_2600] : memref<2x128x128xf32, #tpu.memory_space<vmem>>[vector<16xi32>, vector<16xi32>, vector<16xi32>], vector<16xf32>,
      %mul3A_2602 = arith.mulf %gather3A, %gather3A_2601 : vector<16xf32>
      %add3A_2603 = arith.addf %scan3A_2596, %mul3A_2602 : vector<16xf32>
      scf.yield %add3A_2603 : vector<16xf32>
    }
    %scan3A_1617 = arith.constant 64 : i32
    %swap3A_1618 = arith.constant 128 : index
    %swap3A_1619 = tpu.vector_load %arg13[%swap3A_1618] {strides = array<i32>} : memref<512xf32, #tpu.memory_space<vmem>>, vector<16xf32>,
    tpu.vector_store %arg13[%swap3A_1618], %scan3A_1616 {strides = array<i32>} : memref<512xf32, #tpu.memory_space<vmem>>, vector<16xf32>,
    %get3A_1620 = arith.constant 1 : i32
    %get3A_1621 = arith.index_cast %get3A_1620 : i32 to index
    %get3A_1622 = arith.constant 16 : index
    %get3A_1623 = tpu.vector_load %arg7[%get3A_1621, %get3A_1622] {strides = array<i32>} : memref<4x128xi32, #tpu.memory_space<vmem>>, vector<16xi32>,
    %get3A_1624 = arith.constant 1 : i32
    %get3A_1625 = arith.index_cast %get3A_1624 : i32 to index
    %get3A_1626 = arith.constant 16 : index
    %get3A_1627 = tpu.vector_load %arg8[%get3A_1625, %get3A_1626] {strides = array<i32>} : memref<4x128xi32, #tpu.memory_space<vmem>>, vector<16xi32>,
    %shift_right_logical3A_1628 = arith.constant 14 : i32
    %shift_right_logical3A_1629 = vector.broadcast %shift_right_logical3A_1628 : i32 to vector<16xi32>
    %shift_right_logical3A_1630 = arith.shrui %get3A_1623, %shift_right_logical3A_1629 : vector<16xi32>
    %and3A_1631 = arith.constant 1 : i32
    %and3A_1632 = vector.broadcast %and3A_1631 : i32 to vector<16xi32>
    %and3A_1633 = arith.andi %shift_right_logical3A_1630, %and3A_1632 : vector<16xi32>
    %mul3A_1634 = arith.constant 64 : i32
    %mul3A_1635 = vector.broadcast %mul3A_1634 : i32 to vector<16xi32>
    %mul3A_1636 = arith.muli %and3A_1633, %mul3A_1635 : vector<16xi32>
    %shift_right_logical3A_1637 = arith.constant 14 : i32
    %shift_right_logical3A_1638 = vector.broadcast %shift_right_logical3A_1637 : i32 to vector<16xi32>
    %shift_right_logical3A_1639 = arith.shrui %get3A_1627, %shift_right_logical3A_1638 : vector<16xi32>
    %and3A_1640 = arith.constant 1 : i32
    %and3A_1641 = vector.broadcast %and3A_1640 : i32 to vector<16xi32>
    %and3A_1642 = arith.andi %shift_right_logical3A_1639, %and3A_1641 : vector<16xi32>
    %mul3A_1643 = arith.constant 64 : i32
    %mul3A_1644 = vector.broadcast %mul3A_1643 : i32 to vector<16xi32>
    %mul3A_1645 = arith.muli %and3A_1642, %mul3A_1644 : vector<16xi32>
    %add3A_1646 = arith.constant 16 : i32
    %add3A_1647 = vector.broadcast %add3A_1646 : i32 to vector<16xi32>
    %add3A_1648 = arith.addi %add3A_1647, %iota3A : vector<16xi32>
    %broadcast_in_dim3A_1649 = arith.constant 0.000000e+00 : f32
    %broadcast_in_dim3A_1650 = vector.broadcast %broadcast_in_dim3A_1649 : f32 to vector<16xf32>
    %scan3A_1651 = arith.constant 0 : i32
    %scan3A_1652 = arith.constant 64 : i32
    %scan3A_1653 = arith.addi %scan3A_1651, %scan3A_1652 : i32
    %scan3A_1654 = arith.constant 1 : i32
    %scan3A_1655 = scf.for %scan3A_2595 = %scan3A_1651 to %scan3A_1653 step %scan3A_1654 iter_args(%scan3A_2596 = %broadcast_in_dim3A_1650) -> (vector<16xf32>)  : i32 {
      %add3A_2597 = vector.broadcast %scan3A_2595 : i32 to vector<16xi32>
      %add3A_2598 = arith.addi %mul3A_1636, %add3A_2597 : vector<16xi32>
      %gather3A = tpu.vector_load_idx %arg11[%broadcast_in_dim3A_1580, %add3A_1648, %add3A_2598] : memref<2x128x128xf32, #tpu.memory_space<vmem>>[vector<16xi32>, vector<16xi32>, vector<16xi32>], vector<16xf32>,
      %add3A_2599 = vector.broadcast %scan3A_2595 : i32 to vector<16xi32>
      %add3A_2600 = arith.addi %mul3A_1645, %add3A_2599 : vector<16xi32>
      %gather3A_2601 = tpu.vector_load_idx %arg12[%broadcast_in_dim3A_1580, %add3A_1648, %add3A_2600] : memref<2x128x128xf32, #tpu.memory_space<vmem>>[vector<16xi32>, vector<16xi32>, vector<16xi32>], vector<16xf32>,
      %mul3A_2602 = arith.mulf %gather3A, %gather3A_2601 : vector<16xf32>
      %add3A_2603 = arith.addf %scan3A_2596, %mul3A_2602 : vector<16xf32>
      scf.yield %add3A_2603 : vector<16xf32>
    }
    %scan3A_1656 = arith.constant 64 : i32
    %swap3A_1657 = arith.constant 144 : index
    %swap3A_1658 = tpu.vector_load %arg13[%swap3A_1657] {strides = array<i32>} : memref<512xf32, #tpu.memory_space<vmem>>, vector<16xf32>,
    tpu.vector_store %arg13[%swap3A_1657], %scan3A_1655 {strides = array<i32>} : memref<512xf32, #tpu.memory_space<vmem>>, vector<16xf32>,
    %get3A_1659 = arith.constant 1 : i32
    %get3A_1660 = arith.index_cast %get3A_1659 : i32 to index
    %get3A_1661 = arith.constant 32 : index
    %get3A_1662 = tpu.vector_load %arg7[%get3A_1660, %get3A_1661] {strides = array<i32>} : memref<4x128xi32, #tpu.memory_space<vmem>>, vector<16xi32>,
    %get3A_1663 = arith.constant 1 : i32
    %get3A_1664 = arith.index_cast %get3A_1663 : i32 to index
    %get3A_1665 = arith.constant 32 : index
    %get3A_1666 = tpu.vector_load %arg8[%get3A_1664, %get3A_1665] {strides = array<i32>} : memref<4x128xi32, #tpu.memory_space<vmem>>, vector<16xi32>,
    %shift_right_logical3A_1667 = arith.constant 14 : i32
    %shift_right_logical3A_1668 = vector.broadcast %shift_right_logical3A_1667 : i32 to vector<16xi32>
    %shift_right_logical3A_1669 = arith.shrui %get3A_1662, %shift_right_logical3A_1668 : vector<16xi32>
    %and3A_1670 = arith.constant 1 : i32
    %and3A_1671 = vector.broadcast %and3A_1670 : i32 to vector<16xi32>
    %and3A_1672 = arith.andi %shift_right_logical3A_1669, %and3A_1671 : vector<16xi32>
    %mul3A_1673 = arith.constant 64 : i32
    %mul3A_1674 = vector.broadcast %mul3A_1673 : i32 to vector<16xi32>
    %mul3A_1675 = arith.muli %and3A_1672, %mul3A_1674 : vector<16xi32>
    %shift_right_logical3A_1676 = arith.constant 14 : i32
    %shift_right_logical3A_1677 = vector.broadcast %shift_right_logical3A_1676 : i32 to vector<16xi32>
    %shift_right_logical3A_1678 = arith.shrui %get3A_1666, %shift_right_logical3A_1677 : vector<16xi32>
    %and3A_1679 = arith.constant 1 : i32
    %and3A_1680 = vector.broadcast %and3A_1679 : i32 to vector<16xi32>
    %and3A_1681 = arith.andi %shift_right_logical3A_1678, %and3A_1680 : vector<16xi32>
    %mul3A_1682 = arith.constant 64 : i32
    %mul3A_1683 = vector.broadcast %mul3A_1682 : i32 to vector<16xi32>
    %mul3A_1684 = arith.muli %and3A_1681, %mul3A_1683 : vector<16xi32>
    %add3A_1685 = arith.constant 32 : i32
    %add3A_1686 = vector.broadcast %add3A_1685 : i32 to vector<16xi32>
    %add3A_1687 = arith.addi %add3A_1686, %iota3A : vector<16xi32>
    %broadcast_in_dim3A_1688 = arith.constant 0.000000e+00 : f32
    %broadcast_in_dim3A_1689 = vector.broadcast %broadcast_in_dim3A_1688 : f32 to vector<16xf32>
    %scan3A_1690 = arith.constant 0 : i32
    %scan3A_1691 = arith.constant 64 : i32
    %scan3A_1692 = arith.addi %scan3A_1690, %scan3A_1691 : i32
    %scan3A_1693 = arith.constant 1 : i32
    %scan3A_1694 = scf.for %scan3A_2595 = %scan3A_1690 to %scan3A_1692 step %scan3A_1693 iter_args(%scan3A_2596 = %broadcast_in_dim3A_1689) -> (vector<16xf32>)  : i32 {
      %add3A_2597 = vector.broadcast %scan3A_2595 : i32 to vector<16xi32>
      %add3A_2598 = arith.addi %mul3A_1675, %add3A_2597 : vector<16xi32>
      %gather3A = tpu.vector_load_idx %arg11[%broadcast_in_dim3A_1580, %add3A_1687, %add3A_2598] : memref<2x128x128xf32, #tpu.memory_space<vmem>>[vector<16xi32>, vector<16xi32>, vector<16xi32>], vector<16xf32>,
      %add3A_2599 = vector.broadcast %scan3A_2595 : i32 to vector<16xi32>
      %add3A_2600 = arith.addi %mul3A_1684, %add3A_2599 : vector<16xi32>
      %gather3A_2601 = tpu.vector_load_idx %arg12[%broadcast_in_dim3A_1580, %add3A_1687, %add3A_2600] : memref<2x128x128xf32, #tpu.memory_space<vmem>>[vector<16xi32>, vector<16xi32>, vector<16xi32>], vector<16xf32>,
      %mul3A_2602 = arith.mulf %gather3A, %gather3A_2601 : vector<16xf32>
      %add3A_2603 = arith.addf %scan3A_2596, %mul3A_2602 : vector<16xf32>
      scf.yield %add3A_2603 : vector<16xf32>
    }
    %scan3A_1695 = arith.constant 64 : i32
    %swap3A_1696 = arith.constant 160 : index
    %swap3A_1697 = tpu.vector_load %arg13[%swap3A_1696] {strides = array<i32>} : memref<512xf32, #tpu.memory_space<vmem>>, vector<16xf32>,
    tpu.vector_store %arg13[%swap3A_1696], %scan3A_1694 {strides = array<i32>} : memref<512xf32, #tpu.memory_space<vmem>>, vector<16xf32>,
    %get3A_1698 = arith.constant 1 : i32
    %get3A_1699 = arith.index_cast %get3A_1698 : i32 to index
    %get3A_1700 = arith.constant 48 : index
    %get3A_1701 = tpu.vector_load %arg7[%get3A_1699, %get3A_1700] {strides = array<i32>} : memref<4x128xi32, #tpu.memory_space<vmem>>, vector<16xi32>,
    %get3A_1702 = arith.constant 1 : i32
    %get3A_1703 = arith.index_cast %get3A_1702 : i32 to index
    %get3A_1704 = arith.constant 48 : index
    %get3A_1705 = tpu.vector_load %arg8[%get3A_1703, %get3A_1704] {strides = array<i32>} : memref<4x128xi32, #tpu.memory_space<vmem>>, vector<16xi32>,
    %shift_right_logical3A_1706 = arith.constant 14 : i32
    %shift_right_logical3A_1707 = vector.broadcast %shift_right_logical3A_1706 : i32 to vector<16xi32>
    %shift_right_logical3A_1708 = arith.shrui %get3A_1701, %shift_right_logical3A_1707 : vector<16xi32>
    %and3A_1709 = arith.constant 1 : i32
    %and3A_1710 = vector.broadcast %and3A_1709 : i32 to vector<16xi32>
    %and3A_1711 = arith.andi %shift_right_logical3A_1708, %and3A_1710 : vector<16xi32>
    %mul3A_1712 = arith.constant 64 : i32
    %mul3A_1713 = vector.broadcast %mul3A_1712 : i32 to vector<16xi32>
    %mul3A_1714 = arith.muli %and3A_1711, %mul3A_1713 : vector<16xi32>
    %shift_right_logical3A_1715 = arith.constant 14 : i32
    %shift_right_logical3A_1716 = vector.broadcast %shift_right_logical3A_1715 : i32 to vector<16xi32>
    %shift_right_logical3A_1717 = arith.shrui %get3A_1705, %shift_right_logical3A_1716 : vector<16xi32>
    %and3A_1718 = arith.constant 1 : i32
    %and3A_1719 = vector.broadcast %and3A_1718 : i32 to vector<16xi32>
    %and3A_1720 = arith.andi %shift_right_logical3A_1717, %and3A_1719 : vector<16xi32>
    %mul3A_1721 = arith.constant 64 : i32
    %mul3A_1722 = vector.broadcast %mul3A_1721 : i32 to vector<16xi32>
    %mul3A_1723 = arith.muli %and3A_1720, %mul3A_1722 : vector<16xi32>
    %add3A_1724 = arith.constant 48 : i32
    %add3A_1725 = vector.broadcast %add3A_1724 : i32 to vector<16xi32>
    %add3A_1726 = arith.addi %add3A_1725, %iota3A : vector<16xi32>
    %broadcast_in_dim3A_1727 = arith.constant 0.000000e+00 : f32
    %broadcast_in_dim3A_1728 = vector.broadcast %broadcast_in_dim3A_1727 : f32 to vector<16xf32>
    %scan3A_1729 = arith.constant 0 : i32
    %scan3A_1730 = arith.constant 64 : i32
    %scan3A_1731 = arith.addi %scan3A_1729, %scan3A_1730 : i32
    %scan3A_1732 = arith.constant 1 : i32
    %scan3A_1733 = scf.for %scan3A_2595 = %scan3A_1729 to %scan3A_1731 step %scan3A_1732 iter_args(%scan3A_2596 = %broadcast_in_dim3A_1728) -> (vector<16xf32>)  : i32 {
      %add3A_2597 = vector.broadcast %scan3A_2595 : i32 to vector<16xi32>
      %add3A_2598 = arith.addi %mul3A_1714, %add3A_2597 : vector<16xi32>
      %gather3A = tpu.vector_load_idx %arg11[%broadcast_in_dim3A_1580, %add3A_1726, %add3A_2598] : memref<2x128x128xf32, #tpu.memory_space<vmem>>[vector<16xi32>, vector<16xi32>, vector<16xi32>], vector<16xf32>,
      %add3A_2599 = vector.broadcast %scan3A_2595 : i32 to vector<16xi32>
      %add3A_2600 = arith.addi %mul3A_1723, %add3A_2599 : vector<16xi32>
      %gather3A_2601 = tpu.vector_load_idx %arg12[%broadcast_in_dim3A_1580, %add3A_1726, %add3A_2600] : memref<2x128x128xf32, #tpu.memory_space<vmem>>[vector<16xi32>, vector<16xi32>, vector<16xi32>], vector<16xf32>,
      %mul3A_2602 = arith.mulf %gather3A, %gather3A_2601 : vector<16xf32>
      %add3A_2603 = arith.addf %scan3A_2596, %mul3A_2602 : vector<16xf32>
      scf.yield %add3A_2603 : vector<16xf32>
    }
    %scan3A_1734 = arith.constant 64 : i32
    %swap3A_1735 = arith.constant 176 : index
    %swap3A_1736 = tpu.vector_load %arg13[%swap3A_1735] {strides = array<i32>} : memref<512xf32, #tpu.memory_space<vmem>>, vector<16xf32>,
    tpu.vector_store %arg13[%swap3A_1735], %scan3A_1733 {strides = array<i32>} : memref<512xf32, #tpu.memory_space<vmem>>, vector<16xf32>,
    %get3A_1737 = arith.constant 1 : i32
    %get3A_1738 = arith.index_cast %get3A_1737 : i32 to index
    %get3A_1739 = arith.constant 64 : index
    %get3A_1740 = tpu.vector_load %arg7[%get3A_1738, %get3A_1739] {strides = array<i32>} : memref<4x128xi32, #tpu.memory_space<vmem>>, vector<16xi32>,
    %get3A_1741 = arith.constant 1 : i32
    %get3A_1742 = arith.index_cast %get3A_1741 : i32 to index
    %get3A_1743 = arith.constant 64 : index
    %get3A_1744 = tpu.vector_load %arg8[%get3A_1742, %get3A_1743] {strides = array<i32>} : memref<4x128xi32, #tpu.memory_space<vmem>>, vector<16xi32>,
    %shift_right_logical3A_1745 = arith.constant 14 : i32
    %shift_right_logical3A_1746 = vector.broadcast %shift_right_logical3A_1745 : i32 to vector<16xi32>
    %shift_right_logical3A_1747 = arith.shrui %get3A_1740, %shift_right_logical3A_1746 : vector<16xi32>
    %and3A_1748 = arith.constant 1 : i32
    %and3A_1749 = vector.broadcast %and3A_1748 : i32 to vector<16xi32>
    %and3A_1750 = arith.andi %shift_right_logical3A_1747, %and3A_1749 : vector<16xi32>
    %mul3A_1751 = arith.constant 64 : i32
    %mul3A_1752 = vector.broadcast %mul3A_1751 : i32 to vector<16xi32>
    %mul3A_1753 = arith.muli %and3A_1750, %mul3A_1752 : vector<16xi32>
    %shift_right_logical3A_1754 = arith.constant 14 : i32
    %shift_right_logical3A_1755 = vector.broadcast %shift_right_logical3A_1754 : i32 to vector<16xi32>
    %shift_right_logical3A_1756 = arith.shrui %get3A_1744, %shift_right_logical3A_1755 : vector<16xi32>
    %and3A_1757 = arith.constant 1 : i32
    %and3A_1758 = vector.broadcast %and3A_1757 : i32 to vector<16xi32>
    %and3A_1759 = arith.andi %shift_right_logical3A_1756, %and3A_1758 : vector<16xi32>
    %mul3A_1760 = arith.constant 64 : i32
    %mul3A_1761 = vector.broadcast %mul3A_1760 : i32 to vector<16xi32>
    %mul3A_1762 = arith.muli %and3A_1759, %mul3A_1761 : vector<16xi32>
    %add3A_1763 = arith.constant 64 : i32
    %add3A_1764 = vector.broadcast %add3A_1763 : i32 to vector<16xi32>
    %add3A_1765 = arith.addi %add3A_1764, %iota3A : vector<16xi32>
    %broadcast_in_dim3A_1766 = arith.constant 0.000000e+00 : f32
    %broadcast_in_dim3A_1767 = vector.broadcast %broadcast_in_dim3A_1766 : f32 to vector<16xf32>
    %scan3A_1768 = arith.constant 0 : i32
    %scan3A_1769 = arith.constant 64 : i32
    %scan3A_1770 = arith.addi %scan3A_1768, %scan3A_1769 : i32
    %scan3A_1771 = arith.constant 1 : i32
    %scan3A_1772 = scf.for %scan3A_2595 = %scan3A_1768 to %scan3A_1770 step %scan3A_1771 iter_args(%scan3A_2596 = %broadcast_in_dim3A_1767) -> (vector<16xf32>)  : i32 {
      %add3A_2597 = vector.broadcast %scan3A_2595 : i32 to vector<16xi32>
      %add3A_2598 = arith.addi %mul3A_1753, %add3A_2597 : vector<16xi32>
      %gather3A = tpu.vector_load_idx %arg11[%broadcast_in_dim3A_1580, %add3A_1765, %add3A_2598] : memref<2x128x128xf32, #tpu.memory_space<vmem>>[vector<16xi32>, vector<16xi32>, vector<16xi32>], vector<16xf32>,
      %add3A_2599 = vector.broadcast %scan3A_2595 : i32 to vector<16xi32>
      %add3A_2600 = arith.addi %mul3A_1762, %add3A_2599 : vector<16xi32>
      %gather3A_2601 = tpu.vector_load_idx %arg12[%broadcast_in_dim3A_1580, %add3A_1765, %add3A_2600] : memref<2x128x128xf32, #tpu.memory_space<vmem>>[vector<16xi32>, vector<16xi32>, vector<16xi32>], vector<16xf32>,
      %mul3A_2602 = arith.mulf %gather3A, %gather3A_2601 : vector<16xf32>
      %add3A_2603 = arith.addf %scan3A_2596, %mul3A_2602 : vector<16xf32>
      scf.yield %add3A_2603 : vector<16xf32>
    }
    %scan3A_1773 = arith.constant 64 : i32
    %swap3A_1774 = arith.constant 192 : index
    %swap3A_1775 = tpu.vector_load %arg13[%swap3A_1774] {strides = array<i32>} : memref<512xf32, #tpu.memory_space<vmem>>, vector<16xf32>,
    tpu.vector_store %arg13[%swap3A_1774], %scan3A_1772 {strides = array<i32>} : memref<512xf32, #tpu.memory_space<vmem>>, vector<16xf32>,
    %get3A_1776 = arith.constant 1 : i32
    %get3A_1777 = arith.index_cast %get3A_1776 : i32 to index
    %get3A_1778 = arith.constant 80 : index
    %get3A_1779 = tpu.vector_load %arg7[%get3A_1777, %get3A_1778] {strides = array<i32>} : memref<4x128xi32, #tpu.memory_space<vmem>>, vector<16xi32>,
    %get3A_1780 = arith.constant 1 : i32
    %get3A_1781 = arith.index_cast %get3A_1780 : i32 to index
    %get3A_1782 = arith.constant 80 : index
    %get3A_1783 = tpu.vector_load %arg8[%get3A_1781, %get3A_1782] {strides = array<i32>} : memref<4x128xi32, #tpu.memory_space<vmem>>, vector<16xi32>,
    %shift_right_logical3A_1784 = arith.constant 14 : i32
    %shift_right_logical3A_1785 = vector.broadcast %shift_right_logical3A_1784 : i32 to vector<16xi32>
    %shift_right_logical3A_1786 = arith.shrui %get3A_1779, %shift_right_logical3A_1785 : vector<16xi32>
    %and3A_1787 = arith.constant 1 : i32
    %and3A_1788 = vector.broadcast %and3A_1787 : i32 to vector<16xi32>
    %and3A_1789 = arith.andi %shift_right_logical3A_1786, %and3A_1788 : vector<16xi32>
    %mul3A_1790 = arith.constant 64 : i32
    %mul3A_1791 = vector.broadcast %mul3A_1790 : i32 to vector<16xi32>
    %mul3A_1792 = arith.muli %and3A_1789, %mul3A_1791 : vector<16xi32>
    %shift_right_logical3A_1793 = arith.constant 14 : i32
    %shift_right_logical3A_1794 = vector.broadcast %shift_right_logical3A_1793 : i32 to vector<16xi32>
    %shift_right_logical3A_1795 = arith.shrui %get3A_1783, %shift_right_logical3A_1794 : vector<16xi32>
    %and3A_1796 = arith.constant 1 : i32
    %and3A_1797 = vector.broadcast %and3A_1796 : i32 to vector<16xi32>
    %and3A_1798 = arith.andi %shift_right_logical3A_1795, %and3A_1797 : vector<16xi32>
    %mul3A_1799 = arith.constant 64 : i32
    %mul3A_1800 = vector.broadcast %mul3A_1799 : i32 to vector<16xi32>
    %mul3A_1801 = arith.muli %and3A_1798, %mul3A_1800 : vector<16xi32>
    %add3A_1802 = arith.constant 80 : i32
    %add3A_1803 = vector.broadcast %add3A_1802 : i32 to vector<16xi32>
    %add3A_1804 = arith.addi %add3A_1803, %iota3A : vector<16xi32>
    %broadcast_in_dim3A_1805 = arith.constant 0.000000e+00 : f32
    %broadcast_in_dim3A_1806 = vector.broadcast %broadcast_in_dim3A_1805 : f32 to vector<16xf32>
    %scan3A_1807 = arith.constant 0 : i32
    %scan3A_1808 = arith.constant 64 : i32
    %scan3A_1809 = arith.addi %scan3A_1807, %scan3A_1808 : i32
    %scan3A_1810 = arith.constant 1 : i32
    %scan3A_1811 = scf.for %scan3A_2595 = %scan3A_1807 to %scan3A_1809 step %scan3A_1810 iter_args(%scan3A_2596 = %broadcast_in_dim3A_1806) -> (vector<16xf32>)  : i32 {
      %add3A_2597 = vector.broadcast %scan3A_2595 : i32 to vector<16xi32>
      %add3A_2598 = arith.addi %mul3A_1792, %add3A_2597 : vector<16xi32>
      %gather3A = tpu.vector_load_idx %arg11[%broadcast_in_dim3A_1580, %add3A_1804, %add3A_2598] : memref<2x128x128xf32, #tpu.memory_space<vmem>>[vector<16xi32>, vector<16xi32>, vector<16xi32>], vector<16xf32>,
      %add3A_2599 = vector.broadcast %scan3A_2595 : i32 to vector<16xi32>
      %add3A_2600 = arith.addi %mul3A_1801, %add3A_2599 : vector<16xi32>
      %gather3A_2601 = tpu.vector_load_idx %arg12[%broadcast_in_dim3A_1580, %add3A_1804, %add3A_2600] : memref<2x128x128xf32, #tpu.memory_space<vmem>>[vector<16xi32>, vector<16xi32>, vector<16xi32>], vector<16xf32>,
      %mul3A_2602 = arith.mulf %gather3A, %gather3A_2601 : vector<16xf32>
      %add3A_2603 = arith.addf %scan3A_2596, %mul3A_2602 : vector<16xf32>
      scf.yield %add3A_2603 : vector<16xf32>
    }
    %scan3A_1812 = arith.constant 64 : i32
    %swap3A_1813 = arith.constant 208 : index
    %swap3A_1814 = tpu.vector_load %arg13[%swap3A_1813] {strides = array<i32>} : memref<512xf32, #tpu.memory_space<vmem>>, vector<16xf32>,
    tpu.vector_store %arg13[%swap3A_1813], %scan3A_1811 {strides = array<i32>} : memref<512xf32, #tpu.memory_space<vmem>>, vector<16xf32>,
    %get3A_1815 = arith.constant 1 : i32
    %get3A_1816 = arith.index_cast %get3A_1815 : i32 to index
    %get3A_1817 = arith.constant 96 : index
    %get3A_1818 = tpu.vector_load %arg7[%get3A_1816, %get3A_1817] {strides = array<i32>} : memref<4x128xi32, #tpu.memory_space<vmem>>, vector<16xi32>,
    %get3A_1819 = arith.constant 1 : i32
    %get3A_1820 = arith.index_cast %get3A_1819 : i32 to index
    %get3A_1821 = arith.constant 96 : index
    %get3A_1822 = tpu.vector_load %arg8[%get3A_1820, %get3A_1821] {strides = array<i32>} : memref<4x128xi32, #tpu.memory_space<vmem>>, vector<16xi32>,
    %shift_right_logical3A_1823 = arith.constant 14 : i32
    %shift_right_logical3A_1824 = vector.broadcast %shift_right_logical3A_1823 : i32 to vector<16xi32>
    %shift_right_logical3A_1825 = arith.shrui %get3A_1818, %shift_right_logical3A_1824 : vector<16xi32>
    %and3A_1826 = arith.constant 1 : i32
    %and3A_1827 = vector.broadcast %and3A_1826 : i32 to vector<16xi32>
    %and3A_1828 = arith.andi %shift_right_logical3A_1825, %and3A_1827 : vector<16xi32>
    %mul3A_1829 = arith.constant 64 : i32
    %mul3A_1830 = vector.broadcast %mul3A_1829 : i32 to vector<16xi32>
    %mul3A_1831 = arith.muli %and3A_1828, %mul3A_1830 : vector<16xi32>
    %shift_right_logical3A_1832 = arith.constant 14 : i32
    %shift_right_logical3A_1833 = vector.broadcast %shift_right_logical3A_1832 : i32 to vector<16xi32>
    %shift_right_logical3A_1834 = arith.shrui %get3A_1822, %shift_right_logical3A_1833 : vector<16xi32>
    %and3A_1835 = arith.constant 1 : i32
    %and3A_1836 = vector.broadcast %and3A_1835 : i32 to vector<16xi32>
    %and3A_1837 = arith.andi %shift_right_logical3A_1834, %and3A_1836 : vector<16xi32>
    %mul3A_1838 = arith.constant 64 : i32
    %mul3A_1839 = vector.broadcast %mul3A_1838 : i32 to vector<16xi32>
    %mul3A_1840 = arith.muli %and3A_1837, %mul3A_1839 : vector<16xi32>
    %add3A_1841 = arith.constant 96 : i32
    %add3A_1842 = vector.broadcast %add3A_1841 : i32 to vector<16xi32>
    %add3A_1843 = arith.addi %add3A_1842, %iota3A : vector<16xi32>
    %broadcast_in_dim3A_1844 = arith.constant 0.000000e+00 : f32
    %broadcast_in_dim3A_1845 = vector.broadcast %broadcast_in_dim3A_1844 : f32 to vector<16xf32>
    %scan3A_1846 = arith.constant 0 : i32
    %scan3A_1847 = arith.constant 64 : i32
    %scan3A_1848 = arith.addi %scan3A_1846, %scan3A_1847 : i32
    %scan3A_1849 = arith.constant 1 : i32
    %scan3A_1850 = scf.for %scan3A_2595 = %scan3A_1846 to %scan3A_1848 step %scan3A_1849 iter_args(%scan3A_2596 = %broadcast_in_dim3A_1845) -> (vector<16xf32>)  : i32 {
      %add3A_2597 = vector.broadcast %scan3A_2595 : i32 to vector<16xi32>
      %add3A_2598 = arith.addi %mul3A_1831, %add3A_2597 : vector<16xi32>
      %gather3A = tpu.vector_load_idx %arg11[%broadcast_in_dim3A_1580, %add3A_1843, %add3A_2598] : memref<2x128x128xf32, #tpu.memory_space<vmem>>[vector<16xi32>, vector<16xi32>, vector<16xi32>], vector<16xf32>,
      %add3A_2599 = vector.broadcast %scan3A_2595 : i32 to vector<16xi32>
      %add3A_2600 = arith.addi %mul3A_1840, %add3A_2599 : vector<16xi32>
      %gather3A_2601 = tpu.vector_load_idx %arg12[%broadcast_in_dim3A_1580, %add3A_1843, %add3A_2600] : memref<2x128x128xf32, #tpu.memory_space<vmem>>[vector<16xi32>, vector<16xi32>, vector<16xi32>], vector<16xf32>,
      %mul3A_2602 = arith.mulf %gather3A, %gather3A_2601 : vector<16xf32>
      %add3A_2603 = arith.addf %scan3A_2596, %mul3A_2602 : vector<16xf32>
      scf.yield %add3A_2603 : vector<16xf32>
    }
    %scan3A_1851 = arith.constant 64 : i32
    %swap3A_1852 = arith.constant 224 : index
    %swap3A_1853 = tpu.vector_load %arg13[%swap3A_1852] {strides = array<i32>} : memref<512xf32, #tpu.memory_space<vmem>>, vector<16xf32>,
    tpu.vector_store %arg13[%swap3A_1852], %scan3A_1850 {strides = array<i32>} : memref<512xf32, #tpu.memory_space<vmem>>, vector<16xf32>,
    %get3A_1854 = arith.constant 1 : i32
    %get3A_1855 = arith.index_cast %get3A_1854 : i32 to index
    %get3A_1856 = arith.constant 112 : index
    %get3A_1857 = tpu.vector_load %arg7[%get3A_1855, %get3A_1856] {strides = array<i32>} : memref<4x128xi32, #tpu.memory_space<vmem>>, vector<16xi32>,
    %get3A_1858 = arith.constant 1 : i32
    %get3A_1859 = arith.index_cast %get3A_1858 : i32 to index
    %get3A_1860 = arith.constant 112 : index
    %get3A_1861 = tpu.vector_load %arg8[%get3A_1859, %get3A_1860] {strides = array<i32>} : memref<4x128xi32, #tpu.memory_space<vmem>>, vector<16xi32>,
    %shift_right_logical3A_1862 = arith.constant 14 : i32
    %shift_right_logical3A_1863 = vector.broadcast %shift_right_logical3A_1862 : i32 to vector<16xi32>
    %shift_right_logical3A_1864 = arith.shrui %get3A_1857, %shift_right_logical3A_1863 : vector<16xi32>
    %and3A_1865 = arith.constant 1 : i32
    %and3A_1866 = vector.broadcast %and3A_1865 : i32 to vector<16xi32>
    %and3A_1867 = arith.andi %shift_right_logical3A_1864, %and3A_1866 : vector<16xi32>
    %mul3A_1868 = arith.constant 64 : i32
    %mul3A_1869 = vector.broadcast %mul3A_1868 : i32 to vector<16xi32>
    %mul3A_1870 = arith.muli %and3A_1867, %mul3A_1869 : vector<16xi32>
    %shift_right_logical3A_1871 = arith.constant 14 : i32
    %shift_right_logical3A_1872 = vector.broadcast %shift_right_logical3A_1871 : i32 to vector<16xi32>
    %shift_right_logical3A_1873 = arith.shrui %get3A_1861, %shift_right_logical3A_1872 : vector<16xi32>
    %and3A_1874 = arith.constant 1 : i32
    %and3A_1875 = vector.broadcast %and3A_1874 : i32 to vector<16xi32>
    %and3A_1876 = arith.andi %shift_right_logical3A_1873, %and3A_1875 : vector<16xi32>
    %mul3A_1877 = arith.constant 64 : i32
    %mul3A_1878 = vector.broadcast %mul3A_1877 : i32 to vector<16xi32>
    %mul3A_1879 = arith.muli %and3A_1876, %mul3A_1878 : vector<16xi32>
    %add3A_1880 = arith.constant 112 : i32
    %add3A_1881 = vector.broadcast %add3A_1880 : i32 to vector<16xi32>
    %add3A_1882 = arith.addi %add3A_1881, %iota3A : vector<16xi32>
    %broadcast_in_dim3A_1883 = arith.constant 0.000000e+00 : f32
    %broadcast_in_dim3A_1884 = vector.broadcast %broadcast_in_dim3A_1883 : f32 to vector<16xf32>
    %scan3A_1885 = arith.constant 0 : i32
    %scan3A_1886 = arith.constant 64 : i32
    %scan3A_1887 = arith.addi %scan3A_1885, %scan3A_1886 : i32
    %scan3A_1888 = arith.constant 1 : i32
    %scan3A_1889 = scf.for %scan3A_2595 = %scan3A_1885 to %scan3A_1887 step %scan3A_1888 iter_args(%scan3A_2596 = %broadcast_in_dim3A_1884) -> (vector<16xf32>)  : i32 {
      %add3A_2597 = vector.broadcast %scan3A_2595 : i32 to vector<16xi32>
      %add3A_2598 = arith.addi %mul3A_1870, %add3A_2597 : vector<16xi32>
      %gather3A = tpu.vector_load_idx %arg11[%broadcast_in_dim3A_1580, %add3A_1882, %add3A_2598] : memref<2x128x128xf32, #tpu.memory_space<vmem>>[vector<16xi32>, vector<16xi32>, vector<16xi32>], vector<16xf32>,
      %add3A_2599 = vector.broadcast %scan3A_2595 : i32 to vector<16xi32>
      %add3A_2600 = arith.addi %mul3A_1879, %add3A_2599 : vector<16xi32>
      %gather3A_2601 = tpu.vector_load_idx %arg12[%broadcast_in_dim3A_1580, %add3A_1882, %add3A_2600] : memref<2x128x128xf32, #tpu.memory_space<vmem>>[vector<16xi32>, vector<16xi32>, vector<16xi32>], vector<16xf32>,
      %mul3A_2602 = arith.mulf %gather3A, %gather3A_2601 : vector<16xf32>
      %add3A_2603 = arith.addf %scan3A_2596, %mul3A_2602 : vector<16xf32>
      scf.yield %add3A_2603 : vector<16xf32>
    }
    %scan3A_1890 = arith.constant 64 : i32
    %swap3A_1891 = arith.constant 240 : index
    %swap3A_1892 = tpu.vector_load %arg13[%swap3A_1891] {strides = array<i32>} : memref<512xf32, #tpu.memory_space<vmem>>, vector<16xf32>,
    tpu.vector_store %arg13[%swap3A_1891], %scan3A_1889 {strides = array<i32>} : memref<512xf32, #tpu.memory_space<vmem>>, vector<16xf32>,
    %dma_wait3A_1893 = arith.constant 2 : i32
    %dma_wait3A_1894 = arith.constant 0 : i32
    %dma_wait3A_1895 = arith.constant 0 : i32
    %dma_wait3A_1896 = arith.constant 0 : i32
    %dma_wait3A_1897 = tpu.memref_slice %arg11[%dma_wait3A_1894, %dma_wait3A_1895, %dma_wait3A_1896] : memref<2x128x128xf32, #tpu.memory_space<vmem>> -> memref<1x128x128xf32, #tpu.memory_space<vmem>>
    %dma_wait3A_1898 = tpu.memref_squeeze %dma_wait3A_1897 : memref<1x128x128xf32, #tpu.memory_space<vmem>> -> memref<128x128xf32, #tpu.memory_space<vmem>>
    %dma_wait3A_1899 = arith.constant 0 : i32
    %dma_wait3A_1900 = tpu.memref_slice %arg9[%dma_wait3A_1893, %dma_wait3A_1899] : memref<4x128xi32, #tpu.memory_space<vmem>> -> memref<1x128xi32, #tpu.memory_space<vmem>>
    %dma_wait3A_1901 = tpu.memref_squeeze %dma_wait3A_1900 : memref<1x128xi32, #tpu.memory_space<vmem>> -> memref<128xi32, #tpu.memory_space<vmem>>
    %dma_wait3A_1902 = arith.constant 0 : i32
    %dma_wait3A_1903 = arith.constant 0 : i32
    %dma_wait3A_1904 = tpu.memref_slice %arg4[%dma_wait3A_1902, %dma_wait3A_1903] : memref<507904x128xf32, #tpu.memory_space<hbm>> -> memref<507904x128xf32, #tpu.memory_space<hbm>>
    tpu.wait_indirect_dma semaphore(%arg14 : memref<!tpu.dma_semaphore, #tpu.memory_space<semaphore_mem>>) src(%dma_wait3A_1904 : memref<507904x128xf32, #tpu.memory_space<hbm>>) dst(%dma_wait3A_1898 : memref<128x128xf32, #tpu.memory_space<vmem>>)
    %dma_wait3A_1905 = arith.constant 2 : i32
    %dma_wait3A_1906 = arith.constant 0 : i32
    %dma_wait3A_1907 = arith.constant 0 : i32
    %dma_wait3A_1908 = arith.constant 0 : i32
    %dma_wait3A_1909 = tpu.memref_slice %arg12[%dma_wait3A_1906, %dma_wait3A_1907, %dma_wait3A_1908] : memref<2x128x128xf32, #tpu.memory_space<vmem>> -> memref<1x128x128xf32, #tpu.memory_space<vmem>>
    %dma_wait3A_1910 = tpu.memref_squeeze %dma_wait3A_1909 : memref<1x128x128xf32, #tpu.memory_space<vmem>> -> memref<128x128xf32, #tpu.memory_space<vmem>>
    %dma_wait3A_1911 = arith.constant 0 : i32
    %dma_wait3A_1912 = tpu.memref_slice %arg10[%dma_wait3A_1905, %dma_wait3A_1911] : memref<4x128xi32, #tpu.memory_space<vmem>> -> memref<1x128xi32, #tpu.memory_space<vmem>>
    %dma_wait3A_1913 = tpu.memref_squeeze %dma_wait3A_1912 : memref<1x128xi32, #tpu.memory_space<vmem>> -> memref<128xi32, #tpu.memory_space<vmem>>
    %dma_wait3A_1914 = arith.constant 0 : i32
    %dma_wait3A_1915 = arith.constant 0 : i32
    %dma_wait3A_1916 = tpu.memref_slice %arg5[%dma_wait3A_1914, %dma_wait3A_1915] : memref<507904x128xf32, #tpu.memory_space<hbm>> -> memref<507904x128xf32, #tpu.memory_space<hbm>>
    tpu.wait_indirect_dma semaphore(%arg14 : memref<!tpu.dma_semaphore, #tpu.memory_space<semaphore_mem>>) src(%dma_wait3A_1916 : memref<507904x128xf32, #tpu.memory_space<hbm>>) dst(%dma_wait3A_1910 : memref<128x128xf32, #tpu.memory_space<vmem>>)
    %dma_start3A_1917 = arith.constant 3 : i32
    %dma_start3A_1918 = arith.constant 1 : i32
    %dma_start3A_1919 = arith.constant 0 : i32
    %dma_start3A_1920 = arith.constant 0 : i32
    %dma_start3A_1921 = tpu.memref_slice %arg11[%dma_start3A_1918, %dma_start3A_1919, %dma_start3A_1920] : memref<2x128x128xf32, #tpu.memory_space<vmem>> -> memref<1x128x128xf32, #tpu.memory_space<vmem>>
    %dma_start3A_1922 = tpu.memref_squeeze %dma_start3A_1921 : memref<1x128x128xf32, #tpu.memory_space<vmem>> -> memref<128x128xf32, #tpu.memory_space<vmem>>
    %dma_start3A_1923 = arith.constant 0 : i32
    %dma_start3A_1924 = tpu.memref_slice %arg9[%dma_start3A_1917, %dma_start3A_1923] : memref<4x128xi32, #tpu.memory_space<vmem>> -> memref<1x128xi32, #tpu.memory_space<vmem>>
    %dma_start3A_1925 = tpu.memref_squeeze %dma_start3A_1924 : memref<1x128xi32, #tpu.memory_space<vmem>> -> memref<128xi32, #tpu.memory_space<vmem>>
    %dma_start3A_1926 = arith.constant 0 : i32
    %dma_start3A_1927 = arith.constant 0 : i32
    %dma_start3A_1928 = tpu.memref_slice %arg4[%dma_start3A_1926, %dma_start3A_1927] : memref<507904x128xf32, #tpu.memory_space<hbm>> -> memref<507904x128xf32, #tpu.memory_space<hbm>>
    tpu.enqueue_indirect_dma source(%dma_start3A_1928 : memref<507904x128xf32, #tpu.memory_space<hbm>>) target(%dma_start3A_1922 : memref<128x128xf32, #tpu.memory_space<vmem>>) offsets(%dma_start3A_1925 : memref<128xi32, #tpu.memory_space<vmem>>) semaphore(%arg14 : memref<!tpu.dma_semaphore, #tpu.memory_space<semaphore_mem>>)
    %dma_start3A_1929 = arith.constant 3 : i32
    %dma_start3A_1930 = arith.constant 1 : i32
    %dma_start3A_1931 = arith.constant 0 : i32
    %dma_start3A_1932 = arith.constant 0 : i32
    %dma_start3A_1933 = tpu.memref_slice %arg12[%dma_start3A_1930, %dma_start3A_1931, %dma_start3A_1932] : memref<2x128x128xf32, #tpu.memory_space<vmem>> -> memref<1x128x128xf32, #tpu.memory_space<vmem>>
    %dma_start3A_1934 = tpu.memref_squeeze %dma_start3A_1933 : memref<1x128x128xf32, #tpu.memory_space<vmem>> -> memref<128x128xf32, #tpu.memory_space<vmem>>
    %dma_start3A_1935 = arith.constant 0 : i32
    %dma_start3A_1936 = tpu.memref_slice %arg10[%dma_start3A_1929, %dma_start3A_1935] : memref<4x128xi32, #tpu.memory_space<vmem>> -> memref<1x128xi32, #tpu.memory_space<vmem>>
    %dma_start3A_1937 = tpu.memref_squeeze %dma_start3A_1936 : memref<1x128xi32, #tpu.memory_space<vmem>> -> memref<128xi32, #tpu.memory_space<vmem>>
    %dma_start3A_1938 = arith.constant 0 : i32
    %dma_start3A_1939 = arith.constant 0 : i32
    %dma_start3A_1940 = tpu.memref_slice %arg5[%dma_start3A_1938, %dma_start3A_1939] : memref<507904x128xf32, #tpu.memory_space<hbm>> -> memref<507904x128xf32, #tpu.memory_space<hbm>>
    tpu.enqueue_indirect_dma source(%dma_start3A_1940 : memref<507904x128xf32, #tpu.memory_space<hbm>>) target(%dma_start3A_1934 : memref<128x128xf32, #tpu.memory_space<vmem>>) offsets(%dma_start3A_1937 : memref<128xi32, #tpu.memory_space<vmem>>) semaphore(%arg14 : memref<!tpu.dma_semaphore, #tpu.memory_space<semaphore_mem>>)
    %broadcast_in_dim3A_1941 = arith.constant 0 : i32
    %broadcast_in_dim3A_1942 = vector.broadcast %broadcast_in_dim3A_1941 : i32 to vector<16xi32>
    %get3A_1943 = arith.constant 2 : i32
    %get3A_1944 = arith.index_cast %get3A_1943 : i32 to index
    %get3A_1945 = arith.constant 0 : index
    %get3A_1946 = tpu.vector_load %arg7[%get3A_1944, %get3A_1945] {strides = array<i32>} : memref<4x128xi32, #tpu.memory_space<vmem>>, vector<16xi32>,
    %get3A_1947 = arith.constant 2 : i32
    %get3A_1948 = arith.index_cast %get3A_1947 : i32 to index
    %get3A_1949 = arith.constant 0 : index
    %get3A_1950 = tpu.vector_load %arg8[%get3A_1948, %get3A_1949] {strides = array<i32>} : memref<4x128xi32, #tpu.memory_space<vmem>>, vector<16xi32>,
    %shift_right_logical3A_1951 = arith.constant 14 : i32
    %shift_right_logical3A_1952 = vector.broadcast %shift_right_logical3A_1951 : i32 to vector<16xi32>
    %shift_right_logical3A_1953 = arith.shrui %get3A_1946, %shift_right_logical3A_1952 : vector<16xi32>
    %and3A_1954 = arith.constant 1 : i32
    %and3A_1955 = vector.broadcast %and3A_1954 : i32 to vector<16xi32>
    %and3A_1956 = arith.andi %shift_right_logical3A_1953, %and3A_1955 : vector<16xi32>
    %mul3A_1957 = arith.constant 64 : i32
    %mul3A_1958 = vector.broadcast %mul3A_1957 : i32 to vector<16xi32>
    %mul3A_1959 = arith.muli %and3A_1956, %mul3A_1958 : vector<16xi32>
    %shift_right_logical3A_1960 = arith.constant 14 : i32
    %shift_right_logical3A_1961 = vector.broadcast %shift_right_logical3A_1960 : i32 to vector<16xi32>
    %shift_right_logical3A_1962 = arith.shrui %get3A_1950, %shift_right_logical3A_1961 : vector<16xi32>
    %and3A_1963 = arith.constant 1 : i32
    %and3A_1964 = vector.broadcast %and3A_1963 : i32 to vector<16xi32>
    %and3A_1965 = arith.andi %shift_right_logical3A_1962, %and3A_1964 : vector<16xi32>
    %mul3A_1966 = arith.constant 64 : i32
    %mul3A_1967 = vector.broadcast %mul3A_1966 : i32 to vector<16xi32>
    %mul3A_1968 = arith.muli %and3A_1965, %mul3A_1967 : vector<16xi32>
    %add3A_1969 = arith.constant 0 : i32
    %add3A_1970 = vector.broadcast %add3A_1969 : i32 to vector<16xi32>
    %add3A_1971 = arith.addi %add3A_1970, %iota3A : vector<16xi32>
    %broadcast_in_dim3A_1972 = arith.constant 0.000000e+00 : f32
    %broadcast_in_dim3A_1973 = vector.broadcast %broadcast_in_dim3A_1972 : f32 to vector<16xf32>
    %scan3A_1974 = arith.constant 0 : i32
    %scan3A_1975 = arith.constant 64 : i32
    %scan3A_1976 = arith.addi %scan3A_1974, %scan3A_1975 : i32
    %scan3A_1977 = arith.constant 1 : i32
    %scan3A_1978 = scf.for %scan3A_2595 = %scan3A_1974 to %scan3A_1976 step %scan3A_1977 iter_args(%scan3A_2596 = %broadcast_in_dim3A_1973) -> (vector<16xf32>)  : i32 {
      %add3A_2597 = vector.broadcast %scan3A_2595 : i32 to vector<16xi32>
      %add3A_2598 = arith.addi %mul3A_1959, %add3A_2597 : vector<16xi32>
      %gather3A = tpu.vector_load_idx %arg11[%broadcast_in_dim3A_1942, %add3A_1971, %add3A_2598] : memref<2x128x128xf32, #tpu.memory_space<vmem>>[vector<16xi32>, vector<16xi32>, vector<16xi32>], vector<16xf32>,
      %add3A_2599 = vector.broadcast %scan3A_2595 : i32 to vector<16xi32>
      %add3A_2600 = arith.addi %mul3A_1968, %add3A_2599 : vector<16xi32>
      %gather3A_2601 = tpu.vector_load_idx %arg12[%broadcast_in_dim3A_1942, %add3A_1971, %add3A_2600] : memref<2x128x128xf32, #tpu.memory_space<vmem>>[vector<16xi32>, vector<16xi32>, vector<16xi32>], vector<16xf32>,
      %mul3A_2602 = arith.mulf %gather3A, %gather3A_2601 : vector<16xf32>
      %add3A_2603 = arith.addf %scan3A_2596, %mul3A_2602 : vector<16xf32>
      scf.yield %add3A_2603 : vector<16xf32>
    }
    %scan3A_1979 = arith.constant 64 : i32
    %swap3A_1980 = arith.constant 256 : index
    %swap3A_1981 = tpu.vector_load %arg13[%swap3A_1980] {strides = array<i32>} : memref<512xf32, #tpu.memory_space<vmem>>, vector<16xf32>,
    tpu.vector_store %arg13[%swap3A_1980], %scan3A_1978 {strides = array<i32>} : memref<512xf32, #tpu.memory_space<vmem>>, vector<16xf32>,
    %get3A_1982 = arith.constant 2 : i32
    %get3A_1983 = arith.index_cast %get3A_1982 : i32 to index
    %get3A_1984 = arith.constant 16 : index
    %get3A_1985 = tpu.vector_load %arg7[%get3A_1983, %get3A_1984] {strides = array<i32>} : memref<4x128xi32, #tpu.memory_space<vmem>>, vector<16xi32>,
    %get3A_1986 = arith.constant 2 : i32
    %get3A_1987 = arith.index_cast %get3A_1986 : i32 to index
    %get3A_1988 = arith.constant 16 : index
    %get3A_1989 = tpu.vector_load %arg8[%get3A_1987, %get3A_1988] {strides = array<i32>} : memref<4x128xi32, #tpu.memory_space<vmem>>, vector<16xi32>,
    %shift_right_logical3A_1990 = arith.constant 14 : i32
    %shift_right_logical3A_1991 = vector.broadcast %shift_right_logical3A_1990 : i32 to vector<16xi32>
    %shift_right_logical3A_1992 = arith.shrui %get3A_1985, %shift_right_logical3A_1991 : vector<16xi32>
    %and3A_1993 = arith.constant 1 : i32
    %and3A_1994 = vector.broadcast %and3A_1993 : i32 to vector<16xi32>
    %and3A_1995 = arith.andi %shift_right_logical3A_1992, %and3A_1994 : vector<16xi32>
    %mul3A_1996 = arith.constant 64 : i32
    %mul3A_1997 = vector.broadcast %mul3A_1996 : i32 to vector<16xi32>
    %mul3A_1998 = arith.muli %and3A_1995, %mul3A_1997 : vector<16xi32>
    %shift_right_logical3A_1999 = arith.constant 14 : i32
    %shift_right_logical3A_2000 = vector.broadcast %shift_right_logical3A_1999 : i32 to vector<16xi32>
    %shift_right_logical3A_2001 = arith.shrui %get3A_1989, %shift_right_logical3A_2000 : vector<16xi32>
    %and3A_2002 = arith.constant 1 : i32
    %and3A_2003 = vector.broadcast %and3A_2002 : i32 to vector<16xi32>
    %and3A_2004 = arith.andi %shift_right_logical3A_2001, %and3A_2003 : vector<16xi32>
    %mul3A_2005 = arith.constant 64 : i32
    %mul3A_2006 = vector.broadcast %mul3A_2005 : i32 to vector<16xi32>
    %mul3A_2007 = arith.muli %and3A_2004, %mul3A_2006 : vector<16xi32>
    %add3A_2008 = arith.constant 16 : i32
    %add3A_2009 = vector.broadcast %add3A_2008 : i32 to vector<16xi32>
    %add3A_2010 = arith.addi %add3A_2009, %iota3A : vector<16xi32>
    %broadcast_in_dim3A_2011 = arith.constant 0.000000e+00 : f32
    %broadcast_in_dim3A_2012 = vector.broadcast %broadcast_in_dim3A_2011 : f32 to vector<16xf32>
    %scan3A_2013 = arith.constant 0 : i32
    %scan3A_2014 = arith.constant 64 : i32
    %scan3A_2015 = arith.addi %scan3A_2013, %scan3A_2014 : i32
    %scan3A_2016 = arith.constant 1 : i32
    %scan3A_2017 = scf.for %scan3A_2595 = %scan3A_2013 to %scan3A_2015 step %scan3A_2016 iter_args(%scan3A_2596 = %broadcast_in_dim3A_2012) -> (vector<16xf32>)  : i32 {
      %add3A_2597 = vector.broadcast %scan3A_2595 : i32 to vector<16xi32>
      %add3A_2598 = arith.addi %mul3A_1998, %add3A_2597 : vector<16xi32>
      %gather3A = tpu.vector_load_idx %arg11[%broadcast_in_dim3A_1942, %add3A_2010, %add3A_2598] : memref<2x128x128xf32, #tpu.memory_space<vmem>>[vector<16xi32>, vector<16xi32>, vector<16xi32>], vector<16xf32>,
      %add3A_2599 = vector.broadcast %scan3A_2595 : i32 to vector<16xi32>
      %add3A_2600 = arith.addi %mul3A_2007, %add3A_2599 : vector<16xi32>
      %gather3A_2601 = tpu.vector_load_idx %arg12[%broadcast_in_dim3A_1942, %add3A_2010, %add3A_2600] : memref<2x128x128xf32, #tpu.memory_space<vmem>>[vector<16xi32>, vector<16xi32>, vector<16xi32>], vector<16xf32>,
      %mul3A_2602 = arith.mulf %gather3A, %gather3A_2601 : vector<16xf32>
      %add3A_2603 = arith.addf %scan3A_2596, %mul3A_2602 : vector<16xf32>
      scf.yield %add3A_2603 : vector<16xf32>
    }
    %scan3A_2018 = arith.constant 64 : i32
    %swap3A_2019 = arith.constant 272 : index
    %swap3A_2020 = tpu.vector_load %arg13[%swap3A_2019] {strides = array<i32>} : memref<512xf32, #tpu.memory_space<vmem>>, vector<16xf32>,
    tpu.vector_store %arg13[%swap3A_2019], %scan3A_2017 {strides = array<i32>} : memref<512xf32, #tpu.memory_space<vmem>>, vector<16xf32>,
    %get3A_2021 = arith.constant 2 : i32
    %get3A_2022 = arith.index_cast %get3A_2021 : i32 to index
    %get3A_2023 = arith.constant 32 : index
    %get3A_2024 = tpu.vector_load %arg7[%get3A_2022, %get3A_2023] {strides = array<i32>} : memref<4x128xi32, #tpu.memory_space<vmem>>, vector<16xi32>,
    %get3A_2025 = arith.constant 2 : i32
    %get3A_2026 = arith.index_cast %get3A_2025 : i32 to index
    %get3A_2027 = arith.constant 32 : index
    %get3A_2028 = tpu.vector_load %arg8[%get3A_2026, %get3A_2027] {strides = array<i32>} : memref<4x128xi32, #tpu.memory_space<vmem>>, vector<16xi32>,
    %shift_right_logical3A_2029 = arith.constant 14 : i32
    %shift_right_logical3A_2030 = vector.broadcast %shift_right_logical3A_2029 : i32 to vector<16xi32>
    %shift_right_logical3A_2031 = arith.shrui %get3A_2024, %shift_right_logical3A_2030 : vector<16xi32>
    %and3A_2032 = arith.constant 1 : i32
    %and3A_2033 = vector.broadcast %and3A_2032 : i32 to vector<16xi32>
    %and3A_2034 = arith.andi %shift_right_logical3A_2031, %and3A_2033 : vector<16xi32>
    %mul3A_2035 = arith.constant 64 : i32
    %mul3A_2036 = vector.broadcast %mul3A_2035 : i32 to vector<16xi32>
    %mul3A_2037 = arith.muli %and3A_2034, %mul3A_2036 : vector<16xi32>
    %shift_right_logical3A_2038 = arith.constant 14 : i32
    %shift_right_logical3A_2039 = vector.broadcast %shift_right_logical3A_2038 : i32 to vector<16xi32>
    %shift_right_logical3A_2040 = arith.shrui %get3A_2028, %shift_right_logical3A_2039 : vector<16xi32>
    %and3A_2041 = arith.constant 1 : i32
    %and3A_2042 = vector.broadcast %and3A_2041 : i32 to vector<16xi32>
    %and3A_2043 = arith.andi %shift_right_logical3A_2040, %and3A_2042 : vector<16xi32>
    %mul3A_2044 = arith.constant 64 : i32
    %mul3A_2045 = vector.broadcast %mul3A_2044 : i32 to vector<16xi32>
    %mul3A_2046 = arith.muli %and3A_2043, %mul3A_2045 : vector<16xi32>
    %add3A_2047 = arith.constant 32 : i32
    %add3A_2048 = vector.broadcast %add3A_2047 : i32 to vector<16xi32>
    %add3A_2049 = arith.addi %add3A_2048, %iota3A : vector<16xi32>
    %broadcast_in_dim3A_2050 = arith.constant 0.000000e+00 : f32
    %broadcast_in_dim3A_2051 = vector.broadcast %broadcast_in_dim3A_2050 : f32 to vector<16xf32>
    %scan3A_2052 = arith.constant 0 : i32
    %scan3A_2053 = arith.constant 64 : i32
    %scan3A_2054 = arith.addi %scan3A_2052, %scan3A_2053 : i32
    %scan3A_2055 = arith.constant 1 : i32
    %scan3A_2056 = scf.for %scan3A_2595 = %scan3A_2052 to %scan3A_2054 step %scan3A_2055 iter_args(%scan3A_2596 = %broadcast_in_dim3A_2051) -> (vector<16xf32>)  : i32 {
      %add3A_2597 = vector.broadcast %scan3A_2595 : i32 to vector<16xi32>
      %add3A_2598 = arith.addi %mul3A_2037, %add3A_2597 : vector<16xi32>
      %gather3A = tpu.vector_load_idx %arg11[%broadcast_in_dim3A_1942, %add3A_2049, %add3A_2598] : memref<2x128x128xf32, #tpu.memory_space<vmem>>[vector<16xi32>, vector<16xi32>, vector<16xi32>], vector<16xf32>,
      %add3A_2599 = vector.broadcast %scan3A_2595 : i32 to vector<16xi32>
      %add3A_2600 = arith.addi %mul3A_2046, %add3A_2599 : vector<16xi32>
      %gather3A_2601 = tpu.vector_load_idx %arg12[%broadcast_in_dim3A_1942, %add3A_2049, %add3A_2600] : memref<2x128x128xf32, #tpu.memory_space<vmem>>[vector<16xi32>, vector<16xi32>, vector<16xi32>], vector<16xf32>,
      %mul3A_2602 = arith.mulf %gather3A, %gather3A_2601 : vector<16xf32>
      %add3A_2603 = arith.addf %scan3A_2596, %mul3A_2602 : vector<16xf32>
      scf.yield %add3A_2603 : vector<16xf32>
    }
    %scan3A_2057 = arith.constant 64 : i32
    %swap3A_2058 = arith.constant 288 : index
    %swap3A_2059 = tpu.vector_load %arg13[%swap3A_2058] {strides = array<i32>} : memref<512xf32, #tpu.memory_space<vmem>>, vector<16xf32>,
    tpu.vector_store %arg13[%swap3A_2058], %scan3A_2056 {strides = array<i32>} : memref<512xf32, #tpu.memory_space<vmem>>, vector<16xf32>,
    %get3A_2060 = arith.constant 2 : i32
    %get3A_2061 = arith.index_cast %get3A_2060 : i32 to index
    %get3A_2062 = arith.constant 48 : index
    %get3A_2063 = tpu.vector_load %arg7[%get3A_2061, %get3A_2062] {strides = array<i32>} : memref<4x128xi32, #tpu.memory_space<vmem>>, vector<16xi32>,
    %get3A_2064 = arith.constant 2 : i32
    %get3A_2065 = arith.index_cast %get3A_2064 : i32 to index
    %get3A_2066 = arith.constant 48 : index
    %get3A_2067 = tpu.vector_load %arg8[%get3A_2065, %get3A_2066] {strides = array<i32>} : memref<4x128xi32, #tpu.memory_space<vmem>>, vector<16xi32>,
    %shift_right_logical3A_2068 = arith.constant 14 : i32
    %shift_right_logical3A_2069 = vector.broadcast %shift_right_logical3A_2068 : i32 to vector<16xi32>
    %shift_right_logical3A_2070 = arith.shrui %get3A_2063, %shift_right_logical3A_2069 : vector<16xi32>
    %and3A_2071 = arith.constant 1 : i32
    %and3A_2072 = vector.broadcast %and3A_2071 : i32 to vector<16xi32>
    %and3A_2073 = arith.andi %shift_right_logical3A_2070, %and3A_2072 : vector<16xi32>
    %mul3A_2074 = arith.constant 64 : i32
    %mul3A_2075 = vector.broadcast %mul3A_2074 : i32 to vector<16xi32>
    %mul3A_2076 = arith.muli %and3A_2073, %mul3A_2075 : vector<16xi32>
    %shift_right_logical3A_2077 = arith.constant 14 : i32
    %shift_right_logical3A_2078 = vector.broadcast %shift_right_logical3A_2077 : i32 to vector<16xi32>
    %shift_right_logical3A_2079 = arith.shrui %get3A_2067, %shift_right_logical3A_2078 : vector<16xi32>
    %and3A_2080 = arith.constant 1 : i32
    %and3A_2081 = vector.broadcast %and3A_2080 : i32 to vector<16xi32>
    %and3A_2082 = arith.andi %shift_right_logical3A_2079, %and3A_2081 : vector<16xi32>
    %mul3A_2083 = arith.constant 64 : i32
    %mul3A_2084 = vector.broadcast %mul3A_2083 : i32 to vector<16xi32>
    %mul3A_2085 = arith.muli %and3A_2082, %mul3A_2084 : vector<16xi32>
    %add3A_2086 = arith.constant 48 : i32
    %add3A_2087 = vector.broadcast %add3A_2086 : i32 to vector<16xi32>
    %add3A_2088 = arith.addi %add3A_2087, %iota3A : vector<16xi32>
    %broadcast_in_dim3A_2089 = arith.constant 0.000000e+00 : f32
    %broadcast_in_dim3A_2090 = vector.broadcast %broadcast_in_dim3A_2089 : f32 to vector<16xf32>
    %scan3A_2091 = arith.constant 0 : i32
    %scan3A_2092 = arith.constant 64 : i32
    %scan3A_2093 = arith.addi %scan3A_2091, %scan3A_2092 : i32
    %scan3A_2094 = arith.constant 1 : i32
    %scan3A_2095 = scf.for %scan3A_2595 = %scan3A_2091 to %scan3A_2093 step %scan3A_2094 iter_args(%scan3A_2596 = %broadcast_in_dim3A_2090) -> (vector<16xf32>)  : i32 {
      %add3A_2597 = vector.broadcast %scan3A_2595 : i32 to vector<16xi32>
      %add3A_2598 = arith.addi %mul3A_2076, %add3A_2597 : vector<16xi32>
      %gather3A = tpu.vector_load_idx %arg11[%broadcast_in_dim3A_1942, %add3A_2088, %add3A_2598] : memref<2x128x128xf32, #tpu.memory_space<vmem>>[vector<16xi32>, vector<16xi32>, vector<16xi32>], vector<16xf32>,
      %add3A_2599 = vector.broadcast %scan3A_2595 : i32 to vector<16xi32>
      %add3A_2600 = arith.addi %mul3A_2085, %add3A_2599 : vector<16xi32>
      %gather3A_2601 = tpu.vector_load_idx %arg12[%broadcast_in_dim3A_1942, %add3A_2088, %add3A_2600] : memref<2x128x128xf32, #tpu.memory_space<vmem>>[vector<16xi32>, vector<16xi32>, vector<16xi32>], vector<16xf32>,
      %mul3A_2602 = arith.mulf %gather3A, %gather3A_2601 : vector<16xf32>
      %add3A_2603 = arith.addf %scan3A_2596, %mul3A_2602 : vector<16xf32>
      scf.yield %add3A_2603 : vector<16xf32>
    }
    %scan3A_2096 = arith.constant 64 : i32
    %swap3A_2097 = arith.constant 304 : index
    %swap3A_2098 = tpu.vector_load %arg13[%swap3A_2097] {strides = array<i32>} : memref<512xf32, #tpu.memory_space<vmem>>, vector<16xf32>,
    tpu.vector_store %arg13[%swap3A_2097], %scan3A_2095 {strides = array<i32>} : memref<512xf32, #tpu.memory_space<vmem>>, vector<16xf32>,
    %get3A_2099 = arith.constant 2 : i32
    %get3A_2100 = arith.index_cast %get3A_2099 : i32 to index
    %get3A_2101 = arith.constant 64 : index
    %get3A_2102 = tpu.vector_load %arg7[%get3A_2100, %get3A_2101] {strides = array<i32>} : memref<4x128xi32, #tpu.memory_space<vmem>>, vector<16xi32>,
    %get3A_2103 = arith.constant 2 : i32
    %get3A_2104 = arith.index_cast %get3A_2103 : i32 to index
    %get3A_2105 = arith.constant 64 : index
    %get3A_2106 = tpu.vector_load %arg8[%get3A_2104, %get3A_2105] {strides = array<i32>} : memref<4x128xi32, #tpu.memory_space<vmem>>, vector<16xi32>,
    %shift_right_logical3A_2107 = arith.constant 14 : i32
    %shift_right_logical3A_2108 = vector.broadcast %shift_right_logical3A_2107 : i32 to vector<16xi32>
    %shift_right_logical3A_2109 = arith.shrui %get3A_2102, %shift_right_logical3A_2108 : vector<16xi32>
    %and3A_2110 = arith.constant 1 : i32
    %and3A_2111 = vector.broadcast %and3A_2110 : i32 to vector<16xi32>
    %and3A_2112 = arith.andi %shift_right_logical3A_2109, %and3A_2111 : vector<16xi32>
    %mul3A_2113 = arith.constant 64 : i32
    %mul3A_2114 = vector.broadcast %mul3A_2113 : i32 to vector<16xi32>
    %mul3A_2115 = arith.muli %and3A_2112, %mul3A_2114 : vector<16xi32>
    %shift_right_logical3A_2116 = arith.constant 14 : i32
    %shift_right_logical3A_2117 = vector.broadcast %shift_right_logical3A_2116 : i32 to vector<16xi32>
    %shift_right_logical3A_2118 = arith.shrui %get3A_2106, %shift_right_logical3A_2117 : vector<16xi32>
    %and3A_2119 = arith.constant 1 : i32
    %and3A_2120 = vector.broadcast %and3A_2119 : i32 to vector<16xi32>
    %and3A_2121 = arith.andi %shift_right_logical3A_2118, %and3A_2120 : vector<16xi32>
    %mul3A_2122 = arith.constant 64 : i32
    %mul3A_2123 = vector.broadcast %mul3A_2122 : i32 to vector<16xi32>
    %mul3A_2124 = arith.muli %and3A_2121, %mul3A_2123 : vector<16xi32>
    %add3A_2125 = arith.constant 64 : i32
    %add3A_2126 = vector.broadcast %add3A_2125 : i32 to vector<16xi32>
    %add3A_2127 = arith.addi %add3A_2126, %iota3A : vector<16xi32>
    %broadcast_in_dim3A_2128 = arith.constant 0.000000e+00 : f32
    %broadcast_in_dim3A_2129 = vector.broadcast %broadcast_in_dim3A_2128 : f32 to vector<16xf32>
    %scan3A_2130 = arith.constant 0 : i32
    %scan3A_2131 = arith.constant 64 : i32
    %scan3A_2132 = arith.addi %scan3A_2130, %scan3A_2131 : i32
    %scan3A_2133 = arith.constant 1 : i32
    %scan3A_2134 = scf.for %scan3A_2595 = %scan3A_2130 to %scan3A_2132 step %scan3A_2133 iter_args(%scan3A_2596 = %broadcast_in_dim3A_2129) -> (vector<16xf32>)  : i32 {
      %add3A_2597 = vector.broadcast %scan3A_2595 : i32 to vector<16xi32>
      %add3A_2598 = arith.addi %mul3A_2115, %add3A_2597 : vector<16xi32>
      %gather3A = tpu.vector_load_idx %arg11[%broadcast_in_dim3A_1942, %add3A_2127, %add3A_2598] : memref<2x128x128xf32, #tpu.memory_space<vmem>>[vector<16xi32>, vector<16xi32>, vector<16xi32>], vector<16xf32>,
      %add3A_2599 = vector.broadcast %scan3A_2595 : i32 to vector<16xi32>
      %add3A_2600 = arith.addi %mul3A_2124, %add3A_2599 : vector<16xi32>
      %gather3A_2601 = tpu.vector_load_idx %arg12[%broadcast_in_dim3A_1942, %add3A_2127, %add3A_2600] : memref<2x128x128xf32, #tpu.memory_space<vmem>>[vector<16xi32>, vector<16xi32>, vector<16xi32>], vector<16xf32>,
      %mul3A_2602 = arith.mulf %gather3A, %gather3A_2601 : vector<16xf32>
      %add3A_2603 = arith.addf %scan3A_2596, %mul3A_2602 : vector<16xf32>
      scf.yield %add3A_2603 : vector<16xf32>
    }
    %scan3A_2135 = arith.constant 64 : i32
    %swap3A_2136 = arith.constant 320 : index
    %swap3A_2137 = tpu.vector_load %arg13[%swap3A_2136] {strides = array<i32>} : memref<512xf32, #tpu.memory_space<vmem>>, vector<16xf32>,
    tpu.vector_store %arg13[%swap3A_2136], %scan3A_2134 {strides = array<i32>} : memref<512xf32, #tpu.memory_space<vmem>>, vector<16xf32>,
    %get3A_2138 = arith.constant 2 : i32
    %get3A_2139 = arith.index_cast %get3A_2138 : i32 to index
    %get3A_2140 = arith.constant 80 : index
    %get3A_2141 = tpu.vector_load %arg7[%get3A_2139, %get3A_2140] {strides = array<i32>} : memref<4x128xi32, #tpu.memory_space<vmem>>, vector<16xi32>,
    %get3A_2142 = arith.constant 2 : i32
    %get3A_2143 = arith.index_cast %get3A_2142 : i32 to index
    %get3A_2144 = arith.constant 80 : index
    %get3A_2145 = tpu.vector_load %arg8[%get3A_2143, %get3A_2144] {strides = array<i32>} : memref<4x128xi32, #tpu.memory_space<vmem>>, vector<16xi32>,
    %shift_right_logical3A_2146 = arith.constant 14 : i32
    %shift_right_logical3A_2147 = vector.broadcast %shift_right_logical3A_2146 : i32 to vector<16xi32>
    %shift_right_logical3A_2148 = arith.shrui %get3A_2141, %shift_right_logical3A_2147 : vector<16xi32>
    %and3A_2149 = arith.constant 1 : i32
    %and3A_2150 = vector.broadcast %and3A_2149 : i32 to vector<16xi32>
    %and3A_2151 = arith.andi %shift_right_logical3A_2148, %and3A_2150 : vector<16xi32>
    %mul3A_2152 = arith.constant 64 : i32
    %mul3A_2153 = vector.broadcast %mul3A_2152 : i32 to vector<16xi32>
    %mul3A_2154 = arith.muli %and3A_2151, %mul3A_2153 : vector<16xi32>
    %shift_right_logical3A_2155 = arith.constant 14 : i32
    %shift_right_logical3A_2156 = vector.broadcast %shift_right_logical3A_2155 : i32 to vector<16xi32>
    %shift_right_logical3A_2157 = arith.shrui %get3A_2145, %shift_right_logical3A_2156 : vector<16xi32>
    %and3A_2158 = arith.constant 1 : i32
    %and3A_2159 = vector.broadcast %and3A_2158 : i32 to vector<16xi32>
    %and3A_2160 = arith.andi %shift_right_logical3A_2157, %and3A_2159 : vector<16xi32>
    %mul3A_2161 = arith.constant 64 : i32
    %mul3A_2162 = vector.broadcast %mul3A_2161 : i32 to vector<16xi32>
    %mul3A_2163 = arith.muli %and3A_2160, %mul3A_2162 : vector<16xi32>
    %add3A_2164 = arith.constant 80 : i32
    %add3A_2165 = vector.broadcast %add3A_2164 : i32 to vector<16xi32>
    %add3A_2166 = arith.addi %add3A_2165, %iota3A : vector<16xi32>
    %broadcast_in_dim3A_2167 = arith.constant 0.000000e+00 : f32
    %broadcast_in_dim3A_2168 = vector.broadcast %broadcast_in_dim3A_2167 : f32 to vector<16xf32>
    %scan3A_2169 = arith.constant 0 : i32
    %scan3A_2170 = arith.constant 64 : i32
    %scan3A_2171 = arith.addi %scan3A_2169, %scan3A_2170 : i32
    %scan3A_2172 = arith.constant 1 : i32
    %scan3A_2173 = scf.for %scan3A_2595 = %scan3A_2169 to %scan3A_2171 step %scan3A_2172 iter_args(%scan3A_2596 = %broadcast_in_dim3A_2168) -> (vector<16xf32>)  : i32 {
      %add3A_2597 = vector.broadcast %scan3A_2595 : i32 to vector<16xi32>
      %add3A_2598 = arith.addi %mul3A_2154, %add3A_2597 : vector<16xi32>
      %gather3A = tpu.vector_load_idx %arg11[%broadcast_in_dim3A_1942, %add3A_2166, %add3A_2598] : memref<2x128x128xf32, #tpu.memory_space<vmem>>[vector<16xi32>, vector<16xi32>, vector<16xi32>], vector<16xf32>,
      %add3A_2599 = vector.broadcast %scan3A_2595 : i32 to vector<16xi32>
      %add3A_2600 = arith.addi %mul3A_2163, %add3A_2599 : vector<16xi32>
      %gather3A_2601 = tpu.vector_load_idx %arg12[%broadcast_in_dim3A_1942, %add3A_2166, %add3A_2600] : memref<2x128x128xf32, #tpu.memory_space<vmem>>[vector<16xi32>, vector<16xi32>, vector<16xi32>], vector<16xf32>,
      %mul3A_2602 = arith.mulf %gather3A, %gather3A_2601 : vector<16xf32>
      %add3A_2603 = arith.addf %scan3A_2596, %mul3A_2602 : vector<16xf32>
      scf.yield %add3A_2603 : vector<16xf32>
    }
    %scan3A_2174 = arith.constant 64 : i32
    %swap3A_2175 = arith.constant 336 : index
    %swap3A_2176 = tpu.vector_load %arg13[%swap3A_2175] {strides = array<i32>} : memref<512xf32, #tpu.memory_space<vmem>>, vector<16xf32>,
    tpu.vector_store %arg13[%swap3A_2175], %scan3A_2173 {strides = array<i32>} : memref<512xf32, #tpu.memory_space<vmem>>, vector<16xf32>,
    %get3A_2177 = arith.constant 2 : i32
    %get3A_2178 = arith.index_cast %get3A_2177 : i32 to index
    %get3A_2179 = arith.constant 96 : index
    %get3A_2180 = tpu.vector_load %arg7[%get3A_2178, %get3A_2179] {strides = array<i32>} : memref<4x128xi32, #tpu.memory_space<vmem>>, vector<16xi32>,
    %get3A_2181 = arith.constant 2 : i32
    %get3A_2182 = arith.index_cast %get3A_2181 : i32 to index
    %get3A_2183 = arith.constant 96 : index
    %get3A_2184 = tpu.vector_load %arg8[%get3A_2182, %get3A_2183] {strides = array<i32>} : memref<4x128xi32, #tpu.memory_space<vmem>>, vector<16xi32>,
    %shift_right_logical3A_2185 = arith.constant 14 : i32
    %shift_right_logical3A_2186 = vector.broadcast %shift_right_logical3A_2185 : i32 to vector<16xi32>
    %shift_right_logical3A_2187 = arith.shrui %get3A_2180, %shift_right_logical3A_2186 : vector<16xi32>
    %and3A_2188 = arith.constant 1 : i32
    %and3A_2189 = vector.broadcast %and3A_2188 : i32 to vector<16xi32>
    %and3A_2190 = arith.andi %shift_right_logical3A_2187, %and3A_2189 : vector<16xi32>
    %mul3A_2191 = arith.constant 64 : i32
    %mul3A_2192 = vector.broadcast %mul3A_2191 : i32 to vector<16xi32>
    %mul3A_2193 = arith.muli %and3A_2190, %mul3A_2192 : vector<16xi32>
    %shift_right_logical3A_2194 = arith.constant 14 : i32
    %shift_right_logical3A_2195 = vector.broadcast %shift_right_logical3A_2194 : i32 to vector<16xi32>
    %shift_right_logical3A_2196 = arith.shrui %get3A_2184, %shift_right_logical3A_2195 : vector<16xi32>
    %and3A_2197 = arith.constant 1 : i32
    %and3A_2198 = vector.broadcast %and3A_2197 : i32 to vector<16xi32>
    %and3A_2199 = arith.andi %shift_right_logical3A_2196, %and3A_2198 : vector<16xi32>
    %mul3A_2200 = arith.constant 64 : i32
    %mul3A_2201 = vector.broadcast %mul3A_2200 : i32 to vector<16xi32>
    %mul3A_2202 = arith.muli %and3A_2199, %mul3A_2201 : vector<16xi32>
    %add3A_2203 = arith.constant 96 : i32
    %add3A_2204 = vector.broadcast %add3A_2203 : i32 to vector<16xi32>
    %add3A_2205 = arith.addi %add3A_2204, %iota3A : vector<16xi32>
    %broadcast_in_dim3A_2206 = arith.constant 0.000000e+00 : f32
    %broadcast_in_dim3A_2207 = vector.broadcast %broadcast_in_dim3A_2206 : f32 to vector<16xf32>
    %scan3A_2208 = arith.constant 0 : i32
    %scan3A_2209 = arith.constant 64 : i32
    %scan3A_2210 = arith.addi %scan3A_2208, %scan3A_2209 : i32
    %scan3A_2211 = arith.constant 1 : i32
    %scan3A_2212 = scf.for %scan3A_2595 = %scan3A_2208 to %scan3A_2210 step %scan3A_2211 iter_args(%scan3A_2596 = %broadcast_in_dim3A_2207) -> (vector<16xf32>)  : i32 {
      %add3A_2597 = vector.broadcast %scan3A_2595 : i32 to vector<16xi32>
      %add3A_2598 = arith.addi %mul3A_2193, %add3A_2597 : vector<16xi32>
      %gather3A = tpu.vector_load_idx %arg11[%broadcast_in_dim3A_1942, %add3A_2205, %add3A_2598] : memref<2x128x128xf32, #tpu.memory_space<vmem>>[vector<16xi32>, vector<16xi32>, vector<16xi32>], vector<16xf32>,
      %add3A_2599 = vector.broadcast %scan3A_2595 : i32 to vector<16xi32>
      %add3A_2600 = arith.addi %mul3A_2202, %add3A_2599 : vector<16xi32>
      %gather3A_2601 = tpu.vector_load_idx %arg12[%broadcast_in_dim3A_1942, %add3A_2205, %add3A_2600] : memref<2x128x128xf32, #tpu.memory_space<vmem>>[vector<16xi32>, vector<16xi32>, vector<16xi32>], vector<16xf32>,
      %mul3A_2602 = arith.mulf %gather3A, %gather3A_2601 : vector<16xf32>
      %add3A_2603 = arith.addf %scan3A_2596, %mul3A_2602 : vector<16xf32>
      scf.yield %add3A_2603 : vector<16xf32>
    }
    %scan3A_2213 = arith.constant 64 : i32
    %swap3A_2214 = arith.constant 352 : index
    %swap3A_2215 = tpu.vector_load %arg13[%swap3A_2214] {strides = array<i32>} : memref<512xf32, #tpu.memory_space<vmem>>, vector<16xf32>,
    tpu.vector_store %arg13[%swap3A_2214], %scan3A_2212 {strides = array<i32>} : memref<512xf32, #tpu.memory_space<vmem>>, vector<16xf32>,
    %get3A_2216 = arith.constant 2 : i32
    %get3A_2217 = arith.index_cast %get3A_2216 : i32 to index
    %get3A_2218 = arith.constant 112 : index
    %get3A_2219 = tpu.vector_load %arg7[%get3A_2217, %get3A_2218] {strides = array<i32>} : memref<4x128xi32, #tpu.memory_space<vmem>>, vector<16xi32>,
    %get3A_2220 = arith.constant 2 : i32
    %get3A_2221 = arith.index_cast %get3A_2220 : i32 to index
    %get3A_2222 = arith.constant 112 : index
    %get3A_2223 = tpu.vector_load %arg8[%get3A_2221, %get3A_2222] {strides = array<i32>} : memref<4x128xi32, #tpu.memory_space<vmem>>, vector<16xi32>,
    %shift_right_logical3A_2224 = arith.constant 14 : i32
    %shift_right_logical3A_2225 = vector.broadcast %shift_right_logical3A_2224 : i32 to vector<16xi32>
    %shift_right_logical3A_2226 = arith.shrui %get3A_2219, %shift_right_logical3A_2225 : vector<16xi32>
    %and3A_2227 = arith.constant 1 : i32
    %and3A_2228 = vector.broadcast %and3A_2227 : i32 to vector<16xi32>
    %and3A_2229 = arith.andi %shift_right_logical3A_2226, %and3A_2228 : vector<16xi32>
    %mul3A_2230 = arith.constant 64 : i32
    %mul3A_2231 = vector.broadcast %mul3A_2230 : i32 to vector<16xi32>
    %mul3A_2232 = arith.muli %and3A_2229, %mul3A_2231 : vector<16xi32>
    %shift_right_logical3A_2233 = arith.constant 14 : i32
    %shift_right_logical3A_2234 = vector.broadcast %shift_right_logical3A_2233 : i32 to vector<16xi32>
    %shift_right_logical3A_2235 = arith.shrui %get3A_2223, %shift_right_logical3A_2234 : vector<16xi32>
    %and3A_2236 = arith.constant 1 : i32
    %and3A_2237 = vector.broadcast %and3A_2236 : i32 to vector<16xi32>
    %and3A_2238 = arith.andi %shift_right_logical3A_2235, %and3A_2237 : vector<16xi32>
    %mul3A_2239 = arith.constant 64 : i32
    %mul3A_2240 = vector.broadcast %mul3A_2239 : i32 to vector<16xi32>
    %mul3A_2241 = arith.muli %and3A_2238, %mul3A_2240 : vector<16xi32>
    %add3A_2242 = arith.constant 112 : i32
    %add3A_2243 = vector.broadcast %add3A_2242 : i32 to vector<16xi32>
    %add3A_2244 = arith.addi %add3A_2243, %iota3A : vector<16xi32>
    %broadcast_in_dim3A_2245 = arith.constant 0.000000e+00 : f32
    %broadcast_in_dim3A_2246 = vector.broadcast %broadcast_in_dim3A_2245 : f32 to vector<16xf32>
    %scan3A_2247 = arith.constant 0 : i32
    %scan3A_2248 = arith.constant 64 : i32
    %scan3A_2249 = arith.addi %scan3A_2247, %scan3A_2248 : i32
    %scan3A_2250 = arith.constant 1 : i32
    %scan3A_2251 = scf.for %scan3A_2595 = %scan3A_2247 to %scan3A_2249 step %scan3A_2250 iter_args(%scan3A_2596 = %broadcast_in_dim3A_2246) -> (vector<16xf32>)  : i32 {
      %add3A_2597 = vector.broadcast %scan3A_2595 : i32 to vector<16xi32>
      %add3A_2598 = arith.addi %mul3A_2232, %add3A_2597 : vector<16xi32>
      %gather3A = tpu.vector_load_idx %arg11[%broadcast_in_dim3A_1942, %add3A_2244, %add3A_2598] : memref<2x128x128xf32, #tpu.memory_space<vmem>>[vector<16xi32>, vector<16xi32>, vector<16xi32>], vector<16xf32>,
      %add3A_2599 = vector.broadcast %scan3A_2595 : i32 to vector<16xi32>
      %add3A_2600 = arith.addi %mul3A_2241, %add3A_2599 : vector<16xi32>
      %gather3A_2601 = tpu.vector_load_idx %arg12[%broadcast_in_dim3A_1942, %add3A_2244, %add3A_2600] : memref<2x128x128xf32, #tpu.memory_space<vmem>>[vector<16xi32>, vector<16xi32>, vector<16xi32>], vector<16xf32>,
      %mul3A_2602 = arith.mulf %gather3A, %gather3A_2601 : vector<16xf32>
      %add3A_2603 = arith.addf %scan3A_2596, %mul3A_2602 : vector<16xf32>
      scf.yield %add3A_2603 : vector<16xf32>
    }
    %scan3A_2252 = arith.constant 64 : i32
    %swap3A_2253 = arith.constant 368 : index
    %swap3A_2254 = tpu.vector_load %arg13[%swap3A_2253] {strides = array<i32>} : memref<512xf32, #tpu.memory_space<vmem>>, vector<16xf32>,
    tpu.vector_store %arg13[%swap3A_2253], %scan3A_2251 {strides = array<i32>} : memref<512xf32, #tpu.memory_space<vmem>>, vector<16xf32>,
    %dma_wait3A_2255 = arith.constant 3 : i32
    %dma_wait3A_2256 = arith.constant 1 : i32
    %dma_wait3A_2257 = arith.constant 0 : i32
    %dma_wait3A_2258 = arith.constant 0 : i32
    %dma_wait3A_2259 = tpu.memref_slice %arg11[%dma_wait3A_2256, %dma_wait3A_2257, %dma_wait3A_2258] : memref<2x128x128xf32, #tpu.memory_space<vmem>> -> memref<1x128x128xf32, #tpu.memory_space<vmem>>
    %dma_wait3A_2260 = tpu.memref_squeeze %dma_wait3A_2259 : memref<1x128x128xf32, #tpu.memory_space<vmem>> -> memref<128x128xf32, #tpu.memory_space<vmem>>
    %dma_wait3A_2261 = arith.constant 0 : i32
    %dma_wait3A_2262 = tpu.memref_slice %arg9[%dma_wait3A_2255, %dma_wait3A_2261] : memref<4x128xi32, #tpu.memory_space<vmem>> -> memref<1x128xi32, #tpu.memory_space<vmem>>
    %dma_wait3A_2263 = tpu.memref_squeeze %dma_wait3A_2262 : memref<1x128xi32, #tpu.memory_space<vmem>> -> memref<128xi32, #tpu.memory_space<vmem>>
    %dma_wait3A_2264 = arith.constant 0 : i32
    %dma_wait3A_2265 = arith.constant 0 : i32
    %dma_wait3A_2266 = tpu.memref_slice %arg4[%dma_wait3A_2264, %dma_wait3A_2265] : memref<507904x128xf32, #tpu.memory_space<hbm>> -> memref<507904x128xf32, #tpu.memory_space<hbm>>
    tpu.wait_indirect_dma semaphore(%arg14 : memref<!tpu.dma_semaphore, #tpu.memory_space<semaphore_mem>>) src(%dma_wait3A_2266 : memref<507904x128xf32, #tpu.memory_space<hbm>>) dst(%dma_wait3A_2260 : memref<128x128xf32, #tpu.memory_space<vmem>>)
    %dma_wait3A_2267 = arith.constant 3 : i32
    %dma_wait3A_2268 = arith.constant 1 : i32
    %dma_wait3A_2269 = arith.constant 0 : i32
    %dma_wait3A_2270 = arith.constant 0 : i32
    %dma_wait3A_2271 = tpu.memref_slice %arg12[%dma_wait3A_2268, %dma_wait3A_2269, %dma_wait3A_2270] : memref<2x128x128xf32, #tpu.memory_space<vmem>> -> memref<1x128x128xf32, #tpu.memory_space<vmem>>
    %dma_wait3A_2272 = tpu.memref_squeeze %dma_wait3A_2271 : memref<1x128x128xf32, #tpu.memory_space<vmem>> -> memref<128x128xf32, #tpu.memory_space<vmem>>
    %dma_wait3A_2273 = arith.constant 0 : i32
    %dma_wait3A_2274 = tpu.memref_slice %arg10[%dma_wait3A_2267, %dma_wait3A_2273] : memref<4x128xi32, #tpu.memory_space<vmem>> -> memref<1x128xi32, #tpu.memory_space<vmem>>
    %dma_wait3A_2275 = tpu.memref_squeeze %dma_wait3A_2274 : memref<1x128xi32, #tpu.memory_space<vmem>> -> memref<128xi32, #tpu.memory_space<vmem>>
    %dma_wait3A_2276 = arith.constant 0 : i32
    %dma_wait3A_2277 = arith.constant 0 : i32
    %dma_wait3A_2278 = tpu.memref_slice %arg5[%dma_wait3A_2276, %dma_wait3A_2277] : memref<507904x128xf32, #tpu.memory_space<hbm>> -> memref<507904x128xf32, #tpu.memory_space<hbm>>
    tpu.wait_indirect_dma semaphore(%arg14 : memref<!tpu.dma_semaphore, #tpu.memory_space<semaphore_mem>>) src(%dma_wait3A_2278 : memref<507904x128xf32, #tpu.memory_space<hbm>>) dst(%dma_wait3A_2272 : memref<128x128xf32, #tpu.memory_space<vmem>>)
    %broadcast_in_dim3A_2279 = arith.constant 1 : i32
    %broadcast_in_dim3A_2280 = vector.broadcast %broadcast_in_dim3A_2279 : i32 to vector<16xi32>
    %get3A_2281 = arith.constant 3 : i32
    %get3A_2282 = arith.index_cast %get3A_2281 : i32 to index
    %get3A_2283 = arith.constant 0 : index
    %get3A_2284 = tpu.vector_load %arg7[%get3A_2282, %get3A_2283] {strides = array<i32>} : memref<4x128xi32, #tpu.memory_space<vmem>>, vector<16xi32>,
    %get3A_2285 = arith.constant 3 : i32
    %get3A_2286 = arith.index_cast %get3A_2285 : i32 to index
    %get3A_2287 = arith.constant 0 : index
    %get3A_2288 = tpu.vector_load %arg8[%get3A_2286, %get3A_2287] {strides = array<i32>} : memref<4x128xi32, #tpu.memory_space<vmem>>, vector<16xi32>,
    %shift_right_logical3A_2289 = arith.constant 14 : i32
    %shift_right_logical3A_2290 = vector.broadcast %shift_right_logical3A_2289 : i32 to vector<16xi32>
    %shift_right_logical3A_2291 = arith.shrui %get3A_2284, %shift_right_logical3A_2290 : vector<16xi32>
    %and3A_2292 = arith.constant 1 : i32
    %and3A_2293 = vector.broadcast %and3A_2292 : i32 to vector<16xi32>
    %and3A_2294 = arith.andi %shift_right_logical3A_2291, %and3A_2293 : vector<16xi32>
    %mul3A_2295 = arith.constant 64 : i32
    %mul3A_2296 = vector.broadcast %mul3A_2295 : i32 to vector<16xi32>
    %mul3A_2297 = arith.muli %and3A_2294, %mul3A_2296 : vector<16xi32>
    %shift_right_logical3A_2298 = arith.constant 14 : i32
    %shift_right_logical3A_2299 = vector.broadcast %shift_right_logical3A_2298 : i32 to vector<16xi32>
    %shift_right_logical3A_2300 = arith.shrui %get3A_2288, %shift_right_logical3A_2299 : vector<16xi32>
    %and3A_2301 = arith.constant 1 : i32
    %and3A_2302 = vector.broadcast %and3A_2301 : i32 to vector<16xi32>
    %and3A_2303 = arith.andi %shift_right_logical3A_2300, %and3A_2302 : vector<16xi32>
    %mul3A_2304 = arith.constant 64 : i32
    %mul3A_2305 = vector.broadcast %mul3A_2304 : i32 to vector<16xi32>
    %mul3A_2306 = arith.muli %and3A_2303, %mul3A_2305 : vector<16xi32>
    %add3A_2307 = arith.constant 0 : i32
    %add3A_2308 = vector.broadcast %add3A_2307 : i32 to vector<16xi32>
    %add3A_2309 = arith.addi %add3A_2308, %iota3A : vector<16xi32>
    %broadcast_in_dim3A_2310 = arith.constant 0.000000e+00 : f32
    %broadcast_in_dim3A_2311 = vector.broadcast %broadcast_in_dim3A_2310 : f32 to vector<16xf32>
    %scan3A_2312 = arith.constant 0 : i32
    %scan3A_2313 = arith.constant 64 : i32
    %scan3A_2314 = arith.addi %scan3A_2312, %scan3A_2313 : i32
    %scan3A_2315 = arith.constant 1 : i32
    %scan3A_2316 = scf.for %scan3A_2595 = %scan3A_2312 to %scan3A_2314 step %scan3A_2315 iter_args(%scan3A_2596 = %broadcast_in_dim3A_2311) -> (vector<16xf32>)  : i32 {
      %add3A_2597 = vector.broadcast %scan3A_2595 : i32 to vector<16xi32>
      %add3A_2598 = arith.addi %mul3A_2297, %add3A_2597 : vector<16xi32>
      %gather3A = tpu.vector_load_idx %arg11[%broadcast_in_dim3A_2280, %add3A_2309, %add3A_2598] : memref<2x128x128xf32, #tpu.memory_space<vmem>>[vector<16xi32>, vector<16xi32>, vector<16xi32>], vector<16xf32>,
      %add3A_2599 = vector.broadcast %scan3A_2595 : i32 to vector<16xi32>
      %add3A_2600 = arith.addi %mul3A_2306, %add3A_2599 : vector<16xi32>
      %gather3A_2601 = tpu.vector_load_idx %arg12[%broadcast_in_dim3A_2280, %add3A_2309, %add3A_2600] : memref<2x128x128xf32, #tpu.memory_space<vmem>>[vector<16xi32>, vector<16xi32>, vector<16xi32>], vector<16xf32>,
      %mul3A_2602 = arith.mulf %gather3A, %gather3A_2601 : vector<16xf32>
      %add3A_2603 = arith.addf %scan3A_2596, %mul3A_2602 : vector<16xf32>
      scf.yield %add3A_2603 : vector<16xf32>
    }
    %scan3A_2317 = arith.constant 64 : i32
    %swap3A_2318 = arith.constant 384 : index
    %swap3A_2319 = tpu.vector_load %arg13[%swap3A_2318] {strides = array<i32>} : memref<512xf32, #tpu.memory_space<vmem>>, vector<16xf32>,
    tpu.vector_store %arg13[%swap3A_2318], %scan3A_2316 {strides = array<i32>} : memref<512xf32, #tpu.memory_space<vmem>>, vector<16xf32>,
    %get3A_2320 = arith.constant 3 : i32
    %get3A_2321 = arith.index_cast %get3A_2320 : i32 to index
    %get3A_2322 = arith.constant 16 : index
    %get3A_2323 = tpu.vector_load %arg7[%get3A_2321, %get3A_2322] {strides = array<i32>} : memref<4x128xi32, #tpu.memory_space<vmem>>, vector<16xi32>,
    %get3A_2324 = arith.constant 3 : i32
    %get3A_2325 = arith.index_cast %get3A_2324 : i32 to index
    %get3A_2326 = arith.constant 16 : index
    %get3A_2327 = tpu.vector_load %arg8[%get3A_2325, %get3A_2326] {strides = array<i32>} : memref<4x128xi32, #tpu.memory_space<vmem>>, vector<16xi32>,
    %shift_right_logical3A_2328 = arith.constant 14 : i32
    %shift_right_logical3A_2329 = vector.broadcast %shift_right_logical3A_2328 : i32 to vector<16xi32>
    %shift_right_logical3A_2330 = arith.shrui %get3A_2323, %shift_right_logical3A_2329 : vector<16xi32>
    %and3A_2331 = arith.constant 1 : i32
    %and3A_2332 = vector.broadcast %and3A_2331 : i32 to vector<16xi32>
    %and3A_2333 = arith.andi %shift_right_logical3A_2330, %and3A_2332 : vector<16xi32>
    %mul3A_2334 = arith.constant 64 : i32
    %mul3A_2335 = vector.broadcast %mul3A_2334 : i32 to vector<16xi32>
    %mul3A_2336 = arith.muli %and3A_2333, %mul3A_2335 : vector<16xi32>
    %shift_right_logical3A_2337 = arith.constant 14 : i32
    %shift_right_logical3A_2338 = vector.broadcast %shift_right_logical3A_2337 : i32 to vector<16xi32>
    %shift_right_logical3A_2339 = arith.shrui %get3A_2327, %shift_right_logical3A_2338 : vector<16xi32>
    %and3A_2340 = arith.constant 1 : i32
    %and3A_2341 = vector.broadcast %and3A_2340 : i32 to vector<16xi32>
    %and3A_2342 = arith.andi %shift_right_logical3A_2339, %and3A_2341 : vector<16xi32>
    %mul3A_2343 = arith.constant 64 : i32
    %mul3A_2344 = vector.broadcast %mul3A_2343 : i32 to vector<16xi32>
    %mul3A_2345 = arith.muli %and3A_2342, %mul3A_2344 : vector<16xi32>
    %add3A_2346 = arith.constant 16 : i32
    %add3A_2347 = vector.broadcast %add3A_2346 : i32 to vector<16xi32>
    %add3A_2348 = arith.addi %add3A_2347, %iota3A : vector<16xi32>
    %broadcast_in_dim3A_2349 = arith.constant 0.000000e+00 : f32
    %broadcast_in_dim3A_2350 = vector.broadcast %broadcast_in_dim3A_2349 : f32 to vector<16xf32>
    %scan3A_2351 = arith.constant 0 : i32
    %scan3A_2352 = arith.constant 64 : i32
    %scan3A_2353 = arith.addi %scan3A_2351, %scan3A_2352 : i32
    %scan3A_2354 = arith.constant 1 : i32
    %scan3A_2355 = scf.for %scan3A_2595 = %scan3A_2351 to %scan3A_2353 step %scan3A_2354 iter_args(%scan3A_2596 = %broadcast_in_dim3A_2350) -> (vector<16xf32>)  : i32 {
      %add3A_2597 = vector.broadcast %scan3A_2595 : i32 to vector<16xi32>
      %add3A_2598 = arith.addi %mul3A_2336, %add3A_2597 : vector<16xi32>
      %gather3A = tpu.vector_load_idx %arg11[%broadcast_in_dim3A_2280, %add3A_2348, %add3A_2598] : memref<2x128x128xf32, #tpu.memory_space<vmem>>[vector<16xi32>, vector<16xi32>, vector<16xi32>], vector<16xf32>,
      %add3A_2599 = vector.broadcast %scan3A_2595 : i32 to vector<16xi32>
      %add3A_2600 = arith.addi %mul3A_2345, %add3A_2599 : vector<16xi32>
      %gather3A_2601 = tpu.vector_load_idx %arg12[%broadcast_in_dim3A_2280, %add3A_2348, %add3A_2600] : memref<2x128x128xf32, #tpu.memory_space<vmem>>[vector<16xi32>, vector<16xi32>, vector<16xi32>], vector<16xf32>,
      %mul3A_2602 = arith.mulf %gather3A, %gather3A_2601 : vector<16xf32>
      %add3A_2603 = arith.addf %scan3A_2596, %mul3A_2602 : vector<16xf32>
      scf.yield %add3A_2603 : vector<16xf32>
    }
    %scan3A_2356 = arith.constant 64 : i32
    %swap3A_2357 = arith.constant 400 : index
    %swap3A_2358 = tpu.vector_load %arg13[%swap3A_2357] {strides = array<i32>} : memref<512xf32, #tpu.memory_space<vmem>>, vector<16xf32>,
    tpu.vector_store %arg13[%swap3A_2357], %scan3A_2355 {strides = array<i32>} : memref<512xf32, #tpu.memory_space<vmem>>, vector<16xf32>,
    %get3A_2359 = arith.constant 3 : i32
    %get3A_2360 = arith.index_cast %get3A_2359 : i32 to index
    %get3A_2361 = arith.constant 32 : index
    %get3A_2362 = tpu.vector_load %arg7[%get3A_2360, %get3A_2361] {strides = array<i32>} : memref<4x128xi32, #tpu.memory_space<vmem>>, vector<16xi32>,
    %get3A_2363 = arith.constant 3 : i32
    %get3A_2364 = arith.index_cast %get3A_2363 : i32 to index
    %get3A_2365 = arith.constant 32 : index
    %get3A_2366 = tpu.vector_load %arg8[%get3A_2364, %get3A_2365] {strides = array<i32>} : memref<4x128xi32, #tpu.memory_space<vmem>>, vector<16xi32>,
    %shift_right_logical3A_2367 = arith.constant 14 : i32
    %shift_right_logical3A_2368 = vector.broadcast %shift_right_logical3A_2367 : i32 to vector<16xi32>
    %shift_right_logical3A_2369 = arith.shrui %get3A_2362, %shift_right_logical3A_2368 : vector<16xi32>
    %and3A_2370 = arith.constant 1 : i32
    %and3A_2371 = vector.broadcast %and3A_2370 : i32 to vector<16xi32>
    %and3A_2372 = arith.andi %shift_right_logical3A_2369, %and3A_2371 : vector<16xi32>
    %mul3A_2373 = arith.constant 64 : i32
    %mul3A_2374 = vector.broadcast %mul3A_2373 : i32 to vector<16xi32>
    %mul3A_2375 = arith.muli %and3A_2372, %mul3A_2374 : vector<16xi32>
    %shift_right_logical3A_2376 = arith.constant 14 : i32
    %shift_right_logical3A_2377 = vector.broadcast %shift_right_logical3A_2376 : i32 to vector<16xi32>
    %shift_right_logical3A_2378 = arith.shrui %get3A_2366, %shift_right_logical3A_2377 : vector<16xi32>
    %and3A_2379 = arith.constant 1 : i32
    %and3A_2380 = vector.broadcast %and3A_2379 : i32 to vector<16xi32>
    %and3A_2381 = arith.andi %shift_right_logical3A_2378, %and3A_2380 : vector<16xi32>
    %mul3A_2382 = arith.constant 64 : i32
    %mul3A_2383 = vector.broadcast %mul3A_2382 : i32 to vector<16xi32>
    %mul3A_2384 = arith.muli %and3A_2381, %mul3A_2383 : vector<16xi32>
    %add3A_2385 = arith.constant 32 : i32
    %add3A_2386 = vector.broadcast %add3A_2385 : i32 to vector<16xi32>
    %add3A_2387 = arith.addi %add3A_2386, %iota3A : vector<16xi32>
    %broadcast_in_dim3A_2388 = arith.constant 0.000000e+00 : f32
    %broadcast_in_dim3A_2389 = vector.broadcast %broadcast_in_dim3A_2388 : f32 to vector<16xf32>
    %scan3A_2390 = arith.constant 0 : i32
    %scan3A_2391 = arith.constant 64 : i32
    %scan3A_2392 = arith.addi %scan3A_2390, %scan3A_2391 : i32
    %scan3A_2393 = arith.constant 1 : i32
    %scan3A_2394 = scf.for %scan3A_2595 = %scan3A_2390 to %scan3A_2392 step %scan3A_2393 iter_args(%scan3A_2596 = %broadcast_in_dim3A_2389) -> (vector<16xf32>)  : i32 {
      %add3A_2597 = vector.broadcast %scan3A_2595 : i32 to vector<16xi32>
      %add3A_2598 = arith.addi %mul3A_2375, %add3A_2597 : vector<16xi32>
      %gather3A = tpu.vector_load_idx %arg11[%broadcast_in_dim3A_2280, %add3A_2387, %add3A_2598] : memref<2x128x128xf32, #tpu.memory_space<vmem>>[vector<16xi32>, vector<16xi32>, vector<16xi32>], vector<16xf32>,
      %add3A_2599 = vector.broadcast %scan3A_2595 : i32 to vector<16xi32>
      %add3A_2600 = arith.addi %mul3A_2384, %add3A_2599 : vector<16xi32>
      %gather3A_2601 = tpu.vector_load_idx %arg12[%broadcast_in_dim3A_2280, %add3A_2387, %add3A_2600] : memref<2x128x128xf32, #tpu.memory_space<vmem>>[vector<16xi32>, vector<16xi32>, vector<16xi32>], vector<16xf32>,
      %mul3A_2602 = arith.mulf %gather3A, %gather3A_2601 : vector<16xf32>
      %add3A_2603 = arith.addf %scan3A_2596, %mul3A_2602 : vector<16xf32>
      scf.yield %add3A_2603 : vector<16xf32>
    }
    %scan3A_2395 = arith.constant 64 : i32
    %swap3A_2396 = arith.constant 416 : index
    %swap3A_2397 = tpu.vector_load %arg13[%swap3A_2396] {strides = array<i32>} : memref<512xf32, #tpu.memory_space<vmem>>, vector<16xf32>,
    tpu.vector_store %arg13[%swap3A_2396], %scan3A_2394 {strides = array<i32>} : memref<512xf32, #tpu.memory_space<vmem>>, vector<16xf32>,
    %get3A_2398 = arith.constant 3 : i32
    %get3A_2399 = arith.index_cast %get3A_2398 : i32 to index
    %get3A_2400 = arith.constant 48 : index
    %get3A_2401 = tpu.vector_load %arg7[%get3A_2399, %get3A_2400] {strides = array<i32>} : memref<4x128xi32, #tpu.memory_space<vmem>>, vector<16xi32>,
    %get3A_2402 = arith.constant 3 : i32
    %get3A_2403 = arith.index_cast %get3A_2402 : i32 to index
    %get3A_2404 = arith.constant 48 : index
    %get3A_2405 = tpu.vector_load %arg8[%get3A_2403, %get3A_2404] {strides = array<i32>} : memref<4x128xi32, #tpu.memory_space<vmem>>, vector<16xi32>,
    %shift_right_logical3A_2406 = arith.constant 14 : i32
    %shift_right_logical3A_2407 = vector.broadcast %shift_right_logical3A_2406 : i32 to vector<16xi32>
    %shift_right_logical3A_2408 = arith.shrui %get3A_2401, %shift_right_logical3A_2407 : vector<16xi32>
    %and3A_2409 = arith.constant 1 : i32
    %and3A_2410 = vector.broadcast %and3A_2409 : i32 to vector<16xi32>
    %and3A_2411 = arith.andi %shift_right_logical3A_2408, %and3A_2410 : vector<16xi32>
    %mul3A_2412 = arith.constant 64 : i32
    %mul3A_2413 = vector.broadcast %mul3A_2412 : i32 to vector<16xi32>
    %mul3A_2414 = arith.muli %and3A_2411, %mul3A_2413 : vector<16xi32>
    %shift_right_logical3A_2415 = arith.constant 14 : i32
    %shift_right_logical3A_2416 = vector.broadcast %shift_right_logical3A_2415 : i32 to vector<16xi32>
    %shift_right_logical3A_2417 = arith.shrui %get3A_2405, %shift_right_logical3A_2416 : vector<16xi32>
    %and3A_2418 = arith.constant 1 : i32
    %and3A_2419 = vector.broadcast %and3A_2418 : i32 to vector<16xi32>
    %and3A_2420 = arith.andi %shift_right_logical3A_2417, %and3A_2419 : vector<16xi32>
    %mul3A_2421 = arith.constant 64 : i32
    %mul3A_2422 = vector.broadcast %mul3A_2421 : i32 to vector<16xi32>
    %mul3A_2423 = arith.muli %and3A_2420, %mul3A_2422 : vector<16xi32>
    %add3A_2424 = arith.constant 48 : i32
    %add3A_2425 = vector.broadcast %add3A_2424 : i32 to vector<16xi32>
    %add3A_2426 = arith.addi %add3A_2425, %iota3A : vector<16xi32>
    %broadcast_in_dim3A_2427 = arith.constant 0.000000e+00 : f32
    %broadcast_in_dim3A_2428 = vector.broadcast %broadcast_in_dim3A_2427 : f32 to vector<16xf32>
    %scan3A_2429 = arith.constant 0 : i32
    %scan3A_2430 = arith.constant 64 : i32
    %scan3A_2431 = arith.addi %scan3A_2429, %scan3A_2430 : i32
    %scan3A_2432 = arith.constant 1 : i32
    %scan3A_2433 = scf.for %scan3A_2595 = %scan3A_2429 to %scan3A_2431 step %scan3A_2432 iter_args(%scan3A_2596 = %broadcast_in_dim3A_2428) -> (vector<16xf32>)  : i32 {
      %add3A_2597 = vector.broadcast %scan3A_2595 : i32 to vector<16xi32>
      %add3A_2598 = arith.addi %mul3A_2414, %add3A_2597 : vector<16xi32>
      %gather3A = tpu.vector_load_idx %arg11[%broadcast_in_dim3A_2280, %add3A_2426, %add3A_2598] : memref<2x128x128xf32, #tpu.memory_space<vmem>>[vector<16xi32>, vector<16xi32>, vector<16xi32>], vector<16xf32>,
      %add3A_2599 = vector.broadcast %scan3A_2595 : i32 to vector<16xi32>
      %add3A_2600 = arith.addi %mul3A_2423, %add3A_2599 : vector<16xi32>
      %gather3A_2601 = tpu.vector_load_idx %arg12[%broadcast_in_dim3A_2280, %add3A_2426, %add3A_2600] : memref<2x128x128xf32, #tpu.memory_space<vmem>>[vector<16xi32>, vector<16xi32>, vector<16xi32>], vector<16xf32>,
      %mul3A_2602 = arith.mulf %gather3A, %gather3A_2601 : vector<16xf32>
      %add3A_2603 = arith.addf %scan3A_2596, %mul3A_2602 : vector<16xf32>
      scf.yield %add3A_2603 : vector<16xf32>
    }
    %scan3A_2434 = arith.constant 64 : i32
    %swap3A_2435 = arith.constant 432 : index
    %swap3A_2436 = tpu.vector_load %arg13[%swap3A_2435] {strides = array<i32>} : memref<512xf32, #tpu.memory_space<vmem>>, vector<16xf32>,
    tpu.vector_store %arg13[%swap3A_2435], %scan3A_2433 {strides = array<i32>} : memref<512xf32, #tpu.memory_space<vmem>>, vector<16xf32>,
    %get3A_2437 = arith.constant 3 : i32
    %get3A_2438 = arith.index_cast %get3A_2437 : i32 to index
    %get3A_2439 = arith.constant 64 : index
    %get3A_2440 = tpu.vector_load %arg7[%get3A_2438, %get3A_2439] {strides = array<i32>} : memref<4x128xi32, #tpu.memory_space<vmem>>, vector<16xi32>,
    %get3A_2441 = arith.constant 3 : i32
    %get3A_2442 = arith.index_cast %get3A_2441 : i32 to index
    %get3A_2443 = arith.constant 64 : index
    %get3A_2444 = tpu.vector_load %arg8[%get3A_2442, %get3A_2443] {strides = array<i32>} : memref<4x128xi32, #tpu.memory_space<vmem>>, vector<16xi32>,
    %shift_right_logical3A_2445 = arith.constant 14 : i32
    %shift_right_logical3A_2446 = vector.broadcast %shift_right_logical3A_2445 : i32 to vector<16xi32>
    %shift_right_logical3A_2447 = arith.shrui %get3A_2440, %shift_right_logical3A_2446 : vector<16xi32>
    %and3A_2448 = arith.constant 1 : i32
    %and3A_2449 = vector.broadcast %and3A_2448 : i32 to vector<16xi32>
    %and3A_2450 = arith.andi %shift_right_logical3A_2447, %and3A_2449 : vector<16xi32>
    %mul3A_2451 = arith.constant 64 : i32
    %mul3A_2452 = vector.broadcast %mul3A_2451 : i32 to vector<16xi32>
    %mul3A_2453 = arith.muli %and3A_2450, %mul3A_2452 : vector<16xi32>
    %shift_right_logical3A_2454 = arith.constant 14 : i32
    %shift_right_logical3A_2455 = vector.broadcast %shift_right_logical3A_2454 : i32 to vector<16xi32>
    %shift_right_logical3A_2456 = arith.shrui %get3A_2444, %shift_right_logical3A_2455 : vector<16xi32>
    %and3A_2457 = arith.constant 1 : i32
    %and3A_2458 = vector.broadcast %and3A_2457 : i32 to vector<16xi32>
    %and3A_2459 = arith.andi %shift_right_logical3A_2456, %and3A_2458 : vector<16xi32>
    %mul3A_2460 = arith.constant 64 : i32
    %mul3A_2461 = vector.broadcast %mul3A_2460 : i32 to vector<16xi32>
    %mul3A_2462 = arith.muli %and3A_2459, %mul3A_2461 : vector<16xi32>
    %add3A_2463 = arith.constant 64 : i32
    %add3A_2464 = vector.broadcast %add3A_2463 : i32 to vector<16xi32>
    %add3A_2465 = arith.addi %add3A_2464, %iota3A : vector<16xi32>
    %broadcast_in_dim3A_2466 = arith.constant 0.000000e+00 : f32
    %broadcast_in_dim3A_2467 = vector.broadcast %broadcast_in_dim3A_2466 : f32 to vector<16xf32>
    %scan3A_2468 = arith.constant 0 : i32
    %scan3A_2469 = arith.constant 64 : i32
    %scan3A_2470 = arith.addi %scan3A_2468, %scan3A_2469 : i32
    %scan3A_2471 = arith.constant 1 : i32
    %scan3A_2472 = scf.for %scan3A_2595 = %scan3A_2468 to %scan3A_2470 step %scan3A_2471 iter_args(%scan3A_2596 = %broadcast_in_dim3A_2467) -> (vector<16xf32>)  : i32 {
      %add3A_2597 = vector.broadcast %scan3A_2595 : i32 to vector<16xi32>
      %add3A_2598 = arith.addi %mul3A_2453, %add3A_2597 : vector<16xi32>
      %gather3A = tpu.vector_load_idx %arg11[%broadcast_in_dim3A_2280, %add3A_2465, %add3A_2598] : memref<2x128x128xf32, #tpu.memory_space<vmem>>[vector<16xi32>, vector<16xi32>, vector<16xi32>], vector<16xf32>,
      %add3A_2599 = vector.broadcast %scan3A_2595 : i32 to vector<16xi32>
      %add3A_2600 = arith.addi %mul3A_2462, %add3A_2599 : vector<16xi32>
      %gather3A_2601 = tpu.vector_load_idx %arg12[%broadcast_in_dim3A_2280, %add3A_2465, %add3A_2600] : memref<2x128x128xf32, #tpu.memory_space<vmem>>[vector<16xi32>, vector<16xi32>, vector<16xi32>], vector<16xf32>,
      %mul3A_2602 = arith.mulf %gather3A, %gather3A_2601 : vector<16xf32>
      %add3A_2603 = arith.addf %scan3A_2596, %mul3A_2602 : vector<16xf32>
      scf.yield %add3A_2603 : vector<16xf32>
    }
    %scan3A_2473 = arith.constant 64 : i32
    %swap3A_2474 = arith.constant 448 : index
    %swap3A_2475 = tpu.vector_load %arg13[%swap3A_2474] {strides = array<i32>} : memref<512xf32, #tpu.memory_space<vmem>>, vector<16xf32>,
    tpu.vector_store %arg13[%swap3A_2474], %scan3A_2472 {strides = array<i32>} : memref<512xf32, #tpu.memory_space<vmem>>, vector<16xf32>,
    %get3A_2476 = arith.constant 3 : i32
    %get3A_2477 = arith.index_cast %get3A_2476 : i32 to index
    %get3A_2478 = arith.constant 80 : index
    %get3A_2479 = tpu.vector_load %arg7[%get3A_2477, %get3A_2478] {strides = array<i32>} : memref<4x128xi32, #tpu.memory_space<vmem>>, vector<16xi32>,
    %get3A_2480 = arith.constant 3 : i32
    %get3A_2481 = arith.index_cast %get3A_2480 : i32 to index
    %get3A_2482 = arith.constant 80 : index
    %get3A_2483 = tpu.vector_load %arg8[%get3A_2481, %get3A_2482] {strides = array<i32>} : memref<4x128xi32, #tpu.memory_space<vmem>>, vector<16xi32>,
    %shift_right_logical3A_2484 = arith.constant 14 : i32
    %shift_right_logical3A_2485 = vector.broadcast %shift_right_logical3A_2484 : i32 to vector<16xi32>
    %shift_right_logical3A_2486 = arith.shrui %get3A_2479, %shift_right_logical3A_2485 : vector<16xi32>
    %and3A_2487 = arith.constant 1 : i32
    %and3A_2488 = vector.broadcast %and3A_2487 : i32 to vector<16xi32>
    %and3A_2489 = arith.andi %shift_right_logical3A_2486, %and3A_2488 : vector<16xi32>
    %mul3A_2490 = arith.constant 64 : i32
    %mul3A_2491 = vector.broadcast %mul3A_2490 : i32 to vector<16xi32>
    %mul3A_2492 = arith.muli %and3A_2489, %mul3A_2491 : vector<16xi32>
    %shift_right_logical3A_2493 = arith.constant 14 : i32
    %shift_right_logical3A_2494 = vector.broadcast %shift_right_logical3A_2493 : i32 to vector<16xi32>
    %shift_right_logical3A_2495 = arith.shrui %get3A_2483, %shift_right_logical3A_2494 : vector<16xi32>
    %and3A_2496 = arith.constant 1 : i32
    %and3A_2497 = vector.broadcast %and3A_2496 : i32 to vector<16xi32>
    %and3A_2498 = arith.andi %shift_right_logical3A_2495, %and3A_2497 : vector<16xi32>
    %mul3A_2499 = arith.constant 64 : i32
    %mul3A_2500 = vector.broadcast %mul3A_2499 : i32 to vector<16xi32>
    %mul3A_2501 = arith.muli %and3A_2498, %mul3A_2500 : vector<16xi32>
    %add3A_2502 = arith.constant 80 : i32
    %add3A_2503 = vector.broadcast %add3A_2502 : i32 to vector<16xi32>
    %add3A_2504 = arith.addi %add3A_2503, %iota3A : vector<16xi32>
    %broadcast_in_dim3A_2505 = arith.constant 0.000000e+00 : f32
    %broadcast_in_dim3A_2506 = vector.broadcast %broadcast_in_dim3A_2505 : f32 to vector<16xf32>
    %scan3A_2507 = arith.constant 0 : i32
    %scan3A_2508 = arith.constant 64 : i32
    %scan3A_2509 = arith.addi %scan3A_2507, %scan3A_2508 : i32
    %scan3A_2510 = arith.constant 1 : i32
    %scan3A_2511 = scf.for %scan3A_2595 = %scan3A_2507 to %scan3A_2509 step %scan3A_2510 iter_args(%scan3A_2596 = %broadcast_in_dim3A_2506) -> (vector<16xf32>)  : i32 {
      %add3A_2597 = vector.broadcast %scan3A_2595 : i32 to vector<16xi32>
      %add3A_2598 = arith.addi %mul3A_2492, %add3A_2597 : vector<16xi32>
      %gather3A = tpu.vector_load_idx %arg11[%broadcast_in_dim3A_2280, %add3A_2504, %add3A_2598] : memref<2x128x128xf32, #tpu.memory_space<vmem>>[vector<16xi32>, vector<16xi32>, vector<16xi32>], vector<16xf32>,
      %add3A_2599 = vector.broadcast %scan3A_2595 : i32 to vector<16xi32>
      %add3A_2600 = arith.addi %mul3A_2501, %add3A_2599 : vector<16xi32>
      %gather3A_2601 = tpu.vector_load_idx %arg12[%broadcast_in_dim3A_2280, %add3A_2504, %add3A_2600] : memref<2x128x128xf32, #tpu.memory_space<vmem>>[vector<16xi32>, vector<16xi32>, vector<16xi32>], vector<16xf32>,
      %mul3A_2602 = arith.mulf %gather3A, %gather3A_2601 : vector<16xf32>
      %add3A_2603 = arith.addf %scan3A_2596, %mul3A_2602 : vector<16xf32>
      scf.yield %add3A_2603 : vector<16xf32>
    }
    %scan3A_2512 = arith.constant 64 : i32
    %swap3A_2513 = arith.constant 464 : index
    %swap3A_2514 = tpu.vector_load %arg13[%swap3A_2513] {strides = array<i32>} : memref<512xf32, #tpu.memory_space<vmem>>, vector<16xf32>,
    tpu.vector_store %arg13[%swap3A_2513], %scan3A_2511 {strides = array<i32>} : memref<512xf32, #tpu.memory_space<vmem>>, vector<16xf32>,
    %get3A_2515 = arith.constant 3 : i32
    %get3A_2516 = arith.index_cast %get3A_2515 : i32 to index
    %get3A_2517 = arith.constant 96 : index
    %get3A_2518 = tpu.vector_load %arg7[%get3A_2516, %get3A_2517] {strides = array<i32>} : memref<4x128xi32, #tpu.memory_space<vmem>>, vector<16xi32>,
    %get3A_2519 = arith.constant 3 : i32
    %get3A_2520 = arith.index_cast %get3A_2519 : i32 to index
    %get3A_2521 = arith.constant 96 : index
    %get3A_2522 = tpu.vector_load %arg8[%get3A_2520, %get3A_2521] {strides = array<i32>} : memref<4x128xi32, #tpu.memory_space<vmem>>, vector<16xi32>,
    %shift_right_logical3A_2523 = arith.constant 14 : i32
    %shift_right_logical3A_2524 = vector.broadcast %shift_right_logical3A_2523 : i32 to vector<16xi32>
    %shift_right_logical3A_2525 = arith.shrui %get3A_2518, %shift_right_logical3A_2524 : vector<16xi32>
    %and3A_2526 = arith.constant 1 : i32
    %and3A_2527 = vector.broadcast %and3A_2526 : i32 to vector<16xi32>
    %and3A_2528 = arith.andi %shift_right_logical3A_2525, %and3A_2527 : vector<16xi32>
    %mul3A_2529 = arith.constant 64 : i32
    %mul3A_2530 = vector.broadcast %mul3A_2529 : i32 to vector<16xi32>
    %mul3A_2531 = arith.muli %and3A_2528, %mul3A_2530 : vector<16xi32>
    %shift_right_logical3A_2532 = arith.constant 14 : i32
    %shift_right_logical3A_2533 = vector.broadcast %shift_right_logical3A_2532 : i32 to vector<16xi32>
    %shift_right_logical3A_2534 = arith.shrui %get3A_2522, %shift_right_logical3A_2533 : vector<16xi32>
    %and3A_2535 = arith.constant 1 : i32
    %and3A_2536 = vector.broadcast %and3A_2535 : i32 to vector<16xi32>
    %and3A_2537 = arith.andi %shift_right_logical3A_2534, %and3A_2536 : vector<16xi32>
    %mul3A_2538 = arith.constant 64 : i32
    %mul3A_2539 = vector.broadcast %mul3A_2538 : i32 to vector<16xi32>
    %mul3A_2540 = arith.muli %and3A_2537, %mul3A_2539 : vector<16xi32>
    %add3A_2541 = arith.constant 96 : i32
    %add3A_2542 = vector.broadcast %add3A_2541 : i32 to vector<16xi32>
    %add3A_2543 = arith.addi %add3A_2542, %iota3A : vector<16xi32>
    %broadcast_in_dim3A_2544 = arith.constant 0.000000e+00 : f32
    %broadcast_in_dim3A_2545 = vector.broadcast %broadcast_in_dim3A_2544 : f32 to vector<16xf32>
    %scan3A_2546 = arith.constant 0 : i32
    %scan3A_2547 = arith.constant 64 : i32
    %scan3A_2548 = arith.addi %scan3A_2546, %scan3A_2547 : i32
    %scan3A_2549 = arith.constant 1 : i32
    %scan3A_2550 = scf.for %scan3A_2595 = %scan3A_2546 to %scan3A_2548 step %scan3A_2549 iter_args(%scan3A_2596 = %broadcast_in_dim3A_2545) -> (vector<16xf32>)  : i32 {
      %add3A_2597 = vector.broadcast %scan3A_2595 : i32 to vector<16xi32>
      %add3A_2598 = arith.addi %mul3A_2531, %add3A_2597 : vector<16xi32>
      %gather3A = tpu.vector_load_idx %arg11[%broadcast_in_dim3A_2280, %add3A_2543, %add3A_2598] : memref<2x128x128xf32, #tpu.memory_space<vmem>>[vector<16xi32>, vector<16xi32>, vector<16xi32>], vector<16xf32>,
      %add3A_2599 = vector.broadcast %scan3A_2595 : i32 to vector<16xi32>
      %add3A_2600 = arith.addi %mul3A_2540, %add3A_2599 : vector<16xi32>
      %gather3A_2601 = tpu.vector_load_idx %arg12[%broadcast_in_dim3A_2280, %add3A_2543, %add3A_2600] : memref<2x128x128xf32, #tpu.memory_space<vmem>>[vector<16xi32>, vector<16xi32>, vector<16xi32>], vector<16xf32>,
      %mul3A_2602 = arith.mulf %gather3A, %gather3A_2601 : vector<16xf32>
      %add3A_2603 = arith.addf %scan3A_2596, %mul3A_2602 : vector<16xf32>
      scf.yield %add3A_2603 : vector<16xf32>
    }
    %scan3A_2551 = arith.constant 64 : i32
    %swap3A_2552 = arith.constant 480 : index
    %swap3A_2553 = tpu.vector_load %arg13[%swap3A_2552] {strides = array<i32>} : memref<512xf32, #tpu.memory_space<vmem>>, vector<16xf32>,
    tpu.vector_store %arg13[%swap3A_2552], %scan3A_2550 {strides = array<i32>} : memref<512xf32, #tpu.memory_space<vmem>>, vector<16xf32>,
    %get3A_2554 = arith.constant 3 : i32
    %get3A_2555 = arith.index_cast %get3A_2554 : i32 to index
    %get3A_2556 = arith.constant 112 : index
    %get3A_2557 = tpu.vector_load %arg7[%get3A_2555, %get3A_2556] {strides = array<i32>} : memref<4x128xi32, #tpu.memory_space<vmem>>, vector<16xi32>,
    %get3A_2558 = arith.constant 3 : i32
    %get3A_2559 = arith.index_cast %get3A_2558 : i32 to index
    %get3A_2560 = arith.constant 112 : index
    %get3A_2561 = tpu.vector_load %arg8[%get3A_2559, %get3A_2560] {strides = array<i32>} : memref<4x128xi32, #tpu.memory_space<vmem>>, vector<16xi32>,
    %shift_right_logical3A_2562 = arith.constant 14 : i32
    %shift_right_logical3A_2563 = vector.broadcast %shift_right_logical3A_2562 : i32 to vector<16xi32>
    %shift_right_logical3A_2564 = arith.shrui %get3A_2557, %shift_right_logical3A_2563 : vector<16xi32>
    %and3A_2565 = arith.constant 1 : i32
    %and3A_2566 = vector.broadcast %and3A_2565 : i32 to vector<16xi32>
    %and3A_2567 = arith.andi %shift_right_logical3A_2564, %and3A_2566 : vector<16xi32>
    %mul3A_2568 = arith.constant 64 : i32
    %mul3A_2569 = vector.broadcast %mul3A_2568 : i32 to vector<16xi32>
    %mul3A_2570 = arith.muli %and3A_2567, %mul3A_2569 : vector<16xi32>
    %shift_right_logical3A_2571 = arith.constant 14 : i32
    %shift_right_logical3A_2572 = vector.broadcast %shift_right_logical3A_2571 : i32 to vector<16xi32>
    %shift_right_logical3A_2573 = arith.shrui %get3A_2561, %shift_right_logical3A_2572 : vector<16xi32>
    %and3A_2574 = arith.constant 1 : i32
    %and3A_2575 = vector.broadcast %and3A_2574 : i32 to vector<16xi32>
    %and3A_2576 = arith.andi %shift_right_logical3A_2573, %and3A_2575 : vector<16xi32>
    %mul3A_2577 = arith.constant 64 : i32
    %mul3A_2578 = vector.broadcast %mul3A_2577 : i32 to vector<16xi32>
    %mul3A_2579 = arith.muli %and3A_2576, %mul3A_2578 : vector<16xi32>
    %add3A_2580 = arith.constant 112 : i32
    %add3A_2581 = vector.broadcast %add3A_2580 : i32 to vector<16xi32>
    %add3A_2582 = arith.addi %add3A_2581, %iota3A : vector<16xi32>
    %broadcast_in_dim3A_2583 = arith.constant 0.000000e+00 : f32
    %broadcast_in_dim3A_2584 = vector.broadcast %broadcast_in_dim3A_2583 : f32 to vector<16xf32>
    %scan3A_2585 = arith.constant 0 : i32
    %scan3A_2586 = arith.constant 64 : i32
    %scan3A_2587 = arith.addi %scan3A_2585, %scan3A_2586 : i32
    %scan3A_2588 = arith.constant 1 : i32
    %scan3A_2589 = scf.for %scan3A_2595 = %scan3A_2585 to %scan3A_2587 step %scan3A_2588 iter_args(%scan3A_2596 = %broadcast_in_dim3A_2584) -> (vector<16xf32>)  : i32 {
      %add3A_2597 = vector.broadcast %scan3A_2595 : i32 to vector<16xi32>
      %add3A_2598 = arith.addi %mul3A_2570, %add3A_2597 : vector<16xi32>
      %gather3A = tpu.vector_load_idx %arg11[%broadcast_in_dim3A_2280, %add3A_2582, %add3A_2598] : memref<2x128x128xf32, #tpu.memory_space<vmem>>[vector<16xi32>, vector<16xi32>, vector<16xi32>], vector<16xf32>,
      %add3A_2599 = vector.broadcast %scan3A_2595 : i32 to vector<16xi32>
      %add3A_2600 = arith.addi %mul3A_2579, %add3A_2599 : vector<16xi32>
      %gather3A_2601 = tpu.vector_load_idx %arg12[%broadcast_in_dim3A_2280, %add3A_2582, %add3A_2600] : memref<2x128x128xf32, #tpu.memory_space<vmem>>[vector<16xi32>, vector<16xi32>, vector<16xi32>], vector<16xf32>,
      %mul3A_2602 = arith.mulf %gather3A, %gather3A_2601 : vector<16xf32>
      %add3A_2603 = arith.addf %scan3A_2596, %mul3A_2602 : vector<16xf32>
      scf.yield %add3A_2603 : vector<16xf32>
    }
    %scan3A_2590 = arith.constant 64 : i32
    %swap3A_2591 = arith.constant 496 : index
    %swap3A_2592 = tpu.vector_load %arg13[%swap3A_2591] {strides = array<i32>} : memref<512xf32, #tpu.memory_space<vmem>>, vector<16xf32>,
    tpu.vector_store %arg13[%swap3A_2591], %scan3A_2589 {strides = array<i32>} : memref<512xf32, #tpu.memory_space<vmem>>, vector<16xf32>,
    %mul3A_2593 = arith.constant 512 : i32
    %mul3A_2594 = arith.muli %add3A, %mul3A_2593 : i32
    "tpu.region"() ({
      %run_scoped3A = tpu.sem_alloc : memref<!tpu.dma_semaphore, #tpu.memory_space<semaphore_mem>>
      %dma_start3A_2595 = tpu.memref_slice %arg6[%mul3A_2594] : memref<16384xf32, #tpu.memory_space<hbm>> -> memref<512xf32, #tpu.memory_space<hbm>>
      %dma_start3A_2596 = tpu.memref_slice %arg6[%mul3A_2594] : memref<16384xf32, #tpu.memory_space<hbm>> -> memref<512xf32, #tpu.memory_space<hbm>>
      tpu.enqueue_dma source(%arg13 : memref<512xf32, #tpu.memory_space<vmem>>) target(%dma_start3A_2596 : memref<512xf32, #tpu.memory_space<hbm>>) target_semaphore(%run_scoped3A : memref<!tpu.dma_semaphore, #tpu.memory_space<semaphore_mem>>)
      %dma_wait3A_2597 = tpu.memref_slice %arg6[%mul3A_2594] : memref<16384xf32, #tpu.memory_space<hbm>> -> memref<512xf32, #tpu.memory_space<hbm>>
      %dma_wait3A_2598 = tpu.memref_slice %arg6[%mul3A_2594] : memref<16384xf32, #tpu.memory_space<hbm>> -> memref<512xf32, #tpu.memory_space<hbm>>
      tpu.wait_dma2 semaphore(%run_scoped3A : memref<!tpu.dma_semaphore, #tpu.memory_space<semaphore_mem>>) src(%arg13 : memref<512xf32, #tpu.memory_space<vmem>>) dst(%dma_wait3A_2598 : memref<512xf32, #tpu.memory_space<hbm>>)
      tpu.yield
    }) : () -> ()
    return
  }
}

module attributes {stable_mosaic.version = 14 : i64} {
  func.func @_tc_transpose(%arg0: i32, %arg1: memref<64x32768xf32, #tpu.memory_space<vmem>>, %arg2: memref<16384x128xf32, #tpu.memory_space<vmem>>) attributes {dimension_semantics = [#tpu.dimension_semantics<arbitrary>], iteration_bounds = array<i64: 31>, scalar_prefetch = 0 : i64, scratch_operands = 0 : i64, tpu.core_type = #tpu.core_type<tc>, window_params = [{transform_indices = @transform_0, window_bounds = array<i64: 64, 32768>}, {transform_indices = @transform_1, window_bounds = array<i64: 16384, 128>}]} {
    %get3A = arith.constant 0 : index
    %get3A_0 = arith.constant 0 : index
    %get3A_1 = vector.load %arg1[%get3A, %get3A_0] : memref<64x32768xf32, #tpu.memory_space<vmem>>, vector<64x32768xf32>
    %slice3A = vector.extract_strided_slice %get3A_1 {offsets = [0, 0], sizes = [64, 16384], strides = [1, 1]} : vector<64x32768xf32> to vector<64x16384xf32>
    %slice3A_2 = vector.extract_strided_slice %get3A_1 {offsets = [0, 16384], sizes = [64, 16384], strides = [1, 1]} : vector<64x32768xf32> to vector<64x16384xf32>
    %concatenate3A = tpu.concatenate %slice3A, %slice3A_2 in 0 : vector<64x16384xf32>, vector<64x16384xf32> -> vector<128x16384xf32>
    %transpose3A = tpu.transpose %concatenate3A, [1, 0] : vector<128x16384xf32> -> vector<16384x128xf32>
    %swap3A = arith.constant 0 : index
    %swap3A_3 = arith.constant 0 : index
    %swap3A_4 = vector.load %arg2[%swap3A, %swap3A_3] : memref<16384x128xf32, #tpu.memory_space<vmem>>, vector<16384x128xf32>
    tpu.vector_store %arg2[%swap3A, %swap3A_3], %transpose3A {strides = array<i32>} : memref<16384x128xf32, #tpu.memory_space<vmem>>, vector<16384x128xf32>,
    return
  }
  func.func @transform_0(%arg0: i32) -> (i32, i32) {
    %c0_i32 = arith.constant 0 : i32
    %c0_i32_0 = arith.constant 0 : i32
    return %c0_i32, %arg0 : i32, i32
  }
  func.func @transform_1(%arg0: i32) -> (i32, i32) {
    %c0_i32 = arith.constant 0 : i32
    %c0_i32_0 = arith.constant 0 : i32
    return %arg0, %c0_i32 : i32, i32
  }
}

module attributes {stable_mosaic.version = 14 : i64} {
  func.func @_tc_log_softmax(%arg0: memref<128x128xf32, #tpu.memory_space<vmem>>, %arg1: memref<128x128xf32, #tpu.memory_space<vmem>>) attributes {dimension_semantics = [], scalar_prefetch = 0 : i64, scratch_operands = 0 : i64, tpu.core_type = #tpu.core_type<tc>} {
    %get3A = arith.constant 0 : index
    %get3A_0 = arith.constant 0 : index
    %get3A_1 = vector.load %arg0[%get3A, %get3A_0] : memref<128x128xf32, #tpu.memory_space<vmem>>, vector<128x128xf32>
    %reduce_max3A = vector.shape_cast %get3A_1 : vector<128x128xf32> to vector<1x128x128xf32>
    %reduce_max3A_2 = arith.constant dense<0xFF800000> : vector<1xf32>
    %reduce_max3A_3 = vector.multi_reduction <maximumf>, %reduce_max3A, %reduce_max3A_2 [1, 2] : vector<1x128x128xf32> to vector<1xf32>
    %reduce_max3A_4 = vector.shape_cast %reduce_max3A_3 : vector<1xf32> to vector<1x1x1xf32>
    %reduce_max3A_5 = vector.extract %reduce_max3A_4[0, 0, 0] : f32 from vector<1x1x1xf32>
    %sub3A = vector.broadcast %reduce_max3A_5 : f32 to vector<128x128xf32>
    %sub3A_6 = arith.subf %get3A_1, %sub3A : vector<128x128xf32>
    %exp3A = math.exp %sub3A_6 : vector<128x128xf32>
    %reduce_sum3A = vector.shape_cast %exp3A : vector<128x128xf32> to vector<1x128x128xf32>
    %reduce_sum3A_7 = arith.constant dense<0.000000e+00> : vector<1xf32>
    %reduce_sum3A_8 = vector.multi_reduction <add>, %reduce_sum3A, %reduce_sum3A_7 [1, 2] : vector<1x128x128xf32> to vector<1xf32>
    %reduce_sum3A_9 = vector.shape_cast %reduce_sum3A_8 : vector<1xf32> to vector<1x1x1xf32>
    %reduce_sum3A_10 = vector.extract %reduce_sum3A_9[0, 0, 0] : f32 from vector<1x1x1xf32>
    %log3A = math.log %reduce_sum3A_10 : f32
    %add3A = arith.addf %log3A, %reduce_max3A_5 : f32
    %sub3A_11 = vector.broadcast %add3A : f32 to vector<128x128xf32>
    %sub3A_12 = arith.subf %get3A_1, %sub3A_11 : vector<128x128xf32>
    %swap3A = arith.constant 0 : index
    %swap3A_13 = arith.constant 0 : index
    %swap3A_14 = vector.load %arg1[%swap3A, %swap3A_13] : memref<128x128xf32, #tpu.memory_space<vmem>>, vector<128x128xf32>
    tpu.vector_store %arg1[%swap3A, %swap3A_13], %sub3A_12 {strides = array<i32>} : memref<128x128xf32, #tpu.memory_space<vmem>>, vector<128x128xf32>,
    return
  }
}

</mosaic_0001>

<sc_bundles>
// kernel: kernel.6.cloned.1.call-start
scs
__scs_entry_jumppad:
0x0: {  	(pc) =	sbr.rel $0x88, $3  }
0x1: {  	(tag) =	ssettag $0x0;
	lr =	simm.s32 $0x1  }
0x2: {  	[smem:$0x3F9D] =	sst lr;
	_ =	strace $0xD0000000  }
0x3: {  	_ = 	snop  }
0x4: {  	_ = 	snop  }
0x5: {  	_ = 	snop  }
0x6: {  	_ = 	snop  }
0x7: {  	_ = 	snop  }
__scs_overlays_trampoline_lowered:
0x8: {  	[smem:$0x3FAC] =	sst s0  }
0x9: {  	[smem:$0x3FAD] =	sst s1  }
0xa: {  	[smem:$0x3FAE] =	sst s2  }
0xb: {  	[smem:$0x3FAF] =	sst s3  }
0xc: {  	[smem:$0x3FB0] =	sst s4  }
0xd: {  	[smem:$0x3FB1] =	sst s5  }
0xe: {  	[smem:$0x3FB2] =	sst s6  }
0xf: {  	[smem:$0x3FB3] =	sst s7  }
0x10: {  	[smem:$0x3FB4] =	sst s8  }
0x11: {  	[smem:$0x3FB5] =	sst s9;
	s0 =	simm.s32 @!p0 $0x0  }
0x12: {  	s1 =	sld [smem:$0x3F9B];
	s0 =	simm.s32 @p0 $0x1  }
0x13: {  	[smem:$0x3FB6] =	sst s0;
	s0 =	simm.s32 @!p1 $0x0  }
0x14: {  	s2 =	sld [smem:$0x3F9A];
	s0 =	simm.s32 @p1 $0x1  }
0x15: {  	[smem:$0x3FB7] =	sst s0;
	s0 =	simm.s32 @!p2 $0x0  }
0x16: {  	s3 =	sld [smem:$0x3FDB];
	s0 =	simm.s32 @p2 $0x1  }
0x17: {  	s4 =	simm.s32 $0x1BF5;
	[smem:$0x3FB9] =	sst s0  }
0x18: {  	s0 =	sld [smem:$0x3F9C];
	_ =	swait.ge [sflag:s4], $0x0  }
0x19: {  	s7 =	sld [smem:$0x3F9D]  }
0x1a: {  	s8 =	sadd.s32 $0xFFFFE003, lr  }
0x1b: {  	s9 =	sadd.s32 $0xFFFFFEF7, lr;
	s5 =	simm.s32 $0xFFFFFFFF;
	p2 =	slt.u32 s8, $0xFFFFF086  }
0x1c: {  	p1 =	slt.u32 s9, $0xF7A;
	s5 =	simm.s32 @!p2 $0x0  }
0x1d: {  	s5 =	simm.s32 @p1 $0x1;
	p0 =	seq.s32 s7, s2  }
0x1e: {  	s7 =	smul.u32 @!p0 $0xF7A, s2;
	p2 =	seq.s32 @!p0 s5, $0x0  }
0x1f: {  	s9 =	smul.u32 $0xF7A, s1;
	s8 =	simm.s32 @!p0 $0x1BF5;
	p2 =	por !p2, p0  }
0x20: {  	[sflag:s8] =	ssyncset.s32 @!p0 $0xFFFFF086;
	s6 =	sadd.s32 @!p0 s3, s7;
	s7 =	simm.s32 @!p0 $0x108  }
0x21: {  	s3 =	sadd.s32 s3, s9;
	s6 =	sadd.s32 @!p0 $0x88, s6;
	s7 =	simm.s32 @p2 $0x1082  }
0x22: {  	[simem:s7], [sflag:s8] =	dma.local @!p0 [hbm:s6], $0xF7A  }
0x23: {  	s9 =	sor.u32 $0xD0000000, s2;
	s6 =	simm.s32 $0x108;
	_ =	swait.ge @!p0 [sflag:s8], $0x0  }
0x24: {  	s3 =	sadd.s32 $0x88, s3;
	s6 =	simm.s32 @!p1 $0x1082;
	[sflag:s4] =	ssyncset.s32 $0xFFFFF086  }
0x25: {  	[simem:s6], [sflag:s4] =	dma.local [hbm:s3], $0xF7A  }
0x26: {  	[smem:$0x3F9D] =	sst s1;
	(tag) =	ssettag s2;
	_ =	strace s9  }
0x27: {  	s1 =	sld [smem:$0x3FAD]  }
0x28: {  	s2 =	sld [smem:$0x3FAE]  }
0x29: {  	s4 =	sld [smem:$0x3FB0]  }
0x2a: {  	p0 =	seq.s32 s5, $0x0;
	s5 =	sld [smem:$0x3FB1]  }
0x2b: {  	s6 =	sld [smem:$0x3FB2]  }
0x2c: {  	s7 =	sld [smem:$0x3FB3]  }
0x2d: {  	s3 =	simm.s32 $0x108;
	s8 =	sld [smem:$0x3FB4]  }
0x2e: {  	s3 =	simm.s32 @!p0 $0x1082;
	s9 =	sld [smem:$0x3FB5]  }
0x2f: {  	lr =	sadd.s32 s0, s3;
	s0 =	sld [smem:$0x3FAC]  }
0x30: {  	s3 =	sld [smem:$0x3FAF]  }
0x31: {  	[smem:$0x3FB8] =	sst s10  }
0x32: {  	s10 =	sld [smem:$0x3FB6];
	_ =	sdelay $0x3  }
0x33: {  	p0 =	seq.s32 s10, $0x1;
	s10 =	sld [smem:$0x3FB8];
	_ =	sdelay $0x3  }
0x34: {  	[smem:$0x3FB8] =	sst s10  }
0x35: {  	s10 =	sld [smem:$0x3FB7];
	_ =	sdelay $0x3  }
0x36: {  	p1 =	seq.s32 s10, $0x1;
	s10 =	sld [smem:$0x3FB8];
	_ =	sdelay $0x3  }
0x37: {  	[smem:$0x3FB8] =	sst s10  }
0x38: {  	s10 =	sld [smem:$0x3FB9]  }
0x39: {  	_ = 	snop;
	(pc) =	sbr.ind lr, $3  }
0x3a: {  	_ = 	snop  }
0x3b: {  	_ = 	snop  }
0x3c: {  	p2 =	seq.s32 s10, $0x1;
	s10 =	sld [smem:$0x3FB8]  }
0x3d: {  	_ =	shalt  }
0x3e: {  	_ =	shalt  }
0x3f: {  	_ =	shalt  }
0x40: {  	_ =	shalt  }
0x41: {  	_ =	shalt  }
0x42: {  	_ =	shalt  }
0x43: {  	_ =	shalt  }
0x44: {  	_ =	shalt  }
0x45: {  	_ =	shalt  }
0x46: {  	_ =	shalt  }
0x47: {  	_ =	shalt  }
0x48: {  	_ =	shalt  }
0x49: {  	_ =	shalt  }
0x4a: {  	_ =	shalt  }
0x4b: {  	_ =	shalt  }
0x4c: {  	_ =	shalt  }
0x4d: {  	_ =	shalt  }
0x4e: {  	_ =	shalt  }
0x4f: {  	_ =	shalt  }
0x50: {  	_ =	shalt  }
0x51: {  	_ =	shalt  }
0x52: {  	_ =	shalt  }
0x53: {  	_ =	shalt  }
0x54: {  	_ =	shalt  }
0x55: {  	_ =	shalt  }
0x56: {  	_ =	shalt  }
0x57: {  	_ =	shalt  }
0x58: {  	_ =	shalt  }
0x59: {  	_ =	shalt  }
0x5a: {  	_ =	shalt  }
0x5b: {  	_ =	shalt  }
0x5c: {  	_ =	shalt  }
0x5d: {  	_ =	shalt  }
0x5e: {  	_ =	shalt  }
0x5f: {  	_ =	shalt  }
0x60: {  	_ =	shalt  }
0x61: {  	_ =	shalt  }
0x62: {  	_ =	shalt  }
0x63: {  	_ =	shalt  }
0x64: {  	_ =	shalt  }
0x65: {  	_ =	shalt  }
0x66: {  	_ =	shalt  }
0x67: {  	_ =	shalt  }
0x68: {  	_ =	shalt  }
0x69: {  	_ =	shalt  }
0x6a: {  	_ =	shalt  }
0x6b: {  	_ =	shalt  }
0x6c: {  	_ =	shalt  }
0x6d: {  	_ =	shalt  }
0x6e: {  	_ =	shalt  }
0x6f: {  	_ =	shalt  }
0x70: {  	_ =	shalt  }
0x71: {  	_ =	shalt  }
0x72: {  	_ =	shalt  }
0x73: {  	_ =	shalt  }
0x74: {  	_ =	shalt  }
0x75: {  	_ =	shalt  }
0x76: {  	_ =	shalt  }
0x77: {  	_ =	shalt  }
0x78: {  	_ =	shalt  }
0x79: {  	_ =	shalt  }
0x7a: {  	_ =	shalt  }
0x7b: {  	_ =	shalt  }
0x7c: {  	_ =	shalt  }
0x7d: {  	_ =	shalt  }
0x7e: {  	_ =	shalt  }
0x7f: {  	_ =	shalt  }
0x80: {  	_ =	shalt  }
0x81: {  	_ =	shalt  }
0x82: {  	_ =	shalt  }
0x83: {  	_ =	shalt  }
0x84: {  	_ =	shalt  }
0x85: {  	_ =	shalt  }
0x86: {  	_ =	shalt  }
0x87: {  	_ =	shalt  }
.Lfunc_end0:
.L_simem_size_0:
called_computation_lowered:
.L_overlay_start_0:
0x88: {  	s2 =	sld [smem:$0x3FD9]  }
0x89: {  	s3 =	sld [smem:$0x3FFE];
	_ =	sdelay $0x1  }
0x8a: {  	s1 =	srdreg.scid  }
0x8b: {  	s0 =	sand.u32 $0x1, s1  }
0x8c: {  	s17 =	sshll.u32 s0, $0xA;
	s2 =	sadd.s32 s3, s2  }
0x8d: {  	s2 =	sadd.s32 s2, s17  }
0x8e: {  	[smem:$0x3FC4] =	sst s2  }
0x8f: {  	_ = 	snop  }
0x90: {  	s2 =	sld [smem:$0x3FC9]  }
0x91: {  	s18 =	sld [smem:$0x3FC8]  }
0x92: {  	s4 =	sld [smem:$0x3FD0];
	(tm) =	ssettm $0x1  }
0x93: {  	s5 =	sld [smem:$0x3FFB];
	_ =	sdelay $0x3  }
0x94: {  	_ =	strace s5  }
0x95: {  	s5 =	sld [smem:$0x3FFC];
	_ =	sdelay $0x3  }
0x96: {  	_ =	strace s5  }
0x97: {  	s5 =	sld [smem:$0x3FFD];
	_ =	sdelay $0x3  }
0x98: {  	_ =	strace s5  }
0x99: {  	_ =	strace $0x8FFFFFFF  }
0x9a: {  	s19 =	sld [smem:$0x3FDB];
	_ =	sdelay $0x1  }
0x9b: {  	s6 =	simm.s32 $_scs_section_size  }
0x9c: {  	s7 =	simm.s32 $_size__tile_overlayer_lowered;
	s8 =	simm.s32 $_tile_overlayer_lowered  }
0x9d: {  	s22 =	simm.s32 $0x1BFF;
	s21 =	sshll.u32 s8, $0x1;
	s5 =	sadd.s32 s6, s19  }
0x9e: {  	s9 =	simm.s32 $0x0;
	s20 =	sshll.u32 s7, $0x1;
	s7 =	sadd.s32 s21, s5  }
0x9f: {  	[timem:s9], [sflag:s22] =	dma.local [hbm:s7], s20  }
0xa0: {  	_ =	swait.ge [sflag:s22], s20  }
0xa1: {  	s6 =	ssub.s32 $0x0, s20;
	[sflag:s22] =	ssyncset.done $0x0  }
0xa2: {  	[sflag:s22] =	ssyncadd.s32 s6;
	_ =	sdelay $0x1  }
0xa3: {  	s23 =	simm.s32 $0x1B8B  }
0xa4: {  	_ =	swait.ge [sflag:s23], $0x1  }
0xa5: {  	[sflag:s23] =	ssyncset.done $0x0  }
0xa6: {  	s25 =	simm.s32 $0x1B8E;
	s24 =	sld [smem:$0x3FFE];
	[sflag:s23] =	ssyncadd.s32 $0xFFFFFFFF  }
0xa7: {  	s26 =	simm.s32 $execute0_lowered;
	[smem:$0x3FD2] =	sst s25  }
0xa8: {  	s7 =	sshll.u32 s26, $0x1;
	_ =	strace $0x80000046;
	[dreg:$0x1] =	wrdreg $0xFFFFFFFF  }
0xa9: {  	s28 =	simm.s32 $_size_execute0_lowered;
	s5 =	sadd.s32 s5, s7;
	[dreg:$0x0] =	wrdreg $0x0  }
0xaa: {  	s7 =	sshll.u32 s28, $0x1;
	[dreg:$0x2] =	wrdreg s5  }
0xab: {  	[dreg:$0x3] =	wrdreg s7  }
0xac: {  	[dreg:$0x4] =	wrdreg $0xC0  }
0xad: {  	_ =	task [dreg:s9], $0x5FFFF  }
0xae: {  	[dreg:$0x1] =	wrdreg $0xFFFFFFFF  }
0xaf: {  	[dreg:$0x0] =	wrdreg $0x60  }
0xb0: {  	[dreg:$0x2] =	wrdreg s2  }
0xb1: {  	[dreg:$0x3] =	wrdreg s18  }
0xb2: {  	[dreg:$0x4] =	wrdreg s24  }
0xb3: {  	[dreg:$0x5] =	wrdreg s4  }
0xb4: {  	[dreg:$0x6] =	wrdreg $0x9  }
0xb5: {  	_ =	task.clear_ibuf [dreg:s9], $0x7FFFF;
	_ =	strace $0x90000046  }
0xb6: {  	s29 =	simm.s32 $0x9;
	_ =	strace $0x80000048  }
0xb7: {  	_ =	swait.ge [sflag:s29], $0x1  }
0xb8: {  	[sflag:s29] =	ssyncadd.s32 $0xFFFFFFFF  }
0xb9: {  	_ =	strace $0x90000048  }
0xba: {  	_ =	sfence  }
0xbb: {  	s30 =	sld [smem:$0x0];
	_ =	sdelay $0x2  }
0xbc: {  	s31 =	sshll.u32 s1, $0xD;
	s1 =	sshrl.u32 s1, $0x2  }
0xbd: {  	s3 =	sand.u32 $0x4000, s31;
	s1 =	sadd.s32 s1, s30  }
0xbe: {  	s0 =	sor.u32 s3, s0;
	s1 =	sshll.u32 s1, $0x11  }
0xbf: {  	s0 =	sor.u32 s1, s0  }
0xc0: {  	s0 =	sadd.s32 $0x8F2B, s0  }
0xc1: {  	[sflag:s0] =	ssyncadd.remote.s32 $0x1  }
0xc2: {  	_ =	sfence.sel $0xFFFF  }
0xc3: {  	[dreg:$0x0] =	wrdreg $0xFFFFFFFF;
	(pc) =	sbr.abs _section_cstart, $3  }
0xc4: {  	[dreg:$0x1] =	wrdreg $0xFFFFFFFF  }
0xc5: {  	_ =	task.clear_ibuf [dreg:s9], $0x2FFFF;
	_ =	strace $0x9FFFFFFF  }
0xc6: {  	(tm) =	ssettm $0x7FFFFFFF  }
0xc7: {  	_ =	shalt  }
tec
execute0_lowered:
.L_overlay_start_1:
0x0: {  	(tag) =	ssettag $0x1  }
0x1: {  	s5 =	rddreg [dreg:$0x0]  }
0x2: {  	s6 =	rddreg [dreg:$0x1]  }
0x3: {  	s4 =	rddreg [dreg:$0x2]  }
0x4: {  	s7 =	rddreg [dreg:$0x3]  }
0x5: {  	s0 =	rddreg [dreg:$0x4]  }
0x6: {  	s2 =	simm.s32 $0x0;
	s3 =	srdreg.scid;
	s1 =	stileid.u32  }
0x7: {  	s12 =	simm.s32 $0x400;
	s13 =	simm.s32 $0x800;
	s14 =	simm.s32 $0x600  }
0x8: {  	s15 =	simm.s32 $0x8800;
	s16 =	simm.s32 $0x1;
	s17 =	simm.s32 $0x480  }
0x9: {  	s18 =	simm.s32 $0x4800;
	s19 =	simm.s32 $0x680;
	s20 =	simm.s32 $0xC800  }
0xa: {  	s21 =	simm.s32 $0x500;
	s22 =	simm.s32 $0x700;
	s23 =	simm.s32 $0x580  }
0xb: {  	s24 =	simm.s32 $0x780;
	s25 =	simm.s32 $0x10800;
	s26 =	simm.s32 $0x0  }
0xc: {  	[smem:$0x7FF] =	sst s2;
	s3 =	sand.u32 $0x1, s3;
	s9 =	sshll.u32 s1, $0x7  }
0xd: {  	_ =	strace $0x80000047;
	s8 =	ssub.s32 $0x2, s3;
	s10 =	sshll.u32 s3, $0x6  }
0xe: {  	s3 =	sadd.s32 $0x600, s4;
	s4 =	sadd.s32 $0x7C0600, s4;
	s11 =	sshrl.u32 s8, $0x1  }
0xf: {  	s9 =	sor.u32 s10, s9;
	s10 =	simm.s32 $0x200;
	s8 =	ssub.s32 s8, s11  }
0x10: {  	v0 =	vlaneseq.u32;
	s5 =	sadd.s32 s5, s9;
	s6 =	sadd.s32 s6, s9;
	s7 =	sadd.s32 s7, s9  }
0x11: {  	v0 =	vmul.u32 $0x80, v0;
	s9 =	simm.s32 $0x2;
	s11 =	simm.s32 $0x80;
	s8 =	smax.u32 s8, $0x1  }
.LBB2_1:
0x12: {  	[tilespmem:s2], [sflag:$0x2] =	stream.linear.gather [hbm4b:s5+s2], $0x200, $0x38;
	[tilespmem:$0x10A00] =	vst v63  }
0x13: {  	_ =	swait.ge [sflag:s9], $0x200  }
0x14: {  	[sflag:s9] =	ssyncset.done $0x0  }
0x15: {  	[sflag:s9] =	ssyncadd.s32 $0xFFFFFE00  }
0x16: {  	[tilespmem:s10], [sflag:$0x2] =	stream.linear.gather [hbm4b:s6+s2], $0x200, $0x38;
	[tilespmem:$0x10A00] =	vst v63  }
0x17: {  	_ =	swait.ge [sflag:s9], $0x200  }
0x18: {  	[sflag:s9] =	ssyncset.done $0x0  }
0x19: {  	[sflag:s9] =	ssyncadd.s32 $0xFFFFFE00  }
0x1a: {  	v1 =	vld [tilespmem:$0x0]  }
0x1b: {  	v2 =	vld [tilespmem:$0x200]  }
0x1c: {  	v4 =	vld [tilespmem:$0x210]  }
0x1d: {  	v6 =	vld [tilespmem:$0x20]  }
0x1e: {  	v10 =	vld [tilespmem:$0x230]  }
0x1f: {  	v11 =	vld [tilespmem:$0x40]  }
0x20: {  	v36 =	vld [tilespmem:$0x240]  }
0x21: {  	v13 =	vld [tilespmem:$0x50]  }
0x22: {  	v14 =	vld [tilespmem:$0x250]  }
0x23: {  	v39 =	vld [tilespmem:$0x60]  }
0x24: {  	v16 =	vld [tilespmem:$0x260]  }
0x25: {  	v17 =	vld [tilespmem:$0x70]  }
0x26: {  	v44 =	vld [tilespmem:$0x270]  }
0x27: {  	v19 =	vld [tilespmem:$0x80]  }
0x28: {  	v20 =	vld [tilespmem:$0x280];
	v5 =	vshrl.u32 v1, $0x1;
	v7 =	vshrl.u32 v2, $0x1  }
0x29: {  	v49 =	vld [tilespmem:$0x90];
	v1 =	vand.u32 $0x3FFF, v1;
	v2 =	vand.u32 $0x3FFF, v2;
	v9 =	vshrl.u32 v4, $0x1  }
0x2a: {  	v22 =	vld [tilespmem:$0x290];
	v35 =	vshrl.u32 v6, $0x1;
	v4 =	vand.u32 $0x3FFF, v4;
	v6 =	vand.u32 $0x3FFF, v6  }
0x2b: {  	v54 =	vld [tilespmem:$0x2A0];
	v37 =	vshrl.u32 v10, $0x1;
	v10 =	vand.u32 $0x3FFF, v10;
	v38 =	vshrl.u32 v11, $0x1  }
0x2c: {  	v60 =	vld [tilespmem:$0x2B0];
	v11 =	vand.u32 $0x3FFF, v11;
	v15 =	vshrl.u32 v36, $0x1;
	v41 =	vshrl.u32 v13, $0x1  }
0x2d: {  	v61 =	vld [tilespmem:$0xC0];
	v13 =	vand.u32 $0x3FFF, v13;
	v43 =	vshrl.u32 v14, $0x1;
	v14 =	vand.u32 $0x3FFF, v14  }
0x2e: {  	v63 =	vld [tilespmem:$0x2C0];
	v18 =	vshrl.u32 v39, $0x1;
	v46 =	vshrl.u32 v16, $0x1;
	v16 =	vand.u32 $0x3FFF, v16  }
0x2f: {  	v25 =	vld [tilespmem:$0xD0];
	v48 =	vshrl.u32 v17, $0x1;
	v17 =	vand.u32 $0x3FFF, v17;
	v21 =	vshrl.u32 v44, $0x1  }
0x30: {  	v51 =	vshrl.u32 v19, $0x1;
	v19 =	vand.u32 $0x3FFF, v19;
	v53 =	vshrl.u32 v20, $0x1  }
0x31: {  	v55 =	vand.u32 $0x3FFF, v20;
	v56 =	vshrl.u32 v49, $0x1;
	v57 =	vshrl.u32 v22, $0x1  }
0x32: {  	v28 =	vld [tilespmem:$0xE0];
	v59 =	vand.u32 $0x3FFF, v22;
	v62 =	vshrl.u32 v54, $0x1;
	v26 =	vand.u32 $0x3FFF, v60  }
0x33: {  	v33 =	vld [tilespmem:$0x2E0];
	v27 =	vshrl.u32 v61, $0x1;
	v30 =	vshrl.u32 v63, $0x1;
	v31 =	vand.u32 $0x3FFF, v61  }
0x34: {  	v3 =	vld [tilespmem:$0x10];
	v32 =	vand.u32 $0x3FFF, v63;
	v34 =	vshrl.u32 v25, $0x1;
	v5 =	vand.u32 $0x7FFFC000, v5  }
0x35: {  	v7 =	vand.u32 $0x7FFFC000, v7;
	v40 =	vand.u32 $0x7FFFC000, v15;
	v15 =	vand.u32 $0x7FFFC000, v41  }
0x36: {  	v45 =	vand.u32 $0x7FFFC000, v18;
	v18 =	vand.u32 $0x7FFFC000, v46;
	v50 =	vand.u32 $0x7FFFC000, v21  }
0x37: {  	v21 =	vand.u32 $0x7FFFC000, v51;
	v58 =	vand.u32 $0x7FFFC000, v57;
	v29 =	vand.u32 $0x7FFFC000, v27  }
0x38: {  	v41 =	vand.u32 $0x3FFF, v28;
	v46 =	vand.u32 $0x3FFF, v33;
	v1 =	vor.u32 v1, v5  }
0x39: {  	v2 =	vor.u32 v2, v7;
	v5 =	vshrl.u32 v3, $0x1;
	v3 =	vand.u32 $0x3FFF, v3  }
0x3a: {  	v42 =	vor.u32 v13, v15;
	v13 =	vand.u32 $0x7FFFC000, v43;
	v47 =	vor.u32 v16, v18  }
0x3b: {  	v8 =	vld [tilespmem:$0x220];
	v16 =	vand.u32 $0x7FFFC000, v48;
	v15 =	vand.u32 $0x3FFF, v44;
	v52 =	vor.u32 v19, v21  }
0x3c: {  	v44 =	vshrl.u32 v33, $0x1;
	v5 =	vand.u32 $0x7FFFC000, v5;
	v13 =	vor.u32 v14, v13  }
0x3d: {  	v23 =	vld [tilespmem:$0xA0];
	v16 =	vor.u32 v17, v16;
	v15 =	vor.u32 v15, v50;
	[tilespmem:$0x400] =	vst v1;
	v1 =	vand.u32 $0x7FFFC000, v53  }
0x3e: {  	v61 =	vld [tilespmem:$0x130];
	[tilespmem:$0x600] =	vst v2;
	v2 =	vand.u32 $0x7FFFC000, v56;
	v3 =	vor.u32 v3, v5;
	v5 =	vand.u32 $0x7FFFC000, v9  }
0x3f: {  	v7 =	vld [tilespmem:$0x30];
	v9 =	vand.u32 $0x7FFFC000, v35;
	v1 =	vor.u32 v55, v1;
	v4 =	vor.u32 v4, v5  }
0x40: {  	v5 =	vor.u32 v6, v9;
	v6 =	vshrl.u32 v8, $0x1;
	v8 =	vand.u32 $0x3FFF, v8  }
0x41: {  	v48 =	vld [tilespmem:$0x110];
	v9 =	vand.u32 $0x3FFF, v36;
	[tilespmem:$0x410] =	vst v3;
	v3 =	vand.u32 $0x3FFF, v49;
	v36 =	vand.u32 $0x3FFF, v25  }
0x42: {  	v6 =	vand.u32 $0x7FFFC000, v6;
	v9 =	vor.u32 v9, v40;
	[tilespmem:$0x610] =	vst v4;
	v2 =	vor.u32 v3, v2  }
0x43: {  	v24 =	vld [tilespmem:$0xB0];
	v3 =	vor.u32 v59, v58;
	v4 =	vshrl.u32 v23, $0x1;
	[tilespmem:$0x420] =	vst v5;
	v5 =	vand.u32 $0x3FFF, v23  }
0x44: {  	[tilespmem:$0x450] =	vst v42;
	v42 =	vld [tilespmem:$0x100];
	v40 =	vshrl.u32 v28, $0x1;
	v28 =	vshrl.u32 v61, $0x1;
	v12 =	vshrl.u32 v7, $0x1  }
0x45: {  	v53 =	vld [tilespmem:$0x310];
	v6 =	vor.u32 v8, v6;
	v7 =	vand.u32 $0x3FFF, v7;
	v4 =	vand.u32 $0x7FFFC000, v4  }
0x46: {  	v21 =	vld [tilespmem:$0x140];
	[tilespmem:$0x640] =	vst v9;
	v9 =	vor.u32 v31, v29;
	v14 =	vand.u32 $0x7FFFC000, v40;
	v59 =	vshrl.u32 v48, $0x1  }
0x47: {  	[tilespmem:$0x660] =	vst v47;
	v35 =	vld [tilespmem:$0xF0];
	v8 =	vand.u32 $0x7FFFC000, v12;
	v12 =	vand.u32 $0x7FFFC000, v37;
	v4 =	vor.u32 v5, v4  }
0x48: {  	v55 =	vld [tilespmem:$0x120];
	[tilespmem:$0x620] =	vst v6;
	v5 =	vand.u32 $0x7FFFC000, v62;
	v6 =	vshrl.u32 v24, $0x1;
	v24 =	vand.u32 $0x3FFF, v24  }
0x49: {  	[tilespmem:$0x480] =	vst v52;
	v43 =	vor.u32 v41, v14;
	v14 =	vand.u32 $0x7FFFC000, v44;
	v56 =	vand.u32 $0x3FFF, v42  }
0x4a: {  	[tilespmem:$0x650] =	vst v13;
	v13 =	vand.u32 $0x7FFFC000, v59;
	v63 =	vand.u32 $0x3FFF, v53;
	v7 =	vor.u32 v7, v8  }
0x4b: {  	[tilespmem:$0x470] =	vst v16;
	v8 =	vor.u32 v10, v12;
	v10 =	vand.u32 $0x7FFFC000, v38;
	v12 =	vand.u32 $0x3FFF, v39  }
0x4c: {  	[tilespmem:$0x680] =	vst v1;
	v6 =	vand.u32 $0x7FFFC000, v6;
	v47 =	vshrl.u32 v35, $0x1;
	v1 =	vor.u32 v46, v14  }
0x4d: {  	[tilespmem:$0x490] =	vst v2;
	v2 =	vand.u32 $0x3FFF, v35;
	v20 =	vshrl.u32 v55, $0x1;
	v35 =	vand.u32 $0x3FFF, v21  }
0x4e: {  	v58 =	vld [tilespmem:$0x320];
	v10 =	vor.u32 v11, v10;
	v12 =	vor.u32 v12, v45;
	[tilespmem:$0x430] =	vst v7;
	v7 =	vand.u32 $0x3FFF, v54  }
0x4f: {  	[tilespmem:$0x670] =	vst v15;
	v6 =	vor.u32 v24, v6;
	v11 =	vand.u32 $0x7FFFC000, v34;
	v49 =	vand.u32 $0x7FFFC000, v47  }
0x50: {  	[tilespmem:$0x690] =	vst v3;
	v29 =	vld [tilespmem:$0x150];
	v54 =	vshrl.u32 v42, $0x1;
	v22 =	vand.u32 $0x7FFFC000, v20;
	v24 =	vand.u32 $0x3FFF, v55  }
0x51: {  	v62 =	vld [tilespmem:$0x330];
	[tilespmem:$0x4C0] =	vst v9;
	v34 =	vshrl.u32 v21, $0x1;
	v5 =	vor.u32 v7, v5;
	v7 =	vshrl.u32 v60, $0x1  }
0x52: {  	v41 =	vld [tilespmem:$0x170];
	[tilespmem:$0x440] =	vst v10;
	v10 =	vand.u32 $0x7FFFC000, v30;
	v11 =	vor.u32 v36, v11;
	v2 =	vor.u32 v2, v49  }
0x53: {  	v38 =	vld [tilespmem:$0x2F0];
	[tilespmem:$0x4A0] =	vst v4;
	v4 =	vand.u32 $0x7FFFC000, v54;
	v60 =	vand.u32 $0x3FFF, v48;
	v23 =	vshrl.u32 v58, $0x1  }
0x54: {  	[tilespmem:$0x460] =	vst v12;
	v25 =	vand.u32 $0x3FFF, v58;
	v30 =	vand.u32 $0x3FFF, v61;
	v12 =	vand.u32 $0x7FFFC000, v34  }
0x55: {  	[tilespmem:$0x630] =	vst v8;
	v8 =	vld [tilespmem:$0x2D0];
	v7 =	vand.u32 $0x7FFFC000, v7;
	v10 =	vor.u32 v32, v10;
	v4 =	vor.u32 v56, v4  }
0x56: {  	v45 =	vld [tilespmem:$0x300];
	v40 =	vshrl.u32 v29, $0x1;
	v7 =	vor.u32 v26, v7;
	[tilespmem:$0x6C0] =	vst v10;
	v10 =	vand.u32 $0x7FFFC000, v23  }
0x57: {  	[tilespmem:$0x4F0] =	vst v2;
	v31 =	vshrl.u32 v62, $0x1;
	v2 =	vand.u32 $0x3FFF, v62;
	v48 =	vshrl.u32 v41, $0x1  }
0x58: {  	[tilespmem:$0x4E0] =	vst v43;
	v47 =	vld [tilespmem:$0x380];
	v49 =	vand.u32 $0x3FFF, v41;
	v50 =	vshrl.u32 v38, $0x1;
	v52 =	vand.u32 $0x3FFF, v38  }
0x59: {  	[tilespmem:$0x6B0] =	vst v7;
	v7 =	vshrl.u32 v53, $0x1;
	v27 =	vor.u32 v25, v10;
	v10 =	vand.u32 $0x7FFFC000, v28  }
0x5a: {  	[tilespmem:$0x6E0] =	vst v1;
	v33 =	vand.u32 $0x7FFFC000, v31;
	v9 =	vand.u32 $0x7FFFC000, v48;
	v37 =	vshrl.u32 v8, $0x1  }
0x5b: {  	[tilespmem:$0x4B0] =	vst v6;
	v32 =	vld [tilespmem:$0x350];
	v8 =	vand.u32 $0x3FFF, v8;
	v51 =	vand.u32 $0x7FFFC000, v50;
	v57 =	vshrl.u32 v45, $0x1  }
0x5c: {  	v36 =	vld [tilespmem:$0x160];
	[tilespmem:$0x6A0] =	vst v5;
	v6 =	vand.u32 $0x3FFF, v45;
	v7 =	vand.u32 $0x7FFFC000, v7;
	v1 =	vor.u32 v30, v10  }
0x5d: {  	v26 =	vld [tilespmem:$0x340];
	[tilespmem:$0x500] =	vst v4;
	v2 =	vor.u32 v2, v33;
	v54 =	vand.u32 $0x3FFF, v47;
	v39 =	vand.u32 $0x7FFFC000, v37  }
0x5e: {  	v3 =	vor.u32 v52, v51;
	v5 =	vand.u32 $0x7FFFC000, v57;
	v7 =	vor.u32 v63, v7;
	[tilespmem:$0x730] =	vst v2  }
0x5f: {  	v44 =	vld [tilespmem:$0x370];
	v2 =	vor.u32 v49, v9;
	v8 =	vor.u32 v8, v39;
	v5 =	vor.u32 v6, v5;
	[tilespmem:$0x6F0] =	vst v3  }
0x60: {  	v38 =	vld [tilespmem:$0x360];
	v6 =	vor.u32 v60, v13;
	v3 =	vor.u32 v35, v12;
	v42 =	vshrl.u32 v32, $0x1;
	[tilespmem:$0x710] =	vst v7  }
0x61: {  	v53 =	vld [tilespmem:$0x1A0];
	v43 =	vand.u32 $0x3FFF, v32;
	v7 =	vshrl.u32 v36, $0x1;
	[tilespmem:$0x6D0] =	vst v8;
	v8 =	vor.u32 v24, v22  }
0x62: {  	v45 =	vld [tilespmem:$0x180];
	v37 =	vshrl.u32 v26, $0x1;
	v39 =	vand.u32 $0x3FFF, v26;
	[tilespmem:$0x700] =	vst v5;
	v5 =	vand.u32 $0x7FFFC000, v40  }
0x63: {  	v50 =	vld [tilespmem:$0x190];
	[tilespmem:$0x510] =	vst v6;
	v6 =	vand.u32 $0x3FFF, v29;
	v10 =	vand.u32 $0x7FFFC000, v42;
	v7 =	vand.u32 $0x7FFFC000, v7  }
0x64: {  	[tilespmem:$0x530] =	vst v1;
	v4 =	vand.u32 $0x7FFFC000, v37;
	v5 =	vor.u32 v6, v5;
	v6 =	vor.u32 v43, v10  }
0x65: {  	[tilespmem:$0x520] =	vst v8;
	v8 =	vand.u32 $0x3FFF, v36;
	v46 =	vshrl.u32 v38, $0x1;
	v1 =	vand.u32 $0x3FFF, v38  }
0x66: {  	v51 =	vld [tilespmem:$0x390];
	[tilespmem:$0x540] =	vst v3;
	v58 =	vand.u32 $0x3FFF, v53;
	v4 =	vor.u32 v39, v4;
	v7 =	vor.u32 v8, v7  }
0x67: {  	v8 =	vand.u32 $0x7FFFC000, v46;
	v52 =	vshrl.u32 v45, $0x1;
	[tilespmem:$0x550] =	vst v5;
	v5 =	vand.u32 $0x3FFF, v45  }
0x68: {  	[tilespmem:$0x750] =	vst v6;
	v6 =	vshrl.u32 v50, $0x1;
	v1 =	vor.u32 v1, v8;
	v8 =	vshrl.u32 v44, $0x1  }
0x69: {  	v55 =	vld [tilespmem:$0x3A0];
	[tilespmem:$0x740] =	vst v4;
	v4 =	vand.u32 $0x7FFFC000, v52;
	v3 =	vand.u32 $0x7FFFC000, v8;
	v8 =	vand.u32 $0x3FFF, v44  }
0x6a: {  	[tilespmem:$0x4D0] =	vst v11;
	v6 =	vand.u32 $0x7FFFC000, v6;
	v3 =	vor.u32 v8, v3;
	v8 =	vshrl.u32 v47, $0x1  }
0x6b: {  	v57 =	vld [tilespmem:$0x3B0];
	[tilespmem:$0x560] =	vst v7;
	v7 =	vand.u32 $0x3FFF, v50;
	v56 =	vshrl.u32 v51, $0x1;
	v8 =	vand.u32 $0x7FFFC000, v8  }
0x6c: {  	[tilespmem:$0x570] =	vst v2;
	v2 =	vand.u32 $0x3FFF, v51;
	v4 =	vor.u32 v5, v4;
	v5 =	vor.u32 v54, v8;
	v8 =	vld [tilespmem:$0x1B0]  }
0x6d: {  	[tilespmem:$0x760] =	vst v1;
	v1 =	vor.u32 v7, v6;
	v6 =	vand.u32 $0x7FFFC000, v56;
	v7 =	vshrl.u32 v53, $0x1  }
0x6e: {  	v59 =	vld [tilespmem:$0x1C0];
	v7 =	vand.u32 $0x7FFFC000, v7;
	v2 =	vor.u32 v2, v6;
	v6 =	vshrl.u32 v55, $0x1;
	[tilespmem:$0x580] =	vst v4  }
0x6f: {  	[tilespmem:$0x770] =	vst v3;
	v3 =	vor.u32 v58, v7;
	v7 =	vld [tilespmem:$0x3C0];
	v4 =	vand.u32 $0x7FFFC000, v6;
	v6 =	vand.u32 $0x3FFF, v55  }
0x70: {  	v61 =	vld [tilespmem:$0x1D0];
	[tilespmem:$0x720] =	vst v27;
	v4 =	vor.u32 v6, v4;
	v6 =	vshrl.u32 v57, $0x1  }
0x71: {  	[tilespmem:$0x590] =	vst v1;
	v6 =	vand.u32 $0x7FFFC000, v6;
	v60 =	vshrl.u32 v8, $0x1  }
0x72: {  	v62 =	vld [tilespmem:$0x3D0];
	[tilespmem:$0x780] =	vst v5;
	v1 =	vand.u32 $0x3FFF, v8;
	v8 =	vand.u32 $0x3FFF, v57;
	v5 =	vand.u32 $0x7FFFC000, v60  }
0x73: {  	[tilespmem:$0x790] =	vst v2;
	v2 =	vor.u32 v8, v6;
	v6 =	vld [tilespmem:$0x1E0];
	v1 =	vor.u32 v1, v5;
	v5 =	vshrl.u32 v59, $0x1  }
0x74: {  	v63 =	vld [tilespmem:$0x3E0];
	[tilespmem:$0x5A0] =	vst v3;
	v8 =	vshrl.u32 v7, $0x1;
	v3 =	vand.u32 $0x7FFFC000, v5;
	v5 =	vand.u32 $0x3FFF, v59  }
0x75: {  	[tilespmem:$0x7A0] =	vst v4;
	v4 =	vand.u32 $0x7FFFC000, v8;
	v3 =	vor.u32 v5, v3;
	v5 =	vshrl.u32 v61, $0x1  }
0x76: {  	v8 =	vld [tilespmem:$0x1F0];
	[tilespmem:$0x5B0] =	vst v1;
	v1 =	vand.u32 $0x3FFF, v7;
	v7 =	vand.u32 $0x3FFF, v61;
	v5 =	vand.u32 $0x7FFFC000, v5  }
0x77: {  	[tilespmem:$0x7B0] =	vst v2;
	v1 =	vor.u32 v1, v4;
	v4 =	vshrl.u32 v62, $0x1;
	v2 =	vor.u32 v7, v5;
	v5 =	vld [tilespmem:$0x3F0]  }
0x78: {  	[tilespmem:$0x5C0] =	vst v3;
	v3 =	vand.u32 $0x7FFFC000, v4;
	v4 =	vand.u32 $0x3FFF, v62;
	v7 =	vshrl.u32 v6, $0x1  }
0x79: {  	[tilespmem:$0x7C0] =	vst v1;
	v1 =	vor.u32 v4, v3;
	v4 =	vshrl.u32 v63, $0x1;
	v3 =	vand.u32 $0x7FFFC000, v7  }
0x7a: {  	[tilespmem:$0x5D0] =	vst v2;
	v2 =	vand.u32 $0x3FFF, v6;
	v4 =	vand.u32 $0x7FFFC000, v4;
	v6 =	vand.u32 $0x3FFF, v63  }
0x7b: {  	[tilespmem:$0x7D0] =	vst v1;
	v1 =	vor.u32 v2, v3;
	v2 =	vor.u32 v6, v4;
	v3 =	vshrl.u32 v8, $0x1  }
0x7c: {  	[tilespmem:$0x5E0] =	vst v1;
	v1 =	vand.u32 $0x7FFFC000, v3;
	v3 =	vand.u32 $0x3FFF, v8;
	v4 =	vshrl.u32 v5, $0x1  }
0x7d: {  	[tilespmem:$0x7E0] =	vst v2;
	v1 =	vor.u32 v3, v1;
	v3 =	vand.u32 $0x3FFF, v5;
	v2 =	vand.u32 $0x7FFFC000, v4  }
0x7e: {  	[tilespmem:$0x5F0] =	vst v1;
	v1 =	vor.u32 v3, v2  }
0x7f: {  	[tilespmem:$0x7F0] =	vst v1  }
0x80: {  	[tilespmem:s13], [sflag:$0x1] =	stream.indirect.gather [hbm4b:s3+s11], $0x80, s12, s11, $0xb8;
	[tilespmem:$0x10A00] =	vst v63  }
0x81: {  	_ = 	snop  }
0x82: {  	[tilespmem:s15], [sflag:$0x1] =	stream.indirect.gather [hbm4b:s4+s11], $0x80, s14, s11, $0xb8;
	[tilespmem:$0x10A00] =	vst v63  }
0x83: {  	_ =	swait.ge [sflag:s16], $0x4000  }
0x84: {  	[sflag:s16] =	ssyncset.done $0x0  }
0x85: {  	[sflag:s16] =	ssyncadd.s32 $0xFFFFC000  }
0x86: {  	_ =	swait.ge [sflag:s16], $0x4000  }
0x87: {  	[sflag:s16] =	ssyncset.done $0x0  }
0x88: {  	[sflag:s16] =	ssyncadd.s32 $0xFFFFC000  }
0x89: {  	[tilespmem:s18], [sflag:$0x1] =	stream.indirect.gather [hbm4b:s3+s11], $0x80, s17, s11, $0xb8;
	[tilespmem:$0x10A00] =	vst v63  }
0x8a: {  	_ = 	snop  }
0x8b: {  	[tilespmem:s20], [sflag:$0x1] =	stream.indirect.gather [hbm4b:s4+s11], $0x80, s19, s11, $0xb8;
	[tilespmem:$0x10A00] =	vst v63  }
0x8c: {  	v1 =	vld [tilespmem:$0x0]  }
0x8d: {  	v2 =	vld [tilespmem:$0x200];
	_ =	sdelay $0x3  }
0x8e: {  	v1 =	vshrl.u32 v1, $0x8  }
0x8f: {  	v2 =	vshrl.u32 v2, $0x8;
	v1 =	vand.u32 $0x40, v1  }
0x90: {  	v2 =	vand.u32 $0x40, v2;
	v1 =	vor.u32 v0, v1  }
0x91: {  	v4 =	vor.u32 v0, v2;
	v2 =	vor.u32 s2, v1  }
0x92: {  	v3 =	vor.u32 s2, v4;
	_ =	sdelay $0x2  }
0x93: {  	s28 =	simm.s32 $0x1  }
0x94: {  	v8 =	vor.u32 s28, v1;
	v7 =	vld.idx.msk [tilespmem:v2+s13+$0x0], $0xffff  }
0x95: {  	v6 =	vor.u32 s28, v4;
	v5 =	vld.idx.msk [tilespmem:v3+s15+$0x0], $0xffff;
	_ =	sdelay $0x3  }
0x96: {  	s28 =	simm.s32 $0x2;
	v2 =	vimm.f32 $0.0e+00;
	v3 =	vld.idx.msk [tilespmem:v8+s13+$0x0], $0xffff  }
.LBB2_2:
0x97: {  	v8 =	vor.u32 s28, v1;
	v7 =	vmul.f32 v5, v7;
	v5 =	vld.idx.msk [tilespmem:v6+s15+$0x0], $0xffff;
	p0 =	sne.s32 s28, $0x3F  }
.Ltmp0:
0x98: {  	v6 =	vor.u32 s28, v4;
	s28 =	sadd.s32 $0x1, s28;
	(pc) =	sbr.rel @p0 .LBB2_2-.Ltmp0, $2  }
0x99: {  	v2 =	vadd.f32 v7, v2;
	_ =	sdelay $0x2  }
0x9a: {  	v7 =	vmov v3;
	v3 =	vld.idx.msk [tilespmem:v8+s13+$0x0], $0xffff  }
0x9b: {  	_ = 	snop  }
0x9c: {  	v1 =	vld [tilespmem:$0x10]  }
0x9d: {  	v4 =	vld [tilespmem:$0x210];
	_ =	sdelay $0x1  }
0x9e: {  	v6 =	vld.idx.msk [tilespmem:v6+s15+$0x0], $0xffff;
	_ =	sdelay $0x1  }
0x9f: {  	v5 =	vmul.f32 v5, v7;
	v1 =	vshrl.u32 v1, $0x8  }
0xa0: {  	v4 =	vshrl.u32 v4, $0x8;
	v7 =	vand.u32 $0x40, v1;
	v1 =	vor.u32 $0x800, v0  }
0xa1: {  	s28 =	simm.s32 $0x0;
	v8 =	vadd.f32 v5, v2;
	v4 =	vand.u32 $0x40, v4;
	v2 =	vor.u32 v1, v7  }
0xa2: {  	v3 =	vmul.f32 v6, v3;
	v5 =	vor.u32 v1, v4;
	v4 =	vor.u32 s28, v2  }
0xa3: {  	v6 =	vor.u32 s28, v5  }
0xa4: {  	v3 =	vadd.f32 v3, v8;
	_ =	sdelay $0x1  }
0xa5: {  	s28 =	simm.s32 $0x1;
	[tilespmem:$0x10800] =	vst v3  }
0xa6: {  	v9 =	vor.u32 s28, v2;
	v8 =	vld.idx.msk [tilespmem:v4+s13+$0x0], $0xffff  }
0xa7: {  	v7 =	vor.u32 s28, v5;
	v6 =	vld.idx.msk [tilespmem:v6+s15+$0x0], $0xffff;
	_ =	sdelay $0x3  }
0xa8: {  	v3 =	vimm.f32 $0.0e+00;
	s28 =	simm.s32 $0x2;
	v4 =	vld.idx.msk [tilespmem:v9+s13+$0x0], $0xffff  }
.LBB2_4:
0xa9: {  	v9 =	vor.u32 s28, v2;
	v8 =	vmul.f32 v6, v8;
	v6 =	vld.idx.msk [tilespmem:v7+s15+$0x0], $0xffff;
	p0 =	sne.s32 s28, $0x3F  }
.Ltmp1:
0xaa: {  	v7 =	vor.u32 s28, v5;
	s28 =	sadd.s32 $0x1, s28;
	(pc) =	sbr.rel @p0 .LBB2_4-.Ltmp1, $2  }
0xab: {  	v3 =	vadd.f32 v8, v3;
	_ =	sdelay $0x2  }
0xac: {  	v8 =	vmov v4;
	v4 =	vld.idx.msk [tilespmem:v9+s13+$0x0], $0xffff  }
0xad: {  	_ = 	snop  }
0xae: {  	v2 =	vld [tilespmem:$0x20]  }
0xaf: {  	v5 =	vld [tilespmem:$0x220];
	_ =	sdelay $0x1  }
0xb0: {  	v7 =	vld.idx.msk [tilespmem:v7+s15+$0x0], $0xffff;
	_ =	sdelay $0x1  }
0xb1: {  	v6 =	vmul.f32 v6, v8;
	v2 =	vshrl.u32 v2, $0x8  }
0xb2: {  	v5 =	vshrl.u32 v5, $0x8;
	v8 =	vand.u32 $0x40, v2;
	v2 =	vor.u32 $0x1000, v0  }
0xb3: {  	s28 =	simm.s32 $0x0;
	v9 =	vadd.f32 v6, v3;
	v5 =	vand.u32 $0x40, v5;
	v3 =	vor.u32 v2, v8  }
0xb4: {  	v4 =	vmul.f32 v7, v4;
	v6 =	vor.u32 v2, v5;
	v5 =	vor.u32 s28, v3  }
0xb5: {  	v7 =	vor.u32 s28, v6  }
0xb6: {  	v4 =	vadd.f32 v4, v9;
	_ =	sdelay $0x1  }
0xb7: {  	s28 =	simm.s32 $0x1;
	[tilespmem:$0x10810] =	vst v4  }
0xb8: {  	v10 =	vor.u32 s28, v3;
	v9 =	vld.idx.msk [tilespmem:v5+s13+$0x0], $0xffff  }
0xb9: {  	v8 =	vor.u32 s28, v6;
	v7 =	vld.idx.msk [tilespmem:v7+s15+$0x0], $0xffff;
	_ =	sdelay $0x3  }
0xba: {  	v4 =	vimm.f32 $0.0e+00;
	s28 =	simm.s32 $0x2;
	v5 =	vld.idx.msk [tilespmem:v10+s13+$0x0], $0xffff  }
.LBB2_6:
0xbb: {  	v10 =	vor.u32 s28, v3;
	v9 =	vmul.f32 v7, v9;
	v7 =	vld.idx.msk [tilespmem:v8+s15+$0x0], $0xffff;
	p0 =	sne.s32 s28, $0x3F  }
.Ltmp2:
0xbc: {  	v8 =	vor.u32 s28, v6;
	s28 =	sadd.s32 $0x1, s28;
	(pc) =	sbr.rel @p0 .LBB2_6-.Ltmp2, $2  }
0xbd: {  	v4 =	vadd.f32 v9, v4;
	_ =	sdelay $0x2  }
0xbe: {  	v9 =	vmov v5;
	v5 =	vld.idx.msk [tilespmem:v10+s13+$0x0], $0xffff  }
0xbf: {  	_ = 	snop  }
0xc0: {  	v3 =	vld [tilespmem:$0x30]  }
0xc1: {  	v6 =	vld [tilespmem:$0x230];
	_ =	sdelay $0x1  }
0xc2: {  	v8 =	vld.idx.msk [tilespmem:v8+s15+$0x0], $0xffff;
	_ =	sdelay $0x1  }
0xc3: {  	v7 =	vmul.f32 v7, v9;
	v3 =	vshrl.u32 v3, $0x8  }
0xc4: {  	v6 =	vshrl.u32 v6, $0x8;
	v9 =	vand.u32 $0x40, v3;
	v3 =	vor.u32 $0x1800, v0  }
0xc5: {  	s28 =	simm.s32 $0x0;
	v10 =	vadd.f32 v7, v4;
	v6 =	vand.u32 $0x40, v6;
	v4 =	vor.u32 v3, v9  }
0xc6: {  	v5 =	vmul.f32 v8, v5;
	v7 =	vor.u32 v3, v6;
	v6 =	vor.u32 s28, v4  }
0xc7: {  	v8 =	vor.u32 s28, v7  }
0xc8: {  	v5 =	vadd.f32 v5, v10;
	_ =	sdelay $0x1  }
0xc9: {  	s28 =	simm.s32 $0x1;
	[tilespmem:$0x10820] =	vst v5  }
0xca: {  	v11 =	vor.u32 s28, v4;
	v10 =	vld.idx.msk [tilespmem:v6+s13+$0x0], $0xffff  }
0xcb: {  	v9 =	vor.u32 s28, v7;
	v8 =	vld.idx.msk [tilespmem:v8+s15+$0x0], $0xffff;
	_ =	sdelay $0x3  }
0xcc: {  	v5 =	vimm.f32 $0.0e+00;
	s28 =	simm.s32 $0x2;
	v6 =	vld.idx.msk [tilespmem:v11+s13+$0x0], $0xffff  }
.LBB2_8:
0xcd: {  	v11 =	vor.u32 s28, v4;
	v10 =	vmul.f32 v8, v10;
	v8 =	vld.idx.msk [tilespmem:v9+s15+$0x0], $0xffff;
	p0 =	sne.s32 s28, $0x3F  }
.Ltmp3:
0xce: {  	v9 =	vor.u32 s28, v7;
	s28 =	sadd.s32 $0x1, s28;
	(pc) =	sbr.rel @p0 .LBB2_8-.Ltmp3, $2  }
0xcf: {  	v5 =	vadd.f32 v10, v5;
	_ =	sdelay $0x2  }
0xd0: {  	v10 =	vmov v6;
	v6 =	vld.idx.msk [tilespmem:v11+s13+$0x0], $0xffff  }
0xd1: {  	_ = 	snop  }
0xd2: {  	v4 =	vld [tilespmem:$0x40]  }
0xd3: {  	v7 =	vld [tilespmem:$0x240];
	_ =	sdelay $0x1  }
0xd4: {  	v9 =	vld.idx.msk [tilespmem:v9+s15+$0x0], $0xffff;
	_ =	sdelay $0x1  }
0xd5: {  	v8 =	vmul.f32 v8, v10;
	v4 =	vshrl.u32 v4, $0x8  }
0xd6: {  	v7 =	vshrl.u32 v7, $0x8;
	v10 =	vand.u32 $0x40, v4;
	v4 =	vor.u32 $0x2000, v0  }
0xd7: {  	s28 =	simm.s32 $0x0;
	v11 =	vadd.f32 v8, v5;
	v7 =	vand.u32 $0x40, v7;
	v5 =	vor.u32 v4, v10  }
0xd8: {  	v6 =	vmul.f32 v9, v6;
	v8 =	vor.u32 v4, v7;
	v7 =	vor.u32 s28, v5  }
0xd9: {  	v9 =	vor.u32 s28, v8  }
0xda: {  	v6 =	vadd.f32 v6, v11;
	_ =	sdelay $0x1  }
0xdb: {  	s28 =	simm.s32 $0x1;
	[tilespmem:$0x10830] =	vst v6  }
0xdc: {  	v12 =	vor.u32 s28, v5;
	v11 =	vld.idx.msk [tilespmem:v7+s13+$0x0], $0xffff  }
0xdd: {  	v10 =	vor.u32 s28, v8;
	v9 =	vld.idx.msk [tilespmem:v9+s15+$0x0], $0xffff;
	_ =	sdelay $0x3  }
0xde: {  	v6 =	vimm.f32 $0.0e+00;
	s28 =	simm.s32 $0x2;
	v7 =	vld.idx.msk [tilespmem:v12+s13+$0x0], $0xffff  }
.LBB2_10:
0xdf: {  	v12 =	vor.u32 s28, v5;
	v11 =	vmul.f32 v9, v11;
	v9 =	vld.idx.msk [tilespmem:v10+s15+$0x0], $0xffff;
	p0 =	sne.s32 s28, $0x3F  }
.Ltmp4:
0xe0: {  	v10 =	vor.u32 s28, v8;
	s28 =	sadd.s32 $0x1, s28;
	(pc) =	sbr.rel @p0 .LBB2_10-.Ltmp4, $2  }
0xe1: {  	v6 =	vadd.f32 v11, v6;
	_ =	sdelay $0x2  }
0xe2: {  	v11 =	vmov v7;
	v7 =	vld.idx.msk [tilespmem:v12+s13+$0x0], $0xffff  }
0xe3: {  	_ = 	snop  }
0xe4: {  	v5 =	vld [tilespmem:$0x50]  }
0xe5: {  	v8 =	vld [tilespmem:$0x250];
	_ =	sdelay $0x1  }
0xe6: {  	v10 =	vld.idx.msk [tilespmem:v10+s15+$0x0], $0xffff;
	_ =	sdelay $0x1  }
0xe7: {  	v9 =	vmul.f32 v9, v11;
	v5 =	vshrl.u32 v5, $0x8  }
0xe8: {  	v8 =	vshrl.u32 v8, $0x8;
	v11 =	vand.u32 $0x40, v5;
	v5 =	vor.u32 $0x2800, v0  }
0xe9: {  	s28 =	simm.s32 $0x0;
	v12 =	vadd.f32 v9, v6;
	v8 =	vand.u32 $0x40, v8;
	v6 =	vor.u32 v5, v11  }
0xea: {  	v7 =	vmul.f32 v10, v7;
	v9 =	vor.u32 v5, v8;
	v8 =	vor.u32 s28, v6  }
0xeb: {  	v10 =	vor.u32 s28, v9  }
0xec: {  	v7 =	vadd.f32 v7, v12;
	_ =	sdelay $0x1  }
0xed: {  	s28 =	simm.s32 $0x1;
	[tilespmem:$0x10840] =	vst v7  }
0xee: {  	v13 =	vor.u32 s28, v6;
	v12 =	vld.idx.msk [tilespmem:v8+s13+$0x0], $0xffff  }
0xef: {  	v11 =	vor.u32 s28, v9;
	v10 =	vld.idx.msk [tilespmem:v10+s15+$0x0], $0xffff;
	_ =	sdelay $0x3  }
0xf0: {  	v7 =	vimm.f32 $0.0e+00;
	s28 =	simm.s32 $0x2;
	v8 =	vld.idx.msk [tilespmem:v13+s13+$0x0], $0xffff  }
.LBB2_12:
0xf1: {  	v13 =	vor.u32 s28, v6;
	v12 =	vmul.f32 v10, v12;
	v10 =	vld.idx.msk [tilespmem:v11+s15+$0x0], $0xffff;
	p0 =	sne.s32 s28, $0x3F  }
.Ltmp5:
0xf2: {  	v11 =	vor.u32 s28, v9;
	s28 =	sadd.s32 $0x1, s28;
	(pc) =	sbr.rel @p0 .LBB2_12-.Ltmp5, $2  }
0xf3: {  	v7 =	vadd.f32 v12, v7;
	_ =	sdelay $0x2  }
0xf4: {  	v12 =	vmov v8;
	v8 =	vld.idx.msk [tilespmem:v13+s13+$0x0], $0xffff  }
0xf5: {  	_ = 	snop  }
0xf6: {  	v6 =	vld [tilespmem:$0x60]  }
0xf7: {  	v9 =	vld [tilespmem:$0x260];
	_ =	sdelay $0x1  }
0xf8: {  	v11 =	vld.idx.msk [tilespmem:v11+s15+$0x0], $0xffff;
	_ =	sdelay $0x1  }
0xf9: {  	v10 =	vmul.f32 v10, v12;
	v6 =	vshrl.u32 v6, $0x8  }
0xfa: {  	v9 =	vshrl.u32 v9, $0x8;
	v12 =	vand.u32 $0x40, v6;
	v6 =	vor.u32 $0x3000, v0  }
0xfb: {  	s28 =	simm.s32 $0x0;
	v13 =	vadd.f32 v10, v7;
	v9 =	vand.u32 $0x40, v9;
	v7 =	vor.u32 v6, v12  }
0xfc: {  	v8 =	vmul.f32 v11, v8;
	v10 =	vor.u32 v6, v9;
	v9 =	vor.u32 s28, v7  }
0xfd: {  	v11 =	vor.u32 s28, v10  }
0xfe: {  	v8 =	vadd.f32 v8, v13;
	_ =	sdelay $0x1  }
0xff: {  	s28 =	simm.s32 $0x1;
	[tilespmem:$0x10850] =	vst v8  }
0x100: {  	v14 =	vor.u32 s28, v7;
	v13 =	vld.idx.msk [tilespmem:v9+s13+$0x0], $0xffff  }
0x101: {  	v12 =	vor.u32 s28, v10;
	v11 =	vld.idx.msk [tilespmem:v11+s15+$0x0], $0xffff;
	_ =	sdelay $0x3  }
0x102: {  	v8 =	vimm.f32 $0.0e+00;
	s28 =	simm.s32 $0x2;
	v9 =	vld.idx.msk [tilespmem:v14+s13+$0x0], $0xffff  }
.LBB2_14:
0x103: {  	v14 =	vor.u32 s28, v7;
	v13 =	vmul.f32 v11, v13;
	v11 =	vld.idx.msk [tilespmem:v12+s15+$0x0], $0xffff;
	p0 =	sne.s32 s28, $0x3F  }
.Ltmp6:
0x104: {  	v12 =	vor.u32 s28, v10;
	s28 =	sadd.s32 $0x1, s28;
	(pc) =	sbr.rel @p0 .LBB2_14-.Ltmp6, $2  }
0x105: {  	v8 =	vadd.f32 v13, v8;
	_ =	sdelay $0x2  }
0x106: {  	v13 =	vmov v9;
	v9 =	vld.idx.msk [tilespmem:v14+s13+$0x0], $0xffff  }
0x107: {  	_ = 	snop  }
0x108: {  	v7 =	vld [tilespmem:$0x70]  }
0x109: {  	v10 =	vld [tilespmem:$0x270];
	_ =	sdelay $0x1  }
0x10a: {  	v12 =	vld.idx.msk [tilespmem:v12+s15+$0x0], $0xffff;
	_ =	sdelay $0x1  }
0x10b: {  	v11 =	vmul.f32 v11, v13;
	v7 =	vshrl.u32 v7, $0x8  }
0x10c: {  	v10 =	vshrl.u32 v10, $0x8;
	v13 =	vand.u32 $0x40, v7;
	v7 =	vor.u32 $0x3800, v0  }
0x10d: {  	s28 =	simm.s32 $0x0;
	v11 =	vadd.f32 v11, v8;
	v10 =	vand.u32 $0x40, v10;
	v8 =	vor.u32 v7, v13  }
0x10e: {  	v12 =	vmul.f32 v12, v9;
	v9 =	vor.u32 v7, v10;
	v10 =	vor.u32 s28, v8  }
0x10f: {  	v13 =	vor.u32 s28, v9  }
0x110: {  	v11 =	vadd.f32 v12, v11;
	_ =	sdelay $0x1  }
0x111: {  	s28 =	simm.s32 $0x1;
	[tilespmem:$0x10860] =	vst v11  }
0x112: {  	v12 =	vor.u32 s28, v8;
	v14 =	vld.idx.msk [tilespmem:v10+s13+$0x0], $0xffff  }
0x113: {  	v11 =	vld.idx.msk [tilespmem:v13+s15+$0x0], $0xffff;
	v13 =	vor.u32 s28, v9;
	_ =	sdelay $0x3  }
0x114: {  	v10 =	vimm.f32 $0.0e+00;
	s28 =	simm.s32 $0x2;
	v12 =	vld.idx.msk [tilespmem:v12+s13+$0x0], $0xffff  }
.LBB2_16:
0x115: {  	v15 =	vor.u32 s28, v8;
	v14 =	vmul.f32 v11, v14;
	v11 =	vld.idx.msk [tilespmem:v13+s15+$0x0], $0xffff;
	p0 =	sne.s32 s28, $0x3F  }
.Ltmp7:
0x116: {  	v13 =	vor.u32 s28, v9;
	s28 =	sadd.s32 $0x1, s28;
	(pc) =	sbr.rel @p0 .LBB2_16-.Ltmp7, $2  }
0x117: {  	v10 =	vadd.f32 v14, v10;
	_ =	sdelay $0x2  }
0x118: {  	v14 =	vmov v12;
	v12 =	vld.idx.msk [tilespmem:v15+s13+$0x0], $0xffff  }
0x119: {  	_ =	sdelay $0x3  }
0x11a: {  	v8 =	vld.idx.msk [tilespmem:v13+s15+$0x0], $0xffff;
	_ =	sdelay $0x2  }
0x11b: {  	v9 =	vmul.f32 v11, v14;
	_ =	sdelay $0x1  }
0x11c: {  	v9 =	vadd.f32 v9, v10;
	v8 =	vmul.f32 v8, v12;
	_ =	sdelay $0x1  }
0x11d: {  	v8 =	vadd.f32 v8, v9;
	_ =	sdelay $0x1  }
0x11e: {  	[tilespmem:$0x10870] =	vst v8  }
0x11f: {  	_ =	swait.ge [sflag:s16], $0x4000  }
0x120: {  	[sflag:s16] =	ssyncset.done $0x0  }
0x121: {  	[sflag:s16] =	ssyncadd.s32 $0xFFFFC000  }
0x122: {  	_ =	swait.ge [sflag:s16], $0x4000  }
0x123: {  	[sflag:s16] =	ssyncset.done $0x0  }
0x124: {  	[sflag:s16] =	ssyncadd.s32 $0xFFFFC000  }
0x125: {  	[tilespmem:s13], [sflag:$0x1] =	stream.indirect.gather [hbm4b:s3+s11], $0x80, s21, s11, $0xb8;
	[tilespmem:$0x10A00] =	vst v63  }
0x126: {  	_ = 	snop  }
0x127: {  	[tilespmem:s15], [sflag:$0x1] =	stream.indirect.gather [hbm4b:s4+s11], $0x80, s22, s11, $0xb8;
	[tilespmem:$0x10A00] =	vst v63  }
0x128: {  	v8 =	vld [tilespmem:$0x80]  }
0x129: {  	v9 =	vld [tilespmem:$0x280];
	_ =	sdelay $0x3  }
0x12a: {  	v8 =	vshrl.u32 v8, $0x8  }
0x12b: {  	v10 =	vshrl.u32 v9, $0x8;
	v9 =	vor.u32 $0x4000, v0;
	v8 =	vand.u32 $0x40, v8  }
0x12c: {  	s28 =	simm.s32 $0x0;
	v10 =	vand.u32 $0x40, v10;
	v8 =	vor.u32 v9, v8  }
0x12d: {  	v12 =	vor.u32 v9, v10;
	v10 =	vor.u32 s28, v8  }
0x12e: {  	v11 =	vor.u32 s28, v12;
	_ =	sdelay $0x2  }
0x12f: {  	s28 =	simm.s32 $0x1  }
0x130: {  	v16 =	vor.u32 s28, v8;
	v15 =	vld.idx.msk [tilespmem:v10+s13+$0x0], $0xffff  }
0x131: {  	v14 =	vor.u32 s28, v12;
	v13 =	vld.idx.msk [tilespmem:v11+s15+$0x0], $0xffff;
	_ =	sdelay $0x3  }
0x132: {  	s28 =	simm.s32 $0x2;
	v10 =	vimm.f32 $0.0e+00;
	v11 =	vld.idx.msk [tilespmem:v16+s13+$0x0], $0xffff  }
.LBB2_18:
0x133: {  	v16 =	vor.u32 s28, v8;
	v15 =	vmul.f32 v13, v15;
	v13 =	vld.idx.msk [tilespmem:v14+s15+$0x0], $0xffff;
	p0 =	sne.s32 s28, $0x3F  }
.Ltmp8:
0x134: {  	v14 =	vor.u32 s28, v12;
	s28 =	sadd.s32 $0x1, s28;
	(pc) =	sbr.rel @p0 .LBB2_18-.Ltmp8, $2  }
0x135: {  	v10 =	vadd.f32 v15, v10;
	_ =	sdelay $0x2  }
0x136: {  	v15 =	vmov v11;
	v11 =	vld.idx.msk [tilespmem:v16+s13+$0x0], $0xffff  }
0x137: {  	_ = 	snop  }
0x138: {  	v8 =	vld [tilespmem:$0x90]  }
0x139: {  	v12 =	vld [tilespmem:$0x290];
	_ =	sdelay $0x1  }
0x13a: {  	v14 =	vld.idx.msk [tilespmem:v14+s15+$0x0], $0xffff;
	_ =	sdelay $0x1  }
0x13b: {  	v13 =	vmul.f32 v13, v15;
	v8 =	vshrl.u32 v8, $0x8  }
0x13c: {  	v12 =	vshrl.u32 v12, $0x8;
	v15 =	vand.u32 $0x40, v8;
	v8 =	vor.u32 $0x4800, v0  }
0x13d: {  	s28 =	simm.s32 $0x0;
	v16 =	vadd.f32 v13, v10;
	v12 =	vand.u32 $0x40, v12;
	v10 =	vor.u32 v8, v15  }
0x13e: {  	v11 =	vmul.f32 v14, v11;
	v13 =	vor.u32 v8, v12;
	v12 =	vor.u32 s28, v10  }
0x13f: {  	v14 =	vor.u32 s28, v13  }
0x140: {  	v11 =	vadd.f32 v11, v16;
	_ =	sdelay $0x1  }
0x141: {  	s28 =	simm.s32 $0x1;
	[tilespmem:$0x10880] =	vst v11  }
0x142: {  	v17 =	vor.u32 s28, v10;
	v16 =	vld.idx.msk [tilespmem:v12+s13+$0x0], $0xffff  }
0x143: {  	v15 =	vor.u32 s28, v13;
	v14 =	vld.idx.msk [tilespmem:v14+s15+$0x0], $0xffff;
	_ =	sdelay $0x3  }
0x144: {  	v11 =	vimm.f32 $0.0e+00;
	s28 =	simm.s32 $0x2;
	v12 =	vld.idx.msk [tilespmem:v17+s13+$0x0], $0xffff  }
.LBB2_20:
0x145: {  	v17 =	vor.u32 s28, v10;
	v16 =	vmul.f32 v14, v16;
	v14 =	vld.idx.msk [tilespmem:v15+s15+$0x0], $0xffff;
	p0 =	sne.s32 s28, $0x3F  }
.Ltmp9:
0x146: {  	v15 =	vor.u32 s28, v13;
	s28 =	sadd.s32 $0x1, s28;
	(pc) =	sbr.rel @p0 .LBB2_20-.Ltmp9, $2  }
0x147: {  	v11 =	vadd.f32 v16, v11;
	_ =	sdelay $0x2  }
0x148: {  	v16 =	vmov v12;
	v12 =	vld.idx.msk [tilespmem:v17+s13+$0x0], $0xffff  }
0x149: {  	_ = 	snop  }
0x14a: {  	v10 =	vld [tilespmem:$0xA0]  }
0x14b: {  	v13 =	vld [tilespmem:$0x2A0];
	_ =	sdelay $0x1  }
0x14c: {  	v15 =	vld.idx.msk [tilespmem:v15+s15+$0x0], $0xffff;
	_ =	sdelay $0x1  }
0x14d: {  	v14 =	vmul.f32 v14, v16;
	v10 =	vshrl.u32 v10, $0x8  }
0x14e: {  	v13 =	vshrl.u32 v13, $0x8;
	v16 =	vand.u32 $0x40, v10;
	v10 =	vor.u32 $0x5000, v0  }
0x14f: {  	s28 =	simm.s32 $0x0;
	v17 =	vadd.f32 v14, v11;
	v13 =	vand.u32 $0x40, v13;
	v11 =	vor.u32 v10, v16  }
0x150: {  	v12 =	vmul.f32 v15, v12;
	v14 =	vor.u32 v10, v13;
	v13 =	vor.u32 s28, v11  }
0x151: {  	v15 =	vor.u32 s28, v14  }
0x152: {  	v12 =	vadd.f32 v12, v17;
	_ =	sdelay $0x1  }
0x153: {  	s28 =	simm.s32 $0x1;
	[tilespmem:$0x10890] =	vst v12  }
0x154: {  	v18 =	vor.u32 s28, v11;
	v17 =	vld.idx.msk [tilespmem:v13+s13+$0x0], $0xffff  }
0x155: {  	v16 =	vor.u32 s28, v14;
	v15 =	vld.idx.msk [tilespmem:v15+s15+$0x0], $0xffff;
	_ =	sdelay $0x3  }
0x156: {  	v12 =	vimm.f32 $0.0e+00;
	s28 =	simm.s32 $0x2;
	v13 =	vld.idx.msk [tilespmem:v18+s13+$0x0], $0xffff  }
.LBB2_22:
0x157: {  	v18 =	vor.u32 s28, v11;
	v17 =	vmul.f32 v15, v17;
	v15 =	vld.idx.msk [tilespmem:v16+s15+$0x0], $0xffff;
	p0 =	sne.s32 s28, $0x3F  }
.Ltmp10:
0x158: {  	v16 =	vor.u32 s28, v14;
	s28 =	sadd.s32 $0x1, s28;
	(pc) =	sbr.rel @p0 .LBB2_22-.Ltmp10, $2  }
0x159: {  	v12 =	vadd.f32 v17, v12;
	_ =	sdelay $0x2  }
0x15a: {  	v17 =	vmov v13;
	v13 =	vld.idx.msk [tilespmem:v18+s13+$0x0], $0xffff  }
0x15b: {  	_ = 	snop  }
0x15c: {  	v11 =	vld [tilespmem:$0xB0]  }
0x15d: {  	v14 =	vld [tilespmem:$0x2B0];
	_ =	sdelay $0x1  }
0x15e: {  	v16 =	vld.idx.msk [tilespmem:v16+s15+$0x0], $0xffff;
	_ =	sdelay $0x1  }
0x15f: {  	v15 =	vmul.f32 v15, v17;
	v11 =	vshrl.u32 v11, $0x8  }
0x160: {  	v14 =	vshrl.u32 v14, $0x8;
	v17 =	vand.u32 $0x40, v11;
	v11 =	vor.u32 $0x5800, v0  }
0x161: {  	s28 =	simm.s32 $0x0;
	v18 =	vadd.f32 v15, v12;
	v14 =	vand.u32 $0x40, v14;
	v12 =	vor.u32 v11, v17  }
0x162: {  	v13 =	vmul.f32 v16, v13;
	v15 =	vor.u32 v11, v14;
	v14 =	vor.u32 s28, v12  }
0x163: {  	v16 =	vor.u32 s28, v15  }
0x164: {  	v13 =	vadd.f32 v13, v18;
	_ =	sdelay $0x1  }
0x165: {  	s28 =	simm.s32 $0x1;
	[tilespmem:$0x108A0] =	vst v13  }
0x166: {  	v19 =	vor.u32 s28, v12;
	v18 =	vld.idx.msk [tilespmem:v14+s13+$0x0], $0xffff  }
0x167: {  	v17 =	vor.u32 s28, v15;
	v16 =	vld.idx.msk [tilespmem:v16+s15+$0x0], $0xffff;
	_ =	sdelay $0x3  }
0x168: {  	v13 =	vimm.f32 $0.0e+00;
	s28 =	simm.s32 $0x2;
	v14 =	vld.idx.msk [tilespmem:v19+s13+$0x0], $0xffff  }
.LBB2_24:
0x169: {  	v19 =	vor.u32 s28, v12;
	v18 =	vmul.f32 v16, v18;
	v16 =	vld.idx.msk [tilespmem:v17+s15+$0x0], $0xffff;
	p0 =	sne.s32 s28, $0x3F  }
.Ltmp11:
0x16a: {  	v17 =	vor.u32 s28, v15;
	s28 =	sadd.s32 $0x1, s28;
	(pc) =	sbr.rel @p0 .LBB2_24-.Ltmp11, $2  }
0x16b: {  	v13 =	vadd.f32 v18, v13;
	_ =	sdelay $0x2  }
0x16c: {  	v18 =	vmov v14;
	v14 =	vld.idx.msk [tilespmem:v19+s13+$0x0], $0xffff  }
0x16d: {  	_ = 	snop  }
0x16e: {  	v12 =	vld [tilespmem:$0xC0]  }
0x16f: {  	v15 =	vld [tilespmem:$0x2C0];
	_ =	sdelay $0x1  }
0x170: {  	v17 =	vld.idx.msk [tilespmem:v17+s15+$0x0], $0xffff;
	_ =	sdelay $0x1  }
0x171: {  	v16 =	vmul.f32 v16, v18;
	v12 =	vshrl.u32 v12, $0x8  }
0x172: {  	v15 =	vshrl.u32 v15, $0x8;
	v18 =	vand.u32 $0x40, v12;
	v12 =	vor.u32 $0x6000, v0  }
0x173: {  	s28 =	simm.s32 $0x0;
	v19 =	vadd.f32 v16, v13;
	v15 =	vand.u32 $0x40, v15;
	v13 =	vor.u32 v12, v18  }
0x174: {  	v14 =	vmul.f32 v17, v14;
	v16 =	vor.u32 v12, v15;
	v15 =	vor.u32 s28, v13  }
0x175: {  	v17 =	vor.u32 s28, v16  }
0x176: {  	v14 =	vadd.f32 v14, v19;
	_ =	sdelay $0x1  }
0x177: {  	s28 =	simm.s32 $0x1;
	[tilespmem:$0x108B0] =	vst v14  }
0x178: {  	v20 =	vor.u32 s28, v13;
	v19 =	vld.idx.msk [tilespmem:v15+s13+$0x0], $0xffff  }
0x179: {  	v18 =	vor.u32 s28, v16;
	v17 =	vld.idx.msk [tilespmem:v17+s15+$0x0], $0xffff;
	_ =	sdelay $0x3  }
0x17a: {  	v14 =	vimm.f32 $0.0e+00;
	s28 =	simm.s32 $0x2;
	v15 =	vld.idx.msk [tilespmem:v20+s13+$0x0], $0xffff  }
.LBB2_26:
0x17b: {  	v20 =	vor.u32 s28, v13;
	v19 =	vmul.f32 v17, v19;
	v17 =	vld.idx.msk [tilespmem:v18+s15+$0x0], $0xffff;
	p0 =	sne.s32 s28, $0x3F  }
.Ltmp12:
0x17c: {  	v18 =	vor.u32 s28, v16;
	s28 =	sadd.s32 $0x1, s28;
	(pc) =	sbr.rel @p0 .LBB2_26-.Ltmp12, $2  }
0x17d: {  	v14 =	vadd.f32 v19, v14;
	_ =	sdelay $0x2  }
0x17e: {  	v19 =	vmov v15;
	v15 =	vld.idx.msk [tilespmem:v20+s13+$0x0], $0xffff  }
0x17f: {  	_ = 	snop  }
0x180: {  	v13 =	vld [tilespmem:$0xD0]  }
0x181: {  	v16 =	vld [tilespmem:$0x2D0];
	_ =	sdelay $0x1  }
0x182: {  	v18 =	vld.idx.msk [tilespmem:v18+s15+$0x0], $0xffff;
	_ =	sdelay $0x1  }
0x183: {  	v17 =	vmul.f32 v17, v19;
	v13 =	vshrl.u32 v13, $0x8  }
0x184: {  	v16 =	vshrl.u32 v16, $0x8;
	v19 =	vand.u32 $0x40, v13;
	v13 =	vor.u32 $0x6800, v0  }
0x185: {  	s28 =	simm.s32 $0x0;
	v20 =	vadd.f32 v17, v14;
	v16 =	vand.u32 $0x40, v16;
	v14 =	vor.u32 v13, v19  }
0x186: {  	v15 =	vmul.f32 v18, v15;
	v17 =	vor.u32 v13, v16;
	v16 =	vor.u32 s28, v14  }
0x187: {  	v18 =	vor.u32 s28, v17  }
0x188: {  	v15 =	vadd.f32 v15, v20;
	_ =	sdelay $0x1  }
0x189: {  	s28 =	simm.s32 $0x1;
	[tilespmem:$0x108C0] =	vst v15  }
0x18a: {  	v21 =	vor.u32 s28, v14;
	v20 =	vld.idx.msk [tilespmem:v16+s13+$0x0], $0xffff  }
0x18b: {  	v19 =	vor.u32 s28, v17;
	v18 =	vld.idx.msk [tilespmem:v18+s15+$0x0], $0xffff;
	_ =	sdelay $0x3  }
0x18c: {  	v15 =	vimm.f32 $0.0e+00;
	s28 =	simm.s32 $0x2;
	v16 =	vld.idx.msk [tilespmem:v21+s13+$0x0], $0xffff  }
.LBB2_28:
0x18d: {  	v21 =	vor.u32 s28, v14;
	v20 =	vmul.f32 v18, v20;
	v18 =	vld.idx.msk [tilespmem:v19+s15+$0x0], $0xffff;
	p0 =	sne.s32 s28, $0x3F  }
.Ltmp13:
0x18e: {  	v19 =	vor.u32 s28, v17;
	s28 =	sadd.s32 $0x1, s28;
	(pc) =	sbr.rel @p0 .LBB2_28-.Ltmp13, $2  }
0x18f: {  	v15 =	vadd.f32 v20, v15;
	_ =	sdelay $0x2  }
0x190: {  	v20 =	vmov v16;
	v16 =	vld.idx.msk [tilespmem:v21+s13+$0x0], $0xffff  }
0x191: {  	_ = 	snop  }
0x192: {  	v14 =	vld [tilespmem:$0xE0]  }
0x193: {  	v17 =	vld [tilespmem:$0x2E0];
	_ =	sdelay $0x1  }
0x194: {  	v19 =	vld.idx.msk [tilespmem:v19+s15+$0x0], $0xffff;
	_ =	sdelay $0x1  }
0x195: {  	v18 =	vmul.f32 v18, v20;
	v14 =	vshrl.u32 v14, $0x8  }
0x196: {  	v17 =	vshrl.u32 v17, $0x8;
	v20 =	vand.u32 $0x40, v14;
	v14 =	vor.u32 $0x7000, v0  }
0x197: {  	s28 =	simm.s32 $0x0;
	v21 =	vadd.f32 v18, v15;
	v17 =	vand.u32 $0x40, v17;
	v15 =	vor.u32 v14, v20  }
0x198: {  	v16 =	vmul.f32 v19, v16;
	v18 =	vor.u32 v14, v17;
	v17 =	vor.u32 s28, v15  }
0x199: {  	v19 =	vor.u32 s28, v18  }
0x19a: {  	v16 =	vadd.f32 v16, v21;
	_ =	sdelay $0x1  }
0x19b: {  	s28 =	simm.s32 $0x1;
	[tilespmem:$0x108D0] =	vst v16  }
0x19c: {  	v22 =	vor.u32 s28, v15;
	v21 =	vld.idx.msk [tilespmem:v17+s13+$0x0], $0xffff  }
0x19d: {  	v20 =	vor.u32 s28, v18;
	v19 =	vld.idx.msk [tilespmem:v19+s15+$0x0], $0xffff;
	_ =	sdelay $0x3  }
0x19e: {  	v16 =	vimm.f32 $0.0e+00;
	s28 =	simm.s32 $0x2;
	v17 =	vld.idx.msk [tilespmem:v22+s13+$0x0], $0xffff  }
.LBB2_30:
0x19f: {  	v22 =	vor.u32 s28, v15;
	v21 =	vmul.f32 v19, v21;
	v19 =	vld.idx.msk [tilespmem:v20+s15+$0x0], $0xffff;
	p0 =	sne.s32 s28, $0x3F  }
.Ltmp14:
0x1a0: {  	v20 =	vor.u32 s28, v18;
	s28 =	sadd.s32 $0x1, s28;
	(pc) =	sbr.rel @p0 .LBB2_30-.Ltmp14, $2  }
0x1a1: {  	v16 =	vadd.f32 v21, v16;
	_ =	sdelay $0x2  }
0x1a2: {  	v21 =	vmov v17;
	v17 =	vld.idx.msk [tilespmem:v22+s13+$0x0], $0xffff  }
0x1a3: {  	_ = 	snop  }
0x1a4: {  	v15 =	vld [tilespmem:$0xF0]  }
0x1a5: {  	v18 =	vld [tilespmem:$0x2F0];
	_ =	sdelay $0x1  }
0x1a6: {  	v20 =	vld.idx.msk [tilespmem:v20+s15+$0x0], $0xffff;
	_ =	sdelay $0x1  }
0x1a7: {  	v19 =	vmul.f32 v19, v21;
	v15 =	vshrl.u32 v15, $0x8  }
0x1a8: {  	v18 =	vshrl.u32 v18, $0x8;
	v21 =	vand.u32 $0x40, v15;
	v15 =	vor.u32 $0x7800, v0  }
0x1a9: {  	s28 =	simm.s32 $0x0;
	v19 =	vadd.f32 v19, v16;
	v18 =	vand.u32 $0x40, v18;
	v16 =	vor.u32 v15, v21  }
0x1aa: {  	v20 =	vmul.f32 v20, v17;
	v17 =	vor.u32 v15, v18;
	v18 =	vor.u32 s28, v16  }
0x1ab: {  	v21 =	vor.u32 s28, v17  }
0x1ac: {  	v19 =	vadd.f32 v20, v19;
	_ =	sdelay $0x1  }
0x1ad: {  	s28 =	simm.s32 $0x1;
	[tilespmem:$0x108E0] =	vst v19  }
0x1ae: {  	v20 =	vor.u32 s28, v16;
	v22 =	vld.idx.msk [tilespmem:v18+s13+$0x0], $0xffff  }
0x1af: {  	v19 =	vld.idx.msk [tilespmem:v21+s15+$0x0], $0xffff;
	v21 =	vor.u32 s28, v17;
	_ =	sdelay $0x3  }
0x1b0: {  	v18 =	vimm.f32 $0.0e+00;
	s28 =	simm.s32 $0x2;
	v20 =	vld.idx.msk [tilespmem:v20+s13+$0x0], $0xffff  }
.LBB2_32:
0x1b1: {  	v23 =	vor.u32 s28, v16;
	v22 =	vmul.f32 v19, v22;
	v19 =	vld.idx.msk [tilespmem:v21+s15+$0x0], $0xffff;
	p0 =	sne.s32 s28, $0x3F  }
.Ltmp15:
0x1b2: {  	v21 =	vor.u32 s28, v17;
	s28 =	sadd.s32 $0x1, s28;
	(pc) =	sbr.rel @p0 .LBB2_32-.Ltmp15, $2  }
0x1b3: {  	v18 =	vadd.f32 v22, v18;
	_ =	sdelay $0x2  }
0x1b4: {  	v22 =	vmov v20;
	v20 =	vld.idx.msk [tilespmem:v23+s13+$0x0], $0xffff  }
0x1b5: {  	_ =	sdelay $0x3  }
0x1b6: {  	v16 =	vld.idx.msk [tilespmem:v21+s15+$0x0], $0xffff;
	_ =	sdelay $0x2  }
0x1b7: {  	v17 =	vmul.f32 v19, v22;
	_ =	sdelay $0x1  }
0x1b8: {  	v17 =	vadd.f32 v17, v18;
	v16 =	vmul.f32 v16, v20;
	_ =	sdelay $0x1  }
0x1b9: {  	v16 =	vadd.f32 v16, v17;
	_ =	sdelay $0x1  }
0x1ba: {  	[tilespmem:$0x108F0] =	vst v16  }
0x1bb: {  	_ =	swait.ge [sflag:s16], $0x4000  }
0x1bc: {  	[sflag:s16] =	ssyncset.done $0x0  }
0x1bd: {  	[sflag:s16] =	ssyncadd.s32 $0xFFFFC000  }
0x1be: {  	_ =	swait.ge [sflag:s16], $0x4000  }
0x1bf: {  	[sflag:s16] =	ssyncset.done $0x0  }
0x1c0: {  	[sflag:s16] =	ssyncadd.s32 $0xFFFFC000  }
0x1c1: {  	[tilespmem:s18], [sflag:$0x1] =	stream.indirect.gather [hbm4b:s3+s11], $0x80, s23, s11, $0xb8;
	[tilespmem:$0x10A00] =	vst v63  }
0x1c2: {  	_ = 	snop  }
0x1c3: {  	[tilespmem:s20], [sflag:$0x1] =	stream.indirect.gather [hbm4b:s4+s11], $0x80, s24, s11, $0xb8;
	[tilespmem:$0x10A00] =	vst v63  }
0x1c4: {  	v16 =	vld [tilespmem:$0x100]  }
0x1c5: {  	v17 =	vld [tilespmem:$0x300];
	_ =	sdelay $0x3  }
0x1c6: {  	v16 =	vshrl.u32 v16, $0x8  }
0x1c7: {  	v17 =	vshrl.u32 v17, $0x8;
	v16 =	vand.u32 $0x40, v16  }
0x1c8: {  	s28 =	simm.s32 $0x0;
	v17 =	vand.u32 $0x40, v17;
	v16 =	vor.u32 v0, v16  }
0x1c9: {  	v19 =	vor.u32 v0, v17;
	v17 =	vor.u32 s28, v16  }
0x1ca: {  	v18 =	vor.u32 s28, v19;
	_ =	sdelay $0x2  }
0x1cb: {  	s28 =	simm.s32 $0x1  }
0x1cc: {  	v23 =	vor.u32 s28, v16;
	v22 =	vld.idx.msk [tilespmem:v17+s13+$0x0], $0xffff  }
0x1cd: {  	v21 =	vor.u32 s28, v19;
	v20 =	vld.idx.msk [tilespmem:v18+s15+$0x0], $0xffff;
	_ =	sdelay $0x3  }
0x1ce: {  	s28 =	simm.s32 $0x2;
	v17 =	vimm.f32 $0.0e+00;
	v18 =	vld.idx.msk [tilespmem:v23+s13+$0x0], $0xffff  }
.LBB2_34:
0x1cf: {  	v23 =	vor.u32 s28, v16;
	v22 =	vmul.f32 v20, v22;
	v20 =	vld.idx.msk [tilespmem:v21+s15+$0x0], $0xffff;
	p0 =	sne.s32 s28, $0x3F  }
.Ltmp16:
0x1d0: {  	v21 =	vor.u32 s28, v19;
	s28 =	sadd.s32 $0x1, s28;
	(pc) =	sbr.rel @p0 .LBB2_34-.Ltmp16, $2  }
0x1d1: {  	v17 =	vadd.f32 v22, v17;
	_ =	sdelay $0x2  }
0x1d2: {  	v22 =	vmov v18;
	v18 =	vld.idx.msk [tilespmem:v23+s13+$0x0], $0xffff  }
0x1d3: {  	_ = 	snop  }
0x1d4: {  	v16 =	vld [tilespmem:$0x110]  }
0x1d5: {  	v19 =	vld [tilespmem:$0x310];
	_ =	sdelay $0x1  }
0x1d6: {  	v21 =	vld.idx.msk [tilespmem:v21+s15+$0x0], $0xffff;
	_ =	sdelay $0x1  }
0x1d7: {  	v20 =	vmul.f32 v20, v22;
	v16 =	vshrl.u32 v16, $0x8  }
0x1d8: {  	v19 =	vshrl.u32 v19, $0x8;
	v16 =	vand.u32 $0x40, v16  }
0x1d9: {  	s28 =	simm.s32 $0x0;
	v17 =	vadd.f32 v20, v17;
	v19 =	vand.u32 $0x40, v19;
	v16 =	vor.u32 v1, v16  }
0x1da: {  	v18 =	vmul.f32 v21, v18;
	v1 =	vor.u32 v1, v19;
	v19 =	vor.u32 s28, v16  }
0x1db: {  	v20 =	vor.u32 s28, v1  }
0x1dc: {  	v17 =	vadd.f32 v18, v17;
	_ =	sdelay $0x1  }
0x1dd: {  	s28 =	simm.s32 $0x1;
	[tilespmem:$0x10900] =	vst v17  }
0x1de: {  	v18 =	vor.u32 s28, v16;
	v21 =	vld.idx.msk [tilespmem:v19+s13+$0x0], $0xffff  }
0x1df: {  	v19 =	vld.idx.msk [tilespmem:v20+s15+$0x0], $0xffff;
	v20 =	vor.u32 s28, v1;
	_ =	sdelay $0x3  }
0x1e0: {  	v17 =	vimm.f32 $0.0e+00;
	s28 =	simm.s32 $0x2;
	v18 =	vld.idx.msk [tilespmem:v18+s13+$0x0], $0xffff  }
.LBB2_36:
0x1e1: {  	v22 =	vor.u32 s28, v16;
	v21 =	vmul.f32 v19, v21;
	v19 =	vld.idx.msk [tilespmem:v20+s15+$0x0], $0xffff;
	p0 =	sne.s32 s28, $0x3F  }
.Ltmp17:
0x1e2: {  	v20 =	vor.u32 s28, v1;
	s28 =	sadd.s32 $0x1, s28;
	(pc) =	sbr.rel @p0 .LBB2_36-.Ltmp17, $2  }
0x1e3: {  	v17 =	vadd.f32 v21, v17;
	_ =	sdelay $0x2  }
0x1e4: {  	v21 =	vmov v18;
	v18 =	vld.idx.msk [tilespmem:v22+s13+$0x0], $0xffff  }
0x1e5: {  	_ = 	snop  }
0x1e6: {  	v1 =	vld [tilespmem:$0x120]  }
0x1e7: {  	v16 =	vld [tilespmem:$0x320];
	_ =	sdelay $0x1  }
0x1e8: {  	v20 =	vld.idx.msk [tilespmem:v20+s15+$0x0], $0xffff;
	_ =	sdelay $0x1  }
0x1e9: {  	v19 =	vmul.f32 v19, v21;
	v1 =	vshrl.u32 v1, $0x8  }
0x1ea: {  	v16 =	vshrl.u32 v16, $0x8;
	v1 =	vand.u32 $0x40, v1  }
0x1eb: {  	s28 =	simm.s32 $0x0;
	v17 =	vadd.f32 v19, v17;
	v16 =	vand.u32 $0x40, v16;
	v1 =	vor.u32 v2, v1  }
0x1ec: {  	v18 =	vmul.f32 v20, v18;
	v2 =	vor.u32 v2, v16;
	v16 =	vor.u32 s28, v1  }
0x1ed: {  	v19 =	vor.u32 s28, v2  }
0x1ee: {  	v17 =	vadd.f32 v18, v17;
	_ =	sdelay $0x1  }
0x1ef: {  	s28 =	simm.s32 $0x1;
	[tilespmem:$0x10910] =	vst v17  }
0x1f0: {  	v21 =	vor.u32 s28, v1;
	v20 =	vld.idx.msk [tilespmem:v16+s13+$0x0], $0xffff  }
0x1f1: {  	v18 =	vld.idx.msk [tilespmem:v19+s15+$0x0], $0xffff;
	v19 =	vor.u32 s28, v2;
	_ =	sdelay $0x3  }
0x1f2: {  	v16 =	vimm.f32 $0.0e+00;
	s28 =	simm.s32 $0x2;
	v17 =	vld.idx.msk [tilespmem:v21+s13+$0x0], $0xffff  }
.LBB2_38:
0x1f3: {  	v21 =	vor.u32 s28, v1;
	v20 =	vmul.f32 v18, v20;
	v18 =	vld.idx.msk [tilespmem:v19+s15+$0x0], $0xffff;
	p0 =	sne.s32 s28, $0x3F  }
.Ltmp18:
0x1f4: {  	v19 =	vor.u32 s28, v2;
	s28 =	sadd.s32 $0x1, s28;
	(pc) =	sbr.rel @p0 .LBB2_38-.Ltmp18, $2  }
0x1f5: {  	v16 =	vadd.f32 v20, v16;
	_ =	sdelay $0x2  }
0x1f6: {  	v20 =	vmov v17;
	v17 =	vld.idx.msk [tilespmem:v21+s13+$0x0], $0xffff  }
0x1f7: {  	_ = 	snop  }
0x1f8: {  	v1 =	vld [tilespmem:$0x130]  }
0x1f9: {  	v2 =	vld [tilespmem:$0x330];
	_ =	sdelay $0x1  }
0x1fa: {  	v19 =	vld.idx.msk [tilespmem:v19+s15+$0x0], $0xffff;
	_ =	sdelay $0x1  }
0x1fb: {  	v18 =	vmul.f32 v18, v20;
	v1 =	vshrl.u32 v1, $0x8  }
0x1fc: {  	v2 =	vshrl.u32 v2, $0x8;
	v1 =	vand.u32 $0x40, v1  }
0x1fd: {  	s28 =	simm.s32 $0x0;
	v16 =	vadd.f32 v18, v16;
	v2 =	vand.u32 $0x40, v2;
	v1 =	vor.u32 v3, v1  }
0x1fe: {  	v17 =	vmul.f32 v19, v17;
	v2 =	vor.u32 v3, v2;
	v3 =	vor.u32 s28, v1  }
0x1ff: {  	v18 =	vor.u32 s28, v2  }
0x200: {  	v16 =	vadd.f32 v17, v16;
	_ =	sdelay $0x1  }
0x201: {  	s28 =	simm.s32 $0x1;
	[tilespmem:$0x10920] =	vst v16  }
0x202: {  	v20 =	vor.u32 s28, v1;
	v19 =	vld.idx.msk [tilespmem:v3+s13+$0x0], $0xffff  }
0x203: {  	v17 =	vld.idx.msk [tilespmem:v18+s15+$0x0], $0xffff;
	v18 =	vor.u32 s28, v2;
	_ =	sdelay $0x3  }
0x204: {  	v3 =	vimm.f32 $0.0e+00;
	s28 =	simm.s32 $0x2;
	v16 =	vld.idx.msk [tilespmem:v20+s13+$0x0], $0xffff  }
.LBB2_40:
0x205: {  	v20 =	vor.u32 s28, v1;
	v19 =	vmul.f32 v17, v19;
	v17 =	vld.idx.msk [tilespmem:v18+s15+$0x0], $0xffff;
	p0 =	sne.s32 s28, $0x3F  }
.Ltmp19:
0x206: {  	v18 =	vor.u32 s28, v2;
	s28 =	sadd.s32 $0x1, s28;
	(pc) =	sbr.rel @p0 .LBB2_40-.Ltmp19, $2  }
0x207: {  	v3 =	vadd.f32 v19, v3;
	_ =	sdelay $0x2  }
0x208: {  	v19 =	vmov v16;
	v16 =	vld.idx.msk [tilespmem:v20+s13+$0x0], $0xffff  }
0x209: {  	_ = 	snop  }
0x20a: {  	v1 =	vld [tilespmem:$0x140]  }
0x20b: {  	v2 =	vld [tilespmem:$0x340];
	_ =	sdelay $0x1  }
0x20c: {  	v18 =	vld.idx.msk [tilespmem:v18+s15+$0x0], $0xffff;
	_ =	sdelay $0x1  }
0x20d: {  	v17 =	vmul.f32 v17, v19;
	v1 =	vshrl.u32 v1, $0x8  }
0x20e: {  	v2 =	vshrl.u32 v2, $0x8;
	v1 =	vand.u32 $0x40, v1  }
0x20f: {  	s28 =	simm.s32 $0x0;
	v3 =	vadd.f32 v17, v3;
	v2 =	vand.u32 $0x40, v2;
	v1 =	vor.u32 v4, v1  }
0x210: {  	v16 =	vmul.f32 v18, v16;
	v2 =	vor.u32 v4, v2;
	v4 =	vor.u32 s28, v1  }
0x211: {  	v17 =	vor.u32 s28, v2  }
0x212: {  	v3 =	vadd.f32 v16, v3;
	_ =	sdelay $0x1  }
0x213: {  	s28 =	simm.s32 $0x1;
	[tilespmem:$0x10930] =	vst v3  }
0x214: {  	v19 =	vor.u32 s28, v1;
	v18 =	vld.idx.msk [tilespmem:v4+s13+$0x0], $0xffff  }
0x215: {  	v16 =	vld.idx.msk [tilespmem:v17+s15+$0x0], $0xffff;
	v17 =	vor.u32 s28, v2;
	_ =	sdelay $0x3  }
0x216: {  	v3 =	vimm.f32 $0.0e+00;
	s28 =	simm.s32 $0x2;
	v4 =	vld.idx.msk [tilespmem:v19+s13+$0x0], $0xffff  }
.LBB2_42:
0x217: {  	v19 =	vor.u32 s28, v1;
	v18 =	vmul.f32 v16, v18;
	v16 =	vld.idx.msk [tilespmem:v17+s15+$0x0], $0xffff;
	p0 =	sne.s32 s28, $0x3F  }
.Ltmp20:
0x218: {  	v17 =	vor.u32 s28, v2;
	s28 =	sadd.s32 $0x1, s28;
	(pc) =	sbr.rel @p0 .LBB2_42-.Ltmp20, $2  }
0x219: {  	v3 =	vadd.f32 v18, v3;
	_ =	sdelay $0x2  }
0x21a: {  	v18 =	vmov v4;
	v4 =	vld.idx.msk [tilespmem:v19+s13+$0x0], $0xffff  }
0x21b: {  	_ = 	snop  }
0x21c: {  	v1 =	vld [tilespmem:$0x150]  }
0x21d: {  	v2 =	vld [tilespmem:$0x350];
	_ =	sdelay $0x1  }
0x21e: {  	v17 =	vld.idx.msk [tilespmem:v17+s15+$0x0], $0xffff;
	_ =	sdelay $0x1  }
0x21f: {  	v16 =	vmul.f32 v16, v18;
	v1 =	vshrl.u32 v1, $0x8  }
0x220: {  	v2 =	vshrl.u32 v2, $0x8;
	v1 =	vand.u32 $0x40, v1  }
0x221: {  	s28 =	simm.s32 $0x0;
	v3 =	vadd.f32 v16, v3;
	v2 =	vand.u32 $0x40, v2;
	v1 =	vor.u32 v5, v1  }
0x222: {  	v4 =	vmul.f32 v17, v4;
	v2 =	vor.u32 v5, v2;
	v5 =	vor.u32 s28, v1  }
0x223: {  	v16 =	vor.u32 s28, v2  }
0x224: {  	v3 =	vadd.f32 v4, v3;
	_ =	sdelay $0x1  }
0x225: {  	s28 =	simm.s32 $0x1;
	[tilespmem:$0x10940] =	vst v3  }
0x226: {  	v4 =	vor.u32 s28, v1;
	v17 =	vld.idx.msk [tilespmem:v5+s13+$0x0], $0xffff  }
0x227: {  	v5 =	vld.idx.msk [tilespmem:v16+s15+$0x0], $0xffff;
	v16 =	vor.u32 s28, v2;
	_ =	sdelay $0x3  }
0x228: {  	v3 =	vimm.f32 $0.0e+00;
	s28 =	simm.s32 $0x2;
	v4 =	vld.idx.msk [tilespmem:v4+s13+$0x0], $0xffff  }
.LBB2_44:
0x229: {  	v18 =	vor.u32 s28, v1;
	v17 =	vmul.f32 v5, v17;
	v5 =	vld.idx.msk [tilespmem:v16+s15+$0x0], $0xffff;
	p0 =	sne.s32 s28, $0x3F  }
.Ltmp21:
0x22a: {  	v16 =	vor.u32 s28, v2;
	s28 =	sadd.s32 $0x1, s28;
	(pc) =	sbr.rel @p0 .LBB2_44-.Ltmp21, $2  }
0x22b: {  	v3 =	vadd.f32 v17, v3;
	_ =	sdelay $0x2  }
0x22c: {  	v17 =	vmov v4;
	v4 =	vld.idx.msk [tilespmem:v18+s13+$0x0], $0xffff  }
0x22d: {  	_ = 	snop  }
0x22e: {  	v1 =	vld [tilespmem:$0x160]  }
0x22f: {  	v2 =	vld [tilespmem:$0x360];
	_ =	sdelay $0x1  }
0x230: {  	v16 =	vld.idx.msk [tilespmem:v16+s15+$0x0], $0xffff;
	_ =	sdelay $0x1  }
0x231: {  	v5 =	vmul.f32 v5, v17;
	v1 =	vshrl.u32 v1, $0x8  }
0x232: {  	v2 =	vshrl.u32 v2, $0x8;
	v1 =	vand.u32 $0x40, v1  }
0x233: {  	s28 =	simm.s32 $0x0;
	v3 =	vadd.f32 v5, v3;
	v2 =	vand.u32 $0x40, v2;
	v1 =	vor.u32 v6, v1  }
0x234: {  	v4 =	vmul.f32 v16, v4;
	v2 =	vor.u32 v6, v2;
	v5 =	vor.u32 s28, v1  }
0x235: {  	v6 =	vor.u32 s28, v2  }
0x236: {  	v3 =	vadd.f32 v4, v3;
	_ =	sdelay $0x1  }
0x237: {  	s28 =	simm.s32 $0x1;
	[tilespmem:$0x10950] =	vst v3  }
0x238: {  	v4 =	vor.u32 s28, v1;
	v16 =	vld.idx.msk [tilespmem:v5+s13+$0x0], $0xffff  }
0x239: {  	v5 =	vld.idx.msk [tilespmem:v6+s15+$0x0], $0xffff;
	v6 =	vor.u32 s28, v2;
	_ =	sdelay $0x3  }
0x23a: {  	v3 =	vimm.f32 $0.0e+00;
	s28 =	simm.s32 $0x2;
	v4 =	vld.idx.msk [tilespmem:v4+s13+$0x0], $0xffff  }
.LBB2_46:
0x23b: {  	v17 =	vor.u32 s28, v1;
	v16 =	vmul.f32 v5, v16;
	v5 =	vld.idx.msk [tilespmem:v6+s15+$0x0], $0xffff;
	p0 =	sne.s32 s28, $0x3F  }
.Ltmp22:
0x23c: {  	v6 =	vor.u32 s28, v2;
	s28 =	sadd.s32 $0x1, s28;
	(pc) =	sbr.rel @p0 .LBB2_46-.Ltmp22, $2  }
0x23d: {  	v3 =	vadd.f32 v16, v3;
	_ =	sdelay $0x2  }
0x23e: {  	v16 =	vmov v4;
	v4 =	vld.idx.msk [tilespmem:v17+s13+$0x0], $0xffff  }
0x23f: {  	_ = 	snop  }
0x240: {  	v1 =	vld [tilespmem:$0x170]  }
0x241: {  	v2 =	vld [tilespmem:$0x370];
	_ =	sdelay $0x1  }
0x242: {  	v6 =	vld.idx.msk [tilespmem:v6+s15+$0x0], $0xffff;
	_ =	sdelay $0x1  }
0x243: {  	v5 =	vmul.f32 v5, v16;
	v1 =	vshrl.u32 v1, $0x8  }
0x244: {  	v2 =	vshrl.u32 v2, $0x8;
	v1 =	vand.u32 $0x40, v1  }
0x245: {  	s28 =	simm.s32 $0x0;
	v3 =	vadd.f32 v5, v3;
	v2 =	vand.u32 $0x40, v2;
	v1 =	vor.u32 v7, v1  }
0x246: {  	v4 =	vmul.f32 v6, v4;
	v2 =	vor.u32 v7, v2;
	v5 =	vor.u32 s28, v1  }
0x247: {  	v6 =	vor.u32 s28, v2  }
0x248: {  	v3 =	vadd.f32 v4, v3;
	_ =	sdelay $0x1  }
0x249: {  	s28 =	simm.s32 $0x1;
	[tilespmem:$0x10960] =	vst v3  }
0x24a: {  	v16 =	vor.u32 s28, v1;
	v7 =	vld.idx.msk [tilespmem:v5+s13+$0x0], $0xffff  }
0x24b: {  	v4 =	vld.idx.msk [tilespmem:v6+s15+$0x0], $0xffff;
	v6 =	vor.u32 s28, v2;
	_ =	sdelay $0x3  }
0x24c: {  	v3 =	vimm.f32 $0.0e+00;
	s28 =	simm.s32 $0x2;
	v5 =	vld.idx.msk [tilespmem:v16+s13+$0x0], $0xffff  }
.LBB2_48:
0x24d: {  	v16 =	vor.u32 s28, v1;
	v7 =	vmul.f32 v4, v7;
	v4 =	vld.idx.msk [tilespmem:v6+s15+$0x0], $0xffff;
	p0 =	sne.s32 s28, $0x3F  }
.Ltmp23:
0x24e: {  	v6 =	vor.u32 s28, v2;
	s28 =	sadd.s32 $0x1, s28;
	(pc) =	sbr.rel @p0 .LBB2_48-.Ltmp23, $2  }
0x24f: {  	v3 =	vadd.f32 v7, v3;
	_ =	sdelay $0x2  }
0x250: {  	v7 =	vmov v5;
	v5 =	vld.idx.msk [tilespmem:v16+s13+$0x0], $0xffff  }
0x251: {  	_ =	sdelay $0x3  }
0x252: {  	v1 =	vld.idx.msk [tilespmem:v6+s15+$0x0], $0xffff;
	_ =	sdelay $0x2  }
0x253: {  	v2 =	vmul.f32 v4, v7;
	_ =	sdelay $0x1  }
0x254: {  	v2 =	vadd.f32 v2, v3;
	v1 =	vmul.f32 v1, v5;
	_ =	sdelay $0x1  }
0x255: {  	v1 =	vadd.f32 v1, v2;
	_ =	sdelay $0x1  }
0x256: {  	[tilespmem:$0x10970] =	vst v1  }
0x257: {  	_ =	swait.ge [sflag:s16], $0x4000  }
0x258: {  	[sflag:s16] =	ssyncset.done $0x0  }
0x259: {  	[sflag:s16] =	ssyncadd.s32 $0xFFFFC000  }
0x25a: {  	_ =	swait.ge [sflag:s16], $0x4000  }
0x25b: {  	[sflag:s16] =	ssyncset.done $0x0  }
0x25c: {  	[sflag:s16] =	ssyncadd.s32 $0xFFFFC000  }
0x25d: {  	v1 =	vld [tilespmem:$0x180]  }
0x25e: {  	v2 =	vld [tilespmem:$0x380];
	_ =	sdelay $0x3  }
0x25f: {  	v1 =	vshrl.u32 v1, $0x8  }
0x260: {  	v2 =	vshrl.u32 v2, $0x8;
	v1 =	vand.u32 $0x40, v1  }
0x261: {  	s28 =	simm.s32 $0x0;
	v2 =	vand.u32 $0x40, v2;
	v1 =	vor.u32 v9, v1  }
0x262: {  	v4 =	vor.u32 v9, v2;
	v2 =	vor.u32 s28, v1  }
0x263: {  	v3 =	vor.u32 s28, v4;
	_ =	sdelay $0x2  }
0x264: {  	s28 =	simm.s32 $0x1  }
0x265: {  	v9 =	vor.u32 s28, v1;
	v7 =	vld.idx.msk [tilespmem:v2+s13+$0x0], $0xffff  }
0x266: {  	v6 =	vor.u32 s28, v4;
	v5 =	vld.idx.msk [tilespmem:v3+s15+$0x0], $0xffff;
	_ =	sdelay $0x3  }
0x267: {  	s28 =	simm.s32 $0x2;
	v2 =	vimm.f32 $0.0e+00;
	v3 =	vld.idx.msk [tilespmem:v9+s13+$0x0], $0xffff  }
.LBB2_50:
0x268: {  	v9 =	vor.u32 s28, v1;
	v7 =	vmul.f32 v5, v7;
	v5 =	vld.idx.msk [tilespmem:v6+s15+$0x0], $0xffff;
	p0 =	sne.s32 s28, $0x3F  }
.Ltmp24:
0x269: {  	v6 =	vor.u32 s28, v4;
	s28 =	sadd.s32 $0x1, s28;
	(pc) =	sbr.rel @p0 .LBB2_50-.Ltmp24, $2  }
0x26a: {  	v2 =	vadd.f32 v7, v2;
	_ =	sdelay $0x2  }
0x26b: {  	v7 =	vmov v3;
	v3 =	vld.idx.msk [tilespmem:v9+s13+$0x0], $0xffff  }
0x26c: {  	_ = 	snop  }
0x26d: {  	v1 =	vld [tilespmem:$0x190]  }
0x26e: {  	v4 =	vld [tilespmem:$0x390];
	_ =	sdelay $0x1  }
0x26f: {  	v6 =	vld.idx.msk [tilespmem:v6+s15+$0x0], $0xffff;
	_ =	sdelay $0x1  }
0x270: {  	v5 =	vmul.f32 v5, v7;
	v1 =	vshrl.u32 v1, $0x8  }
0x271: {  	v4 =	vshrl.u32 v4, $0x8;
	v1 =	vand.u32 $0x40, v1  }
0x272: {  	s28 =	simm.s32 $0x0;
	v5 =	vadd.f32 v5, v2;
	v2 =	vand.u32 $0x40, v4;
	v1 =	vor.u32 v8, v1  }
0x273: {  	v3 =	vmul.f32 v6, v3;
	v2 =	vor.u32 v8, v2;
	v4 =	vor.u32 s28, v1  }
0x274: {  	v6 =	vor.u32 s28, v2  }
0x275: {  	v3 =	vadd.f32 v3, v5;
	_ =	sdelay $0x1  }
0x276: {  	s28 =	simm.s32 $0x1;
	[tilespmem:$0x10980] =	vst v3  }
0x277: {  	v8 =	vor.u32 s28, v1;
	v7 =	vld.idx.msk [tilespmem:v4+s13+$0x0], $0xffff  }
0x278: {  	v5 =	vld.idx.msk [tilespmem:v6+s15+$0x0], $0xffff;
	v6 =	vor.u32 s28, v2;
	_ =	sdelay $0x3  }
0x279: {  	v3 =	vimm.f32 $0.0e+00;
	s28 =	simm.s32 $0x2;
	v4 =	vld.idx.msk [tilespmem:v8+s13+$0x0], $0xffff  }
.LBB2_52:
0x27a: {  	v8 =	vor.u32 s28, v1;
	v7 =	vmul.f32 v5, v7;
	v5 =	vld.idx.msk [tilespmem:v6+s15+$0x0], $0xffff;
	p0 =	sne.s32 s28, $0x3F  }
.Ltmp25:
0x27b: {  	v6 =	vor.u32 s28, v2;
	s28 =	sadd.s32 $0x1, s28;
	(pc) =	sbr.rel @p0 .LBB2_52-.Ltmp25, $2  }
0x27c: {  	v3 =	vadd.f32 v7, v3;
	_ =	sdelay $0x2  }
0x27d: {  	v7 =	vmov v4;
	v4 =	vld.idx.msk [tilespmem:v8+s13+$0x0], $0xffff  }
0x27e: {  	_ = 	snop  }
0x27f: {  	v1 =	vld [tilespmem:$0x1A0]  }
0x280: {  	v2 =	vld [tilespmem:$0x3A0];
	_ =	sdelay $0x1  }
0x281: {  	v6 =	vld.idx.msk [tilespmem:v6+s15+$0x0], $0xffff;
	_ =	sdelay $0x1  }
0x282: {  	v5 =	vmul.f32 v5, v7;
	v1 =	vshrl.u32 v1, $0x8  }
0x283: {  	v2 =	vshrl.u32 v2, $0x8;
	v1 =	vand.u32 $0x40, v1  }
0x284: {  	s28 =	simm.s32 $0x0;
	v3 =	vadd.f32 v5, v3;
	v2 =	vand.u32 $0x40, v2;
	v1 =	vor.u32 v10, v1  }
0x285: {  	v4 =	vmul.f32 v6, v4;
	v2 =	vor.u32 v10, v2;
	v5 =	vor.u32 s28, v1  }
0x286: {  	v6 =	vor.u32 s28, v2  }
0x287: {  	v3 =	vadd.f32 v4, v3;
	_ =	sdelay $0x1  }
0x288: {  	s28 =	simm.s32 $0x1;
	[tilespmem:$0x10990] =	vst v3  }
0x289: {  	v4 =	vor.u32 s28, v1;
	v7 =	vld.idx.msk [tilespmem:v5+s13+$0x0], $0xffff  }
0x28a: {  	v5 =	vld.idx.msk [tilespmem:v6+s15+$0x0], $0xffff;
	v6 =	vor.u32 s28, v2;
	_ =	sdelay $0x3  }
0x28b: {  	v3 =	vimm.f32 $0.0e+00;
	s28 =	simm.s32 $0x2;
	v4 =	vld.idx.msk [tilespmem:v4+s13+$0x0], $0xffff  }
.LBB2_54:
0x28c: {  	v8 =	vor.u32 s28, v1;
	v7 =	vmul.f32 v5, v7;
	v5 =	vld.idx.msk [tilespmem:v6+s15+$0x0], $0xffff;
	p0 =	sne.s32 s28, $0x3F  }
.Ltmp26:
0x28d: {  	v6 =	vor.u32 s28, v2;
	s28 =	sadd.s32 $0x1, s28;
	(pc) =	sbr.rel @p0 .LBB2_54-.Ltmp26, $2  }
0x28e: {  	v3 =	vadd.f32 v7, v3;
	_ =	sdelay $0x2  }
0x28f: {  	v7 =	vmov v4;
	v4 =	vld.idx.msk [tilespmem:v8+s13+$0x0], $0xffff  }
0x290: {  	_ = 	snop  }
0x291: {  	v1 =	vld [tilespmem:$0x1B0]  }
0x292: {  	v2 =	vld [tilespmem:$0x3B0];
	_ =	sdelay $0x1  }
0x293: {  	v6 =	vld.idx.msk [tilespmem:v6+s15+$0x0], $0xffff;
	_ =	sdelay $0x1  }
0x294: {  	v5 =	vmul.f32 v5, v7;
	v1 =	vshrl.u32 v1, $0x8  }
0x295: {  	v2 =	vshrl.u32 v2, $0x8;
	v1 =	vand.u32 $0x40, v1  }
0x296: {  	s28 =	simm.s32 $0x0;
	v3 =	vadd.f32 v5, v3;
	v2 =	vand.u32 $0x40, v2;
	v1 =	vor.u32 v11, v1  }
0x297: {  	v4 =	vmul.f32 v6, v4;
	v2 =	vor.u32 v11, v2;
	v5 =	vor.u32 s28, v1  }
0x298: {  	v6 =	vor.u32 s28, v2  }
0x299: {  	v3 =	vadd.f32 v4, v3;
	_ =	sdelay $0x1  }
0x29a: {  	s28 =	simm.s32 $0x1;
	[tilespmem:$0x109A0] =	vst v3  }
0x29b: {  	v4 =	vor.u32 s28, v1;
	v7 =	vld.idx.msk [tilespmem:v5+s13+$0x0], $0xffff  }
0x29c: {  	v5 =	vld.idx.msk [tilespmem:v6+s15+$0x0], $0xffff;
	v6 =	vor.u32 s28, v2;
	_ =	sdelay $0x3  }
0x29d: {  	v3 =	vimm.f32 $0.0e+00;
	s28 =	simm.s32 $0x2;
	v4 =	vld.idx.msk [tilespmem:v4+s13+$0x0], $0xffff  }
.LBB2_56:
0x29e: {  	v8 =	vor.u32 s28, v1;
	v7 =	vmul.f32 v5, v7;
	v5 =	vld.idx.msk [tilespmem:v6+s15+$0x0], $0xffff;
	p0 =	sne.s32 s28, $0x3F  }
.Ltmp27:
0x29f: {  	v6 =	vor.u32 s28, v2;
	s28 =	sadd.s32 $0x1, s28;
	(pc) =	sbr.rel @p0 .LBB2_56-.Ltmp27, $2  }
0x2a0: {  	v3 =	vadd.f32 v7, v3;
	_ =	sdelay $0x2  }
0x2a1: {  	v7 =	vmov v4;
	v4 =	vld.idx.msk [tilespmem:v8+s13+$0x0], $0xffff  }
0x2a2: {  	_ = 	snop  }
0x2a3: {  	v1 =	vld [tilespmem:$0x1C0]  }
0x2a4: {  	v2 =	vld [tilespmem:$0x3C0];
	_ =	sdelay $0x1  }
0x2a5: {  	v6 =	vld.idx.msk [tilespmem:v6+s15+$0x0], $0xffff;
	_ =	sdelay $0x1  }
0x2a6: {  	v5 =	vmul.f32 v5, v7;
	v1 =	vshrl.u32 v1, $0x8  }
0x2a7: {  	v2 =	vshrl.u32 v2, $0x8;
	v1 =	vand.u32 $0x40, v1  }
0x2a8: {  	s28 =	simm.s32 $0x0;
	v3 =	vadd.f32 v5, v3;
	v2 =	vand.u32 $0x40, v2;
	v1 =	vor.u32 v12, v1  }
0x2a9: {  	v4 =	vmul.f32 v6, v4;
	v2 =	vor.u32 v12, v2;
	v5 =	vor.u32 s28, v1  }
0x2aa: {  	v6 =	vor.u32 s28, v2  }
0x2ab: {  	v3 =	vadd.f32 v4, v3;
	_ =	sdelay $0x1  }
0x2ac: {  	s28 =	simm.s32 $0x1;
	[tilespmem:$0x109B0] =	vst v3  }
0x2ad: {  	v4 =	vor.u32 s28, v1;
	v7 =	vld.idx.msk [tilespmem:v5+s13+$0x0], $0xffff  }
0x2ae: {  	v5 =	vld.idx.msk [tilespmem:v6+s15+$0x0], $0xffff;
	v6 =	vor.u32 s28, v2;
	_ =	sdelay $0x3  }
0x2af: {  	v3 =	vimm.f32 $0.0e+00;
	s28 =	simm.s32 $0x2;
	v4 =	vld.idx.msk [tilespmem:v4+s13+$0x0], $0xffff  }
.LBB2_58:
0x2b0: {  	v8 =	vor.u32 s28, v1;
	v7 =	vmul.f32 v5, v7;
	v5 =	vld.idx.msk [tilespmem:v6+s15+$0x0], $0xffff;
	p0 =	sne.s32 s28, $0x3F  }
.Ltmp28:
0x2b1: {  	v6 =	vor.u32 s28, v2;
	s28 =	sadd.s32 $0x1, s28;
	(pc) =	sbr.rel @p0 .LBB2_58-.Ltmp28, $2  }
0x2b2: {  	v3 =	vadd.f32 v7, v3;
	_ =	sdelay $0x2  }
0x2b3: {  	v7 =	vmov v4;
	v4 =	vld.idx.msk [tilespmem:v8+s13+$0x0], $0xffff  }
0x2b4: {  	_ = 	snop  }
0x2b5: {  	v1 =	vld [tilespmem:$0x1D0]  }
0x2b6: {  	v2 =	vld [tilespmem:$0x3D0];
	_ =	sdelay $0x1  }
0x2b7: {  	v6 =	vld.idx.msk [tilespmem:v6+s15+$0x0], $0xffff;
	_ =	sdelay $0x1  }
0x2b8: {  	v5 =	vmul.f32 v5, v7;
	v1 =	vshrl.u32 v1, $0x8  }
0x2b9: {  	v2 =	vshrl.u32 v2, $0x8;
	v1 =	vand.u32 $0x40, v1  }
0x2ba: {  	s28 =	simm.s32 $0x0;
	v3 =	vadd.f32 v5, v3;
	v2 =	vand.u32 $0x40, v2;
	v1 =	vor.u32 v13, v1  }
0x2bb: {  	v4 =	vmul.f32 v6, v4;
	v2 =	vor.u32 v13, v2;
	v5 =	vor.u32 s28, v1  }
0x2bc: {  	v6 =	vor.u32 s28, v2  }
0x2bd: {  	v3 =	vadd.f32 v4, v3;
	_ =	sdelay $0x1  }
0x2be: {  	s28 =	simm.s32 $0x1;
	[tilespmem:$0x109C0] =	vst v3  }
0x2bf: {  	v4 =	vor.u32 s28, v1;
	v7 =	vld.idx.msk [tilespmem:v5+s13+$0x0], $0xffff  }
0x2c0: {  	v5 =	vld.idx.msk [tilespmem:v6+s15+$0x0], $0xffff;
	v6 =	vor.u32 s28, v2;
	_ =	sdelay $0x3  }
0x2c1: {  	v3 =	vimm.f32 $0.0e+00;
	s28 =	simm.s32 $0x2;
	v4 =	vld.idx.msk [tilespmem:v4+s13+$0x0], $0xffff  }
.LBB2_60:
0x2c2: {  	v8 =	vor.u32 s28, v1;
	v7 =	vmul.f32 v5, v7;
	v5 =	vld.idx.msk [tilespmem:v6+s15+$0x0], $0xffff;
	p0 =	sne.s32 s28, $0x3F  }
.Ltmp29:
0x2c3: {  	v6 =	vor.u32 s28, v2;
	s28 =	sadd.s32 $0x1, s28;
	(pc) =	sbr.rel @p0 .LBB2_60-.Ltmp29, $2  }
0x2c4: {  	v3 =	vadd.f32 v7, v3;
	_ =	sdelay $0x2  }
0x2c5: {  	v7 =	vmov v4;
	v4 =	vld.idx.msk [tilespmem:v8+s13+$0x0], $0xffff  }
0x2c6: {  	_ = 	snop  }
0x2c7: {  	v1 =	vld [tilespmem:$0x1E0]  }
0x2c8: {  	v2 =	vld [tilespmem:$0x3E0];
	_ =	sdelay $0x1  }
0x2c9: {  	v6 =	vld.idx.msk [tilespmem:v6+s15+$0x0], $0xffff;
	_ =	sdelay $0x1  }
0x2ca: {  	v5 =	vmul.f32 v5, v7;
	v1 =	vshrl.u32 v1, $0x8  }
0x2cb: {  	v2 =	vshrl.u32 v2, $0x8;
	v1 =	vand.u32 $0x40, v1  }
0x2cc: {  	s28 =	simm.s32 $0x0;
	v3 =	vadd.f32 v5, v3;
	v2 =	vand.u32 $0x40, v2;
	v1 =	vor.u32 v14, v1  }
0x2cd: {  	v4 =	vmul.f32 v6, v4;
	v2 =	vor.u32 v14, v2;
	v5 =	vor.u32 s28, v1  }
0x2ce: {  	v6 =	vor.u32 s28, v2  }
0x2cf: {  	v3 =	vadd.f32 v4, v3;
	_ =	sdelay $0x1  }
0x2d0: {  	s28 =	simm.s32 $0x1;
	[tilespmem:$0x109D0] =	vst v3  }
0x2d1: {  	v4 =	vor.u32 s28, v1;
	v7 =	vld.idx.msk [tilespmem:v5+s13+$0x0], $0xffff  }
0x2d2: {  	v5 =	vld.idx.msk [tilespmem:v6+s15+$0x0], $0xffff;
	v6 =	vor.u32 s28, v2;
	_ =	sdelay $0x3  }
0x2d3: {  	v3 =	vimm.f32 $0.0e+00;
	s28 =	simm.s32 $0x2;
	v4 =	vld.idx.msk [tilespmem:v4+s13+$0x0], $0xffff  }
.LBB2_62:
0x2d4: {  	v8 =	vor.u32 s28, v1;
	v7 =	vmul.f32 v5, v7;
	v5 =	vld.idx.msk [tilespmem:v6+s15+$0x0], $0xffff;
	p0 =	sne.s32 s28, $0x3F  }
.Ltmp30:
0x2d5: {  	v6 =	vor.u32 s28, v2;
	s28 =	sadd.s32 $0x1, s28;
	(pc) =	sbr.rel @p0 .LBB2_62-.Ltmp30, $2  }
0x2d6: {  	v3 =	vadd.f32 v7, v3;
	_ =	sdelay $0x2  }
0x2d7: {  	v7 =	vmov v4;
	v4 =	vld.idx.msk [tilespmem:v8+s13+$0x0], $0xffff  }
0x2d8: {  	_ = 	snop  }
0x2d9: {  	v1 =	vld [tilespmem:$0x1F0]  }
0x2da: {  	v2 =	vld [tilespmem:$0x3F0];
	_ =	sdelay $0x1  }
0x2db: {  	v6 =	vld.idx.msk [tilespmem:v6+s15+$0x0], $0xffff;
	_ =	sdelay $0x1  }
0x2dc: {  	v5 =	vmul.f32 v5, v7;
	v1 =	vshrl.u32 v1, $0x8  }
0x2dd: {  	v2 =	vshrl.u32 v2, $0x8;
	v1 =	vand.u32 $0x40, v1  }
0x2de: {  	s28 =	simm.s32 $0x0;
	v3 =	vadd.f32 v5, v3;
	v2 =	vand.u32 $0x40, v2;
	v1 =	vor.u32 v15, v1  }
0x2df: {  	v4 =	vmul.f32 v6, v4;
	v2 =	vor.u32 v15, v2;
	v5 =	vor.u32 s28, v1  }
0x2e0: {  	v6 =	vor.u32 s28, v2  }
0x2e1: {  	v3 =	vadd.f32 v4, v3;
	_ =	sdelay $0x1  }
0x2e2: {  	s28 =	simm.s32 $0x1;
	[tilespmem:$0x109E0] =	vst v3  }
0x2e3: {  	v8 =	vor.u32 s28, v1;
	v7 =	vld.idx.msk [tilespmem:v5+s13+$0x0], $0xffff  }
0x2e4: {  	v4 =	vld.idx.msk [tilespmem:v6+s15+$0x0], $0xffff;
	v6 =	vor.u32 s28, v2;
	_ =	sdelay $0x3  }
0x2e5: {  	v3 =	vimm.f32 $0.0e+00;
	s28 =	simm.s32 $0x2;
	v5 =	vld.idx.msk [tilespmem:v8+s13+$0x0], $0xffff  }
.LBB2_64:
0x2e6: {  	v8 =	vor.u32 s28, v1;
	v7 =	vmul.f32 v4, v7;
	v4 =	vld.idx.msk [tilespmem:v6+s15+$0x0], $0xffff;
	p0 =	sne.s32 s28, $0x3F  }
.Ltmp31:
0x2e7: {  	v6 =	vor.u32 s28, v2;
	s28 =	sadd.s32 $0x1, s28;
	(pc) =	sbr.rel @p0 .LBB2_64-.Ltmp31, $2  }
0x2e8: {  	v3 =	vadd.f32 v7, v3;
	_ =	sdelay $0x2  }
0x2e9: {  	v7 =	vmov v5;
	v5 =	vld.idx.msk [tilespmem:v8+s13+$0x0], $0xffff  }
0x2ea: {  	_ =	sdelay $0x3  }
0x2eb: {  	v1 =	vld.idx.msk [tilespmem:v6+s15+$0x0], $0xffff;
	_ =	sdelay $0x2  }
0x2ec: {  	v2 =	vmul.f32 v4, v7;
	_ =	sdelay $0x1  }
0x2ed: {  	v2 =	vadd.f32 v2, v3;
	v1 =	vmul.f32 v1, v5;
	_ =	sdelay $0x1  }
0x2ee: {  	s26 =	sadd.s32 $0x1, s26;
	v1 =	vadd.f32 v1, v2  }
0x2ef: {  	p0 =	sne.s32 s26, s8  }
.Ltmp32:
0x2f0: {  	[tilespmem:$0x109F0] =	vst v1;
	(pc) =	sbr.rel @p0 .LBB2_1-.Ltmp32, $4  }
0x2f1: {  	[hbm4b:s7+s2] =	stream.linear.scatter [tilespmem:s25], [sflag:$0x2], $0x200, $0x38;
	[tilespmem:$0x10A00] =	vst v63  }
0x2f2: {  	_ =	swait.ge [sflag:s9], $0x200  }
0x2f3: {  	[sflag:s9] =	ssyncset.done $0x0  }
0x2f4: {  	[sflag:s9] =	ssyncadd.s32 $0xFFFFFE00  }
0x2f5: {  	_ =	sfence.sel $0x180000  }
0x2f6: {  	[bflag:$0x0] =	sbarrier.arrive $0xFFFF  }
0x2f7: {  	p0 =	sne.s32 s1, $0x0;
	_ =	strace $0x90000047  }
0x2f8: {  	s0 =	sadd.s32 @!p0 $0x100000, s0;
	[bflag:$0x2] =	sbarrier.arrive $0xFFFF  }
0x2f9: {  	[sflag:s0] =	ssyncadd.tile.s32 @!p0 $0x1;
	_ =	shalt  }
.Lfunc_end2:
_tile_overlayer_lowered:
.L_overlay_start_2:
0x2fa: {  	(tag) =	ssettag $0x2  }
0x2fb: {  	s0 =	rddreg [dreg:$0x0];
	s2 =	stileid.u32  }
0x2fc: {  	s1 =	rddreg [dreg:$0x1];
	p0 =	sne.s32 s2, $0x0  }
0x2fd: {  	s3 =	rddreg [dreg:$0x2];
	[bflag:$0x3] =	sbarrier.arrive $0xFFFF;
	s2 =	simm.s32 @!p0 $0x1C02  }
0x2fe: {  	[timem:s3], [sflag:s2] =	dma.local @!p0 [hbm:s0], s1  }
0x2ff: {  	s0 =	simm.s32 @!p0 $0x2  }
0x300: {  	_ =	swait.ge @!p0 [sflag:s0], s1  }
0x301: {  	s1 =	ssub.s32 @!p0 $0x0, s1;
	[sflag:s0] =	ssyncset.done @!p0 $0x0  }
0x302: {  	[sflag:s0] =	ssyncadd.s32 @!p0 s1  }
0x303: {  	[bflag:$0x3] =	sbarrier.arrive $0xFFFF  }
0x304: {  	_ =	shalt  }

</sc_bundles>
